<compile_context>
chip_gen: v7x
topology: tpu7x:2x2x1
jax: 0.10.2.dev20260603
libtpu: 0.0.44.dev20260713+nightly
codegen_flags: <defaults>
</compile_context>

<pallas_src>
import functools

import jax
import jax.numpy as jnp
from jax import lax
from jax.experimental import pallas as pl
from jax.experimental.pallas import tpu as pltpu
from jax.experimental.pallas import tpu_sc as plsc

BATCH = 16384
ACTIVE = 100
NF = 1000000

_NC = 2
_NS = 16
_NW = _NC * _NS
_ROWS_PER_W = BATCH // _NW
_CHUNKS = 8
_R = _ROWS_PER_W // _CHUNKS
_G = _R // 16
_CW = _R * ACTIVE
_HALF = _CW // 2
_UNROLL = 10


def _sc_kernel(ids_hbm, vals_hbm, w_hbm, out_hbm,
               wsh, ids0, ids1, idsf0, idsf1, w0, w1, v0, v1, outv,
               semw, semd0, semd1, semh0, semh1, sems0, sems1):
    idsv = (ids0, ids1)
    idsf = (idsf0, idsf1)
    wv = (w0, w1)
    valsv = (v0, v1)
    semd = (semd0, semd1)
    semh = (semh0, semh1)
    semsp = (sems0, sems1)
    sid = lax.axis_index("s")
    wid = sid * _NC + lax.axis_index("c")
    base_row = wid * _ROWS_PER_W
    lane = lax.iota(jnp.int32, 16)

    wcopy = [None]

    @pl.when(sid == 0)
    def _():
        wcopy[0] = pltpu.async_copy(w_hbm, wsh, semw)

    def dma_in(c, b):
        r0 = base_row + c * _R
        return (pltpu.async_copy(ids_hbm.at[pl.ds(r0, _R), :], idsv[b],
                                 semd[b]),
                pltpu.async_copy(vals_hbm.at[pl.ds(r0, _R), :], valsv[b],
                                 semd[b]))

    def compact(b):
        src, dst = idsv[b], idsf[b]

        def compact_body(g, _):
            rows = g * 16 + lane

            def a_body(t, _):
                a0 = t * _UNROLL
                for k in range(_UNROLL):
                    col = jnp.full((16,), a0 + k, jnp.int32)
                    dst[pl.ds(g * (16 * ACTIVE) + (a0 + k) * 16, 16)] = (
                        plsc.load_gather(src, [rows, col]))
                return 0

            lax.fori_loop(0, ACTIVE // _UNROLL, a_body, 0)
            return 0

        lax.fori_loop(0, _G, compact_body, 0)

    def gather_hbm(b):
        return pltpu.async_copy(w_hbm.at[idsf[b]], wv[b], semh[b])

    def gather_spmem(b):
        return pltpu.async_copy(wsh.at[idsf[b]], wv[b], semsp[b])

    dmas = [None, None]
    dmas[0] = dma_in(0, 0)
    dmas[1] = dma_in(1, 1)
    for cp in dmas[0]:
        cp.wait()
    compact(0)
    gathers = [None, None]
    gathers[0] = gather_hbm(0)

    barriered = [False]

    def ensure_barrier():
        if not barriered[0]:

            @pl.when(sid == 0)
            def _():
                wcopy[0].wait()

            plsc.subcore_barrier()
            barriered[0] = True

    for c in range(_CHUNKS):
        b = c & 1
        if c + 1 < _CHUNKS:
            nb = (c + 1) & 1
            for cp in dmas[nb]:
                cp.wait()
            compact(nb)
            ensure_barrier()
            gathers[nb] = gather_spmem(nb)
        gathers[b].wait()
        wb, vb = wv[b], valsv[b]

        def group_body(g, _):
            rows = g * 16 + lane
            goff = g * (16 * ACTIVE)

            def a_body(t, acc):
                a0 = t * _UNROLL
                for k in range(_UNROLL):
                    col = jnp.full((16,), a0 + k, jnp.int32)
                    acc = acc + (wb[pl.ds(goff + (a0 + k) * 16, 16)]
                                 * plsc.load_gather(vb, [rows, col]))
                return acc

            acc = lax.fori_loop(0, ACTIVE // _UNROLL, a_body,
                                jnp.zeros((16,), jnp.float32))
            y = 1.0 / (1.0 + jnp.exp(-acc))
            outv[pl.ds(c * _R + g * 16, 16)] = y
            return 0

        lax.fori_loop(0, _G, group_body, 0)
        if c + 2 < _CHUNKS:
            dmas[b] = dma_in(c + 2, b)

    pltpu.sync_copy(outv, out_hbm.at[pl.ds(base_row, _ROWS_PER_W)])


@functools.partial(jax.jit, static_argnames=())
def kernel(feature_ids_batch, feature_values_batch, W):
    mesh = plsc.VectorSubcoreMesh(core_axis_name="c", subcore_axis_name="s")
    out = pl.kernel(
        _sc_kernel,
        mesh=mesh,
        compiler_params=pltpu.CompilerParams(needs_layout_passes=False),
        out_type=jax.ShapeDtypeStruct((BATCH,), jnp.float32),
        scratch_types=[
            pltpu.VMEM_SHARED((NF,), jnp.float32),
            pltpu.VMEM((_R, ACTIVE), jnp.int32),
            pltpu.VMEM((_R, ACTIVE), jnp.int32),
            pltpu.VMEM((_CW,), jnp.int32),
            pltpu.VMEM((_CW,), jnp.int32),
            pltpu.VMEM((_CW,), jnp.float32),
            pltpu.VMEM((_CW,), jnp.float32),
            pltpu.VMEM((_R, ACTIVE), jnp.float32),
            pltpu.VMEM((_R, ACTIVE), jnp.float32),
            pltpu.VMEM((_ROWS_PER_W,), jnp.float32),
            pltpu.SemaphoreType.DMA,
            pltpu.SemaphoreType.DMA,
            pltpu.SemaphoreType.DMA,
            pltpu.SemaphoreType.DMA,
            pltpu.SemaphoreType.DMA,
            pltpu.SemaphoreType.DMA,
            pltpu.SemaphoreType.DMA,
        ],
    )(feature_ids_batch.astype(jnp.int32), feature_values_batch, W)
    return out.reshape(BATCH, 1)

# --- scband reference (transcript-rebuilt; emitter-appended) ---
"""Pipeline reference for scband-model-22007412424715 (READ-ONLY COPY).

The authoritative reference and input builder live on the scoring server;
editing this copy changes nothing except your own understanding.
"""

import jax, jax.numpy as jnp
import numpy as np

NUM_FEATURES = 1000000
BATCH = 16384
ACTIVE = 100

def setup_inputs(seed: int = 0) -> dict:
    key = jax.random.key(seed)
    k1, k2, k3 = jax.random.split(key, 3)
    feature_ids_batch = jax.random.randint(k1, (BATCH, ACTIVE), 0, NUM_FEATURES, dtype=jnp.int64 if jax.config.jax_enable_x64 else jnp.int32).astype(jnp.int32)
    feature_values_batch = jax.random.uniform(k2, (BATCH, ACTIVE), dtype=jnp.float32)
    # learned parameter: linear.weight.squeeze(0) -> [num_features]
    W = jax.random.normal(k3, (NUM_FEATURES,), dtype=jnp.float32) * (1.0 / np.sqrt(NUM_FEATURES))
    return {"feature_ids_batch": feature_ids_batch, "feature_values_batch": feature_values_batch, "W": W}

def reference(feature_ids_batch, feature_values_batch, W):
    batch_size, num_active = feature_values_batch.shape
    feature_ids = feature_ids_batch.reshape(-1)
    feature_values = feature_values_batch.reshape(-1)
    # gather: SparseCore-friendly embedding-style lookup
    linear_weights = jnp.take(W, feature_ids, axis=0)
    linear_values = linear_weights * feature_values
    logits = linear_values.reshape(batch_size, -1).sum(axis=1, keepdims=True)
    return jax.nn.sigmoid(logits)

if __name__ == "__main__":
    import jax
    _d = setup_inputs()
    print(jax.jit(kernel)(*tuple(_d.values())))

</pallas_src>

<mosaic_0001>
#map = affine_map<(d0, d1) -> (0, 0)>
#map1 = affine_map<(d0, d1) -> (0)>
module attributes {stable_mosaic.version = 14 : i64} {
  func.func @_sc_kernel(%arg0: i32, %arg1: i32, %arg2: memref<16384x100xi32, #tpu.memory_space<hbm>>, %arg3: memref<16384x100xf32, #tpu.memory_space<hbm>>, %arg4: memref<1000000xf32, #tpu.memory_space<hbm>>, %arg5: memref<16384xf32, #tpu.memory_space<hbm>>, %arg6: memref<1000000xf32, #tpu.memory_space<vmem_shared>>, %arg7: memref<64x100xi32, #tpu.memory_space<vmem>>, %arg8: memref<64x100xi32, #tpu.memory_space<vmem>>, %arg9: memref<6400xi32, #tpu.memory_space<vmem>>, %arg10: memref<6400xi32, #tpu.memory_space<vmem>>, %arg11: memref<6400xf32, #tpu.memory_space<vmem>>, %arg12: memref<6400xf32, #tpu.memory_space<vmem>>, %arg13: memref<64x100xf32, #tpu.memory_space<vmem>>, %arg14: memref<64x100xf32, #tpu.memory_space<vmem>>, %arg15: memref<512xf32, #tpu.memory_space<vmem>>, %arg16: memref<!tpu.dma_semaphore, #tpu.memory_space<semaphore_mem>>, %arg17: memref<!tpu.dma_semaphore, #tpu.memory_space<semaphore_mem>>, %arg18: memref<!tpu.dma_semaphore, #tpu.memory_space<semaphore_mem>>, %arg19: memref<!tpu.dma_semaphore, #tpu.memory_space<semaphore_mem>>, %arg20: memref<!tpu.dma_semaphore, #tpu.memory_space<semaphore_mem>>, %arg21: memref<!tpu.dma_semaphore, #tpu.memory_space<semaphore_mem>>, %arg22: memref<!tpu.dma_semaphore, #tpu.memory_space<semaphore_mem>>) attributes {dimension_semantics = [#tpu.dimension_semantics<core_parallel>, #tpu.dimension_semantics<subcore_parallel>], iteration_bounds = array<i64: 2, 16>, scalar_prefetch = 0 : i64, scratch_operands = 17 : i64, tpu.core_type = #tpu.core_type<sc_vector_subcore>, window_params = [{transform_indices = #map}, {transform_indices = #map}, {transform_indices = #map1}, {transform_indices = #map1}]} {
    %mul3A = arith.constant 2 : i32
    %mul3A_0 = arith.muli %arg1, %mul3A : i32
    %add3A = arith.addi %mul3A_0, %arg0 : i32
    %mul3A_1 = arith.constant 512 : i32
    %mul3A_2 = arith.muli %add3A, %mul3A_1 : i32
    %iota3A = tpu.iota {dimensions = array<i32: 0>} : vector<16xi32>
    %eq3A = arith.constant 0 : i32
    %eq3A_3 = arith.cmpi eq, %arg1, %eq3A : i32
    %convert_element_type3A = arith.extui %eq3A_3 : i1 to i32
    %cond3A = arith.constant 0 : i32
    %cond3A_4 = arith.cmpi ne, %convert_element_type3A, %cond3A : i32
    scf.if %cond3A_4 {
      tpu.enqueue_dma source(%arg4 : memref<1000000xf32, #tpu.memory_space<hbm>>) target(%arg6 : memref<1000000xf32, #tpu.memory_space<vmem_shared>>) target_semaphore(%arg16 : memref<!tpu.dma_semaphore, #tpu.memory_space<semaphore_mem>>)
    } else {
    }
    %add3A_5 = arith.constant 0 : i32
    %add3A_6 = arith.addi %mul3A_2, %add3A_5 : i32
    %dma_start3A = arith.constant 0 : i32
    %dma_start3A_7 = tpu.memref_slice %arg2[%add3A_6, %dma_start3A] : memref<16384x100xi32, #tpu.memory_space<hbm>> -> memref<64x100xi32, #tpu.memory_space<hbm>>
    %dma_start3A_8 = arith.constant 0 : i32
    %dma_start3A_9 = tpu.memref_slice %arg2[%add3A_6, %dma_start3A_8] : memref<16384x100xi32, #tpu.memory_space<hbm>> -> memref<64x100xi32, #tpu.memory_space<hbm>>
    tpu.enqueue_dma source(%dma_start3A_9 : memref<64x100xi32, #tpu.memory_space<hbm>>) target(%arg7 : memref<64x100xi32, #tpu.memory_space<vmem>>) target_semaphore(%arg17 : memref<!tpu.dma_semaphore, #tpu.memory_space<semaphore_mem>>)
    %dma_start3A_10 = arith.constant 0 : i32
    %dma_start3A_11 = tpu.memref_slice %arg3[%add3A_6, %dma_start3A_10] : memref<16384x100xf32, #tpu.memory_space<hbm>> -> memref<64x100xf32, #tpu.memory_space<hbm>>
    %dma_start3A_12 = arith.constant 0 : i32
    %dma_start3A_13 = tpu.memref_slice %arg3[%add3A_6, %dma_start3A_12] : memref<16384x100xf32, #tpu.memory_space<hbm>> -> memref<64x100xf32, #tpu.memory_space<hbm>>
    tpu.enqueue_dma source(%dma_start3A_13 : memref<64x100xf32, #tpu.memory_space<hbm>>) target(%arg13 : memref<64x100xf32, #tpu.memory_space<vmem>>) target_semaphore(%arg17 : memref<!tpu.dma_semaphore, #tpu.memory_space<semaphore_mem>>)
    %add3A_14 = arith.constant 64 : i32
    %add3A_15 = arith.addi %mul3A_2, %add3A_14 : i32
    %dma_start3A_16 = arith.constant 0 : i32
    %dma_start3A_17 = tpu.memref_slice %arg2[%add3A_15, %dma_start3A_16] : memref<16384x100xi32, #tpu.memory_space<hbm>> -> memref<64x100xi32, #tpu.memory_space<hbm>>
    %dma_start3A_18 = arith.constant 0 : i32
    %dma_start3A_19 = tpu.memref_slice %arg2[%add3A_15, %dma_start3A_18] : memref<16384x100xi32, #tpu.memory_space<hbm>> -> memref<64x100xi32, #tpu.memory_space<hbm>>
    tpu.enqueue_dma source(%dma_start3A_19 : memref<64x100xi32, #tpu.memory_space<hbm>>) target(%arg8 : memref<64x100xi32, #tpu.memory_space<vmem>>) target_semaphore(%arg18 : memref<!tpu.dma_semaphore, #tpu.memory_space<semaphore_mem>>)
    %dma_start3A_20 = arith.constant 0 : i32
    %dma_start3A_21 = tpu.memref_slice %arg3[%add3A_15, %dma_start3A_20] : memref<16384x100xf32, #tpu.memory_space<hbm>> -> memref<64x100xf32, #tpu.memory_space<hbm>>
    %dma_start3A_22 = arith.constant 0 : i32
    %dma_start3A_23 = tpu.memref_slice %arg3[%add3A_15, %dma_start3A_22] : memref<16384x100xf32, #tpu.memory_space<hbm>> -> memref<64x100xf32, #tpu.memory_space<hbm>>
    tpu.enqueue_dma source(%dma_start3A_23 : memref<64x100xf32, #tpu.memory_space<hbm>>) target(%arg14 : memref<64x100xf32, #tpu.memory_space<vmem>>) target_semaphore(%arg18 : memref<!tpu.dma_semaphore, #tpu.memory_space<semaphore_mem>>)
    %dma_wait3A = arith.constant 0 : i32
    %dma_wait3A_24 = tpu.memref_slice %arg2[%add3A_6, %dma_wait3A] : memref<16384x100xi32, #tpu.memory_space<hbm>> -> memref<64x100xi32, #tpu.memory_space<hbm>>
    %dma_wait3A_25 = arith.constant 0 : i32
    %dma_wait3A_26 = tpu.memref_slice %arg2[%add3A_6, %dma_wait3A_25] : memref<16384x100xi32, #tpu.memory_space<hbm>> -> memref<64x100xi32, #tpu.memory_space<hbm>>
    tpu.wait_dma2 semaphore(%arg17 : memref<!tpu.dma_semaphore, #tpu.memory_space<semaphore_mem>>) src(%dma_wait3A_26 : memref<64x100xi32, #tpu.memory_space<hbm>>) dst(%arg7 : memref<64x100xi32, #tpu.memory_space<vmem>>)
    %dma_wait3A_27 = arith.constant 0 : i32
    %dma_wait3A_28 = tpu.memref_slice %arg3[%add3A_6, %dma_wait3A_27] : memref<16384x100xf32, #tpu.memory_space<hbm>> -> memref<64x100xf32, #tpu.memory_space<hbm>>
    %dma_wait3A_29 = arith.constant 0 : i32
    %dma_wait3A_30 = tpu.memref_slice %arg3[%add3A_6, %dma_wait3A_29] : memref<16384x100xf32, #tpu.memory_space<hbm>> -> memref<64x100xf32, #tpu.memory_space<hbm>>
    tpu.wait_dma2 semaphore(%arg17 : memref<!tpu.dma_semaphore, #tpu.memory_space<semaphore_mem>>) src(%dma_wait3A_30 : memref<64x100xf32, #tpu.memory_space<hbm>>) dst(%arg13 : memref<64x100xf32, #tpu.memory_space<vmem>>)
    %scan3A = arith.constant 0 : i32
    %scan3A_31 = arith.constant 0 : i32
    %scan3A_32 = arith.constant 4 : i32
    %scan3A_33 = arith.addi %scan3A_31, %scan3A_32 : i32
    %scan3A_34 = arith.constant 1 : i32
    %scan3A_35 = scf.for %scan3A_295 = %scan3A_31 to %scan3A_33 step %scan3A_34 iter_args(%scan3A_296 = %scan3A) -> (i32)  : i32 {
      %mul3A_297 = arith.constant 16 : i32
      %mul3A_298 = arith.muli %scan3A_295, %mul3A_297 : i32
      %add3A_299 = vector.broadcast %mul3A_298 : i32 to vector<16xi32>
      %add3A_300 = arith.addi %add3A_299, %iota3A : vector<16xi32>
      %scan3A_301 = arith.constant 0 : i32
      %scan3A_302 = arith.constant 0 : i32
      %scan3A_303 = arith.constant 10 : i32
      %scan3A_304 = arith.addi %scan3A_302, %scan3A_303 : i32
      %scan3A_305 = arith.constant 1 : i32
      %scan3A_306 = scf.for %scan3A_309 = %scan3A_302 to %scan3A_304 step %scan3A_305 iter_args(%scan3A_310 = %scan3A_301) -> (i32)  : i32 {
        %mul3A_311 = arith.constant 10 : i32
        %mul3A_312 = arith.muli %scan3A_309, %mul3A_311 : i32
        %add3A_313 = arith.constant 0 : i32
        %add3A_314 = arith.addi %mul3A_312, %add3A_313 : i32
        %broadcast_in_dim3A = vector.broadcast %add3A_314 : i32 to vector<16xi32>
        %gather3A = tpu.vector_load_idx %arg7[%add3A_300, %broadcast_in_dim3A] : memref<64x100xi32, #tpu.memory_space<vmem>>[vector<16xi32>, vector<16xi32>], vector<16xi32>,
        %mul3A_315 = arith.constant 1600 : i32
        %mul3A_316 = arith.muli %scan3A_295, %mul3A_315 : i32
        %add3A_317 = arith.constant 0 : i32
        %add3A_318 = arith.addi %mul3A_312, %add3A_317 : i32
        %mul3A_319 = arith.constant 16 : i32
        %mul3A_320 = arith.muli %add3A_318, %mul3A_319 : i32
        %add3A_321 = arith.addi %mul3A_316, %mul3A_320 : i32
        %swap3A = arith.index_cast %add3A_321 : i32 to index
        %swap3A_322 = tpu.vector_load %arg9[%swap3A] {strides = array<i32>} : memref<6400xi32, #tpu.memory_space<vmem>>, vector<16xi32>,
        tpu.vector_store %arg9[%swap3A], %gather3A {strides = array<i32>} : memref<6400xi32, #tpu.memory_space<vmem>>, vector<16xi32>,
        %add3A_323 = arith.constant 1 : i32
        %add3A_324 = arith.addi %mul3A_312, %add3A_323 : i32
        %broadcast_in_dim3A_325 = vector.broadcast %add3A_324 : i32 to vector<16xi32>
        %gather3A_326 = tpu.vector_load_idx %arg7[%add3A_300, %broadcast_in_dim3A_325] : memref<64x100xi32, #tpu.memory_space<vmem>>[vector<16xi32>, vector<16xi32>], vector<16xi32>,
        %mul3A_327 = arith.constant 1600 : i32
        %mul3A_328 = arith.muli %scan3A_295, %mul3A_327 : i32
        %add3A_329 = arith.constant 1 : i32
        %add3A_330 = arith.addi %mul3A_312, %add3A_329 : i32
        %mul3A_331 = arith.constant 16 : i32
        %mul3A_332 = arith.muli %add3A_330, %mul3A_331 : i32
        %add3A_333 = arith.addi %mul3A_328, %mul3A_332 : i32
        %swap3A_334 = arith.index_cast %add3A_333 : i32 to index
        %swap3A_335 = tpu.vector_load %arg9[%swap3A_334] {strides = array<i32>} : memref<6400xi32, #tpu.memory_space<vmem>>, vector<16xi32>,
        tpu.vector_store %arg9[%swap3A_334], %gather3A_326 {strides = array<i32>} : memref<6400xi32, #tpu.memory_space<vmem>>, vector<16xi32>,
        %add3A_336 = arith.constant 2 : i32
        %add3A_337 = arith.addi %mul3A_312, %add3A_336 : i32
        %broadcast_in_dim3A_338 = vector.broadcast %add3A_337 : i32 to vector<16xi32>
        %gather3A_339 = tpu.vector_load_idx %arg7[%add3A_300, %broadcast_in_dim3A_338] : memref<64x100xi32, #tpu.memory_space<vmem>>[vector<16xi32>, vector<16xi32>], vector<16xi32>,
        %mul3A_340 = arith.constant 1600 : i32
        %mul3A_341 = arith.muli %scan3A_295, %mul3A_340 : i32
        %add3A_342 = arith.constant 2 : i32
        %add3A_343 = arith.addi %mul3A_312, %add3A_342 : i32
        %mul3A_344 = arith.constant 16 : i32
        %mul3A_345 = arith.muli %add3A_343, %mul3A_344 : i32
        %add3A_346 = arith.addi %mul3A_341, %mul3A_345 : i32
        %swap3A_347 = arith.index_cast %add3A_346 : i32 to index
        %swap3A_348 = tpu.vector_load %arg9[%swap3A_347] {strides = array<i32>} : memref<6400xi32, #tpu.memory_space<vmem>>, vector<16xi32>,
        tpu.vector_store %arg9[%swap3A_347], %gather3A_339 {strides = array<i32>} : memref<6400xi32, #tpu.memory_space<vmem>>, vector<16xi32>,
        %add3A_349 = arith.constant 3 : i32
        %add3A_350 = arith.addi %mul3A_312, %add3A_349 : i32
        %broadcast_in_dim3A_351 = vector.broadcast %add3A_350 : i32 to vector<16xi32>
        %gather3A_352 = tpu.vector_load_idx %arg7[%add3A_300, %broadcast_in_dim3A_351] : memref<64x100xi32, #tpu.memory_space<vmem>>[vector<16xi32>, vector<16xi32>], vector<16xi32>,
        %mul3A_353 = arith.constant 1600 : i32
        %mul3A_354 = arith.muli %scan3A_295, %mul3A_353 : i32
        %add3A_355 = arith.constant 3 : i32
        %add3A_356 = arith.addi %mul3A_312, %add3A_355 : i32
        %mul3A_357 = arith.constant 16 : i32
        %mul3A_358 = arith.muli %add3A_356, %mul3A_357 : i32
        %add3A_359 = arith.addi %mul3A_354, %mul3A_358 : i32
        %swap3A_360 = arith.index_cast %add3A_359 : i32 to index
        %swap3A_361 = tpu.vector_load %arg9[%swap3A_360] {strides = array<i32>} : memref<6400xi32, #tpu.memory_space<vmem>>, vector<16xi32>,
        tpu.vector_store %arg9[%swap3A_360], %gather3A_352 {strides = array<i32>} : memref<6400xi32, #tpu.memory_space<vmem>>, vector<16xi32>,
        %add3A_362 = arith.constant 4 : i32
        %add3A_363 = arith.addi %mul3A_312, %add3A_362 : i32
        %broadcast_in_dim3A_364 = vector.broadcast %add3A_363 : i32 to vector<16xi32>
        %gather3A_365 = tpu.vector_load_idx %arg7[%add3A_300, %broadcast_in_dim3A_364] : memref<64x100xi32, #tpu.memory_space<vmem>>[vector<16xi32>, vector<16xi32>], vector<16xi32>,
        %mul3A_366 = arith.constant 1600 : i32
        %mul3A_367 = arith.muli %scan3A_295, %mul3A_366 : i32
        %add3A_368 = arith.constant 4 : i32
        %add3A_369 = arith.addi %mul3A_312, %add3A_368 : i32
        %mul3A_370 = arith.constant 16 : i32
        %mul3A_371 = arith.muli %add3A_369, %mul3A_370 : i32
        %add3A_372 = arith.addi %mul3A_367, %mul3A_371 : i32
        %swap3A_373 = arith.index_cast %add3A_372 : i32 to index
        %swap3A_374 = tpu.vector_load %arg9[%swap3A_373] {strides = array<i32>} : memref<6400xi32, #tpu.memory_space<vmem>>, vector<16xi32>,
        tpu.vector_store %arg9[%swap3A_373], %gather3A_365 {strides = array<i32>} : memref<6400xi32, #tpu.memory_space<vmem>>, vector<16xi32>,
        %add3A_375 = arith.constant 5 : i32
        %add3A_376 = arith.addi %mul3A_312, %add3A_375 : i32
        %broadcast_in_dim3A_377 = vector.broadcast %add3A_376 : i32 to vector<16xi32>
        %gather3A_378 = tpu.vector_load_idx %arg7[%add3A_300, %broadcast_in_dim3A_377] : memref<64x100xi32, #tpu.memory_space<vmem>>[vector<16xi32>, vector<16xi32>], vector<16xi32>,
        %mul3A_379 = arith.constant 1600 : i32
        %mul3A_380 = arith.muli %scan3A_295, %mul3A_379 : i32
        %add3A_381 = arith.constant 5 : i32
        %add3A_382 = arith.addi %mul3A_312, %add3A_381 : i32
        %mul3A_383 = arith.constant 16 : i32
        %mul3A_384 = arith.muli %add3A_382, %mul3A_383 : i32
        %add3A_385 = arith.addi %mul3A_380, %mul3A_384 : i32
        %swap3A_386 = arith.index_cast %add3A_385 : i32 to index
        %swap3A_387 = tpu.vector_load %arg9[%swap3A_386] {strides = array<i32>} : memref<6400xi32, #tpu.memory_space<vmem>>, vector<16xi32>,
        tpu.vector_store %arg9[%swap3A_386], %gather3A_378 {strides = array<i32>} : memref<6400xi32, #tpu.memory_space<vmem>>, vector<16xi32>,
        %add3A_388 = arith.constant 6 : i32
        %add3A_389 = arith.addi %mul3A_312, %add3A_388 : i32
        %broadcast_in_dim3A_390 = vector.broadcast %add3A_389 : i32 to vector<16xi32>
        %gather3A_391 = tpu.vector_load_idx %arg7[%add3A_300, %broadcast_in_dim3A_390] : memref<64x100xi32, #tpu.memory_space<vmem>>[vector<16xi32>, vector<16xi32>], vector<16xi32>,
        %mul3A_392 = arith.constant 1600 : i32
        %mul3A_393 = arith.muli %scan3A_295, %mul3A_392 : i32
        %add3A_394 = arith.constant 6 : i32
        %add3A_395 = arith.addi %mul3A_312, %add3A_394 : i32
        %mul3A_396 = arith.constant 16 : i32
        %mul3A_397 = arith.muli %add3A_395, %mul3A_396 : i32
        %add3A_398 = arith.addi %mul3A_393, %mul3A_397 : i32
        %swap3A_399 = arith.index_cast %add3A_398 : i32 to index
        %swap3A_400 = tpu.vector_load %arg9[%swap3A_399] {strides = array<i32>} : memref<6400xi32, #tpu.memory_space<vmem>>, vector<16xi32>,
        tpu.vector_store %arg9[%swap3A_399], %gather3A_391 {strides = array<i32>} : memref<6400xi32, #tpu.memory_space<vmem>>, vector<16xi32>,
        %add3A_401 = arith.constant 7 : i32
        %add3A_402 = arith.addi %mul3A_312, %add3A_401 : i32
        %broadcast_in_dim3A_403 = vector.broadcast %add3A_402 : i32 to vector<16xi32>
        %gather3A_404 = tpu.vector_load_idx %arg7[%add3A_300, %broadcast_in_dim3A_403] : memref<64x100xi32, #tpu.memory_space<vmem>>[vector<16xi32>, vector<16xi32>], vector<16xi32>,
        %mul3A_405 = arith.constant 1600 : i32
        %mul3A_406 = arith.muli %scan3A_295, %mul3A_405 : i32
        %add3A_407 = arith.constant 7 : i32
        %add3A_408 = arith.addi %mul3A_312, %add3A_407 : i32
        %mul3A_409 = arith.constant 16 : i32
        %mul3A_410 = arith.muli %add3A_408, %mul3A_409 : i32
        %add3A_411 = arith.addi %mul3A_406, %mul3A_410 : i32
        %swap3A_412 = arith.index_cast %add3A_411 : i32 to index
        %swap3A_413 = tpu.vector_load %arg9[%swap3A_412] {strides = array<i32>} : memref<6400xi32, #tpu.memory_space<vmem>>, vector<16xi32>,
        tpu.vector_store %arg9[%swap3A_412], %gather3A_404 {strides = array<i32>} : memref<6400xi32, #tpu.memory_space<vmem>>, vector<16xi32>,
        %add3A_414 = arith.constant 8 : i32
        %add3A_415 = arith.addi %mul3A_312, %add3A_414 : i32
        %broadcast_in_dim3A_416 = vector.broadcast %add3A_415 : i32 to vector<16xi32>
        %gather3A_417 = tpu.vector_load_idx %arg7[%add3A_300, %broadcast_in_dim3A_416] : memref<64x100xi32, #tpu.memory_space<vmem>>[vector<16xi32>, vector<16xi32>], vector<16xi32>,
        %mul3A_418 = arith.constant 1600 : i32
        %mul3A_419 = arith.muli %scan3A_295, %mul3A_418 : i32
        %add3A_420 = arith.constant 8 : i32
        %add3A_421 = arith.addi %mul3A_312, %add3A_420 : i32
        %mul3A_422 = arith.constant 16 : i32
        %mul3A_423 = arith.muli %add3A_421, %mul3A_422 : i32
        %add3A_424 = arith.addi %mul3A_419, %mul3A_423 : i32
        %swap3A_425 = arith.index_cast %add3A_424 : i32 to index
        %swap3A_426 = tpu.vector_load %arg9[%swap3A_425] {strides = array<i32>} : memref<6400xi32, #tpu.memory_space<vmem>>, vector<16xi32>,
        tpu.vector_store %arg9[%swap3A_425], %gather3A_417 {strides = array<i32>} : memref<6400xi32, #tpu.memory_space<vmem>>, vector<16xi32>,
        %add3A_427 = arith.constant 9 : i32
        %add3A_428 = arith.addi %mul3A_312, %add3A_427 : i32
        %broadcast_in_dim3A_429 = vector.broadcast %add3A_428 : i32 to vector<16xi32>
        %gather3A_430 = tpu.vector_load_idx %arg7[%add3A_300, %broadcast_in_dim3A_429] : memref<64x100xi32, #tpu.memory_space<vmem>>[vector<16xi32>, vector<16xi32>], vector<16xi32>,
        %mul3A_431 = arith.constant 1600 : i32
        %mul3A_432 = arith.muli %scan3A_295, %mul3A_431 : i32
        %add3A_433 = arith.constant 9 : i32
        %add3A_434 = arith.addi %mul3A_312, %add3A_433 : i32
        %mul3A_435 = arith.constant 16 : i32
        %mul3A_436 = arith.muli %add3A_434, %mul3A_435 : i32
        %add3A_437 = arith.addi %mul3A_432, %mul3A_436 : i32
        %swap3A_438 = arith.index_cast %add3A_437 : i32 to index
        %swap3A_439 = tpu.vector_load %arg9[%swap3A_438] {strides = array<i32>} : memref<6400xi32, #tpu.memory_space<vmem>>, vector<16xi32>,
        tpu.vector_store %arg9[%swap3A_438], %gather3A_430 {strides = array<i32>} : memref<6400xi32, #tpu.memory_space<vmem>>, vector<16xi32>,
        %scan3A_440 = arith.constant 0 : i32
        scf.yield %scan3A_440 : i32
      }
      %scan3A_307 = arith.constant 10 : i32
      %scan3A_308 = arith.constant 0 : i32
      scf.yield %scan3A_308 : i32
    }
    %scan3A_36 = arith.constant 4 : i32
    %dma_start3A_37 = arith.constant 0 : i32
    %dma_start3A_38 = tpu.memref_slice %arg4[%dma_start3A_37] : memref<1000000xf32, #tpu.memory_space<hbm>> -> memref<1000000xf32, #tpu.memory_space<hbm>>
    tpu.enqueue_indirect_dma source(%dma_start3A_38 : memref<1000000xf32, #tpu.memory_space<hbm>>) target(%arg11 : memref<6400xf32, #tpu.memory_space<vmem>>) offsets(%arg9 : memref<6400xi32, #tpu.memory_space<vmem>>) semaphore(%arg19 : memref<!tpu.dma_semaphore, #tpu.memory_space<semaphore_mem>>)
    %dma_wait3A_39 = arith.constant 0 : i32
    %dma_wait3A_40 = tpu.memref_slice %arg2[%add3A_15, %dma_wait3A_39] : memref<16384x100xi32, #tpu.memory_space<hbm>> -> memref<64x100xi32, #tpu.memory_space<hbm>>
    %dma_wait3A_41 = arith.constant 0 : i32
    %dma_wait3A_42 = tpu.memref_slice %arg2[%add3A_15, %dma_wait3A_41] : memref<16384x100xi32, #tpu.memory_space<hbm>> -> memref<64x100xi32, #tpu.memory_space<hbm>>
    tpu.wait_dma2 semaphore(%arg18 : memref<!tpu.dma_semaphore, #tpu.memory_space<semaphore_mem>>) src(%dma_wait3A_42 : memref<64x100xi32, #tpu.memory_space<hbm>>) dst(%arg8 : memref<64x100xi32, #tpu.memory_space<vmem>>)
    %dma_wait3A_43 = arith.constant 0 : i32
    %dma_wait3A_44 = tpu.memref_slice %arg3[%add3A_15, %dma_wait3A_43] : memref<16384x100xf32, #tpu.memory_space<hbm>> -> memref<64x100xf32, #tpu.memory_space<hbm>>
    %dma_wait3A_45 = arith.constant 0 : i32
    %dma_wait3A_46 = tpu.memref_slice %arg3[%add3A_15, %dma_wait3A_45] : memref<16384x100xf32, #tpu.memory_space<hbm>> -> memref<64x100xf32, #tpu.memory_space<hbm>>
    tpu.wait_dma2 semaphore(%arg18 : memref<!tpu.dma_semaphore, #tpu.memory_space<semaphore_mem>>) src(%dma_wait3A_46 : memref<64x100xf32, #tpu.memory_space<hbm>>) dst(%arg14 : memref<64x100xf32, #tpu.memory_space<vmem>>)
    %scan3A_47 = arith.constant 0 : i32
    %scan3A_48 = arith.constant 0 : i32
    %scan3A_49 = arith.constant 4 : i32
    %scan3A_50 = arith.addi %scan3A_48, %scan3A_49 : i32
    %scan3A_51 = arith.constant 1 : i32
    %scan3A_52 = scf.for %scan3A_295 = %scan3A_48 to %scan3A_50 step %scan3A_51 iter_args(%scan3A_296 = %scan3A_47) -> (i32)  : i32 {
      %mul3A_297 = arith.constant 16 : i32
      %mul3A_298 = arith.muli %scan3A_295, %mul3A_297 : i32
      %add3A_299 = vector.broadcast %mul3A_298 : i32 to vector<16xi32>
      %add3A_300 = arith.addi %add3A_299, %iota3A : vector<16xi32>
      %scan3A_301 = arith.constant 0 : i32
      %scan3A_302 = arith.constant 0 : i32
      %scan3A_303 = arith.constant 10 : i32
      %scan3A_304 = arith.addi %scan3A_302, %scan3A_303 : i32
      %scan3A_305 = arith.constant 1 : i32
      %scan3A_306 = scf.for %scan3A_309 = %scan3A_302 to %scan3A_304 step %scan3A_305 iter_args(%scan3A_310 = %scan3A_301) -> (i32)  : i32 {
        %mul3A_311 = arith.constant 10 : i32
        %mul3A_312 = arith.muli %scan3A_309, %mul3A_311 : i32
        %add3A_313 = arith.constant 0 : i32
        %add3A_314 = arith.addi %mul3A_312, %add3A_313 : i32
        %broadcast_in_dim3A = vector.broadcast %add3A_314 : i32 to vector<16xi32>
        %gather3A = tpu.vector_load_idx %arg8[%add3A_300, %broadcast_in_dim3A] : memref<64x100xi32, #tpu.memory_space<vmem>>[vector<16xi32>, vector<16xi32>], vector<16xi32>,
        %mul3A_315 = arith.constant 1600 : i32
        %mul3A_316 = arith.muli %scan3A_295, %mul3A_315 : i32
        %add3A_317 = arith.constant 0 : i32
        %add3A_318 = arith.addi %mul3A_312, %add3A_317 : i32
        %mul3A_319 = arith.constant 16 : i32
        %mul3A_320 = arith.muli %add3A_318, %mul3A_319 : i32
        %add3A_321 = arith.addi %mul3A_316, %mul3A_320 : i32
        %swap3A = arith.index_cast %add3A_321 : i32 to index
        %swap3A_322 = tpu.vector_load %arg10[%swap3A] {strides = array<i32>} : memref<6400xi32, #tpu.memory_space<vmem>>, vector<16xi32>,
        tpu.vector_store %arg10[%swap3A], %gather3A {strides = array<i32>} : memref<6400xi32, #tpu.memory_space<vmem>>, vector<16xi32>,
        %add3A_323 = arith.constant 1 : i32
        %add3A_324 = arith.addi %mul3A_312, %add3A_323 : i32
        %broadcast_in_dim3A_325 = vector.broadcast %add3A_324 : i32 to vector<16xi32>
        %gather3A_326 = tpu.vector_load_idx %arg8[%add3A_300, %broadcast_in_dim3A_325] : memref<64x100xi32, #tpu.memory_space<vmem>>[vector<16xi32>, vector<16xi32>], vector<16xi32>,
        %mul3A_327 = arith.constant 1600 : i32
        %mul3A_328 = arith.muli %scan3A_295, %mul3A_327 : i32
        %add3A_329 = arith.constant 1 : i32
        %add3A_330 = arith.addi %mul3A_312, %add3A_329 : i32
        %mul3A_331 = arith.constant 16 : i32
        %mul3A_332 = arith.muli %add3A_330, %mul3A_331 : i32
        %add3A_333 = arith.addi %mul3A_328, %mul3A_332 : i32
        %swap3A_334 = arith.index_cast %add3A_333 : i32 to index
        %swap3A_335 = tpu.vector_load %arg10[%swap3A_334] {strides = array<i32>} : memref<6400xi32, #tpu.memory_space<vmem>>, vector<16xi32>,
        tpu.vector_store %arg10[%swap3A_334], %gather3A_326 {strides = array<i32>} : memref<6400xi32, #tpu.memory_space<vmem>>, vector<16xi32>,
        %add3A_336 = arith.constant 2 : i32
        %add3A_337 = arith.addi %mul3A_312, %add3A_336 : i32
        %broadcast_in_dim3A_338 = vector.broadcast %add3A_337 : i32 to vector<16xi32>
        %gather3A_339 = tpu.vector_load_idx %arg8[%add3A_300, %broadcast_in_dim3A_338] : memref<64x100xi32, #tpu.memory_space<vmem>>[vector<16xi32>, vector<16xi32>], vector<16xi32>,
        %mul3A_340 = arith.constant 1600 : i32
        %mul3A_341 = arith.muli %scan3A_295, %mul3A_340 : i32
        %add3A_342 = arith.constant 2 : i32
        %add3A_343 = arith.addi %mul3A_312, %add3A_342 : i32
        %mul3A_344 = arith.constant 16 : i32
        %mul3A_345 = arith.muli %add3A_343, %mul3A_344 : i32
        %add3A_346 = arith.addi %mul3A_341, %mul3A_345 : i32
        %swap3A_347 = arith.index_cast %add3A_346 : i32 to index
        %swap3A_348 = tpu.vector_load %arg10[%swap3A_347] {strides = array<i32>} : memref<6400xi32, #tpu.memory_space<vmem>>, vector<16xi32>,
        tpu.vector_store %arg10[%swap3A_347], %gather3A_339 {strides = array<i32>} : memref<6400xi32, #tpu.memory_space<vmem>>, vector<16xi32>,
        %add3A_349 = arith.constant 3 : i32
        %add3A_350 = arith.addi %mul3A_312, %add3A_349 : i32
        %broadcast_in_dim3A_351 = vector.broadcast %add3A_350 : i32 to vector<16xi32>
        %gather3A_352 = tpu.vector_load_idx %arg8[%add3A_300, %broadcast_in_dim3A_351] : memref<64x100xi32, #tpu.memory_space<vmem>>[vector<16xi32>, vector<16xi32>], vector<16xi32>,
        %mul3A_353 = arith.constant 1600 : i32
        %mul3A_354 = arith.muli %scan3A_295, %mul3A_353 : i32
        %add3A_355 = arith.constant 3 : i32
        %add3A_356 = arith.addi %mul3A_312, %add3A_355 : i32
        %mul3A_357 = arith.constant 16 : i32
        %mul3A_358 = arith.muli %add3A_356, %mul3A_357 : i32
        %add3A_359 = arith.addi %mul3A_354, %mul3A_358 : i32
        %swap3A_360 = arith.index_cast %add3A_359 : i32 to index
        %swap3A_361 = tpu.vector_load %arg10[%swap3A_360] {strides = array<i32>} : memref<6400xi32, #tpu.memory_space<vmem>>, vector<16xi32>,
        tpu.vector_store %arg10[%swap3A_360], %gather3A_352 {strides = array<i32>} : memref<6400xi32, #tpu.memory_space<vmem>>, vector<16xi32>,
        %add3A_362 = arith.constant 4 : i32
        %add3A_363 = arith.addi %mul3A_312, %add3A_362 : i32
        %broadcast_in_dim3A_364 = vector.broadcast %add3A_363 : i32 to vector<16xi32>
        %gather3A_365 = tpu.vector_load_idx %arg8[%add3A_300, %broadcast_in_dim3A_364] : memref<64x100xi32, #tpu.memory_space<vmem>>[vector<16xi32>, vector<16xi32>], vector<16xi32>,
        %mul3A_366 = arith.constant 1600 : i32
        %mul3A_367 = arith.muli %scan3A_295, %mul3A_366 : i32
        %add3A_368 = arith.constant 4 : i32
        %add3A_369 = arith.addi %mul3A_312, %add3A_368 : i32
        %mul3A_370 = arith.constant 16 : i32
        %mul3A_371 = arith.muli %add3A_369, %mul3A_370 : i32
        %add3A_372 = arith.addi %mul3A_367, %mul3A_371 : i32
        %swap3A_373 = arith.index_cast %add3A_372 : i32 to index
        %swap3A_374 = tpu.vector_load %arg10[%swap3A_373] {strides = array<i32>} : memref<6400xi32, #tpu.memory_space<vmem>>, vector<16xi32>,
        tpu.vector_store %arg10[%swap3A_373], %gather3A_365 {strides = array<i32>} : memref<6400xi32, #tpu.memory_space<vmem>>, vector<16xi32>,
        %add3A_375 = arith.constant 5 : i32
        %add3A_376 = arith.addi %mul3A_312, %add3A_375 : i32
        %broadcast_in_dim3A_377 = vector.broadcast %add3A_376 : i32 to vector<16xi32>
        %gather3A_378 = tpu.vector_load_idx %arg8[%add3A_300, %broadcast_in_dim3A_377] : memref<64x100xi32, #tpu.memory_space<vmem>>[vector<16xi32>, vector<16xi32>], vector<16xi32>,
        %mul3A_379 = arith.constant 1600 : i32
        %mul3A_380 = arith.muli %scan3A_295, %mul3A_379 : i32
        %add3A_381 = arith.constant 5 : i32
        %add3A_382 = arith.addi %mul3A_312, %add3A_381 : i32
        %mul3A_383 = arith.constant 16 : i32
        %mul3A_384 = arith.muli %add3A_382, %mul3A_383 : i32
        %add3A_385 = arith.addi %mul3A_380, %mul3A_384 : i32
        %swap3A_386 = arith.index_cast %add3A_385 : i32 to index
        %swap3A_387 = tpu.vector_load %arg10[%swap3A_386] {strides = array<i32>} : memref<6400xi32, #tpu.memory_space<vmem>>, vector<16xi32>,
        tpu.vector_store %arg10[%swap3A_386], %gather3A_378 {strides = array<i32>} : memref<6400xi32, #tpu.memory_space<vmem>>, vector<16xi32>,
        %add3A_388 = arith.constant 6 : i32
        %add3A_389 = arith.addi %mul3A_312, %add3A_388 : i32
        %broadcast_in_dim3A_390 = vector.broadcast %add3A_389 : i32 to vector<16xi32>
        %gather3A_391 = tpu.vector_load_idx %arg8[%add3A_300, %broadcast_in_dim3A_390] : memref<64x100xi32, #tpu.memory_space<vmem>>[vector<16xi32>, vector<16xi32>], vector<16xi32>,
        %mul3A_392 = arith.constant 1600 : i32
        %mul3A_393 = arith.muli %scan3A_295, %mul3A_392 : i32
        %add3A_394 = arith.constant 6 : i32
        %add3A_395 = arith.addi %mul3A_312, %add3A_394 : i32
        %mul3A_396 = arith.constant 16 : i32
        %mul3A_397 = arith.muli %add3A_395, %mul3A_396 : i32
        %add3A_398 = arith.addi %mul3A_393, %mul3A_397 : i32
        %swap3A_399 = arith.index_cast %add3A_398 : i32 to index
        %swap3A_400 = tpu.vector_load %arg10[%swap3A_399] {strides = array<i32>} : memref<6400xi32, #tpu.memory_space<vmem>>, vector<16xi32>,
        tpu.vector_store %arg10[%swap3A_399], %gather3A_391 {strides = array<i32>} : memref<6400xi32, #tpu.memory_space<vmem>>, vector<16xi32>,
        %add3A_401 = arith.constant 7 : i32
        %add3A_402 = arith.addi %mul3A_312, %add3A_401 : i32
        %broadcast_in_dim3A_403 = vector.broadcast %add3A_402 : i32 to vector<16xi32>
        %gather3A_404 = tpu.vector_load_idx %arg8[%add3A_300, %broadcast_in_dim3A_403] : memref<64x100xi32, #tpu.memory_space<vmem>>[vector<16xi32>, vector<16xi32>], vector<16xi32>,
        %mul3A_405 = arith.constant 1600 : i32
        %mul3A_406 = arith.muli %scan3A_295, %mul3A_405 : i32
        %add3A_407 = arith.constant 7 : i32
        %add3A_408 = arith.addi %mul3A_312, %add3A_407 : i32
        %mul3A_409 = arith.constant 16 : i32
        %mul3A_410 = arith.muli %add3A_408, %mul3A_409 : i32
        %add3A_411 = arith.addi %mul3A_406, %mul3A_410 : i32
        %swap3A_412 = arith.index_cast %add3A_411 : i32 to index
        %swap3A_413 = tpu.vector_load %arg10[%swap3A_412] {strides = array<i32>} : memref<6400xi32, #tpu.memory_space<vmem>>, vector<16xi32>,
        tpu.vector_store %arg10[%swap3A_412], %gather3A_404 {strides = array<i32>} : memref<6400xi32, #tpu.memory_space<vmem>>, vector<16xi32>,
        %add3A_414 = arith.constant 8 : i32
        %add3A_415 = arith.addi %mul3A_312, %add3A_414 : i32
        %broadcast_in_dim3A_416 = vector.broadcast %add3A_415 : i32 to vector<16xi32>
        %gather3A_417 = tpu.vector_load_idx %arg8[%add3A_300, %broadcast_in_dim3A_416] : memref<64x100xi32, #tpu.memory_space<vmem>>[vector<16xi32>, vector<16xi32>], vector<16xi32>,
        %mul3A_418 = arith.constant 1600 : i32
        %mul3A_419 = arith.muli %scan3A_295, %mul3A_418 : i32
        %add3A_420 = arith.constant 8 : i32
        %add3A_421 = arith.addi %mul3A_312, %add3A_420 : i32
        %mul3A_422 = arith.constant 16 : i32
        %mul3A_423 = arith.muli %add3A_421, %mul3A_422 : i32
        %add3A_424 = arith.addi %mul3A_419, %mul3A_423 : i32
        %swap3A_425 = arith.index_cast %add3A_424 : i32 to index
        %swap3A_426 = tpu.vector_load %arg10[%swap3A_425] {strides = array<i32>} : memref<6400xi32, #tpu.memory_space<vmem>>, vector<16xi32>,
        tpu.vector_store %arg10[%swap3A_425], %gather3A_417 {strides = array<i32>} : memref<6400xi32, #tpu.memory_space<vmem>>, vector<16xi32>,
        %add3A_427 = arith.constant 9 : i32
        %add3A_428 = arith.addi %mul3A_312, %add3A_427 : i32
        %broadcast_in_dim3A_429 = vector.broadcast %add3A_428 : i32 to vector<16xi32>
        %gather3A_430 = tpu.vector_load_idx %arg8[%add3A_300, %broadcast_in_dim3A_429] : memref<64x100xi32, #tpu.memory_space<vmem>>[vector<16xi32>, vector<16xi32>], vector<16xi32>,
        %mul3A_431 = arith.constant 1600 : i32
        %mul3A_432 = arith.muli %scan3A_295, %mul3A_431 : i32
        %add3A_433 = arith.constant 9 : i32
        %add3A_434 = arith.addi %mul3A_312, %add3A_433 : i32
        %mul3A_435 = arith.constant 16 : i32
        %mul3A_436 = arith.muli %add3A_434, %mul3A_435 : i32
        %add3A_437 = arith.addi %mul3A_432, %mul3A_436 : i32
        %swap3A_438 = arith.index_cast %add3A_437 : i32 to index
        %swap3A_439 = tpu.vector_load %arg10[%swap3A_438] {strides = array<i32>} : memref<6400xi32, #tpu.memory_space<vmem>>, vector<16xi32>,
        tpu.vector_store %arg10[%swap3A_438], %gather3A_430 {strides = array<i32>} : memref<6400xi32, #tpu.memory_space<vmem>>, vector<16xi32>,
        %scan3A_440 = arith.constant 0 : i32
        scf.yield %scan3A_440 : i32
      }
      %scan3A_307 = arith.constant 10 : i32
      %scan3A_308 = arith.constant 0 : i32
      scf.yield %scan3A_308 : i32
    }
    %scan3A_53 = arith.constant 4 : i32
    %eq3A_54 = arith.constant 0 : i32
    %eq3A_55 = arith.cmpi eq, %arg1, %eq3A_54 : i32
    %convert_element_type3A_56 = arith.extui %eq3A_55 : i1 to i32
    %cond3A_57 = arith.constant 0 : i32
    %cond3A_58 = arith.cmpi ne, %convert_element_type3A_56, %cond3A_57 : i32
    scf.if %cond3A_58 {
      tpu.wait_dma2 semaphore(%arg16 : memref<!tpu.dma_semaphore, #tpu.memory_space<semaphore_mem>>) src(%arg4 : memref<1000000xf32, #tpu.memory_space<hbm>>) dst(%arg6 : memref<1000000xf32, #tpu.memory_space<vmem_shared>>)
    } else {
    }
    %barrier3A = arith.constant 0 : index
    tpu.barrier barrier_id(%barrier3A)
    %dma_start3A_59 = arith.constant 0 : i32
    %dma_start3A_60 = tpu.memref_slice %arg6[%dma_start3A_59] : memref<1000000xf32, #tpu.memory_space<vmem_shared>> -> memref<1000000xf32, #tpu.memory_space<vmem_shared>>
    tpu.enqueue_indirect_dma source(%dma_start3A_60 : memref<1000000xf32, #tpu.memory_space<vmem_shared>>) target(%arg12 : memref<6400xf32, #tpu.memory_space<vmem>>) offsets(%arg10 : memref<6400xi32, #tpu.memory_space<vmem>>) semaphore(%arg22 : memref<!tpu.dma_semaphore, #tpu.memory_space<semaphore_mem>>)
    %dma_wait3A_61 = arith.constant 0 : i32
    %dma_wait3A_62 = tpu.memref_slice %arg4[%dma_wait3A_61] : memref<1000000xf32, #tpu.memory_space<hbm>> -> memref<1000000xf32, #tpu.memory_space<hbm>>
    tpu.wait_indirect_dma semaphore(%arg19 : memref<!tpu.dma_semaphore, #tpu.memory_space<semaphore_mem>>) src(%dma_wait3A_62 : memref<1000000xf32, #tpu.memory_space<hbm>>) dst(%arg11 : memref<6400xf32, #tpu.memory_space<vmem>>)
    %scan3A_63 = arith.constant 0 : i32
    %scan3A_64 = arith.constant 0 : i32
    %scan3A_65 = arith.constant 4 : i32
    %scan3A_66 = arith.addi %scan3A_64, %scan3A_65 : i32
    %scan3A_67 = arith.constant 1 : i32
    %scan3A_68 = scf.for %scan3A_295 = %scan3A_64 to %scan3A_66 step %scan3A_67 iter_args(%scan3A_296 = %scan3A_63) -> (i32)  : i32 {
      %mul3A_297 = arith.constant 16 : i32
      %mul3A_298 = arith.muli %scan3A_295, %mul3A_297 : i32
      %add3A_299 = vector.broadcast %mul3A_298 : i32 to vector<16xi32>
      %add3A_300 = arith.addi %add3A_299, %iota3A : vector<16xi32>
      %mul3A_301 = arith.constant 1600 : i32
      %mul3A_302 = arith.muli %scan3A_295, %mul3A_301 : i32
      %broadcast_in_dim3A = arith.constant 0.000000e+00 : f32
      %broadcast_in_dim3A_303 = vector.broadcast %broadcast_in_dim3A : f32 to vector<16xf32>
      %scan3A_304 = arith.constant 0 : i32
      %scan3A_305 = arith.constant 10 : i32
      %scan3A_306 = arith.addi %scan3A_304, %scan3A_305 : i32
      %scan3A_307 = arith.constant 1 : i32
      %scan3A_308 = scf.for %scan3A_323 = %scan3A_304 to %scan3A_306 step %scan3A_307 iter_args(%scan3A_324 = %broadcast_in_dim3A_303) -> (vector<16xf32>)  : i32 {
        %mul3A_325 = arith.constant 10 : i32
        %mul3A_326 = arith.muli %scan3A_323, %mul3A_325 : i32
        %add3A_327 = arith.constant 0 : i32
        %add3A_328 = arith.addi %mul3A_326, %add3A_327 : i32
        %broadcast_in_dim3A_329 = vector.broadcast %add3A_328 : i32 to vector<16xi32>
        %add3A_330 = arith.constant 0 : i32
        %add3A_331 = arith.addi %mul3A_326, %add3A_330 : i32
        %mul3A_332 = arith.constant 16 : i32
        %mul3A_333 = arith.muli %add3A_331, %mul3A_332 : i32
        %add3A_334 = arith.addi %mul3A_302, %mul3A_333 : i32
        %get3A = arith.index_cast %add3A_334 : i32 to index
        %get3A_335 = tpu.vector_load %arg11[%get3A] {strides = array<i32>} : memref<6400xf32, #tpu.memory_space<vmem>>, vector<16xf32>,
        %gather3A = tpu.vector_load_idx %arg13[%add3A_300, %broadcast_in_dim3A_329] : memref<64x100xf32, #tpu.memory_space<vmem>>[vector<16xi32>, vector<16xi32>], vector<16xf32>,
        %mul3A_336 = arith.mulf %get3A_335, %gather3A : vector<16xf32>
        %add3A_337 = arith.addf %scan3A_324, %mul3A_336 : vector<16xf32>
        %add3A_338 = arith.constant 1 : i32
        %add3A_339 = arith.addi %mul3A_326, %add3A_338 : i32
        %broadcast_in_dim3A_340 = vector.broadcast %add3A_339 : i32 to vector<16xi32>
        %add3A_341 = arith.constant 1 : i32
        %add3A_342 = arith.addi %mul3A_326, %add3A_341 : i32
        %mul3A_343 = arith.constant 16 : i32
        %mul3A_344 = arith.muli %add3A_342, %mul3A_343 : i32
        %add3A_345 = arith.addi %mul3A_302, %mul3A_344 : i32
        %get3A_346 = arith.index_cast %add3A_345 : i32 to index
        %get3A_347 = tpu.vector_load %arg11[%get3A_346] {strides = array<i32>} : memref<6400xf32, #tpu.memory_space<vmem>>, vector<16xf32>,
        %gather3A_348 = tpu.vector_load_idx %arg13[%add3A_300, %broadcast_in_dim3A_340] : memref<64x100xf32, #tpu.memory_space<vmem>>[vector<16xi32>, vector<16xi32>], vector<16xf32>,
        %mul3A_349 = arith.mulf %get3A_347, %gather3A_348 : vector<16xf32>
        %add3A_350 = arith.addf %add3A_337, %mul3A_349 : vector<16xf32>
        %add3A_351 = arith.constant 2 : i32
        %add3A_352 = arith.addi %mul3A_326, %add3A_351 : i32
        %broadcast_in_dim3A_353 = vector.broadcast %add3A_352 : i32 to vector<16xi32>
        %add3A_354 = arith.constant 2 : i32
        %add3A_355 = arith.addi %mul3A_326, %add3A_354 : i32
        %mul3A_356 = arith.constant 16 : i32
        %mul3A_357 = arith.muli %add3A_355, %mul3A_356 : i32
        %add3A_358 = arith.addi %mul3A_302, %mul3A_357 : i32
        %get3A_359 = arith.index_cast %add3A_358 : i32 to index
        %get3A_360 = tpu.vector_load %arg11[%get3A_359] {strides = array<i32>} : memref<6400xf32, #tpu.memory_space<vmem>>, vector<16xf32>,
        %gather3A_361 = tpu.vector_load_idx %arg13[%add3A_300, %broadcast_in_dim3A_353] : memref<64x100xf32, #tpu.memory_space<vmem>>[vector<16xi32>, vector<16xi32>], vector<16xf32>,
        %mul3A_362 = arith.mulf %get3A_360, %gather3A_361 : vector<16xf32>
        %add3A_363 = arith.addf %add3A_350, %mul3A_362 : vector<16xf32>
        %add3A_364 = arith.constant 3 : i32
        %add3A_365 = arith.addi %mul3A_326, %add3A_364 : i32
        %broadcast_in_dim3A_366 = vector.broadcast %add3A_365 : i32 to vector<16xi32>
        %add3A_367 = arith.constant 3 : i32
        %add3A_368 = arith.addi %mul3A_326, %add3A_367 : i32
        %mul3A_369 = arith.constant 16 : i32
        %mul3A_370 = arith.muli %add3A_368, %mul3A_369 : i32
        %add3A_371 = arith.addi %mul3A_302, %mul3A_370 : i32
        %get3A_372 = arith.index_cast %add3A_371 : i32 to index
        %get3A_373 = tpu.vector_load %arg11[%get3A_372] {strides = array<i32>} : memref<6400xf32, #tpu.memory_space<vmem>>, vector<16xf32>,
        %gather3A_374 = tpu.vector_load_idx %arg13[%add3A_300, %broadcast_in_dim3A_366] : memref<64x100xf32, #tpu.memory_space<vmem>>[vector<16xi32>, vector<16xi32>], vector<16xf32>,
        %mul3A_375 = arith.mulf %get3A_373, %gather3A_374 : vector<16xf32>
        %add3A_376 = arith.addf %add3A_363, %mul3A_375 : vector<16xf32>
        %add3A_377 = arith.constant 4 : i32
        %add3A_378 = arith.addi %mul3A_326, %add3A_377 : i32
        %broadcast_in_dim3A_379 = vector.broadcast %add3A_378 : i32 to vector<16xi32>
        %add3A_380 = arith.constant 4 : i32
        %add3A_381 = arith.addi %mul3A_326, %add3A_380 : i32
        %mul3A_382 = arith.constant 16 : i32
        %mul3A_383 = arith.muli %add3A_381, %mul3A_382 : i32
        %add3A_384 = arith.addi %mul3A_302, %mul3A_383 : i32
        %get3A_385 = arith.index_cast %add3A_384 : i32 to index
        %get3A_386 = tpu.vector_load %arg11[%get3A_385] {strides = array<i32>} : memref<6400xf32, #tpu.memory_space<vmem>>, vector<16xf32>,
        %gather3A_387 = tpu.vector_load_idx %arg13[%add3A_300, %broadcast_in_dim3A_379] : memref<64x100xf32, #tpu.memory_space<vmem>>[vector<16xi32>, vector<16xi32>], vector<16xf32>,
        %mul3A_388 = arith.mulf %get3A_386, %gather3A_387 : vector<16xf32>
        %add3A_389 = arith.addf %add3A_376, %mul3A_388 : vector<16xf32>
        %add3A_390 = arith.constant 5 : i32
        %add3A_391 = arith.addi %mul3A_326, %add3A_390 : i32
        %broadcast_in_dim3A_392 = vector.broadcast %add3A_391 : i32 to vector<16xi32>
        %add3A_393 = arith.constant 5 : i32
        %add3A_394 = arith.addi %mul3A_326, %add3A_393 : i32
        %mul3A_395 = arith.constant 16 : i32
        %mul3A_396 = arith.muli %add3A_394, %mul3A_395 : i32
        %add3A_397 = arith.addi %mul3A_302, %mul3A_396 : i32
        %get3A_398 = arith.index_cast %add3A_397 : i32 to index
        %get3A_399 = tpu.vector_load %arg11[%get3A_398] {strides = array<i32>} : memref<6400xf32, #tpu.memory_space<vmem>>, vector<16xf32>,
        %gather3A_400 = tpu.vector_load_idx %arg13[%add3A_300, %broadcast_in_dim3A_392] : memref<64x100xf32, #tpu.memory_space<vmem>>[vector<16xi32>, vector<16xi32>], vector<16xf32>,
        %mul3A_401 = arith.mulf %get3A_399, %gather3A_400 : vector<16xf32>
        %add3A_402 = arith.addf %add3A_389, %mul3A_401 : vector<16xf32>
        %add3A_403 = arith.constant 6 : i32
        %add3A_404 = arith.addi %mul3A_326, %add3A_403 : i32
        %broadcast_in_dim3A_405 = vector.broadcast %add3A_404 : i32 to vector<16xi32>
        %add3A_406 = arith.constant 6 : i32
        %add3A_407 = arith.addi %mul3A_326, %add3A_406 : i32
        %mul3A_408 = arith.constant 16 : i32
        %mul3A_409 = arith.muli %add3A_407, %mul3A_408 : i32
        %add3A_410 = arith.addi %mul3A_302, %mul3A_409 : i32
        %get3A_411 = arith.index_cast %add3A_410 : i32 to index
        %get3A_412 = tpu.vector_load %arg11[%get3A_411] {strides = array<i32>} : memref<6400xf32, #tpu.memory_space<vmem>>, vector<16xf32>,
        %gather3A_413 = tpu.vector_load_idx %arg13[%add3A_300, %broadcast_in_dim3A_405] : memref<64x100xf32, #tpu.memory_space<vmem>>[vector<16xi32>, vector<16xi32>], vector<16xf32>,
        %mul3A_414 = arith.mulf %get3A_412, %gather3A_413 : vector<16xf32>
        %add3A_415 = arith.addf %add3A_402, %mul3A_414 : vector<16xf32>
        %add3A_416 = arith.constant 7 : i32
        %add3A_417 = arith.addi %mul3A_326, %add3A_416 : i32
        %broadcast_in_dim3A_418 = vector.broadcast %add3A_417 : i32 to vector<16xi32>
        %add3A_419 = arith.constant 7 : i32
        %add3A_420 = arith.addi %mul3A_326, %add3A_419 : i32
        %mul3A_421 = arith.constant 16 : i32
        %mul3A_422 = arith.muli %add3A_420, %mul3A_421 : i32
        %add3A_423 = arith.addi %mul3A_302, %mul3A_422 : i32
        %get3A_424 = arith.index_cast %add3A_423 : i32 to index
        %get3A_425 = tpu.vector_load %arg11[%get3A_424] {strides = array<i32>} : memref<6400xf32, #tpu.memory_space<vmem>>, vector<16xf32>,
        %gather3A_426 = tpu.vector_load_idx %arg13[%add3A_300, %broadcast_in_dim3A_418] : memref<64x100xf32, #tpu.memory_space<vmem>>[vector<16xi32>, vector<16xi32>], vector<16xf32>,
        %mul3A_427 = arith.mulf %get3A_425, %gather3A_426 : vector<16xf32>
        %add3A_428 = arith.addf %add3A_415, %mul3A_427 : vector<16xf32>
        %add3A_429 = arith.constant 8 : i32
        %add3A_430 = arith.addi %mul3A_326, %add3A_429 : i32
        %broadcast_in_dim3A_431 = vector.broadcast %add3A_430 : i32 to vector<16xi32>
        %add3A_432 = arith.constant 8 : i32
        %add3A_433 = arith.addi %mul3A_326, %add3A_432 : i32
        %mul3A_434 = arith.constant 16 : i32
        %mul3A_435 = arith.muli %add3A_433, %mul3A_434 : i32
        %add3A_436 = arith.addi %mul3A_302, %mul3A_435 : i32
        %get3A_437 = arith.index_cast %add3A_436 : i32 to index
        %get3A_438 = tpu.vector_load %arg11[%get3A_437] {strides = array<i32>} : memref<6400xf32, #tpu.memory_space<vmem>>, vector<16xf32>,
        %gather3A_439 = tpu.vector_load_idx %arg13[%add3A_300, %broadcast_in_dim3A_431] : memref<64x100xf32, #tpu.memory_space<vmem>>[vector<16xi32>, vector<16xi32>], vector<16xf32>,
        %mul3A_440 = arith.mulf %get3A_438, %gather3A_439 : vector<16xf32>
        %add3A_441 = arith.addf %add3A_428, %mul3A_440 : vector<16xf32>
        %add3A_442 = arith.constant 9 : i32
        %add3A_443 = arith.addi %mul3A_326, %add3A_442 : i32
        %broadcast_in_dim3A_444 = vector.broadcast %add3A_443 : i32 to vector<16xi32>
        %add3A_445 = arith.constant 9 : i32
        %add3A_446 = arith.addi %mul3A_326, %add3A_445 : i32
        %mul3A_447 = arith.constant 16 : i32
        %mul3A_448 = arith.muli %add3A_446, %mul3A_447 : i32
        %add3A_449 = arith.addi %mul3A_302, %mul3A_448 : i32
        %get3A_450 = arith.index_cast %add3A_449 : i32 to index
        %get3A_451 = tpu.vector_load %arg11[%get3A_450] {strides = array<i32>} : memref<6400xf32, #tpu.memory_space<vmem>>, vector<16xf32>,
        %gather3A_452 = tpu.vector_load_idx %arg13[%add3A_300, %broadcast_in_dim3A_444] : memref<64x100xf32, #tpu.memory_space<vmem>>[vector<16xi32>, vector<16xi32>], vector<16xf32>,
        %mul3A_453 = arith.mulf %get3A_451, %gather3A_452 : vector<16xf32>
        %add3A_454 = arith.addf %add3A_441, %mul3A_453 : vector<16xf32>
        scf.yield %add3A_454 : vector<16xf32>
      }
      %scan3A_309 = arith.constant 10 : i32
      %neg3A = arith.constant 0.000000e+00 : f32
      %neg3A_310 = vector.broadcast %neg3A : f32 to vector<16xf32>
      %neg3A_311 = arith.subf %neg3A_310, %scan3A_308 : vector<16xf32>
      %exp3A = math.exp %neg3A_311 : vector<16xf32>
      %add3A_312 = arith.constant 1.000000e+00 : f32
      %add3A_313 = vector.broadcast %add3A_312 : f32 to vector<16xf32>
      %add3A_314 = arith.addf %add3A_313, %exp3A : vector<16xf32>
      %div3A = arith.constant 1.000000e+00 : f32
      %div3A_315 = vector.broadcast %div3A : f32 to vector<16xf32>
      %div3A_316 = arith.divf %div3A_315, %add3A_314 : vector<16xf32>
      %mul3A_317 = arith.constant 16 : i32
      %mul3A_318 = arith.muli %scan3A_295, %mul3A_317 : i32
      %add3A_319 = arith.constant 0 : i32
      %add3A_320 = arith.addi %add3A_319, %mul3A_318 : i32
      %swap3A = arith.index_cast %add3A_320 : i32 to index
      %swap3A_321 = tpu.vector_load %arg15[%swap3A] {strides = array<i32>} : memref<512xf32, #tpu.memory_space<vmem>>, vector<16xf32>,
      tpu.vector_store %arg15[%swap3A], %div3A_316 {strides = array<i32>} : memref<512xf32, #tpu.memory_space<vmem>>, vector<16xf32>,
      %scan3A_322 = arith.constant 0 : i32
      scf.yield %scan3A_322 : i32
    }
    %scan3A_69 = arith.constant 4 : i32
    %add3A_70 = arith.constant 128 : i32
    %add3A_71 = arith.addi %mul3A_2, %add3A_70 : i32
    %dma_start3A_72 = arith.constant 0 : i32
    %dma_start3A_73 = tpu.memref_slice %arg2[%add3A_71, %dma_start3A_72] : memref<16384x100xi32, #tpu.memory_space<hbm>> -> memref<64x100xi32, #tpu.memory_space<hbm>>
    %dma_start3A_74 = arith.constant 0 : i32
    %dma_start3A_75 = tpu.memref_slice %arg2[%add3A_71, %dma_start3A_74] : memref<16384x100xi32, #tpu.memory_space<hbm>> -> memref<64x100xi32, #tpu.memory_space<hbm>>
    tpu.enqueue_dma source(%dma_start3A_75 : memref<64x100xi32, #tpu.memory_space<hbm>>) target(%arg7 : memref<64x100xi32, #tpu.memory_space<vmem>>) target_semaphore(%arg17 : memref<!tpu.dma_semaphore, #tpu.memory_space<semaphore_mem>>)
    %dma_start3A_76 = arith.constant 0 : i32
    %dma_start3A_77 = tpu.memref_slice %arg3[%add3A_71, %dma_start3A_76] : memref<16384x100xf32, #tpu.memory_space<hbm>> -> memref<64x100xf32, #tpu.memory_space<hbm>>
    %dma_start3A_78 = arith.constant 0 : i32
    %dma_start3A_79 = tpu.memref_slice %arg3[%add3A_71, %dma_start3A_78] : memref<16384x100xf32, #tpu.memory_space<hbm>> -> memref<64x100xf32, #tpu.memory_space<hbm>>
    tpu.enqueue_dma source(%dma_start3A_79 : memref<64x100xf32, #tpu.memory_space<hbm>>) target(%arg13 : memref<64x100xf32, #tpu.memory_space<vmem>>) target_semaphore(%arg17 : memref<!tpu.dma_semaphore, #tpu.memory_space<semaphore_mem>>)
    %dma_wait3A_80 = arith.constant 0 : i32
    %dma_wait3A_81 = tpu.memref_slice %arg2[%add3A_71, %dma_wait3A_80] : memref<16384x100xi32, #tpu.memory_space<hbm>> -> memref<64x100xi32, #tpu.memory_space<hbm>>
    %dma_wait3A_82 = arith.constant 0 : i32
    %dma_wait3A_83 = tpu.memref_slice %arg2[%add3A_71, %dma_wait3A_82] : memref<16384x100xi32, #tpu.memory_space<hbm>> -> memref<64x100xi32, #tpu.memory_space<hbm>>
    tpu.wait_dma2 semaphore(%arg17 : memref<!tpu.dma_semaphore, #tpu.memory_space<semaphore_mem>>) src(%dma_wait3A_83 : memref<64x100xi32, #tpu.memory_space<hbm>>) dst(%arg7 : memref<64x100xi32, #tpu.memory_space<vmem>>)
    %dma_wait3A_84 = arith.constant 0 : i32
    %dma_wait3A_85 = tpu.memref_slice %arg3[%add3A_71, %dma_wait3A_84] : memref<16384x100xf32, #tpu.memory_space<hbm>> -> memref<64x100xf32, #tpu.memory_space<hbm>>
    %dma_wait3A_86 = arith.constant 0 : i32
    %dma_wait3A_87 = tpu.memref_slice %arg3[%add3A_71, %dma_wait3A_86] : memref<16384x100xf32, #tpu.memory_space<hbm>> -> memref<64x100xf32, #tpu.memory_space<hbm>>
    tpu.wait_dma2 semaphore(%arg17 : memref<!tpu.dma_semaphore, #tpu.memory_space<semaphore_mem>>) src(%dma_wait3A_87 : memref<64x100xf32, #tpu.memory_space<hbm>>) dst(%arg13 : memref<64x100xf32, #tpu.memory_space<vmem>>)
    %scan3A_88 = arith.constant 0 : i32
    %scan3A_89 = arith.constant 0 : i32
    %scan3A_90 = arith.constant 4 : i32
    %scan3A_91 = arith.addi %scan3A_89, %scan3A_90 : i32
    %scan3A_92 = arith.constant 1 : i32
    %scan3A_93 = scf.for %scan3A_295 = %scan3A_89 to %scan3A_91 step %scan3A_92 iter_args(%scan3A_296 = %scan3A_88) -> (i32)  : i32 {
      %mul3A_297 = arith.constant 16 : i32
      %mul3A_298 = arith.muli %scan3A_295, %mul3A_297 : i32
      %add3A_299 = vector.broadcast %mul3A_298 : i32 to vector<16xi32>
      %add3A_300 = arith.addi %add3A_299, %iota3A : vector<16xi32>
      %scan3A_301 = arith.constant 0 : i32
      %scan3A_302 = arith.constant 0 : i32
      %scan3A_303 = arith.constant 10 : i32
      %scan3A_304 = arith.addi %scan3A_302, %scan3A_303 : i32
      %scan3A_305 = arith.constant 1 : i32
      %scan3A_306 = scf.for %scan3A_309 = %scan3A_302 to %scan3A_304 step %scan3A_305 iter_args(%scan3A_310 = %scan3A_301) -> (i32)  : i32 {
        %mul3A_311 = arith.constant 10 : i32
        %mul3A_312 = arith.muli %scan3A_309, %mul3A_311 : i32
        %add3A_313 = arith.constant 0 : i32
        %add3A_314 = arith.addi %mul3A_312, %add3A_313 : i32
        %broadcast_in_dim3A = vector.broadcast %add3A_314 : i32 to vector<16xi32>
        %gather3A = tpu.vector_load_idx %arg7[%add3A_300, %broadcast_in_dim3A] : memref<64x100xi32, #tpu.memory_space<vmem>>[vector<16xi32>, vector<16xi32>], vector<16xi32>,
        %mul3A_315 = arith.constant 1600 : i32
        %mul3A_316 = arith.muli %scan3A_295, %mul3A_315 : i32
        %add3A_317 = arith.constant 0 : i32
        %add3A_318 = arith.addi %mul3A_312, %add3A_317 : i32
        %mul3A_319 = arith.constant 16 : i32
        %mul3A_320 = arith.muli %add3A_318, %mul3A_319 : i32
        %add3A_321 = arith.addi %mul3A_316, %mul3A_320 : i32
        %swap3A = arith.index_cast %add3A_321 : i32 to index
        %swap3A_322 = tpu.vector_load %arg9[%swap3A] {strides = array<i32>} : memref<6400xi32, #tpu.memory_space<vmem>>, vector<16xi32>,
        tpu.vector_store %arg9[%swap3A], %gather3A {strides = array<i32>} : memref<6400xi32, #tpu.memory_space<vmem>>, vector<16xi32>,
        %add3A_323 = arith.constant 1 : i32
        %add3A_324 = arith.addi %mul3A_312, %add3A_323 : i32
        %broadcast_in_dim3A_325 = vector.broadcast %add3A_324 : i32 to vector<16xi32>
        %gather3A_326 = tpu.vector_load_idx %arg7[%add3A_300, %broadcast_in_dim3A_325] : memref<64x100xi32, #tpu.memory_space<vmem>>[vector<16xi32>, vector<16xi32>], vector<16xi32>,
        %mul3A_327 = arith.constant 1600 : i32
        %mul3A_328 = arith.muli %scan3A_295, %mul3A_327 : i32
        %add3A_329 = arith.constant 1 : i32
        %add3A_330 = arith.addi %mul3A_312, %add3A_329 : i32
        %mul3A_331 = arith.constant 16 : i32
        %mul3A_332 = arith.muli %add3A_330, %mul3A_331 : i32
        %add3A_333 = arith.addi %mul3A_328, %mul3A_332 : i32
        %swap3A_334 = arith.index_cast %add3A_333 : i32 to index
        %swap3A_335 = tpu.vector_load %arg9[%swap3A_334] {strides = array<i32>} : memref<6400xi32, #tpu.memory_space<vmem>>, vector<16xi32>,
        tpu.vector_store %arg9[%swap3A_334], %gather3A_326 {strides = array<i32>} : memref<6400xi32, #tpu.memory_space<vmem>>, vector<16xi32>,
        %add3A_336 = arith.constant 2 : i32
        %add3A_337 = arith.addi %mul3A_312, %add3A_336 : i32
        %broadcast_in_dim3A_338 = vector.broadcast %add3A_337 : i32 to vector<16xi32>
        %gather3A_339 = tpu.vector_load_idx %arg7[%add3A_300, %broadcast_in_dim3A_338] : memref<64x100xi32, #tpu.memory_space<vmem>>[vector<16xi32>, vector<16xi32>], vector<16xi32>,
        %mul3A_340 = arith.constant 1600 : i32
        %mul3A_341 = arith.muli %scan3A_295, %mul3A_340 : i32
        %add3A_342 = arith.constant 2 : i32
        %add3A_343 = arith.addi %mul3A_312, %add3A_342 : i32
        %mul3A_344 = arith.constant 16 : i32
        %mul3A_345 = arith.muli %add3A_343, %mul3A_344 : i32
        %add3A_346 = arith.addi %mul3A_341, %mul3A_345 : i32
        %swap3A_347 = arith.index_cast %add3A_346 : i32 to index
        %swap3A_348 = tpu.vector_load %arg9[%swap3A_347] {strides = array<i32>} : memref<6400xi32, #tpu.memory_space<vmem>>, vector<16xi32>,
        tpu.vector_store %arg9[%swap3A_347], %gather3A_339 {strides = array<i32>} : memref<6400xi32, #tpu.memory_space<vmem>>, vector<16xi32>,
        %add3A_349 = arith.constant 3 : i32
        %add3A_350 = arith.addi %mul3A_312, %add3A_349 : i32
        %broadcast_in_dim3A_351 = vector.broadcast %add3A_350 : i32 to vector<16xi32>
        %gather3A_352 = tpu.vector_load_idx %arg7[%add3A_300, %broadcast_in_dim3A_351] : memref<64x100xi32, #tpu.memory_space<vmem>>[vector<16xi32>, vector<16xi32>], vector<16xi32>,
        %mul3A_353 = arith.constant 1600 : i32
        %mul3A_354 = arith.muli %scan3A_295, %mul3A_353 : i32
        %add3A_355 = arith.constant 3 : i32
        %add3A_356 = arith.addi %mul3A_312, %add3A_355 : i32
        %mul3A_357 = arith.constant 16 : i32
        %mul3A_358 = arith.muli %add3A_356, %mul3A_357 : i32
        %add3A_359 = arith.addi %mul3A_354, %mul3A_358 : i32
        %swap3A_360 = arith.index_cast %add3A_359 : i32 to index
        %swap3A_361 = tpu.vector_load %arg9[%swap3A_360] {strides = array<i32>} : memref<6400xi32, #tpu.memory_space<vmem>>, vector<16xi32>,
        tpu.vector_store %arg9[%swap3A_360], %gather3A_352 {strides = array<i32>} : memref<6400xi32, #tpu.memory_space<vmem>>, vector<16xi32>,
        %add3A_362 = arith.constant 4 : i32
        %add3A_363 = arith.addi %mul3A_312, %add3A_362 : i32
        %broadcast_in_dim3A_364 = vector.broadcast %add3A_363 : i32 to vector<16xi32>
        %gather3A_365 = tpu.vector_load_idx %arg7[%add3A_300, %broadcast_in_dim3A_364] : memref<64x100xi32, #tpu.memory_space<vmem>>[vector<16xi32>, vector<16xi32>], vector<16xi32>,
        %mul3A_366 = arith.constant 1600 : i32
        %mul3A_367 = arith.muli %scan3A_295, %mul3A_366 : i32
        %add3A_368 = arith.constant 4 : i32
        %add3A_369 = arith.addi %mul3A_312, %add3A_368 : i32
        %mul3A_370 = arith.constant 16 : i32
        %mul3A_371 = arith.muli %add3A_369, %mul3A_370 : i32
        %add3A_372 = arith.addi %mul3A_367, %mul3A_371 : i32
        %swap3A_373 = arith.index_cast %add3A_372 : i32 to index
        %swap3A_374 = tpu.vector_load %arg9[%swap3A_373] {strides = array<i32>} : memref<6400xi32, #tpu.memory_space<vmem>>, vector<16xi32>,
        tpu.vector_store %arg9[%swap3A_373], %gather3A_365 {strides = array<i32>} : memref<6400xi32, #tpu.memory_space<vmem>>, vector<16xi32>,
        %add3A_375 = arith.constant 5 : i32
        %add3A_376 = arith.addi %mul3A_312, %add3A_375 : i32
        %broadcast_in_dim3A_377 = vector.broadcast %add3A_376 : i32 to vector<16xi32>
        %gather3A_378 = tpu.vector_load_idx %arg7[%add3A_300, %broadcast_in_dim3A_377] : memref<64x100xi32, #tpu.memory_space<vmem>>[vector<16xi32>, vector<16xi32>], vector<16xi32>,
        %mul3A_379 = arith.constant 1600 : i32
        %mul3A_380 = arith.muli %scan3A_295, %mul3A_379 : i32
        %add3A_381 = arith.constant 5 : i32
        %add3A_382 = arith.addi %mul3A_312, %add3A_381 : i32
        %mul3A_383 = arith.constant 16 : i32
        %mul3A_384 = arith.muli %add3A_382, %mul3A_383 : i32
        %add3A_385 = arith.addi %mul3A_380, %mul3A_384 : i32
        %swap3A_386 = arith.index_cast %add3A_385 : i32 to index
        %swap3A_387 = tpu.vector_load %arg9[%swap3A_386] {strides = array<i32>} : memref<6400xi32, #tpu.memory_space<vmem>>, vector<16xi32>,
        tpu.vector_store %arg9[%swap3A_386], %gather3A_378 {strides = array<i32>} : memref<6400xi32, #tpu.memory_space<vmem>>, vector<16xi32>,
        %add3A_388 = arith.constant 6 : i32
        %add3A_389 = arith.addi %mul3A_312, %add3A_388 : i32
        %broadcast_in_dim3A_390 = vector.broadcast %add3A_389 : i32 to vector<16xi32>
        %gather3A_391 = tpu.vector_load_idx %arg7[%add3A_300, %broadcast_in_dim3A_390] : memref<64x100xi32, #tpu.memory_space<vmem>>[vector<16xi32>, vector<16xi32>], vector<16xi32>,
        %mul3A_392 = arith.constant 1600 : i32
        %mul3A_393 = arith.muli %scan3A_295, %mul3A_392 : i32
        %add3A_394 = arith.constant 6 : i32
        %add3A_395 = arith.addi %mul3A_312, %add3A_394 : i32
        %mul3A_396 = arith.constant 16 : i32
        %mul3A_397 = arith.muli %add3A_395, %mul3A_396 : i32
        %add3A_398 = arith.addi %mul3A_393, %mul3A_397 : i32
        %swap3A_399 = arith.index_cast %add3A_398 : i32 to index
        %swap3A_400 = tpu.vector_load %arg9[%swap3A_399] {strides = array<i32>} : memref<6400xi32, #tpu.memory_space<vmem>>, vector<16xi32>,
        tpu.vector_store %arg9[%swap3A_399], %gather3A_391 {strides = array<i32>} : memref<6400xi32, #tpu.memory_space<vmem>>, vector<16xi32>,
        %add3A_401 = arith.constant 7 : i32
        %add3A_402 = arith.addi %mul3A_312, %add3A_401 : i32
        %broadcast_in_dim3A_403 = vector.broadcast %add3A_402 : i32 to vector<16xi32>
        %gather3A_404 = tpu.vector_load_idx %arg7[%add3A_300, %broadcast_in_dim3A_403] : memref<64x100xi32, #tpu.memory_space<vmem>>[vector<16xi32>, vector<16xi32>], vector<16xi32>,
        %mul3A_405 = arith.constant 1600 : i32
        %mul3A_406 = arith.muli %scan3A_295, %mul3A_405 : i32
        %add3A_407 = arith.constant 7 : i32
        %add3A_408 = arith.addi %mul3A_312, %add3A_407 : i32
        %mul3A_409 = arith.constant 16 : i32
        %mul3A_410 = arith.muli %add3A_408, %mul3A_409 : i32
        %add3A_411 = arith.addi %mul3A_406, %mul3A_410 : i32
        %swap3A_412 = arith.index_cast %add3A_411 : i32 to index
        %swap3A_413 = tpu.vector_load %arg9[%swap3A_412] {strides = array<i32>} : memref<6400xi32, #tpu.memory_space<vmem>>, vector<16xi32>,
        tpu.vector_store %arg9[%swap3A_412], %gather3A_404 {strides = array<i32>} : memref<6400xi32, #tpu.memory_space<vmem>>, vector<16xi32>,
        %add3A_414 = arith.constant 8 : i32
        %add3A_415 = arith.addi %mul3A_312, %add3A_414 : i32
        %broadcast_in_dim3A_416 = vector.broadcast %add3A_415 : i32 to vector<16xi32>
        %gather3A_417 = tpu.vector_load_idx %arg7[%add3A_300, %broadcast_in_dim3A_416] : memref<64x100xi32, #tpu.memory_space<vmem>>[vector<16xi32>, vector<16xi32>], vector<16xi32>,
        %mul3A_418 = arith.constant 1600 : i32
        %mul3A_419 = arith.muli %scan3A_295, %mul3A_418 : i32
        %add3A_420 = arith.constant 8 : i32
        %add3A_421 = arith.addi %mul3A_312, %add3A_420 : i32
        %mul3A_422 = arith.constant 16 : i32
        %mul3A_423 = arith.muli %add3A_421, %mul3A_422 : i32
        %add3A_424 = arith.addi %mul3A_419, %mul3A_423 : i32
        %swap3A_425 = arith.index_cast %add3A_424 : i32 to index
        %swap3A_426 = tpu.vector_load %arg9[%swap3A_425] {strides = array<i32>} : memref<6400xi32, #tpu.memory_space<vmem>>, vector<16xi32>,
        tpu.vector_store %arg9[%swap3A_425], %gather3A_417 {strides = array<i32>} : memref<6400xi32, #tpu.memory_space<vmem>>, vector<16xi32>,
        %add3A_427 = arith.constant 9 : i32
        %add3A_428 = arith.addi %mul3A_312, %add3A_427 : i32
        %broadcast_in_dim3A_429 = vector.broadcast %add3A_428 : i32 to vector<16xi32>
        %gather3A_430 = tpu.vector_load_idx %arg7[%add3A_300, %broadcast_in_dim3A_429] : memref<64x100xi32, #tpu.memory_space<vmem>>[vector<16xi32>, vector<16xi32>], vector<16xi32>,
        %mul3A_431 = arith.constant 1600 : i32
        %mul3A_432 = arith.muli %scan3A_295, %mul3A_431 : i32
        %add3A_433 = arith.constant 9 : i32
        %add3A_434 = arith.addi %mul3A_312, %add3A_433 : i32
        %mul3A_435 = arith.constant 16 : i32
        %mul3A_436 = arith.muli %add3A_434, %mul3A_435 : i32
        %add3A_437 = arith.addi %mul3A_432, %mul3A_436 : i32
        %swap3A_438 = arith.index_cast %add3A_437 : i32 to index
        %swap3A_439 = tpu.vector_load %arg9[%swap3A_438] {strides = array<i32>} : memref<6400xi32, #tpu.memory_space<vmem>>, vector<16xi32>,
        tpu.vector_store %arg9[%swap3A_438], %gather3A_430 {strides = array<i32>} : memref<6400xi32, #tpu.memory_space<vmem>>, vector<16xi32>,
        %scan3A_440 = arith.constant 0 : i32
        scf.yield %scan3A_440 : i32
      }
      %scan3A_307 = arith.constant 10 : i32
      %scan3A_308 = arith.constant 0 : i32
      scf.yield %scan3A_308 : i32
    }
    %scan3A_94 = arith.constant 4 : i32
    %dma_start3A_95 = arith.constant 0 : i32
    %dma_start3A_96 = tpu.memref_slice %arg6[%dma_start3A_95] : memref<1000000xf32, #tpu.memory_space<vmem_shared>> -> memref<1000000xf32, #tpu.memory_space<vmem_shared>>
    tpu.enqueue_indirect_dma source(%dma_start3A_96 : memref<1000000xf32, #tpu.memory_space<vmem_shared>>) target(%arg11 : memref<6400xf32, #tpu.memory_space<vmem>>) offsets(%arg9 : memref<6400xi32, #tpu.memory_space<vmem>>) semaphore(%arg21 : memref<!tpu.dma_semaphore, #tpu.memory_space<semaphore_mem>>)
    %dma_wait3A_97 = arith.constant 0 : i32
    %dma_wait3A_98 = tpu.memref_slice %arg6[%dma_wait3A_97] : memref<1000000xf32, #tpu.memory_space<vmem_shared>> -> memref<1000000xf32, #tpu.memory_space<vmem_shared>>
    tpu.wait_indirect_dma semaphore(%arg22 : memref<!tpu.dma_semaphore, #tpu.memory_space<semaphore_mem>>) src(%dma_wait3A_98 : memref<1000000xf32, #tpu.memory_space<vmem_shared>>) dst(%arg12 : memref<6400xf32, #tpu.memory_space<vmem>>)
    %scan3A_99 = arith.constant 0 : i32
    %scan3A_100 = arith.constant 0 : i32
    %scan3A_101 = arith.constant 4 : i32
    %scan3A_102 = arith.addi %scan3A_100, %scan3A_101 : i32
    %scan3A_103 = arith.constant 1 : i32
    %scan3A_104 = scf.for %scan3A_295 = %scan3A_100 to %scan3A_102 step %scan3A_103 iter_args(%scan3A_296 = %scan3A_99) -> (i32)  : i32 {
      %mul3A_297 = arith.constant 16 : i32
      %mul3A_298 = arith.muli %scan3A_295, %mul3A_297 : i32
      %add3A_299 = vector.broadcast %mul3A_298 : i32 to vector<16xi32>
      %add3A_300 = arith.addi %add3A_299, %iota3A : vector<16xi32>
      %mul3A_301 = arith.constant 1600 : i32
      %mul3A_302 = arith.muli %scan3A_295, %mul3A_301 : i32
      %broadcast_in_dim3A = arith.constant 0.000000e+00 : f32
      %broadcast_in_dim3A_303 = vector.broadcast %broadcast_in_dim3A : f32 to vector<16xf32>
      %scan3A_304 = arith.constant 0 : i32
      %scan3A_305 = arith.constant 10 : i32
      %scan3A_306 = arith.addi %scan3A_304, %scan3A_305 : i32
      %scan3A_307 = arith.constant 1 : i32
      %scan3A_308 = scf.for %scan3A_323 = %scan3A_304 to %scan3A_306 step %scan3A_307 iter_args(%scan3A_324 = %broadcast_in_dim3A_303) -> (vector<16xf32>)  : i32 {
        %mul3A_325 = arith.constant 10 : i32
        %mul3A_326 = arith.muli %scan3A_323, %mul3A_325 : i32
        %add3A_327 = arith.constant 0 : i32
        %add3A_328 = arith.addi %mul3A_326, %add3A_327 : i32
        %broadcast_in_dim3A_329 = vector.broadcast %add3A_328 : i32 to vector<16xi32>
        %add3A_330 = arith.constant 0 : i32
        %add3A_331 = arith.addi %mul3A_326, %add3A_330 : i32
        %mul3A_332 = arith.constant 16 : i32
        %mul3A_333 = arith.muli %add3A_331, %mul3A_332 : i32
        %add3A_334 = arith.addi %mul3A_302, %mul3A_333 : i32
        %get3A = arith.index_cast %add3A_334 : i32 to index
        %get3A_335 = tpu.vector_load %arg12[%get3A] {strides = array<i32>} : memref<6400xf32, #tpu.memory_space<vmem>>, vector<16xf32>,
        %gather3A = tpu.vector_load_idx %arg14[%add3A_300, %broadcast_in_dim3A_329] : memref<64x100xf32, #tpu.memory_space<vmem>>[vector<16xi32>, vector<16xi32>], vector<16xf32>,
        %mul3A_336 = arith.mulf %get3A_335, %gather3A : vector<16xf32>
        %add3A_337 = arith.addf %scan3A_324, %mul3A_336 : vector<16xf32>
        %add3A_338 = arith.constant 1 : i32
        %add3A_339 = arith.addi %mul3A_326, %add3A_338 : i32
        %broadcast_in_dim3A_340 = vector.broadcast %add3A_339 : i32 to vector<16xi32>
        %add3A_341 = arith.constant 1 : i32
        %add3A_342 = arith.addi %mul3A_326, %add3A_341 : i32
        %mul3A_343 = arith.constant 16 : i32
        %mul3A_344 = arith.muli %add3A_342, %mul3A_343 : i32
        %add3A_345 = arith.addi %mul3A_302, %mul3A_344 : i32
        %get3A_346 = arith.index_cast %add3A_345 : i32 to index
        %get3A_347 = tpu.vector_load %arg12[%get3A_346] {strides = array<i32>} : memref<6400xf32, #tpu.memory_space<vmem>>, vector<16xf32>,
        %gather3A_348 = tpu.vector_load_idx %arg14[%add3A_300, %broadcast_in_dim3A_340] : memref<64x100xf32, #tpu.memory_space<vmem>>[vector<16xi32>, vector<16xi32>], vector<16xf32>,
        %mul3A_349 = arith.mulf %get3A_347, %gather3A_348 : vector<16xf32>
        %add3A_350 = arith.addf %add3A_337, %mul3A_349 : vector<16xf32>
        %add3A_351 = arith.constant 2 : i32
        %add3A_352 = arith.addi %mul3A_326, %add3A_351 : i32
        %broadcast_in_dim3A_353 = vector.broadcast %add3A_352 : i32 to vector<16xi32>
        %add3A_354 = arith.constant 2 : i32
        %add3A_355 = arith.addi %mul3A_326, %add3A_354 : i32
        %mul3A_356 = arith.constant 16 : i32
        %mul3A_357 = arith.muli %add3A_355, %mul3A_356 : i32
        %add3A_358 = arith.addi %mul3A_302, %mul3A_357 : i32
        %get3A_359 = arith.index_cast %add3A_358 : i32 to index
        %get3A_360 = tpu.vector_load %arg12[%get3A_359] {strides = array<i32>} : memref<6400xf32, #tpu.memory_space<vmem>>, vector<16xf32>,
        %gather3A_361 = tpu.vector_load_idx %arg14[%add3A_300, %broadcast_in_dim3A_353] : memref<64x100xf32, #tpu.memory_space<vmem>>[vector<16xi32>, vector<16xi32>], vector<16xf32>,
        %mul3A_362 = arith.mulf %get3A_360, %gather3A_361 : vector<16xf32>
        %add3A_363 = arith.addf %add3A_350, %mul3A_362 : vector<16xf32>
        %add3A_364 = arith.constant 3 : i32
        %add3A_365 = arith.addi %mul3A_326, %add3A_364 : i32
        %broadcast_in_dim3A_366 = vector.broadcast %add3A_365 : i32 to vector<16xi32>
        %add3A_367 = arith.constant 3 : i32
        %add3A_368 = arith.addi %mul3A_326, %add3A_367 : i32
        %mul3A_369 = arith.constant 16 : i32
        %mul3A_370 = arith.muli %add3A_368, %mul3A_369 : i32
        %add3A_371 = arith.addi %mul3A_302, %mul3A_370 : i32
        %get3A_372 = arith.index_cast %add3A_371 : i32 to index
        %get3A_373 = tpu.vector_load %arg12[%get3A_372] {strides = array<i32>} : memref<6400xf32, #tpu.memory_space<vmem>>, vector<16xf32>,
        %gather3A_374 = tpu.vector_load_idx %arg14[%add3A_300, %broadcast_in_dim3A_366] : memref<64x100xf32, #tpu.memory_space<vmem>>[vector<16xi32>, vector<16xi32>], vector<16xf32>,
        %mul3A_375 = arith.mulf %get3A_373, %gather3A_374 : vector<16xf32>
        %add3A_376 = arith.addf %add3A_363, %mul3A_375 : vector<16xf32>
        %add3A_377 = arith.constant 4 : i32
        %add3A_378 = arith.addi %mul3A_326, %add3A_377 : i32
        %broadcast_in_dim3A_379 = vector.broadcast %add3A_378 : i32 to vector<16xi32>
        %add3A_380 = arith.constant 4 : i32
        %add3A_381 = arith.addi %mul3A_326, %add3A_380 : i32
        %mul3A_382 = arith.constant 16 : i32
        %mul3A_383 = arith.muli %add3A_381, %mul3A_382 : i32
        %add3A_384 = arith.addi %mul3A_302, %mul3A_383 : i32
        %get3A_385 = arith.index_cast %add3A_384 : i32 to index
        %get3A_386 = tpu.vector_load %arg12[%get3A_385] {strides = array<i32>} : memref<6400xf32, #tpu.memory_space<vmem>>, vector<16xf32>,
        %gather3A_387 = tpu.vector_load_idx %arg14[%add3A_300, %broadcast_in_dim3A_379] : memref<64x100xf32, #tpu.memory_space<vmem>>[vector<16xi32>, vector<16xi32>], vector<16xf32>,
        %mul3A_388 = arith.mulf %get3A_386, %gather3A_387 : vector<16xf32>
        %add3A_389 = arith.addf %add3A_376, %mul3A_388 : vector<16xf32>
        %add3A_390 = arith.constant 5 : i32
        %add3A_391 = arith.addi %mul3A_326, %add3A_390 : i32
        %broadcast_in_dim3A_392 = vector.broadcast %add3A_391 : i32 to vector<16xi32>
        %add3A_393 = arith.constant 5 : i32
        %add3A_394 = arith.addi %mul3A_326, %add3A_393 : i32
        %mul3A_395 = arith.constant 16 : i32
        %mul3A_396 = arith.muli %add3A_394, %mul3A_395 : i32
        %add3A_397 = arith.addi %mul3A_302, %mul3A_396 : i32
        %get3A_398 = arith.index_cast %add3A_397 : i32 to index
        %get3A_399 = tpu.vector_load %arg12[%get3A_398] {strides = array<i32>} : memref<6400xf32, #tpu.memory_space<vmem>>, vector<16xf32>,
        %gather3A_400 = tpu.vector_load_idx %arg14[%add3A_300, %broadcast_in_dim3A_392] : memref<64x100xf32, #tpu.memory_space<vmem>>[vector<16xi32>, vector<16xi32>], vector<16xf32>,
        %mul3A_401 = arith.mulf %get3A_399, %gather3A_400 : vector<16xf32>
        %add3A_402 = arith.addf %add3A_389, %mul3A_401 : vector<16xf32>
        %add3A_403 = arith.constant 6 : i32
        %add3A_404 = arith.addi %mul3A_326, %add3A_403 : i32
        %broadcast_in_dim3A_405 = vector.broadcast %add3A_404 : i32 to vector<16xi32>
        %add3A_406 = arith.constant 6 : i32
        %add3A_407 = arith.addi %mul3A_326, %add3A_406 : i32
        %mul3A_408 = arith.constant 16 : i32
        %mul3A_409 = arith.muli %add3A_407, %mul3A_408 : i32
        %add3A_410 = arith.addi %mul3A_302, %mul3A_409 : i32
        %get3A_411 = arith.index_cast %add3A_410 : i32 to index
        %get3A_412 = tpu.vector_load %arg12[%get3A_411] {strides = array<i32>} : memref<6400xf32, #tpu.memory_space<vmem>>, vector<16xf32>,
        %gather3A_413 = tpu.vector_load_idx %arg14[%add3A_300, %broadcast_in_dim3A_405] : memref<64x100xf32, #tpu.memory_space<vmem>>[vector<16xi32>, vector<16xi32>], vector<16xf32>,
        %mul3A_414 = arith.mulf %get3A_412, %gather3A_413 : vector<16xf32>
        %add3A_415 = arith.addf %add3A_402, %mul3A_414 : vector<16xf32>
        %add3A_416 = arith.constant 7 : i32
        %add3A_417 = arith.addi %mul3A_326, %add3A_416 : i32
        %broadcast_in_dim3A_418 = vector.broadcast %add3A_417 : i32 to vector<16xi32>
        %add3A_419 = arith.constant 7 : i32
        %add3A_420 = arith.addi %mul3A_326, %add3A_419 : i32
        %mul3A_421 = arith.constant 16 : i32
        %mul3A_422 = arith.muli %add3A_420, %mul3A_421 : i32
        %add3A_423 = arith.addi %mul3A_302, %mul3A_422 : i32
        %get3A_424 = arith.index_cast %add3A_423 : i32 to index
        %get3A_425 = tpu.vector_load %arg12[%get3A_424] {strides = array<i32>} : memref<6400xf32, #tpu.memory_space<vmem>>, vector<16xf32>,
        %gather3A_426 = tpu.vector_load_idx %arg14[%add3A_300, %broadcast_in_dim3A_418] : memref<64x100xf32, #tpu.memory_space<vmem>>[vector<16xi32>, vector<16xi32>], vector<16xf32>,
        %mul3A_427 = arith.mulf %get3A_425, %gather3A_426 : vector<16xf32>
        %add3A_428 = arith.addf %add3A_415, %mul3A_427 : vector<16xf32>
        %add3A_429 = arith.constant 8 : i32
        %add3A_430 = arith.addi %mul3A_326, %add3A_429 : i32
        %broadcast_in_dim3A_431 = vector.broadcast %add3A_430 : i32 to vector<16xi32>
        %add3A_432 = arith.constant 8 : i32
        %add3A_433 = arith.addi %mul3A_326, %add3A_432 : i32
        %mul3A_434 = arith.constant 16 : i32
        %mul3A_435 = arith.muli %add3A_433, %mul3A_434 : i32
        %add3A_436 = arith.addi %mul3A_302, %mul3A_435 : i32
        %get3A_437 = arith.index_cast %add3A_436 : i32 to index
        %get3A_438 = tpu.vector_load %arg12[%get3A_437] {strides = array<i32>} : memref<6400xf32, #tpu.memory_space<vmem>>, vector<16xf32>,
        %gather3A_439 = tpu.vector_load_idx %arg14[%add3A_300, %broadcast_in_dim3A_431] : memref<64x100xf32, #tpu.memory_space<vmem>>[vector<16xi32>, vector<16xi32>], vector<16xf32>,
        %mul3A_440 = arith.mulf %get3A_438, %gather3A_439 : vector<16xf32>
        %add3A_441 = arith.addf %add3A_428, %mul3A_440 : vector<16xf32>
        %add3A_442 = arith.constant 9 : i32
        %add3A_443 = arith.addi %mul3A_326, %add3A_442 : i32
        %broadcast_in_dim3A_444 = vector.broadcast %add3A_443 : i32 to vector<16xi32>
        %add3A_445 = arith.constant 9 : i32
        %add3A_446 = arith.addi %mul3A_326, %add3A_445 : i32
        %mul3A_447 = arith.constant 16 : i32
        %mul3A_448 = arith.muli %add3A_446, %mul3A_447 : i32
        %add3A_449 = arith.addi %mul3A_302, %mul3A_448 : i32
        %get3A_450 = arith.index_cast %add3A_449 : i32 to index
        %get3A_451 = tpu.vector_load %arg12[%get3A_450] {strides = array<i32>} : memref<6400xf32, #tpu.memory_space<vmem>>, vector<16xf32>,
        %gather3A_452 = tpu.vector_load_idx %arg14[%add3A_300, %broadcast_in_dim3A_444] : memref<64x100xf32, #tpu.memory_space<vmem>>[vector<16xi32>, vector<16xi32>], vector<16xf32>,
        %mul3A_453 = arith.mulf %get3A_451, %gather3A_452 : vector<16xf32>
        %add3A_454 = arith.addf %add3A_441, %mul3A_453 : vector<16xf32>
        scf.yield %add3A_454 : vector<16xf32>
      }
      %scan3A_309 = arith.constant 10 : i32
      %neg3A = arith.constant 0.000000e+00 : f32
      %neg3A_310 = vector.broadcast %neg3A : f32 to vector<16xf32>
      %neg3A_311 = arith.subf %neg3A_310, %scan3A_308 : vector<16xf32>
      %exp3A = math.exp %neg3A_311 : vector<16xf32>
      %add3A_312 = arith.constant 1.000000e+00 : f32
      %add3A_313 = vector.broadcast %add3A_312 : f32 to vector<16xf32>
      %add3A_314 = arith.addf %add3A_313, %exp3A : vector<16xf32>
      %div3A = arith.constant 1.000000e+00 : f32
      %div3A_315 = vector.broadcast %div3A : f32 to vector<16xf32>
      %div3A_316 = arith.divf %div3A_315, %add3A_314 : vector<16xf32>
      %mul3A_317 = arith.constant 16 : i32
      %mul3A_318 = arith.muli %scan3A_295, %mul3A_317 : i32
      %add3A_319 = arith.constant 64 : i32
      %add3A_320 = arith.addi %add3A_319, %mul3A_318 : i32
      %swap3A = arith.index_cast %add3A_320 : i32 to index
      %swap3A_321 = tpu.vector_load %arg15[%swap3A] {strides = array<i32>} : memref<512xf32, #tpu.memory_space<vmem>>, vector<16xf32>,
      tpu.vector_store %arg15[%swap3A], %div3A_316 {strides = array<i32>} : memref<512xf32, #tpu.memory_space<vmem>>, vector<16xf32>,
      %scan3A_322 = arith.constant 0 : i32
      scf.yield %scan3A_322 : i32
    }
    %scan3A_105 = arith.constant 4 : i32
    %add3A_106 = arith.constant 192 : i32
    %add3A_107 = arith.addi %mul3A_2, %add3A_106 : i32
    %dma_start3A_108 = arith.constant 0 : i32
    %dma_start3A_109 = tpu.memref_slice %arg2[%add3A_107, %dma_start3A_108] : memref<16384x100xi32, #tpu.memory_space<hbm>> -> memref<64x100xi32, #tpu.memory_space<hbm>>
    %dma_start3A_110 = arith.constant 0 : i32
    %dma_start3A_111 = tpu.memref_slice %arg2[%add3A_107, %dma_start3A_110] : memref<16384x100xi32, #tpu.memory_space<hbm>> -> memref<64x100xi32, #tpu.memory_space<hbm>>
    tpu.enqueue_dma source(%dma_start3A_111 : memref<64x100xi32, #tpu.memory_space<hbm>>) target(%arg8 : memref<64x100xi32, #tpu.memory_space<vmem>>) target_semaphore(%arg18 : memref<!tpu.dma_semaphore, #tpu.memory_space<semaphore_mem>>)
    %dma_start3A_112 = arith.constant 0 : i32
    %dma_start3A_113 = tpu.memref_slice %arg3[%add3A_107, %dma_start3A_112] : memref<16384x100xf32, #tpu.memory_space<hbm>> -> memref<64x100xf32, #tpu.memory_space<hbm>>
    %dma_start3A_114 = arith.constant 0 : i32
    %dma_start3A_115 = tpu.memref_slice %arg3[%add3A_107, %dma_start3A_114] : memref<16384x100xf32, #tpu.memory_space<hbm>> -> memref<64x100xf32, #tpu.memory_space<hbm>>
    tpu.enqueue_dma source(%dma_start3A_115 : memref<64x100xf32, #tpu.memory_space<hbm>>) target(%arg14 : memref<64x100xf32, #tpu.memory_space<vmem>>) target_semaphore(%arg18 : memref<!tpu.dma_semaphore, #tpu.memory_space<semaphore_mem>>)
    %dma_wait3A_116 = arith.constant 0 : i32
    %dma_wait3A_117 = tpu.memref_slice %arg2[%add3A_107, %dma_wait3A_116] : memref<16384x100xi32, #tpu.memory_space<hbm>> -> memref<64x100xi32, #tpu.memory_space<hbm>>
    %dma_wait3A_118 = arith.constant 0 : i32
    %dma_wait3A_119 = tpu.memref_slice %arg2[%add3A_107, %dma_wait3A_118] : memref<16384x100xi32, #tpu.memory_space<hbm>> -> memref<64x100xi32, #tpu.memory_space<hbm>>
    tpu.wait_dma2 semaphore(%arg18 : memref<!tpu.dma_semaphore, #tpu.memory_space<semaphore_mem>>) src(%dma_wait3A_119 : memref<64x100xi32, #tpu.memory_space<hbm>>) dst(%arg8 : memref<64x100xi32, #tpu.memory_space<vmem>>)
    %dma_wait3A_120 = arith.constant 0 : i32
    %dma_wait3A_121 = tpu.memref_slice %arg3[%add3A_107, %dma_wait3A_120] : memref<16384x100xf32, #tpu.memory_space<hbm>> -> memref<64x100xf32, #tpu.memory_space<hbm>>
    %dma_wait3A_122 = arith.constant 0 : i32
    %dma_wait3A_123 = tpu.memref_slice %arg3[%add3A_107, %dma_wait3A_122] : memref<16384x100xf32, #tpu.memory_space<hbm>> -> memref<64x100xf32, #tpu.memory_space<hbm>>
    tpu.wait_dma2 semaphore(%arg18 : memref<!tpu.dma_semaphore, #tpu.memory_space<semaphore_mem>>) src(%dma_wait3A_123 : memref<64x100xf32, #tpu.memory_space<hbm>>) dst(%arg14 : memref<64x100xf32, #tpu.memory_space<vmem>>)
    %scan3A_124 = arith.constant 0 : i32
    %scan3A_125 = arith.constant 0 : i32
    %scan3A_126 = arith.constant 4 : i32
    %scan3A_127 = arith.addi %scan3A_125, %scan3A_126 : i32
    %scan3A_128 = arith.constant 1 : i32
    %scan3A_129 = scf.for %scan3A_295 = %scan3A_125 to %scan3A_127 step %scan3A_128 iter_args(%scan3A_296 = %scan3A_124) -> (i32)  : i32 {
      %mul3A_297 = arith.constant 16 : i32
      %mul3A_298 = arith.muli %scan3A_295, %mul3A_297 : i32
      %add3A_299 = vector.broadcast %mul3A_298 : i32 to vector<16xi32>
      %add3A_300 = arith.addi %add3A_299, %iota3A : vector<16xi32>
      %scan3A_301 = arith.constant 0 : i32
      %scan3A_302 = arith.constant 0 : i32
      %scan3A_303 = arith.constant 10 : i32
      %scan3A_304 = arith.addi %scan3A_302, %scan3A_303 : i32
      %scan3A_305 = arith.constant 1 : i32
      %scan3A_306 = scf.for %scan3A_309 = %scan3A_302 to %scan3A_304 step %scan3A_305 iter_args(%scan3A_310 = %scan3A_301) -> (i32)  : i32 {
        %mul3A_311 = arith.constant 10 : i32
        %mul3A_312 = arith.muli %scan3A_309, %mul3A_311 : i32
        %add3A_313 = arith.constant 0 : i32
        %add3A_314 = arith.addi %mul3A_312, %add3A_313 : i32
        %broadcast_in_dim3A = vector.broadcast %add3A_314 : i32 to vector<16xi32>
        %gather3A = tpu.vector_load_idx %arg8[%add3A_300, %broadcast_in_dim3A] : memref<64x100xi32, #tpu.memory_space<vmem>>[vector<16xi32>, vector<16xi32>], vector<16xi32>,
        %mul3A_315 = arith.constant 1600 : i32
        %mul3A_316 = arith.muli %scan3A_295, %mul3A_315 : i32
        %add3A_317 = arith.constant 0 : i32
        %add3A_318 = arith.addi %mul3A_312, %add3A_317 : i32
        %mul3A_319 = arith.constant 16 : i32
        %mul3A_320 = arith.muli %add3A_318, %mul3A_319 : i32
        %add3A_321 = arith.addi %mul3A_316, %mul3A_320 : i32
        %swap3A = arith.index_cast %add3A_321 : i32 to index
        %swap3A_322 = tpu.vector_load %arg10[%swap3A] {strides = array<i32>} : memref<6400xi32, #tpu.memory_space<vmem>>, vector<16xi32>,
        tpu.vector_store %arg10[%swap3A], %gather3A {strides = array<i32>} : memref<6400xi32, #tpu.memory_space<vmem>>, vector<16xi32>,
        %add3A_323 = arith.constant 1 : i32
        %add3A_324 = arith.addi %mul3A_312, %add3A_323 : i32
        %broadcast_in_dim3A_325 = vector.broadcast %add3A_324 : i32 to vector<16xi32>
        %gather3A_326 = tpu.vector_load_idx %arg8[%add3A_300, %broadcast_in_dim3A_325] : memref<64x100xi32, #tpu.memory_space<vmem>>[vector<16xi32>, vector<16xi32>], vector<16xi32>,
        %mul3A_327 = arith.constant 1600 : i32
        %mul3A_328 = arith.muli %scan3A_295, %mul3A_327 : i32
        %add3A_329 = arith.constant 1 : i32
        %add3A_330 = arith.addi %mul3A_312, %add3A_329 : i32
        %mul3A_331 = arith.constant 16 : i32
        %mul3A_332 = arith.muli %add3A_330, %mul3A_331 : i32
        %add3A_333 = arith.addi %mul3A_328, %mul3A_332 : i32
        %swap3A_334 = arith.index_cast %add3A_333 : i32 to index
        %swap3A_335 = tpu.vector_load %arg10[%swap3A_334] {strides = array<i32>} : memref<6400xi32, #tpu.memory_space<vmem>>, vector<16xi32>,
        tpu.vector_store %arg10[%swap3A_334], %gather3A_326 {strides = array<i32>} : memref<6400xi32, #tpu.memory_space<vmem>>, vector<16xi32>,
        %add3A_336 = arith.constant 2 : i32
        %add3A_337 = arith.addi %mul3A_312, %add3A_336 : i32
        %broadcast_in_dim3A_338 = vector.broadcast %add3A_337 : i32 to vector<16xi32>
        %gather3A_339 = tpu.vector_load_idx %arg8[%add3A_300, %broadcast_in_dim3A_338] : memref<64x100xi32, #tpu.memory_space<vmem>>[vector<16xi32>, vector<16xi32>], vector<16xi32>,
        %mul3A_340 = arith.constant 1600 : i32
        %mul3A_341 = arith.muli %scan3A_295, %mul3A_340 : i32
        %add3A_342 = arith.constant 2 : i32
        %add3A_343 = arith.addi %mul3A_312, %add3A_342 : i32
        %mul3A_344 = arith.constant 16 : i32
        %mul3A_345 = arith.muli %add3A_343, %mul3A_344 : i32
        %add3A_346 = arith.addi %mul3A_341, %mul3A_345 : i32
        %swap3A_347 = arith.index_cast %add3A_346 : i32 to index
        %swap3A_348 = tpu.vector_load %arg10[%swap3A_347] {strides = array<i32>} : memref<6400xi32, #tpu.memory_space<vmem>>, vector<16xi32>,
        tpu.vector_store %arg10[%swap3A_347], %gather3A_339 {strides = array<i32>} : memref<6400xi32, #tpu.memory_space<vmem>>, vector<16xi32>,
        %add3A_349 = arith.constant 3 : i32
        %add3A_350 = arith.addi %mul3A_312, %add3A_349 : i32
        %broadcast_in_dim3A_351 = vector.broadcast %add3A_350 : i32 to vector<16xi32>
        %gather3A_352 = tpu.vector_load_idx %arg8[%add3A_300, %broadcast_in_dim3A_351] : memref<64x100xi32, #tpu.memory_space<vmem>>[vector<16xi32>, vector<16xi32>], vector<16xi32>,
        %mul3A_353 = arith.constant 1600 : i32
        %mul3A_354 = arith.muli %scan3A_295, %mul3A_353 : i32
        %add3A_355 = arith.constant 3 : i32
        %add3A_356 = arith.addi %mul3A_312, %add3A_355 : i32
        %mul3A_357 = arith.constant 16 : i32
        %mul3A_358 = arith.muli %add3A_356, %mul3A_357 : i32
        %add3A_359 = arith.addi %mul3A_354, %mul3A_358 : i32
        %swap3A_360 = arith.index_cast %add3A_359 : i32 to index
        %swap3A_361 = tpu.vector_load %arg10[%swap3A_360] {strides = array<i32>} : memref<6400xi32, #tpu.memory_space<vmem>>, vector<16xi32>,
        tpu.vector_store %arg10[%swap3A_360], %gather3A_352 {strides = array<i32>} : memref<6400xi32, #tpu.memory_space<vmem>>, vector<16xi32>,
        %add3A_362 = arith.constant 4 : i32
        %add3A_363 = arith.addi %mul3A_312, %add3A_362 : i32
        %broadcast_in_dim3A_364 = vector.broadcast %add3A_363 : i32 to vector<16xi32>
        %gather3A_365 = tpu.vector_load_idx %arg8[%add3A_300, %broadcast_in_dim3A_364] : memref<64x100xi32, #tpu.memory_space<vmem>>[vector<16xi32>, vector<16xi32>], vector<16xi32>,
        %mul3A_366 = arith.constant 1600 : i32
        %mul3A_367 = arith.muli %scan3A_295, %mul3A_366 : i32
        %add3A_368 = arith.constant 4 : i32
        %add3A_369 = arith.addi %mul3A_312, %add3A_368 : i32
        %mul3A_370 = arith.constant 16 : i32
        %mul3A_371 = arith.muli %add3A_369, %mul3A_370 : i32
        %add3A_372 = arith.addi %mul3A_367, %mul3A_371 : i32
        %swap3A_373 = arith.index_cast %add3A_372 : i32 to index
        %swap3A_374 = tpu.vector_load %arg10[%swap3A_373] {strides = array<i32>} : memref<6400xi32, #tpu.memory_space<vmem>>, vector<16xi32>,
        tpu.vector_store %arg10[%swap3A_373], %gather3A_365 {strides = array<i32>} : memref<6400xi32, #tpu.memory_space<vmem>>, vector<16xi32>,
        %add3A_375 = arith.constant 5 : i32
        %add3A_376 = arith.addi %mul3A_312, %add3A_375 : i32
        %broadcast_in_dim3A_377 = vector.broadcast %add3A_376 : i32 to vector<16xi32>
        %gather3A_378 = tpu.vector_load_idx %arg8[%add3A_300, %broadcast_in_dim3A_377] : memref<64x100xi32, #tpu.memory_space<vmem>>[vector<16xi32>, vector<16xi32>], vector<16xi32>,
        %mul3A_379 = arith.constant 1600 : i32
        %mul3A_380 = arith.muli %scan3A_295, %mul3A_379 : i32
        %add3A_381 = arith.constant 5 : i32
        %add3A_382 = arith.addi %mul3A_312, %add3A_381 : i32
        %mul3A_383 = arith.constant 16 : i32
        %mul3A_384 = arith.muli %add3A_382, %mul3A_383 : i32
        %add3A_385 = arith.addi %mul3A_380, %mul3A_384 : i32
        %swap3A_386 = arith.index_cast %add3A_385 : i32 to index
        %swap3A_387 = tpu.vector_load %arg10[%swap3A_386] {strides = array<i32>} : memref<6400xi32, #tpu.memory_space<vmem>>, vector<16xi32>,
        tpu.vector_store %arg10[%swap3A_386], %gather3A_378 {strides = array<i32>} : memref<6400xi32, #tpu.memory_space<vmem>>, vector<16xi32>,
        %add3A_388 = arith.constant 6 : i32
        %add3A_389 = arith.addi %mul3A_312, %add3A_388 : i32
        %broadcast_in_dim3A_390 = vector.broadcast %add3A_389 : i32 to vector<16xi32>
        %gather3A_391 = tpu.vector_load_idx %arg8[%add3A_300, %broadcast_in_dim3A_390] : memref<64x100xi32, #tpu.memory_space<vmem>>[vector<16xi32>, vector<16xi32>], vector<16xi32>,
        %mul3A_392 = arith.constant 1600 : i32
        %mul3A_393 = arith.muli %scan3A_295, %mul3A_392 : i32
        %add3A_394 = arith.constant 6 : i32
        %add3A_395 = arith.addi %mul3A_312, %add3A_394 : i32
        %mul3A_396 = arith.constant 16 : i32
        %mul3A_397 = arith.muli %add3A_395, %mul3A_396 : i32
        %add3A_398 = arith.addi %mul3A_393, %mul3A_397 : i32
        %swap3A_399 = arith.index_cast %add3A_398 : i32 to index
        %swap3A_400 = tpu.vector_load %arg10[%swap3A_399] {strides = array<i32>} : memref<6400xi32, #tpu.memory_space<vmem>>, vector<16xi32>,
        tpu.vector_store %arg10[%swap3A_399], %gather3A_391 {strides = array<i32>} : memref<6400xi32, #tpu.memory_space<vmem>>, vector<16xi32>,
        %add3A_401 = arith.constant 7 : i32
        %add3A_402 = arith.addi %mul3A_312, %add3A_401 : i32
        %broadcast_in_dim3A_403 = vector.broadcast %add3A_402 : i32 to vector<16xi32>
        %gather3A_404 = tpu.vector_load_idx %arg8[%add3A_300, %broadcast_in_dim3A_403] : memref<64x100xi32, #tpu.memory_space<vmem>>[vector<16xi32>, vector<16xi32>], vector<16xi32>,
        %mul3A_405 = arith.constant 1600 : i32
        %mul3A_406 = arith.muli %scan3A_295, %mul3A_405 : i32
        %add3A_407 = arith.constant 7 : i32
        %add3A_408 = arith.addi %mul3A_312, %add3A_407 : i32
        %mul3A_409 = arith.constant 16 : i32
        %mul3A_410 = arith.muli %add3A_408, %mul3A_409 : i32
        %add3A_411 = arith.addi %mul3A_406, %mul3A_410 : i32
        %swap3A_412 = arith.index_cast %add3A_411 : i32 to index
        %swap3A_413 = tpu.vector_load %arg10[%swap3A_412] {strides = array<i32>} : memref<6400xi32, #tpu.memory_space<vmem>>, vector<16xi32>,
        tpu.vector_store %arg10[%swap3A_412], %gather3A_404 {strides = array<i32>} : memref<6400xi32, #tpu.memory_space<vmem>>, vector<16xi32>,
        %add3A_414 = arith.constant 8 : i32
        %add3A_415 = arith.addi %mul3A_312, %add3A_414 : i32
        %broadcast_in_dim3A_416 = vector.broadcast %add3A_415 : i32 to vector<16xi32>
        %gather3A_417 = tpu.vector_load_idx %arg8[%add3A_300, %broadcast_in_dim3A_416] : memref<64x100xi32, #tpu.memory_space<vmem>>[vector<16xi32>, vector<16xi32>], vector<16xi32>,
        %mul3A_418 = arith.constant 1600 : i32
        %mul3A_419 = arith.muli %scan3A_295, %mul3A_418 : i32
        %add3A_420 = arith.constant 8 : i32
        %add3A_421 = arith.addi %mul3A_312, %add3A_420 : i32
        %mul3A_422 = arith.constant 16 : i32
        %mul3A_423 = arith.muli %add3A_421, %mul3A_422 : i32
        %add3A_424 = arith.addi %mul3A_419, %mul3A_423 : i32
        %swap3A_425 = arith.index_cast %add3A_424 : i32 to index
        %swap3A_426 = tpu.vector_load %arg10[%swap3A_425] {strides = array<i32>} : memref<6400xi32, #tpu.memory_space<vmem>>, vector<16xi32>,
        tpu.vector_store %arg10[%swap3A_425], %gather3A_417 {strides = array<i32>} : memref<6400xi32, #tpu.memory_space<vmem>>, vector<16xi32>,
        %add3A_427 = arith.constant 9 : i32
        %add3A_428 = arith.addi %mul3A_312, %add3A_427 : i32
        %broadcast_in_dim3A_429 = vector.broadcast %add3A_428 : i32 to vector<16xi32>
        %gather3A_430 = tpu.vector_load_idx %arg8[%add3A_300, %broadcast_in_dim3A_429] : memref<64x100xi32, #tpu.memory_space<vmem>>[vector<16xi32>, vector<16xi32>], vector<16xi32>,
        %mul3A_431 = arith.constant 1600 : i32
        %mul3A_432 = arith.muli %scan3A_295, %mul3A_431 : i32
        %add3A_433 = arith.constant 9 : i32
        %add3A_434 = arith.addi %mul3A_312, %add3A_433 : i32
        %mul3A_435 = arith.constant 16 : i32
        %mul3A_436 = arith.muli %add3A_434, %mul3A_435 : i32
        %add3A_437 = arith.addi %mul3A_432, %mul3A_436 : i32
        %swap3A_438 = arith.index_cast %add3A_437 : i32 to index
        %swap3A_439 = tpu.vector_load %arg10[%swap3A_438] {strides = array<i32>} : memref<6400xi32, #tpu.memory_space<vmem>>, vector<16xi32>,
        tpu.vector_store %arg10[%swap3A_438], %gather3A_430 {strides = array<i32>} : memref<6400xi32, #tpu.memory_space<vmem>>, vector<16xi32>,
        %scan3A_440 = arith.constant 0 : i32
        scf.yield %scan3A_440 : i32
      }
      %scan3A_307 = arith.constant 10 : i32
      %scan3A_308 = arith.constant 0 : i32
      scf.yield %scan3A_308 : i32
    }
    %scan3A_130 = arith.constant 4 : i32
    %dma_start3A_131 = arith.constant 0 : i32
    %dma_start3A_132 = tpu.memref_slice %arg6[%dma_start3A_131] : memref<1000000xf32, #tpu.memory_space<vmem_shared>> -> memref<1000000xf32, #tpu.memory_space<vmem_shared>>
    tpu.enqueue_indirect_dma source(%dma_start3A_132 : memref<1000000xf32, #tpu.memory_space<vmem_shared>>) target(%arg12 : memref<6400xf32, #tpu.memory_space<vmem>>) offsets(%arg10 : memref<6400xi32, #tpu.memory_space<vmem>>) semaphore(%arg22 : memref<!tpu.dma_semaphore, #tpu.memory_space<semaphore_mem>>)
    %dma_wait3A_133 = arith.constant 0 : i32
    %dma_wait3A_134 = tpu.memref_slice %arg6[%dma_wait3A_133] : memref<1000000xf32, #tpu.memory_space<vmem_shared>> -> memref<1000000xf32, #tpu.memory_space<vmem_shared>>
    tpu.wait_indirect_dma semaphore(%arg21 : memref<!tpu.dma_semaphore, #tpu.memory_space<semaphore_mem>>) src(%dma_wait3A_134 : memref<1000000xf32, #tpu.memory_space<vmem_shared>>) dst(%arg11 : memref<6400xf32, #tpu.memory_space<vmem>>)
    %scan3A_135 = arith.constant 0 : i32
    %scan3A_136 = arith.constant 0 : i32
    %scan3A_137 = arith.constant 4 : i32
    %scan3A_138 = arith.addi %scan3A_136, %scan3A_137 : i32
    %scan3A_139 = arith.constant 1 : i32
    %scan3A_140 = scf.for %scan3A_295 = %scan3A_136 to %scan3A_138 step %scan3A_139 iter_args(%scan3A_296 = %scan3A_135) -> (i32)  : i32 {
      %mul3A_297 = arith.constant 16 : i32
      %mul3A_298 = arith.muli %scan3A_295, %mul3A_297 : i32
      %add3A_299 = vector.broadcast %mul3A_298 : i32 to vector<16xi32>
      %add3A_300 = arith.addi %add3A_299, %iota3A : vector<16xi32>
      %mul3A_301 = arith.constant 1600 : i32
      %mul3A_302 = arith.muli %scan3A_295, %mul3A_301 : i32
      %broadcast_in_dim3A = arith.constant 0.000000e+00 : f32
      %broadcast_in_dim3A_303 = vector.broadcast %broadcast_in_dim3A : f32 to vector<16xf32>
      %scan3A_304 = arith.constant 0 : i32
      %scan3A_305 = arith.constant 10 : i32
      %scan3A_306 = arith.addi %scan3A_304, %scan3A_305 : i32
      %scan3A_307 = arith.constant 1 : i32
      %scan3A_308 = scf.for %scan3A_323 = %scan3A_304 to %scan3A_306 step %scan3A_307 iter_args(%scan3A_324 = %broadcast_in_dim3A_303) -> (vector<16xf32>)  : i32 {
        %mul3A_325 = arith.constant 10 : i32
        %mul3A_326 = arith.muli %scan3A_323, %mul3A_325 : i32
        %add3A_327 = arith.constant 0 : i32
        %add3A_328 = arith.addi %mul3A_326, %add3A_327 : i32
        %broadcast_in_dim3A_329 = vector.broadcast %add3A_328 : i32 to vector<16xi32>
        %add3A_330 = arith.constant 0 : i32
        %add3A_331 = arith.addi %mul3A_326, %add3A_330 : i32
        %mul3A_332 = arith.constant 16 : i32
        %mul3A_333 = arith.muli %add3A_331, %mul3A_332 : i32
        %add3A_334 = arith.addi %mul3A_302, %mul3A_333 : i32
        %get3A = arith.index_cast %add3A_334 : i32 to index
        %get3A_335 = tpu.vector_load %arg11[%get3A] {strides = array<i32>} : memref<6400xf32, #tpu.memory_space<vmem>>, vector<16xf32>,
        %gather3A = tpu.vector_load_idx %arg13[%add3A_300, %broadcast_in_dim3A_329] : memref<64x100xf32, #tpu.memory_space<vmem>>[vector<16xi32>, vector<16xi32>], vector<16xf32>,
        %mul3A_336 = arith.mulf %get3A_335, %gather3A : vector<16xf32>
        %add3A_337 = arith.addf %scan3A_324, %mul3A_336 : vector<16xf32>
        %add3A_338 = arith.constant 1 : i32
        %add3A_339 = arith.addi %mul3A_326, %add3A_338 : i32
        %broadcast_in_dim3A_340 = vector.broadcast %add3A_339 : i32 to vector<16xi32>
        %add3A_341 = arith.constant 1 : i32
        %add3A_342 = arith.addi %mul3A_326, %add3A_341 : i32
        %mul3A_343 = arith.constant 16 : i32
        %mul3A_344 = arith.muli %add3A_342, %mul3A_343 : i32
        %add3A_345 = arith.addi %mul3A_302, %mul3A_344 : i32
        %get3A_346 = arith.index_cast %add3A_345 : i32 to index
        %get3A_347 = tpu.vector_load %arg11[%get3A_346] {strides = array<i32>} : memref<6400xf32, #tpu.memory_space<vmem>>, vector<16xf32>,
        %gather3A_348 = tpu.vector_load_idx %arg13[%add3A_300, %broadcast_in_dim3A_340] : memref<64x100xf32, #tpu.memory_space<vmem>>[vector<16xi32>, vector<16xi32>], vector<16xf32>,
        %mul3A_349 = arith.mulf %get3A_347, %gather3A_348 : vector<16xf32>
        %add3A_350 = arith.addf %add3A_337, %mul3A_349 : vector<16xf32>
        %add3A_351 = arith.constant 2 : i32
        %add3A_352 = arith.addi %mul3A_326, %add3A_351 : i32
        %broadcast_in_dim3A_353 = vector.broadcast %add3A_352 : i32 to vector<16xi32>
        %add3A_354 = arith.constant 2 : i32
        %add3A_355 = arith.addi %mul3A_326, %add3A_354 : i32
        %mul3A_356 = arith.constant 16 : i32
        %mul3A_357 = arith.muli %add3A_355, %mul3A_356 : i32
        %add3A_358 = arith.addi %mul3A_302, %mul3A_357 : i32
        %get3A_359 = arith.index_cast %add3A_358 : i32 to index
        %get3A_360 = tpu.vector_load %arg11[%get3A_359] {strides = array<i32>} : memref<6400xf32, #tpu.memory_space<vmem>>, vector<16xf32>,
        %gather3A_361 = tpu.vector_load_idx %arg13[%add3A_300, %broadcast_in_dim3A_353] : memref<64x100xf32, #tpu.memory_space<vmem>>[vector<16xi32>, vector<16xi32>], vector<16xf32>,
        %mul3A_362 = arith.mulf %get3A_360, %gather3A_361 : vector<16xf32>
        %add3A_363 = arith.addf %add3A_350, %mul3A_362 : vector<16xf32>
        %add3A_364 = arith.constant 3 : i32
        %add3A_365 = arith.addi %mul3A_326, %add3A_364 : i32
        %broadcast_in_dim3A_366 = vector.broadcast %add3A_365 : i32 to vector<16xi32>
        %add3A_367 = arith.constant 3 : i32
        %add3A_368 = arith.addi %mul3A_326, %add3A_367 : i32
        %mul3A_369 = arith.constant 16 : i32
        %mul3A_370 = arith.muli %add3A_368, %mul3A_369 : i32
        %add3A_371 = arith.addi %mul3A_302, %mul3A_370 : i32
        %get3A_372 = arith.index_cast %add3A_371 : i32 to index
        %get3A_373 = tpu.vector_load %arg11[%get3A_372] {strides = array<i32>} : memref<6400xf32, #tpu.memory_space<vmem>>, vector<16xf32>,
        %gather3A_374 = tpu.vector_load_idx %arg13[%add3A_300, %broadcast_in_dim3A_366] : memref<64x100xf32, #tpu.memory_space<vmem>>[vector<16xi32>, vector<16xi32>], vector<16xf32>,
        %mul3A_375 = arith.mulf %get3A_373, %gather3A_374 : vector<16xf32>
        %add3A_376 = arith.addf %add3A_363, %mul3A_375 : vector<16xf32>
        %add3A_377 = arith.constant 4 : i32
        %add3A_378 = arith.addi %mul3A_326, %add3A_377 : i32
        %broadcast_in_dim3A_379 = vector.broadcast %add3A_378 : i32 to vector<16xi32>
        %add3A_380 = arith.constant 4 : i32
        %add3A_381 = arith.addi %mul3A_326, %add3A_380 : i32
        %mul3A_382 = arith.constant 16 : i32
        %mul3A_383 = arith.muli %add3A_381, %mul3A_382 : i32
        %add3A_384 = arith.addi %mul3A_302, %mul3A_383 : i32
        %get3A_385 = arith.index_cast %add3A_384 : i32 to index
        %get3A_386 = tpu.vector_load %arg11[%get3A_385] {strides = array<i32>} : memref<6400xf32, #tpu.memory_space<vmem>>, vector<16xf32>,
        %gather3A_387 = tpu.vector_load_idx %arg13[%add3A_300, %broadcast_in_dim3A_379] : memref<64x100xf32, #tpu.memory_space<vmem>>[vector<16xi32>, vector<16xi32>], vector<16xf32>,
        %mul3A_388 = arith.mulf %get3A_386, %gather3A_387 : vector<16xf32>
        %add3A_389 = arith.addf %add3A_376, %mul3A_388 : vector<16xf32>
        %add3A_390 = arith.constant 5 : i32
        %add3A_391 = arith.addi %mul3A_326, %add3A_390 : i32
        %broadcast_in_dim3A_392 = vector.broadcast %add3A_391 : i32 to vector<16xi32>
        %add3A_393 = arith.constant 5 : i32
        %add3A_394 = arith.addi %mul3A_326, %add3A_393 : i32
        %mul3A_395 = arith.constant 16 : i32
        %mul3A_396 = arith.muli %add3A_394, %mul3A_395 : i32
        %add3A_397 = arith.addi %mul3A_302, %mul3A_396 : i32
        %get3A_398 = arith.index_cast %add3A_397 : i32 to index
        %get3A_399 = tpu.vector_load %arg11[%get3A_398] {strides = array<i32>} : memref<6400xf32, #tpu.memory_space<vmem>>, vector<16xf32>,
        %gather3A_400 = tpu.vector_load_idx %arg13[%add3A_300, %broadcast_in_dim3A_392] : memref<64x100xf32, #tpu.memory_space<vmem>>[vector<16xi32>, vector<16xi32>], vector<16xf32>,
        %mul3A_401 = arith.mulf %get3A_399, %gather3A_400 : vector<16xf32>
        %add3A_402 = arith.addf %add3A_389, %mul3A_401 : vector<16xf32>
        %add3A_403 = arith.constant 6 : i32
        %add3A_404 = arith.addi %mul3A_326, %add3A_403 : i32
        %broadcast_in_dim3A_405 = vector.broadcast %add3A_404 : i32 to vector<16xi32>
        %add3A_406 = arith.constant 6 : i32
        %add3A_407 = arith.addi %mul3A_326, %add3A_406 : i32
        %mul3A_408 = arith.constant 16 : i32
        %mul3A_409 = arith.muli %add3A_407, %mul3A_408 : i32
        %add3A_410 = arith.addi %mul3A_302, %mul3A_409 : i32
        %get3A_411 = arith.index_cast %add3A_410 : i32 to index
        %get3A_412 = tpu.vector_load %arg11[%get3A_411] {strides = array<i32>} : memref<6400xf32, #tpu.memory_space<vmem>>, vector<16xf32>,
        %gather3A_413 = tpu.vector_load_idx %arg13[%add3A_300, %broadcast_in_dim3A_405] : memref<64x100xf32, #tpu.memory_space<vmem>>[vector<16xi32>, vector<16xi32>], vector<16xf32>,
        %mul3A_414 = arith.mulf %get3A_412, %gather3A_413 : vector<16xf32>
        %add3A_415 = arith.addf %add3A_402, %mul3A_414 : vector<16xf32>
        %add3A_416 = arith.constant 7 : i32
        %add3A_417 = arith.addi %mul3A_326, %add3A_416 : i32
        %broadcast_in_dim3A_418 = vector.broadcast %add3A_417 : i32 to vector<16xi32>
        %add3A_419 = arith.constant 7 : i32
        %add3A_420 = arith.addi %mul3A_326, %add3A_419 : i32
        %mul3A_421 = arith.constant 16 : i32
        %mul3A_422 = arith.muli %add3A_420, %mul3A_421 : i32
        %add3A_423 = arith.addi %mul3A_302, %mul3A_422 : i32
        %get3A_424 = arith.index_cast %add3A_423 : i32 to index
        %get3A_425 = tpu.vector_load %arg11[%get3A_424] {strides = array<i32>} : memref<6400xf32, #tpu.memory_space<vmem>>, vector<16xf32>,
        %gather3A_426 = tpu.vector_load_idx %arg13[%add3A_300, %broadcast_in_dim3A_418] : memref<64x100xf32, #tpu.memory_space<vmem>>[vector<16xi32>, vector<16xi32>], vector<16xf32>,
        %mul3A_427 = arith.mulf %get3A_425, %gather3A_426 : vector<16xf32>
        %add3A_428 = arith.addf %add3A_415, %mul3A_427 : vector<16xf32>
        %add3A_429 = arith.constant 8 : i32
        %add3A_430 = arith.addi %mul3A_326, %add3A_429 : i32
        %broadcast_in_dim3A_431 = vector.broadcast %add3A_430 : i32 to vector<16xi32>
        %add3A_432 = arith.constant 8 : i32
        %add3A_433 = arith.addi %mul3A_326, %add3A_432 : i32
        %mul3A_434 = arith.constant 16 : i32
        %mul3A_435 = arith.muli %add3A_433, %mul3A_434 : i32
        %add3A_436 = arith.addi %mul3A_302, %mul3A_435 : i32
        %get3A_437 = arith.index_cast %add3A_436 : i32 to index
        %get3A_438 = tpu.vector_load %arg11[%get3A_437] {strides = array<i32>} : memref<6400xf32, #tpu.memory_space<vmem>>, vector<16xf32>,
        %gather3A_439 = tpu.vector_load_idx %arg13[%add3A_300, %broadcast_in_dim3A_431] : memref<64x100xf32, #tpu.memory_space<vmem>>[vector<16xi32>, vector<16xi32>], vector<16xf32>,
        %mul3A_440 = arith.mulf %get3A_438, %gather3A_439 : vector<16xf32>
        %add3A_441 = arith.addf %add3A_428, %mul3A_440 : vector<16xf32>
        %add3A_442 = arith.constant 9 : i32
        %add3A_443 = arith.addi %mul3A_326, %add3A_442 : i32
        %broadcast_in_dim3A_444 = vector.broadcast %add3A_443 : i32 to vector<16xi32>
        %add3A_445 = arith.constant 9 : i32
        %add3A_446 = arith.addi %mul3A_326, %add3A_445 : i32
        %mul3A_447 = arith.constant 16 : i32
        %mul3A_448 = arith.muli %add3A_446, %mul3A_447 : i32
        %add3A_449 = arith.addi %mul3A_302, %mul3A_448 : i32
        %get3A_450 = arith.index_cast %add3A_449 : i32 to index
        %get3A_451 = tpu.vector_load %arg11[%get3A_450] {strides = array<i32>} : memref<6400xf32, #tpu.memory_space<vmem>>, vector<16xf32>,
        %gather3A_452 = tpu.vector_load_idx %arg13[%add3A_300, %broadcast_in_dim3A_444] : memref<64x100xf32, #tpu.memory_space<vmem>>[vector<16xi32>, vector<16xi32>], vector<16xf32>,
        %mul3A_453 = arith.mulf %get3A_451, %gather3A_452 : vector<16xf32>
        %add3A_454 = arith.addf %add3A_441, %mul3A_453 : vector<16xf32>
        scf.yield %add3A_454 : vector<16xf32>
      }
      %scan3A_309 = arith.constant 10 : i32
      %neg3A = arith.constant 0.000000e+00 : f32
      %neg3A_310 = vector.broadcast %neg3A : f32 to vector<16xf32>
      %neg3A_311 = arith.subf %neg3A_310, %scan3A_308 : vector<16xf32>
      %exp3A = math.exp %neg3A_311 : vector<16xf32>
      %add3A_312 = arith.constant 1.000000e+00 : f32
      %add3A_313 = vector.broadcast %add3A_312 : f32 to vector<16xf32>
      %add3A_314 = arith.addf %add3A_313, %exp3A : vector<16xf32>
      %div3A = arith.constant 1.000000e+00 : f32
      %div3A_315 = vector.broadcast %div3A : f32 to vector<16xf32>
      %div3A_316 = arith.divf %div3A_315, %add3A_314 : vector<16xf32>
      %mul3A_317 = arith.constant 16 : i32
      %mul3A_318 = arith.muli %scan3A_295, %mul3A_317 : i32
      %add3A_319 = arith.constant 128 : i32
      %add3A_320 = arith.addi %add3A_319, %mul3A_318 : i32
      %swap3A = arith.index_cast %add3A_320 : i32 to index
      %swap3A_321 = tpu.vector_load %arg15[%swap3A] {strides = array<i32>} : memref<512xf32, #tpu.memory_space<vmem>>, vector<16xf32>,
      tpu.vector_store %arg15[%swap3A], %div3A_316 {strides = array<i32>} : memref<512xf32, #tpu.memory_space<vmem>>, vector<16xf32>,
      %scan3A_322 = arith.constant 0 : i32
      scf.yield %scan3A_322 : i32
    }
    %scan3A_141 = arith.constant 4 : i32
    %add3A_142 = arith.constant 256 : i32
    %add3A_143 = arith.addi %mul3A_2, %add3A_142 : i32
    %dma_start3A_144 = arith.constant 0 : i32
    %dma_start3A_145 = tpu.memref_slice %arg2[%add3A_143, %dma_start3A_144] : memref<16384x100xi32, #tpu.memory_space<hbm>> -> memref<64x100xi32, #tpu.memory_space<hbm>>
    %dma_start3A_146 = arith.constant 0 : i32
    %dma_start3A_147 = tpu.memref_slice %arg2[%add3A_143, %dma_start3A_146] : memref<16384x100xi32, #tpu.memory_space<hbm>> -> memref<64x100xi32, #tpu.memory_space<hbm>>
    tpu.enqueue_dma source(%dma_start3A_147 : memref<64x100xi32, #tpu.memory_space<hbm>>) target(%arg7 : memref<64x100xi32, #tpu.memory_space<vmem>>) target_semaphore(%arg17 : memref<!tpu.dma_semaphore, #tpu.memory_space<semaphore_mem>>)
    %dma_start3A_148 = arith.constant 0 : i32
    %dma_start3A_149 = tpu.memref_slice %arg3[%add3A_143, %dma_start3A_148] : memref<16384x100xf32, #tpu.memory_space<hbm>> -> memref<64x100xf32, #tpu.memory_space<hbm>>
    %dma_start3A_150 = arith.constant 0 : i32
    %dma_start3A_151 = tpu.memref_slice %arg3[%add3A_143, %dma_start3A_150] : memref<16384x100xf32, #tpu.memory_space<hbm>> -> memref<64x100xf32, #tpu.memory_space<hbm>>
    tpu.enqueue_dma source(%dma_start3A_151 : memref<64x100xf32, #tpu.memory_space<hbm>>) target(%arg13 : memref<64x100xf32, #tpu.memory_space<vmem>>) target_semaphore(%arg17 : memref<!tpu.dma_semaphore, #tpu.memory_space<semaphore_mem>>)
    %dma_wait3A_152 = arith.constant 0 : i32
    %dma_wait3A_153 = tpu.memref_slice %arg2[%add3A_143, %dma_wait3A_152] : memref<16384x100xi32, #tpu.memory_space<hbm>> -> memref<64x100xi32, #tpu.memory_space<hbm>>
    %dma_wait3A_154 = arith.constant 0 : i32
    %dma_wait3A_155 = tpu.memref_slice %arg2[%add3A_143, %dma_wait3A_154] : memref<16384x100xi32, #tpu.memory_space<hbm>> -> memref<64x100xi32, #tpu.memory_space<hbm>>
    tpu.wait_dma2 semaphore(%arg17 : memref<!tpu.dma_semaphore, #tpu.memory_space<semaphore_mem>>) src(%dma_wait3A_155 : memref<64x100xi32, #tpu.memory_space<hbm>>) dst(%arg7 : memref<64x100xi32, #tpu.memory_space<vmem>>)
    %dma_wait3A_156 = arith.constant 0 : i32
    %dma_wait3A_157 = tpu.memref_slice %arg3[%add3A_143, %dma_wait3A_156] : memref<16384x100xf32, #tpu.memory_space<hbm>> -> memref<64x100xf32, #tpu.memory_space<hbm>>
    %dma_wait3A_158 = arith.constant 0 : i32
    %dma_wait3A_159 = tpu.memref_slice %arg3[%add3A_143, %dma_wait3A_158] : memref<16384x100xf32, #tpu.memory_space<hbm>> -> memref<64x100xf32, #tpu.memory_space<hbm>>
    tpu.wait_dma2 semaphore(%arg17 : memref<!tpu.dma_semaphore, #tpu.memory_space<semaphore_mem>>) src(%dma_wait3A_159 : memref<64x100xf32, #tpu.memory_space<hbm>>) dst(%arg13 : memref<64x100xf32, #tpu.memory_space<vmem>>)
    %scan3A_160 = arith.constant 0 : i32
    %scan3A_161 = arith.constant 0 : i32
    %scan3A_162 = arith.constant 4 : i32
    %scan3A_163 = arith.addi %scan3A_161, %scan3A_162 : i32
    %scan3A_164 = arith.constant 1 : i32
    %scan3A_165 = scf.for %scan3A_295 = %scan3A_161 to %scan3A_163 step %scan3A_164 iter_args(%scan3A_296 = %scan3A_160) -> (i32)  : i32 {
      %mul3A_297 = arith.constant 16 : i32
      %mul3A_298 = arith.muli %scan3A_295, %mul3A_297 : i32
      %add3A_299 = vector.broadcast %mul3A_298 : i32 to vector<16xi32>
      %add3A_300 = arith.addi %add3A_299, %iota3A : vector<16xi32>
      %scan3A_301 = arith.constant 0 : i32
      %scan3A_302 = arith.constant 0 : i32
      %scan3A_303 = arith.constant 10 : i32
      %scan3A_304 = arith.addi %scan3A_302, %scan3A_303 : i32
      %scan3A_305 = arith.constant 1 : i32
      %scan3A_306 = scf.for %scan3A_309 = %scan3A_302 to %scan3A_304 step %scan3A_305 iter_args(%scan3A_310 = %scan3A_301) -> (i32)  : i32 {
        %mul3A_311 = arith.constant 10 : i32
        %mul3A_312 = arith.muli %scan3A_309, %mul3A_311 : i32
        %add3A_313 = arith.constant 0 : i32
        %add3A_314 = arith.addi %mul3A_312, %add3A_313 : i32
        %broadcast_in_dim3A = vector.broadcast %add3A_314 : i32 to vector<16xi32>
        %gather3A = tpu.vector_load_idx %arg7[%add3A_300, %broadcast_in_dim3A] : memref<64x100xi32, #tpu.memory_space<vmem>>[vector<16xi32>, vector<16xi32>], vector<16xi32>,
        %mul3A_315 = arith.constant 1600 : i32
        %mul3A_316 = arith.muli %scan3A_295, %mul3A_315 : i32
        %add3A_317 = arith.constant 0 : i32
        %add3A_318 = arith.addi %mul3A_312, %add3A_317 : i32
        %mul3A_319 = arith.constant 16 : i32
        %mul3A_320 = arith.muli %add3A_318, %mul3A_319 : i32
        %add3A_321 = arith.addi %mul3A_316, %mul3A_320 : i32
        %swap3A = arith.index_cast %add3A_321 : i32 to index
        %swap3A_322 = tpu.vector_load %arg9[%swap3A] {strides = array<i32>} : memref<6400xi32, #tpu.memory_space<vmem>>, vector<16xi32>,
        tpu.vector_store %arg9[%swap3A], %gather3A {strides = array<i32>} : memref<6400xi32, #tpu.memory_space<vmem>>, vector<16xi32>,
        %add3A_323 = arith.constant 1 : i32
        %add3A_324 = arith.addi %mul3A_312, %add3A_323 : i32
        %broadcast_in_dim3A_325 = vector.broadcast %add3A_324 : i32 to vector<16xi32>
        %gather3A_326 = tpu.vector_load_idx %arg7[%add3A_300, %broadcast_in_dim3A_325] : memref<64x100xi32, #tpu.memory_space<vmem>>[vector<16xi32>, vector<16xi32>], vector<16xi32>,
        %mul3A_327 = arith.constant 1600 : i32
        %mul3A_328 = arith.muli %scan3A_295, %mul3A_327 : i32
        %add3A_329 = arith.constant 1 : i32
        %add3A_330 = arith.addi %mul3A_312, %add3A_329 : i32
        %mul3A_331 = arith.constant 16 : i32
        %mul3A_332 = arith.muli %add3A_330, %mul3A_331 : i32
        %add3A_333 = arith.addi %mul3A_328, %mul3A_332 : i32
        %swap3A_334 = arith.index_cast %add3A_333 : i32 to index
        %swap3A_335 = tpu.vector_load %arg9[%swap3A_334] {strides = array<i32>} : memref<6400xi32, #tpu.memory_space<vmem>>, vector<16xi32>,
        tpu.vector_store %arg9[%swap3A_334], %gather3A_326 {strides = array<i32>} : memref<6400xi32, #tpu.memory_space<vmem>>, vector<16xi32>,
        %add3A_336 = arith.constant 2 : i32
        %add3A_337 = arith.addi %mul3A_312, %add3A_336 : i32
        %broadcast_in_dim3A_338 = vector.broadcast %add3A_337 : i32 to vector<16xi32>
        %gather3A_339 = tpu.vector_load_idx %arg7[%add3A_300, %broadcast_in_dim3A_338] : memref<64x100xi32, #tpu.memory_space<vmem>>[vector<16xi32>, vector<16xi32>], vector<16xi32>,
        %mul3A_340 = arith.constant 1600 : i32
        %mul3A_341 = arith.muli %scan3A_295, %mul3A_340 : i32
        %add3A_342 = arith.constant 2 : i32
        %add3A_343 = arith.addi %mul3A_312, %add3A_342 : i32
        %mul3A_344 = arith.constant 16 : i32
        %mul3A_345 = arith.muli %add3A_343, %mul3A_344 : i32
        %add3A_346 = arith.addi %mul3A_341, %mul3A_345 : i32
        %swap3A_347 = arith.index_cast %add3A_346 : i32 to index
        %swap3A_348 = tpu.vector_load %arg9[%swap3A_347] {strides = array<i32>} : memref<6400xi32, #tpu.memory_space<vmem>>, vector<16xi32>,
        tpu.vector_store %arg9[%swap3A_347], %gather3A_339 {strides = array<i32>} : memref<6400xi32, #tpu.memory_space<vmem>>, vector<16xi32>,
        %add3A_349 = arith.constant 3 : i32
        %add3A_350 = arith.addi %mul3A_312, %add3A_349 : i32
        %broadcast_in_dim3A_351 = vector.broadcast %add3A_350 : i32 to vector<16xi32>
        %gather3A_352 = tpu.vector_load_idx %arg7[%add3A_300, %broadcast_in_dim3A_351] : memref<64x100xi32, #tpu.memory_space<vmem>>[vector<16xi32>, vector<16xi32>], vector<16xi32>,
        %mul3A_353 = arith.constant 1600 : i32
        %mul3A_354 = arith.muli %scan3A_295, %mul3A_353 : i32
        %add3A_355 = arith.constant 3 : i32
        %add3A_356 = arith.addi %mul3A_312, %add3A_355 : i32
        %mul3A_357 = arith.constant 16 : i32
        %mul3A_358 = arith.muli %add3A_356, %mul3A_357 : i32
        %add3A_359 = arith.addi %mul3A_354, %mul3A_358 : i32
        %swap3A_360 = arith.index_cast %add3A_359 : i32 to index
        %swap3A_361 = tpu.vector_load %arg9[%swap3A_360] {strides = array<i32>} : memref<6400xi32, #tpu.memory_space<vmem>>, vector<16xi32>,
        tpu.vector_store %arg9[%swap3A_360], %gather3A_352 {strides = array<i32>} : memref<6400xi32, #tpu.memory_space<vmem>>, vector<16xi32>,
        %add3A_362 = arith.constant 4 : i32
        %add3A_363 = arith.addi %mul3A_312, %add3A_362 : i32
        %broadcast_in_dim3A_364 = vector.broadcast %add3A_363 : i32 to vector<16xi32>
        %gather3A_365 = tpu.vector_load_idx %arg7[%add3A_300, %broadcast_in_dim3A_364] : memref<64x100xi32, #tpu.memory_space<vmem>>[vector<16xi32>, vector<16xi32>], vector<16xi32>,
        %mul3A_366 = arith.constant 1600 : i32
        %mul3A_367 = arith.muli %scan3A_295, %mul3A_366 : i32
        %add3A_368 = arith.constant 4 : i32
        %add3A_369 = arith.addi %mul3A_312, %add3A_368 : i32
        %mul3A_370 = arith.constant 16 : i32
        %mul3A_371 = arith.muli %add3A_369, %mul3A_370 : i32
        %add3A_372 = arith.addi %mul3A_367, %mul3A_371 : i32
        %swap3A_373 = arith.index_cast %add3A_372 : i32 to index
        %swap3A_374 = tpu.vector_load %arg9[%swap3A_373] {strides = array<i32>} : memref<6400xi32, #tpu.memory_space<vmem>>, vector<16xi32>,
        tpu.vector_store %arg9[%swap3A_373], %gather3A_365 {strides = array<i32>} : memref<6400xi32, #tpu.memory_space<vmem>>, vector<16xi32>,
        %add3A_375 = arith.constant 5 : i32
        %add3A_376 = arith.addi %mul3A_312, %add3A_375 : i32
        %broadcast_in_dim3A_377 = vector.broadcast %add3A_376 : i32 to vector<16xi32>
        %gather3A_378 = tpu.vector_load_idx %arg7[%add3A_300, %broadcast_in_dim3A_377] : memref<64x100xi32, #tpu.memory_space<vmem>>[vector<16xi32>, vector<16xi32>], vector<16xi32>,
        %mul3A_379 = arith.constant 1600 : i32
        %mul3A_380 = arith.muli %scan3A_295, %mul3A_379 : i32
        %add3A_381 = arith.constant 5 : i32
        %add3A_382 = arith.addi %mul3A_312, %add3A_381 : i32
        %mul3A_383 = arith.constant 16 : i32
        %mul3A_384 = arith.muli %add3A_382, %mul3A_383 : i32
        %add3A_385 = arith.addi %mul3A_380, %mul3A_384 : i32
        %swap3A_386 = arith.index_cast %add3A_385 : i32 to index
        %swap3A_387 = tpu.vector_load %arg9[%swap3A_386] {strides = array<i32>} : memref<6400xi32, #tpu.memory_space<vmem>>, vector<16xi32>,
        tpu.vector_store %arg9[%swap3A_386], %gather3A_378 {strides = array<i32>} : memref<6400xi32, #tpu.memory_space<vmem>>, vector<16xi32>,
        %add3A_388 = arith.constant 6 : i32
        %add3A_389 = arith.addi %mul3A_312, %add3A_388 : i32
        %broadcast_in_dim3A_390 = vector.broadcast %add3A_389 : i32 to vector<16xi32>
        %gather3A_391 = tpu.vector_load_idx %arg7[%add3A_300, %broadcast_in_dim3A_390] : memref<64x100xi32, #tpu.memory_space<vmem>>[vector<16xi32>, vector<16xi32>], vector<16xi32>,
        %mul3A_392 = arith.constant 1600 : i32
        %mul3A_393 = arith.muli %scan3A_295, %mul3A_392 : i32
        %add3A_394 = arith.constant 6 : i32
        %add3A_395 = arith.addi %mul3A_312, %add3A_394 : i32
        %mul3A_396 = arith.constant 16 : i32
        %mul3A_397 = arith.muli %add3A_395, %mul3A_396 : i32
        %add3A_398 = arith.addi %mul3A_393, %mul3A_397 : i32
        %swap3A_399 = arith.index_cast %add3A_398 : i32 to index
        %swap3A_400 = tpu.vector_load %arg9[%swap3A_399] {strides = array<i32>} : memref<6400xi32, #tpu.memory_space<vmem>>, vector<16xi32>,
        tpu.vector_store %arg9[%swap3A_399], %gather3A_391 {strides = array<i32>} : memref<6400xi32, #tpu.memory_space<vmem>>, vector<16xi32>,
        %add3A_401 = arith.constant 7 : i32
        %add3A_402 = arith.addi %mul3A_312, %add3A_401 : i32
        %broadcast_in_dim3A_403 = vector.broadcast %add3A_402 : i32 to vector<16xi32>
        %gather3A_404 = tpu.vector_load_idx %arg7[%add3A_300, %broadcast_in_dim3A_403] : memref<64x100xi32, #tpu.memory_space<vmem>>[vector<16xi32>, vector<16xi32>], vector<16xi32>,
        %mul3A_405 = arith.constant 1600 : i32
        %mul3A_406 = arith.muli %scan3A_295, %mul3A_405 : i32
        %add3A_407 = arith.constant 7 : i32
        %add3A_408 = arith.addi %mul3A_312, %add3A_407 : i32
        %mul3A_409 = arith.constant 16 : i32
        %mul3A_410 = arith.muli %add3A_408, %mul3A_409 : i32
        %add3A_411 = arith.addi %mul3A_406, %mul3A_410 : i32
        %swap3A_412 = arith.index_cast %add3A_411 : i32 to index
        %swap3A_413 = tpu.vector_load %arg9[%swap3A_412] {strides = array<i32>} : memref<6400xi32, #tpu.memory_space<vmem>>, vector<16xi32>,
        tpu.vector_store %arg9[%swap3A_412], %gather3A_404 {strides = array<i32>} : memref<6400xi32, #tpu.memory_space<vmem>>, vector<16xi32>,
        %add3A_414 = arith.constant 8 : i32
        %add3A_415 = arith.addi %mul3A_312, %add3A_414 : i32
        %broadcast_in_dim3A_416 = vector.broadcast %add3A_415 : i32 to vector<16xi32>
        %gather3A_417 = tpu.vector_load_idx %arg7[%add3A_300, %broadcast_in_dim3A_416] : memref<64x100xi32, #tpu.memory_space<vmem>>[vector<16xi32>, vector<16xi32>], vector<16xi32>,
        %mul3A_418 = arith.constant 1600 : i32
        %mul3A_419 = arith.muli %scan3A_295, %mul3A_418 : i32
        %add3A_420 = arith.constant 8 : i32
        %add3A_421 = arith.addi %mul3A_312, %add3A_420 : i32
        %mul3A_422 = arith.constant 16 : i32
        %mul3A_423 = arith.muli %add3A_421, %mul3A_422 : i32
        %add3A_424 = arith.addi %mul3A_419, %mul3A_423 : i32
        %swap3A_425 = arith.index_cast %add3A_424 : i32 to index
        %swap3A_426 = tpu.vector_load %arg9[%swap3A_425] {strides = array<i32>} : memref<6400xi32, #tpu.memory_space<vmem>>, vector<16xi32>,
        tpu.vector_store %arg9[%swap3A_425], %gather3A_417 {strides = array<i32>} : memref<6400xi32, #tpu.memory_space<vmem>>, vector<16xi32>,
        %add3A_427 = arith.constant 9 : i32
        %add3A_428 = arith.addi %mul3A_312, %add3A_427 : i32
        %broadcast_in_dim3A_429 = vector.broadcast %add3A_428 : i32 to vector<16xi32>
        %gather3A_430 = tpu.vector_load_idx %arg7[%add3A_300, %broadcast_in_dim3A_429] : memref<64x100xi32, #tpu.memory_space<vmem>>[vector<16xi32>, vector<16xi32>], vector<16xi32>,
        %mul3A_431 = arith.constant 1600 : i32
        %mul3A_432 = arith.muli %scan3A_295, %mul3A_431 : i32
        %add3A_433 = arith.constant 9 : i32
        %add3A_434 = arith.addi %mul3A_312, %add3A_433 : i32
        %mul3A_435 = arith.constant 16 : i32
        %mul3A_436 = arith.muli %add3A_434, %mul3A_435 : i32
        %add3A_437 = arith.addi %mul3A_432, %mul3A_436 : i32
        %swap3A_438 = arith.index_cast %add3A_437 : i32 to index
        %swap3A_439 = tpu.vector_load %arg9[%swap3A_438] {strides = array<i32>} : memref<6400xi32, #tpu.memory_space<vmem>>, vector<16xi32>,
        tpu.vector_store %arg9[%swap3A_438], %gather3A_430 {strides = array<i32>} : memref<6400xi32, #tpu.memory_space<vmem>>, vector<16xi32>,
        %scan3A_440 = arith.constant 0 : i32
        scf.yield %scan3A_440 : i32
      }
      %scan3A_307 = arith.constant 10 : i32
      %scan3A_308 = arith.constant 0 : i32
      scf.yield %scan3A_308 : i32
    }
    %scan3A_166 = arith.constant 4 : i32
    %dma_start3A_167 = arith.constant 0 : i32
    %dma_start3A_168 = tpu.memref_slice %arg6[%dma_start3A_167] : memref<1000000xf32, #tpu.memory_space<vmem_shared>> -> memref<1000000xf32, #tpu.memory_space<vmem_shared>>
    tpu.enqueue_indirect_dma source(%dma_start3A_168 : memref<1000000xf32, #tpu.memory_space<vmem_shared>>) target(%arg11 : memref<6400xf32, #tpu.memory_space<vmem>>) offsets(%arg9 : memref<6400xi32, #tpu.memory_space<vmem>>) semaphore(%arg21 : memref<!tpu.dma_semaphore, #tpu.memory_space<semaphore_mem>>)
    %dma_wait3A_169 = arith.constant 0 : i32
    %dma_wait3A_170 = tpu.memref_slice %arg6[%dma_wait3A_169] : memref<1000000xf32, #tpu.memory_space<vmem_shared>> -> memref<1000000xf32, #tpu.memory_space<vmem_shared>>
    tpu.wait_indirect_dma semaphore(%arg22 : memref<!tpu.dma_semaphore, #tpu.memory_space<semaphore_mem>>) src(%dma_wait3A_170 : memref<1000000xf32, #tpu.memory_space<vmem_shared>>) dst(%arg12 : memref<6400xf32, #tpu.memory_space<vmem>>)
    %scan3A_171 = arith.constant 0 : i32
    %scan3A_172 = arith.constant 0 : i32
    %scan3A_173 = arith.constant 4 : i32
    %scan3A_174 = arith.addi %scan3A_172, %scan3A_173 : i32
    %scan3A_175 = arith.constant 1 : i32
    %scan3A_176 = scf.for %scan3A_295 = %scan3A_172 to %scan3A_174 step %scan3A_175 iter_args(%scan3A_296 = %scan3A_171) -> (i32)  : i32 {
      %mul3A_297 = arith.constant 16 : i32
      %mul3A_298 = arith.muli %scan3A_295, %mul3A_297 : i32
      %add3A_299 = vector.broadcast %mul3A_298 : i32 to vector<16xi32>
      %add3A_300 = arith.addi %add3A_299, %iota3A : vector<16xi32>
      %mul3A_301 = arith.constant 1600 : i32
      %mul3A_302 = arith.muli %scan3A_295, %mul3A_301 : i32
      %broadcast_in_dim3A = arith.constant 0.000000e+00 : f32
      %broadcast_in_dim3A_303 = vector.broadcast %broadcast_in_dim3A : f32 to vector<16xf32>
      %scan3A_304 = arith.constant 0 : i32
      %scan3A_305 = arith.constant 10 : i32
      %scan3A_306 = arith.addi %scan3A_304, %scan3A_305 : i32
      %scan3A_307 = arith.constant 1 : i32
      %scan3A_308 = scf.for %scan3A_323 = %scan3A_304 to %scan3A_306 step %scan3A_307 iter_args(%scan3A_324 = %broadcast_in_dim3A_303) -> (vector<16xf32>)  : i32 {
        %mul3A_325 = arith.constant 10 : i32
        %mul3A_326 = arith.muli %scan3A_323, %mul3A_325 : i32
        %add3A_327 = arith.constant 0 : i32
        %add3A_328 = arith.addi %mul3A_326, %add3A_327 : i32
        %broadcast_in_dim3A_329 = vector.broadcast %add3A_328 : i32 to vector<16xi32>
        %add3A_330 = arith.constant 0 : i32
        %add3A_331 = arith.addi %mul3A_326, %add3A_330 : i32
        %mul3A_332 = arith.constant 16 : i32
        %mul3A_333 = arith.muli %add3A_331, %mul3A_332 : i32
        %add3A_334 = arith.addi %mul3A_302, %mul3A_333 : i32
        %get3A = arith.index_cast %add3A_334 : i32 to index
        %get3A_335 = tpu.vector_load %arg12[%get3A] {strides = array<i32>} : memref<6400xf32, #tpu.memory_space<vmem>>, vector<16xf32>,
        %gather3A = tpu.vector_load_idx %arg14[%add3A_300, %broadcast_in_dim3A_329] : memref<64x100xf32, #tpu.memory_space<vmem>>[vector<16xi32>, vector<16xi32>], vector<16xf32>,
        %mul3A_336 = arith.mulf %get3A_335, %gather3A : vector<16xf32>
        %add3A_337 = arith.addf %scan3A_324, %mul3A_336 : vector<16xf32>
        %add3A_338 = arith.constant 1 : i32
        %add3A_339 = arith.addi %mul3A_326, %add3A_338 : i32
        %broadcast_in_dim3A_340 = vector.broadcast %add3A_339 : i32 to vector<16xi32>
        %add3A_341 = arith.constant 1 : i32
        %add3A_342 = arith.addi %mul3A_326, %add3A_341 : i32
        %mul3A_343 = arith.constant 16 : i32
        %mul3A_344 = arith.muli %add3A_342, %mul3A_343 : i32
        %add3A_345 = arith.addi %mul3A_302, %mul3A_344 : i32
        %get3A_346 = arith.index_cast %add3A_345 : i32 to index
        %get3A_347 = tpu.vector_load %arg12[%get3A_346] {strides = array<i32>} : memref<6400xf32, #tpu.memory_space<vmem>>, vector<16xf32>,
        %gather3A_348 = tpu.vector_load_idx %arg14[%add3A_300, %broadcast_in_dim3A_340] : memref<64x100xf32, #tpu.memory_space<vmem>>[vector<16xi32>, vector<16xi32>], vector<16xf32>,
        %mul3A_349 = arith.mulf %get3A_347, %gather3A_348 : vector<16xf32>
        %add3A_350 = arith.addf %add3A_337, %mul3A_349 : vector<16xf32>
        %add3A_351 = arith.constant 2 : i32
        %add3A_352 = arith.addi %mul3A_326, %add3A_351 : i32
        %broadcast_in_dim3A_353 = vector.broadcast %add3A_352 : i32 to vector<16xi32>
        %add3A_354 = arith.constant 2 : i32
        %add3A_355 = arith.addi %mul3A_326, %add3A_354 : i32
        %mul3A_356 = arith.constant 16 : i32
        %mul3A_357 = arith.muli %add3A_355, %mul3A_356 : i32
        %add3A_358 = arith.addi %mul3A_302, %mul3A_357 : i32
        %get3A_359 = arith.index_cast %add3A_358 : i32 to index
        %get3A_360 = tpu.vector_load %arg12[%get3A_359] {strides = array<i32>} : memref<6400xf32, #tpu.memory_space<vmem>>, vector<16xf32>,
        %gather3A_361 = tpu.vector_load_idx %arg14[%add3A_300, %broadcast_in_dim3A_353] : memref<64x100xf32, #tpu.memory_space<vmem>>[vector<16xi32>, vector<16xi32>], vector<16xf32>,
        %mul3A_362 = arith.mulf %get3A_360, %gather3A_361 : vector<16xf32>
        %add3A_363 = arith.addf %add3A_350, %mul3A_362 : vector<16xf32>
        %add3A_364 = arith.constant 3 : i32
        %add3A_365 = arith.addi %mul3A_326, %add3A_364 : i32
        %broadcast_in_dim3A_366 = vector.broadcast %add3A_365 : i32 to vector<16xi32>
        %add3A_367 = arith.constant 3 : i32
        %add3A_368 = arith.addi %mul3A_326, %add3A_367 : i32
        %mul3A_369 = arith.constant 16 : i32
        %mul3A_370 = arith.muli %add3A_368, %mul3A_369 : i32
        %add3A_371 = arith.addi %mul3A_302, %mul3A_370 : i32
        %get3A_372 = arith.index_cast %add3A_371 : i32 to index
        %get3A_373 = tpu.vector_load %arg12[%get3A_372] {strides = array<i32>} : memref<6400xf32, #tpu.memory_space<vmem>>, vector<16xf32>,
        %gather3A_374 = tpu.vector_load_idx %arg14[%add3A_300, %broadcast_in_dim3A_366] : memref<64x100xf32, #tpu.memory_space<vmem>>[vector<16xi32>, vector<16xi32>], vector<16xf32>,
        %mul3A_375 = arith.mulf %get3A_373, %gather3A_374 : vector<16xf32>
        %add3A_376 = arith.addf %add3A_363, %mul3A_375 : vector<16xf32>
        %add3A_377 = arith.constant 4 : i32
        %add3A_378 = arith.addi %mul3A_326, %add3A_377 : i32
        %broadcast_in_dim3A_379 = vector.broadcast %add3A_378 : i32 to vector<16xi32>
        %add3A_380 = arith.constant 4 : i32
        %add3A_381 = arith.addi %mul3A_326, %add3A_380 : i32
        %mul3A_382 = arith.constant 16 : i32
        %mul3A_383 = arith.muli %add3A_381, %mul3A_382 : i32
        %add3A_384 = arith.addi %mul3A_302, %mul3A_383 : i32
        %get3A_385 = arith.index_cast %add3A_384 : i32 to index
        %get3A_386 = tpu.vector_load %arg12[%get3A_385] {strides = array<i32>} : memref<6400xf32, #tpu.memory_space<vmem>>, vector<16xf32>,
        %gather3A_387 = tpu.vector_load_idx %arg14[%add3A_300, %broadcast_in_dim3A_379] : memref<64x100xf32, #tpu.memory_space<vmem>>[vector<16xi32>, vector<16xi32>], vector<16xf32>,
        %mul3A_388 = arith.mulf %get3A_386, %gather3A_387 : vector<16xf32>
        %add3A_389 = arith.addf %add3A_376, %mul3A_388 : vector<16xf32>
        %add3A_390 = arith.constant 5 : i32
        %add3A_391 = arith.addi %mul3A_326, %add3A_390 : i32
        %broadcast_in_dim3A_392 = vector.broadcast %add3A_391 : i32 to vector<16xi32>
        %add3A_393 = arith.constant 5 : i32
        %add3A_394 = arith.addi %mul3A_326, %add3A_393 : i32
        %mul3A_395 = arith.constant 16 : i32
        %mul3A_396 = arith.muli %add3A_394, %mul3A_395 : i32
        %add3A_397 = arith.addi %mul3A_302, %mul3A_396 : i32
        %get3A_398 = arith.index_cast %add3A_397 : i32 to index
        %get3A_399 = tpu.vector_load %arg12[%get3A_398] {strides = array<i32>} : memref<6400xf32, #tpu.memory_space<vmem>>, vector<16xf32>,
        %gather3A_400 = tpu.vector_load_idx %arg14[%add3A_300, %broadcast_in_dim3A_392] : memref<64x100xf32, #tpu.memory_space<vmem>>[vector<16xi32>, vector<16xi32>], vector<16xf32>,
        %mul3A_401 = arith.mulf %get3A_399, %gather3A_400 : vector<16xf32>
        %add3A_402 = arith.addf %add3A_389, %mul3A_401 : vector<16xf32>
        %add3A_403 = arith.constant 6 : i32
        %add3A_404 = arith.addi %mul3A_326, %add3A_403 : i32
        %broadcast_in_dim3A_405 = vector.broadcast %add3A_404 : i32 to vector<16xi32>
        %add3A_406 = arith.constant 6 : i32
        %add3A_407 = arith.addi %mul3A_326, %add3A_406 : i32
        %mul3A_408 = arith.constant 16 : i32
        %mul3A_409 = arith.muli %add3A_407, %mul3A_408 : i32
        %add3A_410 = arith.addi %mul3A_302, %mul3A_409 : i32
        %get3A_411 = arith.index_cast %add3A_410 : i32 to index
        %get3A_412 = tpu.vector_load %arg12[%get3A_411] {strides = array<i32>} : memref<6400xf32, #tpu.memory_space<vmem>>, vector<16xf32>,
        %gather3A_413 = tpu.vector_load_idx %arg14[%add3A_300, %broadcast_in_dim3A_405] : memref<64x100xf32, #tpu.memory_space<vmem>>[vector<16xi32>, vector<16xi32>], vector<16xf32>,
        %mul3A_414 = arith.mulf %get3A_412, %gather3A_413 : vector<16xf32>
        %add3A_415 = arith.addf %add3A_402, %mul3A_414 : vector<16xf32>
        %add3A_416 = arith.constant 7 : i32
        %add3A_417 = arith.addi %mul3A_326, %add3A_416 : i32
        %broadcast_in_dim3A_418 = vector.broadcast %add3A_417 : i32 to vector<16xi32>
        %add3A_419 = arith.constant 7 : i32
        %add3A_420 = arith.addi %mul3A_326, %add3A_419 : i32
        %mul3A_421 = arith.constant 16 : i32
        %mul3A_422 = arith.muli %add3A_420, %mul3A_421 : i32
        %add3A_423 = arith.addi %mul3A_302, %mul3A_422 : i32
        %get3A_424 = arith.index_cast %add3A_423 : i32 to index
        %get3A_425 = tpu.vector_load %arg12[%get3A_424] {strides = array<i32>} : memref<6400xf32, #tpu.memory_space<vmem>>, vector<16xf32>,
        %gather3A_426 = tpu.vector_load_idx %arg14[%add3A_300, %broadcast_in_dim3A_418] : memref<64x100xf32, #tpu.memory_space<vmem>>[vector<16xi32>, vector<16xi32>], vector<16xf32>,
        %mul3A_427 = arith.mulf %get3A_425, %gather3A_426 : vector<16xf32>
        %add3A_428 = arith.addf %add3A_415, %mul3A_427 : vector<16xf32>
        %add3A_429 = arith.constant 8 : i32
        %add3A_430 = arith.addi %mul3A_326, %add3A_429 : i32
        %broadcast_in_dim3A_431 = vector.broadcast %add3A_430 : i32 to vector<16xi32>
        %add3A_432 = arith.constant 8 : i32
        %add3A_433 = arith.addi %mul3A_326, %add3A_432 : i32
        %mul3A_434 = arith.constant 16 : i32
        %mul3A_435 = arith.muli %add3A_433, %mul3A_434 : i32
        %add3A_436 = arith.addi %mul3A_302, %mul3A_435 : i32
        %get3A_437 = arith.index_cast %add3A_436 : i32 to index
        %get3A_438 = tpu.vector_load %arg12[%get3A_437] {strides = array<i32>} : memref<6400xf32, #tpu.memory_space<vmem>>, vector<16xf32>,
        %gather3A_439 = tpu.vector_load_idx %arg14[%add3A_300, %broadcast_in_dim3A_431] : memref<64x100xf32, #tpu.memory_space<vmem>>[vector<16xi32>, vector<16xi32>], vector<16xf32>,
        %mul3A_440 = arith.mulf %get3A_438, %gather3A_439 : vector<16xf32>
        %add3A_441 = arith.addf %add3A_428, %mul3A_440 : vector<16xf32>
        %add3A_442 = arith.constant 9 : i32
        %add3A_443 = arith.addi %mul3A_326, %add3A_442 : i32
        %broadcast_in_dim3A_444 = vector.broadcast %add3A_443 : i32 to vector<16xi32>
        %add3A_445 = arith.constant 9 : i32
        %add3A_446 = arith.addi %mul3A_326, %add3A_445 : i32
        %mul3A_447 = arith.constant 16 : i32
        %mul3A_448 = arith.muli %add3A_446, %mul3A_447 : i32
        %add3A_449 = arith.addi %mul3A_302, %mul3A_448 : i32
        %get3A_450 = arith.index_cast %add3A_449 : i32 to index
        %get3A_451 = tpu.vector_load %arg12[%get3A_450] {strides = array<i32>} : memref<6400xf32, #tpu.memory_space<vmem>>, vector<16xf32>,
        %gather3A_452 = tpu.vector_load_idx %arg14[%add3A_300, %broadcast_in_dim3A_444] : memref<64x100xf32, #tpu.memory_space<vmem>>[vector<16xi32>, vector<16xi32>], vector<16xf32>,
        %mul3A_453 = arith.mulf %get3A_451, %gather3A_452 : vector<16xf32>
        %add3A_454 = arith.addf %add3A_441, %mul3A_453 : vector<16xf32>
        scf.yield %add3A_454 : vector<16xf32>
      }
      %scan3A_309 = arith.constant 10 : i32
      %neg3A = arith.constant 0.000000e+00 : f32
      %neg3A_310 = vector.broadcast %neg3A : f32 to vector<16xf32>
      %neg3A_311 = arith.subf %neg3A_310, %scan3A_308 : vector<16xf32>
      %exp3A = math.exp %neg3A_311 : vector<16xf32>
      %add3A_312 = arith.constant 1.000000e+00 : f32
      %add3A_313 = vector.broadcast %add3A_312 : f32 to vector<16xf32>
      %add3A_314 = arith.addf %add3A_313, %exp3A : vector<16xf32>
      %div3A = arith.constant 1.000000e+00 : f32
      %div3A_315 = vector.broadcast %div3A : f32 to vector<16xf32>
      %div3A_316 = arith.divf %div3A_315, %add3A_314 : vector<16xf32>
      %mul3A_317 = arith.constant 16 : i32
      %mul3A_318 = arith.muli %scan3A_295, %mul3A_317 : i32
      %add3A_319 = arith.constant 192 : i32
      %add3A_320 = arith.addi %add3A_319, %mul3A_318 : i32
      %swap3A = arith.index_cast %add3A_320 : i32 to index
      %swap3A_321 = tpu.vector_load %arg15[%swap3A] {strides = array<i32>} : memref<512xf32, #tpu.memory_space<vmem>>, vector<16xf32>,
      tpu.vector_store %arg15[%swap3A], %div3A_316 {strides = array<i32>} : memref<512xf32, #tpu.memory_space<vmem>>, vector<16xf32>,
      %scan3A_322 = arith.constant 0 : i32
      scf.yield %scan3A_322 : i32
    }
    %scan3A_177 = arith.constant 4 : i32
    %add3A_178 = arith.constant 320 : i32
    %add3A_179 = arith.addi %mul3A_2, %add3A_178 : i32
    %dma_start3A_180 = arith.constant 0 : i32
    %dma_start3A_181 = tpu.memref_slice %arg2[%add3A_179, %dma_start3A_180] : memref<16384x100xi32, #tpu.memory_space<hbm>> -> memref<64x100xi32, #tpu.memory_space<hbm>>
    %dma_start3A_182 = arith.constant 0 : i32
    %dma_start3A_183 = tpu.memref_slice %arg2[%add3A_179, %dma_start3A_182] : memref<16384x100xi32, #tpu.memory_space<hbm>> -> memref<64x100xi32, #tpu.memory_space<hbm>>
    tpu.enqueue_dma source(%dma_start3A_183 : memref<64x100xi32, #tpu.memory_space<hbm>>) target(%arg8 : memref<64x100xi32, #tpu.memory_space<vmem>>) target_semaphore(%arg18 : memref<!tpu.dma_semaphore, #tpu.memory_space<semaphore_mem>>)
    %dma_start3A_184 = arith.constant 0 : i32
    %dma_start3A_185 = tpu.memref_slice %arg3[%add3A_179, %dma_start3A_184] : memref<16384x100xf32, #tpu.memory_space<hbm>> -> memref<64x100xf32, #tpu.memory_space<hbm>>
    %dma_start3A_186 = arith.constant 0 : i32
    %dma_start3A_187 = tpu.memref_slice %arg3[%add3A_179, %dma_start3A_186] : memref<16384x100xf32, #tpu.memory_space<hbm>> -> memref<64x100xf32, #tpu.memory_space<hbm>>
    tpu.enqueue_dma source(%dma_start3A_187 : memref<64x100xf32, #tpu.memory_space<hbm>>) target(%arg14 : memref<64x100xf32, #tpu.memory_space<vmem>>) target_semaphore(%arg18 : memref<!tpu.dma_semaphore, #tpu.memory_space<semaphore_mem>>)
    %dma_wait3A_188 = arith.constant 0 : i32
    %dma_wait3A_189 = tpu.memref_slice %arg2[%add3A_179, %dma_wait3A_188] : memref<16384x100xi32, #tpu.memory_space<hbm>> -> memref<64x100xi32, #tpu.memory_space<hbm>>
    %dma_wait3A_190 = arith.constant 0 : i32
    %dma_wait3A_191 = tpu.memref_slice %arg2[%add3A_179, %dma_wait3A_190] : memref<16384x100xi32, #tpu.memory_space<hbm>> -> memref<64x100xi32, #tpu.memory_space<hbm>>
    tpu.wait_dma2 semaphore(%arg18 : memref<!tpu.dma_semaphore, #tpu.memory_space<semaphore_mem>>) src(%dma_wait3A_191 : memref<64x100xi32, #tpu.memory_space<hbm>>) dst(%arg8 : memref<64x100xi32, #tpu.memory_space<vmem>>)
    %dma_wait3A_192 = arith.constant 0 : i32
    %dma_wait3A_193 = tpu.memref_slice %arg3[%add3A_179, %dma_wait3A_192] : memref<16384x100xf32, #tpu.memory_space<hbm>> -> memref<64x100xf32, #tpu.memory_space<hbm>>
    %dma_wait3A_194 = arith.constant 0 : i32
    %dma_wait3A_195 = tpu.memref_slice %arg3[%add3A_179, %dma_wait3A_194] : memref<16384x100xf32, #tpu.memory_space<hbm>> -> memref<64x100xf32, #tpu.memory_space<hbm>>
    tpu.wait_dma2 semaphore(%arg18 : memref<!tpu.dma_semaphore, #tpu.memory_space<semaphore_mem>>) src(%dma_wait3A_195 : memref<64x100xf32, #tpu.memory_space<hbm>>) dst(%arg14 : memref<64x100xf32, #tpu.memory_space<vmem>>)
    %scan3A_196 = arith.constant 0 : i32
    %scan3A_197 = arith.constant 0 : i32
    %scan3A_198 = arith.constant 4 : i32
    %scan3A_199 = arith.addi %scan3A_197, %scan3A_198 : i32
    %scan3A_200 = arith.constant 1 : i32
    %scan3A_201 = scf.for %scan3A_295 = %scan3A_197 to %scan3A_199 step %scan3A_200 iter_args(%scan3A_296 = %scan3A_196) -> (i32)  : i32 {
      %mul3A_297 = arith.constant 16 : i32
      %mul3A_298 = arith.muli %scan3A_295, %mul3A_297 : i32
      %add3A_299 = vector.broadcast %mul3A_298 : i32 to vector<16xi32>
      %add3A_300 = arith.addi %add3A_299, %iota3A : vector<16xi32>
      %scan3A_301 = arith.constant 0 : i32
      %scan3A_302 = arith.constant 0 : i32
      %scan3A_303 = arith.constant 10 : i32
      %scan3A_304 = arith.addi %scan3A_302, %scan3A_303 : i32
      %scan3A_305 = arith.constant 1 : i32
      %scan3A_306 = scf.for %scan3A_309 = %scan3A_302 to %scan3A_304 step %scan3A_305 iter_args(%scan3A_310 = %scan3A_301) -> (i32)  : i32 {
        %mul3A_311 = arith.constant 10 : i32
        %mul3A_312 = arith.muli %scan3A_309, %mul3A_311 : i32
        %add3A_313 = arith.constant 0 : i32
        %add3A_314 = arith.addi %mul3A_312, %add3A_313 : i32
        %broadcast_in_dim3A = vector.broadcast %add3A_314 : i32 to vector<16xi32>
        %gather3A = tpu.vector_load_idx %arg8[%add3A_300, %broadcast_in_dim3A] : memref<64x100xi32, #tpu.memory_space<vmem>>[vector<16xi32>, vector<16xi32>], vector<16xi32>,
        %mul3A_315 = arith.constant 1600 : i32
        %mul3A_316 = arith.muli %scan3A_295, %mul3A_315 : i32
        %add3A_317 = arith.constant 0 : i32
        %add3A_318 = arith.addi %mul3A_312, %add3A_317 : i32
        %mul3A_319 = arith.constant 16 : i32
        %mul3A_320 = arith.muli %add3A_318, %mul3A_319 : i32
        %add3A_321 = arith.addi %mul3A_316, %mul3A_320 : i32
        %swap3A = arith.index_cast %add3A_321 : i32 to index
        %swap3A_322 = tpu.vector_load %arg10[%swap3A] {strides = array<i32>} : memref<6400xi32, #tpu.memory_space<vmem>>, vector<16xi32>,
        tpu.vector_store %arg10[%swap3A], %gather3A {strides = array<i32>} : memref<6400xi32, #tpu.memory_space<vmem>>, vector<16xi32>,
        %add3A_323 = arith.constant 1 : i32
        %add3A_324 = arith.addi %mul3A_312, %add3A_323 : i32
        %broadcast_in_dim3A_325 = vector.broadcast %add3A_324 : i32 to vector<16xi32>
        %gather3A_326 = tpu.vector_load_idx %arg8[%add3A_300, %broadcast_in_dim3A_325] : memref<64x100xi32, #tpu.memory_space<vmem>>[vector<16xi32>, vector<16xi32>], vector<16xi32>,
        %mul3A_327 = arith.constant 1600 : i32
        %mul3A_328 = arith.muli %scan3A_295, %mul3A_327 : i32
        %add3A_329 = arith.constant 1 : i32
        %add3A_330 = arith.addi %mul3A_312, %add3A_329 : i32
        %mul3A_331 = arith.constant 16 : i32
        %mul3A_332 = arith.muli %add3A_330, %mul3A_331 : i32
        %add3A_333 = arith.addi %mul3A_328, %mul3A_332 : i32
        %swap3A_334 = arith.index_cast %add3A_333 : i32 to index
        %swap3A_335 = tpu.vector_load %arg10[%swap3A_334] {strides = array<i32>} : memref<6400xi32, #tpu.memory_space<vmem>>, vector<16xi32>,
        tpu.vector_store %arg10[%swap3A_334], %gather3A_326 {strides = array<i32>} : memref<6400xi32, #tpu.memory_space<vmem>>, vector<16xi32>,
        %add3A_336 = arith.constant 2 : i32
        %add3A_337 = arith.addi %mul3A_312, %add3A_336 : i32
        %broadcast_in_dim3A_338 = vector.broadcast %add3A_337 : i32 to vector<16xi32>
        %gather3A_339 = tpu.vector_load_idx %arg8[%add3A_300, %broadcast_in_dim3A_338] : memref<64x100xi32, #tpu.memory_space<vmem>>[vector<16xi32>, vector<16xi32>], vector<16xi32>,
        %mul3A_340 = arith.constant 1600 : i32
        %mul3A_341 = arith.muli %scan3A_295, %mul3A_340 : i32
        %add3A_342 = arith.constant 2 : i32
        %add3A_343 = arith.addi %mul3A_312, %add3A_342 : i32
        %mul3A_344 = arith.constant 16 : i32
        %mul3A_345 = arith.muli %add3A_343, %mul3A_344 : i32
        %add3A_346 = arith.addi %mul3A_341, %mul3A_345 : i32
        %swap3A_347 = arith.index_cast %add3A_346 : i32 to index
        %swap3A_348 = tpu.vector_load %arg10[%swap3A_347] {strides = array<i32>} : memref<6400xi32, #tpu.memory_space<vmem>>, vector<16xi32>,
        tpu.vector_store %arg10[%swap3A_347], %gather3A_339 {strides = array<i32>} : memref<6400xi32, #tpu.memory_space<vmem>>, vector<16xi32>,
        %add3A_349 = arith.constant 3 : i32
        %add3A_350 = arith.addi %mul3A_312, %add3A_349 : i32
        %broadcast_in_dim3A_351 = vector.broadcast %add3A_350 : i32 to vector<16xi32>
        %gather3A_352 = tpu.vector_load_idx %arg8[%add3A_300, %broadcast_in_dim3A_351] : memref<64x100xi32, #tpu.memory_space<vmem>>[vector<16xi32>, vector<16xi32>], vector<16xi32>,
        %mul3A_353 = arith.constant 1600 : i32
        %mul3A_354 = arith.muli %scan3A_295, %mul3A_353 : i32
        %add3A_355 = arith.constant 3 : i32
        %add3A_356 = arith.addi %mul3A_312, %add3A_355 : i32
        %mul3A_357 = arith.constant 16 : i32
        %mul3A_358 = arith.muli %add3A_356, %mul3A_357 : i32
        %add3A_359 = arith.addi %mul3A_354, %mul3A_358 : i32
        %swap3A_360 = arith.index_cast %add3A_359 : i32 to index
        %swap3A_361 = tpu.vector_load %arg10[%swap3A_360] {strides = array<i32>} : memref<6400xi32, #tpu.memory_space<vmem>>, vector<16xi32>,
        tpu.vector_store %arg10[%swap3A_360], %gather3A_352 {strides = array<i32>} : memref<6400xi32, #tpu.memory_space<vmem>>, vector<16xi32>,
        %add3A_362 = arith.constant 4 : i32
        %add3A_363 = arith.addi %mul3A_312, %add3A_362 : i32
        %broadcast_in_dim3A_364 = vector.broadcast %add3A_363 : i32 to vector<16xi32>
        %gather3A_365 = tpu.vector_load_idx %arg8[%add3A_300, %broadcast_in_dim3A_364] : memref<64x100xi32, #tpu.memory_space<vmem>>[vector<16xi32>, vector<16xi32>], vector<16xi32>,
        %mul3A_366 = arith.constant 1600 : i32
        %mul3A_367 = arith.muli %scan3A_295, %mul3A_366 : i32
        %add3A_368 = arith.constant 4 : i32
        %add3A_369 = arith.addi %mul3A_312, %add3A_368 : i32
        %mul3A_370 = arith.constant 16 : i32
        %mul3A_371 = arith.muli %add3A_369, %mul3A_370 : i32
        %add3A_372 = arith.addi %mul3A_367, %mul3A_371 : i32
        %swap3A_373 = arith.index_cast %add3A_372 : i32 to index
        %swap3A_374 = tpu.vector_load %arg10[%swap3A_373] {strides = array<i32>} : memref<6400xi32, #tpu.memory_space<vmem>>, vector<16xi32>,
        tpu.vector_store %arg10[%swap3A_373], %gather3A_365 {strides = array<i32>} : memref<6400xi32, #tpu.memory_space<vmem>>, vector<16xi32>,
        %add3A_375 = arith.constant 5 : i32
        %add3A_376 = arith.addi %mul3A_312, %add3A_375 : i32
        %broadcast_in_dim3A_377 = vector.broadcast %add3A_376 : i32 to vector<16xi32>
        %gather3A_378 = tpu.vector_load_idx %arg8[%add3A_300, %broadcast_in_dim3A_377] : memref<64x100xi32, #tpu.memory_space<vmem>>[vector<16xi32>, vector<16xi32>], vector<16xi32>,
        %mul3A_379 = arith.constant 1600 : i32
        %mul3A_380 = arith.muli %scan3A_295, %mul3A_379 : i32
        %add3A_381 = arith.constant 5 : i32
        %add3A_382 = arith.addi %mul3A_312, %add3A_381 : i32
        %mul3A_383 = arith.constant 16 : i32
        %mul3A_384 = arith.muli %add3A_382, %mul3A_383 : i32
        %add3A_385 = arith.addi %mul3A_380, %mul3A_384 : i32
        %swap3A_386 = arith.index_cast %add3A_385 : i32 to index
        %swap3A_387 = tpu.vector_load %arg10[%swap3A_386] {strides = array<i32>} : memref<6400xi32, #tpu.memory_space<vmem>>, vector<16xi32>,
        tpu.vector_store %arg10[%swap3A_386], %gather3A_378 {strides = array<i32>} : memref<6400xi32, #tpu.memory_space<vmem>>, vector<16xi32>,
        %add3A_388 = arith.constant 6 : i32
        %add3A_389 = arith.addi %mul3A_312, %add3A_388 : i32
        %broadcast_in_dim3A_390 = vector.broadcast %add3A_389 : i32 to vector<16xi32>
        %gather3A_391 = tpu.vector_load_idx %arg8[%add3A_300, %broadcast_in_dim3A_390] : memref<64x100xi32, #tpu.memory_space<vmem>>[vector<16xi32>, vector<16xi32>], vector<16xi32>,
        %mul3A_392 = arith.constant 1600 : i32
        %mul3A_393 = arith.muli %scan3A_295, %mul3A_392 : i32
        %add3A_394 = arith.constant 6 : i32
        %add3A_395 = arith.addi %mul3A_312, %add3A_394 : i32
        %mul3A_396 = arith.constant 16 : i32
        %mul3A_397 = arith.muli %add3A_395, %mul3A_396 : i32
        %add3A_398 = arith.addi %mul3A_393, %mul3A_397 : i32
        %swap3A_399 = arith.index_cast %add3A_398 : i32 to index
        %swap3A_400 = tpu.vector_load %arg10[%swap3A_399] {strides = array<i32>} : memref<6400xi32, #tpu.memory_space<vmem>>, vector<16xi32>,
        tpu.vector_store %arg10[%swap3A_399], %gather3A_391 {strides = array<i32>} : memref<6400xi32, #tpu.memory_space<vmem>>, vector<16xi32>,
        %add3A_401 = arith.constant 7 : i32
        %add3A_402 = arith.addi %mul3A_312, %add3A_401 : i32
        %broadcast_in_dim3A_403 = vector.broadcast %add3A_402 : i32 to vector<16xi32>
        %gather3A_404 = tpu.vector_load_idx %arg8[%add3A_300, %broadcast_in_dim3A_403] : memref<64x100xi32, #tpu.memory_space<vmem>>[vector<16xi32>, vector<16xi32>], vector<16xi32>,
        %mul3A_405 = arith.constant 1600 : i32
        %mul3A_406 = arith.muli %scan3A_295, %mul3A_405 : i32
        %add3A_407 = arith.constant 7 : i32
        %add3A_408 = arith.addi %mul3A_312, %add3A_407 : i32
        %mul3A_409 = arith.constant 16 : i32
        %mul3A_410 = arith.muli %add3A_408, %mul3A_409 : i32
        %add3A_411 = arith.addi %mul3A_406, %mul3A_410 : i32
        %swap3A_412 = arith.index_cast %add3A_411 : i32 to index
        %swap3A_413 = tpu.vector_load %arg10[%swap3A_412] {strides = array<i32>} : memref<6400xi32, #tpu.memory_space<vmem>>, vector<16xi32>,
        tpu.vector_store %arg10[%swap3A_412], %gather3A_404 {strides = array<i32>} : memref<6400xi32, #tpu.memory_space<vmem>>, vector<16xi32>,
        %add3A_414 = arith.constant 8 : i32
        %add3A_415 = arith.addi %mul3A_312, %add3A_414 : i32
        %broadcast_in_dim3A_416 = vector.broadcast %add3A_415 : i32 to vector<16xi32>
        %gather3A_417 = tpu.vector_load_idx %arg8[%add3A_300, %broadcast_in_dim3A_416] : memref<64x100xi32, #tpu.memory_space<vmem>>[vector<16xi32>, vector<16xi32>], vector<16xi32>,
        %mul3A_418 = arith.constant 1600 : i32
        %mul3A_419 = arith.muli %scan3A_295, %mul3A_418 : i32
        %add3A_420 = arith.constant 8 : i32
        %add3A_421 = arith.addi %mul3A_312, %add3A_420 : i32
        %mul3A_422 = arith.constant 16 : i32
        %mul3A_423 = arith.muli %add3A_421, %mul3A_422 : i32
        %add3A_424 = arith.addi %mul3A_419, %mul3A_423 : i32
        %swap3A_425 = arith.index_cast %add3A_424 : i32 to index
        %swap3A_426 = tpu.vector_load %arg10[%swap3A_425] {strides = array<i32>} : memref<6400xi32, #tpu.memory_space<vmem>>, vector<16xi32>,
        tpu.vector_store %arg10[%swap3A_425], %gather3A_417 {strides = array<i32>} : memref<6400xi32, #tpu.memory_space<vmem>>, vector<16xi32>,
        %add3A_427 = arith.constant 9 : i32
        %add3A_428 = arith.addi %mul3A_312, %add3A_427 : i32
        %broadcast_in_dim3A_429 = vector.broadcast %add3A_428 : i32 to vector<16xi32>
        %gather3A_430 = tpu.vector_load_idx %arg8[%add3A_300, %broadcast_in_dim3A_429] : memref<64x100xi32, #tpu.memory_space<vmem>>[vector<16xi32>, vector<16xi32>], vector<16xi32>,
        %mul3A_431 = arith.constant 1600 : i32
        %mul3A_432 = arith.muli %scan3A_295, %mul3A_431 : i32
        %add3A_433 = arith.constant 9 : i32
        %add3A_434 = arith.addi %mul3A_312, %add3A_433 : i32
        %mul3A_435 = arith.constant 16 : i32
        %mul3A_436 = arith.muli %add3A_434, %mul3A_435 : i32
        %add3A_437 = arith.addi %mul3A_432, %mul3A_436 : i32
        %swap3A_438 = arith.index_cast %add3A_437 : i32 to index
        %swap3A_439 = tpu.vector_load %arg10[%swap3A_438] {strides = array<i32>} : memref<6400xi32, #tpu.memory_space<vmem>>, vector<16xi32>,
        tpu.vector_store %arg10[%swap3A_438], %gather3A_430 {strides = array<i32>} : memref<6400xi32, #tpu.memory_space<vmem>>, vector<16xi32>,
        %scan3A_440 = arith.constant 0 : i32
        scf.yield %scan3A_440 : i32
      }
      %scan3A_307 = arith.constant 10 : i32
      %scan3A_308 = arith.constant 0 : i32
      scf.yield %scan3A_308 : i32
    }
    %scan3A_202 = arith.constant 4 : i32
    %dma_start3A_203 = arith.constant 0 : i32
    %dma_start3A_204 = tpu.memref_slice %arg6[%dma_start3A_203] : memref<1000000xf32, #tpu.memory_space<vmem_shared>> -> memref<1000000xf32, #tpu.memory_space<vmem_shared>>
    tpu.enqueue_indirect_dma source(%dma_start3A_204 : memref<1000000xf32, #tpu.memory_space<vmem_shared>>) target(%arg12 : memref<6400xf32, #tpu.memory_space<vmem>>) offsets(%arg10 : memref<6400xi32, #tpu.memory_space<vmem>>) semaphore(%arg22 : memref<!tpu.dma_semaphore, #tpu.memory_space<semaphore_mem>>)
    %dma_wait3A_205 = arith.constant 0 : i32
    %dma_wait3A_206 = tpu.memref_slice %arg6[%dma_wait3A_205] : memref<1000000xf32, #tpu.memory_space<vmem_shared>> -> memref<1000000xf32, #tpu.memory_space<vmem_shared>>
    tpu.wait_indirect_dma semaphore(%arg21 : memref<!tpu.dma_semaphore, #tpu.memory_space<semaphore_mem>>) src(%dma_wait3A_206 : memref<1000000xf32, #tpu.memory_space<vmem_shared>>) dst(%arg11 : memref<6400xf32, #tpu.memory_space<vmem>>)
    %scan3A_207 = arith.constant 0 : i32
    %scan3A_208 = arith.constant 0 : i32
    %scan3A_209 = arith.constant 4 : i32
    %scan3A_210 = arith.addi %scan3A_208, %scan3A_209 : i32
    %scan3A_211 = arith.constant 1 : i32
    %scan3A_212 = scf.for %scan3A_295 = %scan3A_208 to %scan3A_210 step %scan3A_211 iter_args(%scan3A_296 = %scan3A_207) -> (i32)  : i32 {
      %mul3A_297 = arith.constant 16 : i32
      %mul3A_298 = arith.muli %scan3A_295, %mul3A_297 : i32
      %add3A_299 = vector.broadcast %mul3A_298 : i32 to vector<16xi32>
      %add3A_300 = arith.addi %add3A_299, %iota3A : vector<16xi32>
      %mul3A_301 = arith.constant 1600 : i32
      %mul3A_302 = arith.muli %scan3A_295, %mul3A_301 : i32
      %broadcast_in_dim3A = arith.constant 0.000000e+00 : f32
      %broadcast_in_dim3A_303 = vector.broadcast %broadcast_in_dim3A : f32 to vector<16xf32>
      %scan3A_304 = arith.constant 0 : i32
      %scan3A_305 = arith.constant 10 : i32
      %scan3A_306 = arith.addi %scan3A_304, %scan3A_305 : i32
      %scan3A_307 = arith.constant 1 : i32
      %scan3A_308 = scf.for %scan3A_323 = %scan3A_304 to %scan3A_306 step %scan3A_307 iter_args(%scan3A_324 = %broadcast_in_dim3A_303) -> (vector<16xf32>)  : i32 {
        %mul3A_325 = arith.constant 10 : i32
        %mul3A_326 = arith.muli %scan3A_323, %mul3A_325 : i32
        %add3A_327 = arith.constant 0 : i32
        %add3A_328 = arith.addi %mul3A_326, %add3A_327 : i32
        %broadcast_in_dim3A_329 = vector.broadcast %add3A_328 : i32 to vector<16xi32>
        %add3A_330 = arith.constant 0 : i32
        %add3A_331 = arith.addi %mul3A_326, %add3A_330 : i32
        %mul3A_332 = arith.constant 16 : i32
        %mul3A_333 = arith.muli %add3A_331, %mul3A_332 : i32
        %add3A_334 = arith.addi %mul3A_302, %mul3A_333 : i32
        %get3A = arith.index_cast %add3A_334 : i32 to index
        %get3A_335 = tpu.vector_load %arg11[%get3A] {strides = array<i32>} : memref<6400xf32, #tpu.memory_space<vmem>>, vector<16xf32>,
        %gather3A = tpu.vector_load_idx %arg13[%add3A_300, %broadcast_in_dim3A_329] : memref<64x100xf32, #tpu.memory_space<vmem>>[vector<16xi32>, vector<16xi32>], vector<16xf32>,
        %mul3A_336 = arith.mulf %get3A_335, %gather3A : vector<16xf32>
        %add3A_337 = arith.addf %scan3A_324, %mul3A_336 : vector<16xf32>
        %add3A_338 = arith.constant 1 : i32
        %add3A_339 = arith.addi %mul3A_326, %add3A_338 : i32
        %broadcast_in_dim3A_340 = vector.broadcast %add3A_339 : i32 to vector<16xi32>
        %add3A_341 = arith.constant 1 : i32
        %add3A_342 = arith.addi %mul3A_326, %add3A_341 : i32
        %mul3A_343 = arith.constant 16 : i32
        %mul3A_344 = arith.muli %add3A_342, %mul3A_343 : i32
        %add3A_345 = arith.addi %mul3A_302, %mul3A_344 : i32
        %get3A_346 = arith.index_cast %add3A_345 : i32 to index
        %get3A_347 = tpu.vector_load %arg11[%get3A_346] {strides = array<i32>} : memref<6400xf32, #tpu.memory_space<vmem>>, vector<16xf32>,
        %gather3A_348 = tpu.vector_load_idx %arg13[%add3A_300, %broadcast_in_dim3A_340] : memref<64x100xf32, #tpu.memory_space<vmem>>[vector<16xi32>, vector<16xi32>], vector<16xf32>,
        %mul3A_349 = arith.mulf %get3A_347, %gather3A_348 : vector<16xf32>
        %add3A_350 = arith.addf %add3A_337, %mul3A_349 : vector<16xf32>
        %add3A_351 = arith.constant 2 : i32
        %add3A_352 = arith.addi %mul3A_326, %add3A_351 : i32
        %broadcast_in_dim3A_353 = vector.broadcast %add3A_352 : i32 to vector<16xi32>
        %add3A_354 = arith.constant 2 : i32
        %add3A_355 = arith.addi %mul3A_326, %add3A_354 : i32
        %mul3A_356 = arith.constant 16 : i32
        %mul3A_357 = arith.muli %add3A_355, %mul3A_356 : i32
        %add3A_358 = arith.addi %mul3A_302, %mul3A_357 : i32
        %get3A_359 = arith.index_cast %add3A_358 : i32 to index
        %get3A_360 = tpu.vector_load %arg11[%get3A_359] {strides = array<i32>} : memref<6400xf32, #tpu.memory_space<vmem>>, vector<16xf32>,
        %gather3A_361 = tpu.vector_load_idx %arg13[%add3A_300, %broadcast_in_dim3A_353] : memref<64x100xf32, #tpu.memory_space<vmem>>[vector<16xi32>, vector<16xi32>], vector<16xf32>,
        %mul3A_362 = arith.mulf %get3A_360, %gather3A_361 : vector<16xf32>
        %add3A_363 = arith.addf %add3A_350, %mul3A_362 : vector<16xf32>
        %add3A_364 = arith.constant 3 : i32
        %add3A_365 = arith.addi %mul3A_326, %add3A_364 : i32
        %broadcast_in_dim3A_366 = vector.broadcast %add3A_365 : i32 to vector<16xi32>
        %add3A_367 = arith.constant 3 : i32
        %add3A_368 = arith.addi %mul3A_326, %add3A_367 : i32
        %mul3A_369 = arith.constant 16 : i32
        %mul3A_370 = arith.muli %add3A_368, %mul3A_369 : i32
        %add3A_371 = arith.addi %mul3A_302, %mul3A_370 : i32
        %get3A_372 = arith.index_cast %add3A_371 : i32 to index
        %get3A_373 = tpu.vector_load %arg11[%get3A_372] {strides = array<i32>} : memref<6400xf32, #tpu.memory_space<vmem>>, vector<16xf32>,
        %gather3A_374 = tpu.vector_load_idx %arg13[%add3A_300, %broadcast_in_dim3A_366] : memref<64x100xf32, #tpu.memory_space<vmem>>[vector<16xi32>, vector<16xi32>], vector<16xf32>,
        %mul3A_375 = arith.mulf %get3A_373, %gather3A_374 : vector<16xf32>
        %add3A_376 = arith.addf %add3A_363, %mul3A_375 : vector<16xf32>
        %add3A_377 = arith.constant 4 : i32
        %add3A_378 = arith.addi %mul3A_326, %add3A_377 : i32
        %broadcast_in_dim3A_379 = vector.broadcast %add3A_378 : i32 to vector<16xi32>
        %add3A_380 = arith.constant 4 : i32
        %add3A_381 = arith.addi %mul3A_326, %add3A_380 : i32
        %mul3A_382 = arith.constant 16 : i32
        %mul3A_383 = arith.muli %add3A_381, %mul3A_382 : i32
        %add3A_384 = arith.addi %mul3A_302, %mul3A_383 : i32
        %get3A_385 = arith.index_cast %add3A_384 : i32 to index
        %get3A_386 = tpu.vector_load %arg11[%get3A_385] {strides = array<i32>} : memref<6400xf32, #tpu.memory_space<vmem>>, vector<16xf32>,
        %gather3A_387 = tpu.vector_load_idx %arg13[%add3A_300, %broadcast_in_dim3A_379] : memref<64x100xf32, #tpu.memory_space<vmem>>[vector<16xi32>, vector<16xi32>], vector<16xf32>,
        %mul3A_388 = arith.mulf %get3A_386, %gather3A_387 : vector<16xf32>
        %add3A_389 = arith.addf %add3A_376, %mul3A_388 : vector<16xf32>
        %add3A_390 = arith.constant 5 : i32
        %add3A_391 = arith.addi %mul3A_326, %add3A_390 : i32
        %broadcast_in_dim3A_392 = vector.broadcast %add3A_391 : i32 to vector<16xi32>
        %add3A_393 = arith.constant 5 : i32
        %add3A_394 = arith.addi %mul3A_326, %add3A_393 : i32
        %mul3A_395 = arith.constant 16 : i32
        %mul3A_396 = arith.muli %add3A_394, %mul3A_395 : i32
        %add3A_397 = arith.addi %mul3A_302, %mul3A_396 : i32
        %get3A_398 = arith.index_cast %add3A_397 : i32 to index
        %get3A_399 = tpu.vector_load %arg11[%get3A_398] {strides = array<i32>} : memref<6400xf32, #tpu.memory_space<vmem>>, vector<16xf32>,
        %gather3A_400 = tpu.vector_load_idx %arg13[%add3A_300, %broadcast_in_dim3A_392] : memref<64x100xf32, #tpu.memory_space<vmem>>[vector<16xi32>, vector<16xi32>], vector<16xf32>,
        %mul3A_401 = arith.mulf %get3A_399, %gather3A_400 : vector<16xf32>
        %add3A_402 = arith.addf %add3A_389, %mul3A_401 : vector<16xf32>
        %add3A_403 = arith.constant 6 : i32
        %add3A_404 = arith.addi %mul3A_326, %add3A_403 : i32
        %broadcast_in_dim3A_405 = vector.broadcast %add3A_404 : i32 to vector<16xi32>
        %add3A_406 = arith.constant 6 : i32
        %add3A_407 = arith.addi %mul3A_326, %add3A_406 : i32
        %mul3A_408 = arith.constant 16 : i32
        %mul3A_409 = arith.muli %add3A_407, %mul3A_408 : i32
        %add3A_410 = arith.addi %mul3A_302, %mul3A_409 : i32
        %get3A_411 = arith.index_cast %add3A_410 : i32 to index
        %get3A_412 = tpu.vector_load %arg11[%get3A_411] {strides = array<i32>} : memref<6400xf32, #tpu.memory_space<vmem>>, vector<16xf32>,
        %gather3A_413 = tpu.vector_load_idx %arg13[%add3A_300, %broadcast_in_dim3A_405] : memref<64x100xf32, #tpu.memory_space<vmem>>[vector<16xi32>, vector<16xi32>], vector<16xf32>,
        %mul3A_414 = arith.mulf %get3A_412, %gather3A_413 : vector<16xf32>
        %add3A_415 = arith.addf %add3A_402, %mul3A_414 : vector<16xf32>
        %add3A_416 = arith.constant 7 : i32
        %add3A_417 = arith.addi %mul3A_326, %add3A_416 : i32
        %broadcast_in_dim3A_418 = vector.broadcast %add3A_417 : i32 to vector<16xi32>
        %add3A_419 = arith.constant 7 : i32
        %add3A_420 = arith.addi %mul3A_326, %add3A_419 : i32
        %mul3A_421 = arith.constant 16 : i32
        %mul3A_422 = arith.muli %add3A_420, %mul3A_421 : i32
        %add3A_423 = arith.addi %mul3A_302, %mul3A_422 : i32
        %get3A_424 = arith.index_cast %add3A_423 : i32 to index
        %get3A_425 = tpu.vector_load %arg11[%get3A_424] {strides = array<i32>} : memref<6400xf32, #tpu.memory_space<vmem>>, vector<16xf32>,
        %gather3A_426 = tpu.vector_load_idx %arg13[%add3A_300, %broadcast_in_dim3A_418] : memref<64x100xf32, #tpu.memory_space<vmem>>[vector<16xi32>, vector<16xi32>], vector<16xf32>,
        %mul3A_427 = arith.mulf %get3A_425, %gather3A_426 : vector<16xf32>
        %add3A_428 = arith.addf %add3A_415, %mul3A_427 : vector<16xf32>
        %add3A_429 = arith.constant 8 : i32
        %add3A_430 = arith.addi %mul3A_326, %add3A_429 : i32
        %broadcast_in_dim3A_431 = vector.broadcast %add3A_430 : i32 to vector<16xi32>
        %add3A_432 = arith.constant 8 : i32
        %add3A_433 = arith.addi %mul3A_326, %add3A_432 : i32
        %mul3A_434 = arith.constant 16 : i32
        %mul3A_435 = arith.muli %add3A_433, %mul3A_434 : i32
        %add3A_436 = arith.addi %mul3A_302, %mul3A_435 : i32
        %get3A_437 = arith.index_cast %add3A_436 : i32 to index
        %get3A_438 = tpu.vector_load %arg11[%get3A_437] {strides = array<i32>} : memref<6400xf32, #tpu.memory_space<vmem>>, vector<16xf32>,
        %gather3A_439 = tpu.vector_load_idx %arg13[%add3A_300, %broadcast_in_dim3A_431] : memref<64x100xf32, #tpu.memory_space<vmem>>[vector<16xi32>, vector<16xi32>], vector<16xf32>,
        %mul3A_440 = arith.mulf %get3A_438, %gather3A_439 : vector<16xf32>
        %add3A_441 = arith.addf %add3A_428, %mul3A_440 : vector<16xf32>
        %add3A_442 = arith.constant 9 : i32
        %add3A_443 = arith.addi %mul3A_326, %add3A_442 : i32
        %broadcast_in_dim3A_444 = vector.broadcast %add3A_443 : i32 to vector<16xi32>
        %add3A_445 = arith.constant 9 : i32
        %add3A_446 = arith.addi %mul3A_326, %add3A_445 : i32
        %mul3A_447 = arith.constant 16 : i32
        %mul3A_448 = arith.muli %add3A_446, %mul3A_447 : i32
        %add3A_449 = arith.addi %mul3A_302, %mul3A_448 : i32
        %get3A_450 = arith.index_cast %add3A_449 : i32 to index
        %get3A_451 = tpu.vector_load %arg11[%get3A_450] {strides = array<i32>} : memref<6400xf32, #tpu.memory_space<vmem>>, vector<16xf32>,
        %gather3A_452 = tpu.vector_load_idx %arg13[%add3A_300, %broadcast_in_dim3A_444] : memref<64x100xf32, #tpu.memory_space<vmem>>[vector<16xi32>, vector<16xi32>], vector<16xf32>,
        %mul3A_453 = arith.mulf %get3A_451, %gather3A_452 : vector<16xf32>
        %add3A_454 = arith.addf %add3A_441, %mul3A_453 : vector<16xf32>
        scf.yield %add3A_454 : vector<16xf32>
      }
      %scan3A_309 = arith.constant 10 : i32
      %neg3A = arith.constant 0.000000e+00 : f32
      %neg3A_310 = vector.broadcast %neg3A : f32 to vector<16xf32>
      %neg3A_311 = arith.subf %neg3A_310, %scan3A_308 : vector<16xf32>
      %exp3A = math.exp %neg3A_311 : vector<16xf32>
      %add3A_312 = arith.constant 1.000000e+00 : f32
      %add3A_313 = vector.broadcast %add3A_312 : f32 to vector<16xf32>
      %add3A_314 = arith.addf %add3A_313, %exp3A : vector<16xf32>
      %div3A = arith.constant 1.000000e+00 : f32
      %div3A_315 = vector.broadcast %div3A : f32 to vector<16xf32>
      %div3A_316 = arith.divf %div3A_315, %add3A_314 : vector<16xf32>
      %mul3A_317 = arith.constant 16 : i32
      %mul3A_318 = arith.muli %scan3A_295, %mul3A_317 : i32
      %add3A_319 = arith.constant 256 : i32
      %add3A_320 = arith.addi %add3A_319, %mul3A_318 : i32
      %swap3A = arith.index_cast %add3A_320 : i32 to index
      %swap3A_321 = tpu.vector_load %arg15[%swap3A] {strides = array<i32>} : memref<512xf32, #tpu.memory_space<vmem>>, vector<16xf32>,
      tpu.vector_store %arg15[%swap3A], %div3A_316 {strides = array<i32>} : memref<512xf32, #tpu.memory_space<vmem>>, vector<16xf32>,
      %scan3A_322 = arith.constant 0 : i32
      scf.yield %scan3A_322 : i32
    }
    %scan3A_213 = arith.constant 4 : i32
    %add3A_214 = arith.constant 384 : i32
    %add3A_215 = arith.addi %mul3A_2, %add3A_214 : i32
    %dma_start3A_216 = arith.constant 0 : i32
    %dma_start3A_217 = tpu.memref_slice %arg2[%add3A_215, %dma_start3A_216] : memref<16384x100xi32, #tpu.memory_space<hbm>> -> memref<64x100xi32, #tpu.memory_space<hbm>>
    %dma_start3A_218 = arith.constant 0 : i32
    %dma_start3A_219 = tpu.memref_slice %arg2[%add3A_215, %dma_start3A_218] : memref<16384x100xi32, #tpu.memory_space<hbm>> -> memref<64x100xi32, #tpu.memory_space<hbm>>
    tpu.enqueue_dma source(%dma_start3A_219 : memref<64x100xi32, #tpu.memory_space<hbm>>) target(%arg7 : memref<64x100xi32, #tpu.memory_space<vmem>>) target_semaphore(%arg17 : memref<!tpu.dma_semaphore, #tpu.memory_space<semaphore_mem>>)
    %dma_start3A_220 = arith.constant 0 : i32
    %dma_start3A_221 = tpu.memref_slice %arg3[%add3A_215, %dma_start3A_220] : memref<16384x100xf32, #tpu.memory_space<hbm>> -> memref<64x100xf32, #tpu.memory_space<hbm>>
    %dma_start3A_222 = arith.constant 0 : i32
    %dma_start3A_223 = tpu.memref_slice %arg3[%add3A_215, %dma_start3A_222] : memref<16384x100xf32, #tpu.memory_space<hbm>> -> memref<64x100xf32, #tpu.memory_space<hbm>>
    tpu.enqueue_dma source(%dma_start3A_223 : memref<64x100xf32, #tpu.memory_space<hbm>>) target(%arg13 : memref<64x100xf32, #tpu.memory_space<vmem>>) target_semaphore(%arg17 : memref<!tpu.dma_semaphore, #tpu.memory_space<semaphore_mem>>)
    %dma_wait3A_224 = arith.constant 0 : i32
    %dma_wait3A_225 = tpu.memref_slice %arg2[%add3A_215, %dma_wait3A_224] : memref<16384x100xi32, #tpu.memory_space<hbm>> -> memref<64x100xi32, #tpu.memory_space<hbm>>
    %dma_wait3A_226 = arith.constant 0 : i32
    %dma_wait3A_227 = tpu.memref_slice %arg2[%add3A_215, %dma_wait3A_226] : memref<16384x100xi32, #tpu.memory_space<hbm>> -> memref<64x100xi32, #tpu.memory_space<hbm>>
    tpu.wait_dma2 semaphore(%arg17 : memref<!tpu.dma_semaphore, #tpu.memory_space<semaphore_mem>>) src(%dma_wait3A_227 : memref<64x100xi32, #tpu.memory_space<hbm>>) dst(%arg7 : memref<64x100xi32, #tpu.memory_space<vmem>>)
    %dma_wait3A_228 = arith.constant 0 : i32
    %dma_wait3A_229 = tpu.memref_slice %arg3[%add3A_215, %dma_wait3A_228] : memref<16384x100xf32, #tpu.memory_space<hbm>> -> memref<64x100xf32, #tpu.memory_space<hbm>>
    %dma_wait3A_230 = arith.constant 0 : i32
    %dma_wait3A_231 = tpu.memref_slice %arg3[%add3A_215, %dma_wait3A_230] : memref<16384x100xf32, #tpu.memory_space<hbm>> -> memref<64x100xf32, #tpu.memory_space<hbm>>
    tpu.wait_dma2 semaphore(%arg17 : memref<!tpu.dma_semaphore, #tpu.memory_space<semaphore_mem>>) src(%dma_wait3A_231 : memref<64x100xf32, #tpu.memory_space<hbm>>) dst(%arg13 : memref<64x100xf32, #tpu.memory_space<vmem>>)
    %scan3A_232 = arith.constant 0 : i32
    %scan3A_233 = arith.constant 0 : i32
    %scan3A_234 = arith.constant 4 : i32
    %scan3A_235 = arith.addi %scan3A_233, %scan3A_234 : i32
    %scan3A_236 = arith.constant 1 : i32
    %scan3A_237 = scf.for %scan3A_295 = %scan3A_233 to %scan3A_235 step %scan3A_236 iter_args(%scan3A_296 = %scan3A_232) -> (i32)  : i32 {
      %mul3A_297 = arith.constant 16 : i32
      %mul3A_298 = arith.muli %scan3A_295, %mul3A_297 : i32
      %add3A_299 = vector.broadcast %mul3A_298 : i32 to vector<16xi32>
      %add3A_300 = arith.addi %add3A_299, %iota3A : vector<16xi32>
      %scan3A_301 = arith.constant 0 : i32
      %scan3A_302 = arith.constant 0 : i32
      %scan3A_303 = arith.constant 10 : i32
      %scan3A_304 = arith.addi %scan3A_302, %scan3A_303 : i32
      %scan3A_305 = arith.constant 1 : i32
      %scan3A_306 = scf.for %scan3A_309 = %scan3A_302 to %scan3A_304 step %scan3A_305 iter_args(%scan3A_310 = %scan3A_301) -> (i32)  : i32 {
        %mul3A_311 = arith.constant 10 : i32
        %mul3A_312 = arith.muli %scan3A_309, %mul3A_311 : i32
        %add3A_313 = arith.constant 0 : i32
        %add3A_314 = arith.addi %mul3A_312, %add3A_313 : i32
        %broadcast_in_dim3A = vector.broadcast %add3A_314 : i32 to vector<16xi32>
        %gather3A = tpu.vector_load_idx %arg7[%add3A_300, %broadcast_in_dim3A] : memref<64x100xi32, #tpu.memory_space<vmem>>[vector<16xi32>, vector<16xi32>], vector<16xi32>,
        %mul3A_315 = arith.constant 1600 : i32
        %mul3A_316 = arith.muli %scan3A_295, %mul3A_315 : i32
        %add3A_317 = arith.constant 0 : i32
        %add3A_318 = arith.addi %mul3A_312, %add3A_317 : i32
        %mul3A_319 = arith.constant 16 : i32
        %mul3A_320 = arith.muli %add3A_318, %mul3A_319 : i32
        %add3A_321 = arith.addi %mul3A_316, %mul3A_320 : i32
        %swap3A = arith.index_cast %add3A_321 : i32 to index
        %swap3A_322 = tpu.vector_load %arg9[%swap3A] {strides = array<i32>} : memref<6400xi32, #tpu.memory_space<vmem>>, vector<16xi32>,
        tpu.vector_store %arg9[%swap3A], %gather3A {strides = array<i32>} : memref<6400xi32, #tpu.memory_space<vmem>>, vector<16xi32>,
        %add3A_323 = arith.constant 1 : i32
        %add3A_324 = arith.addi %mul3A_312, %add3A_323 : i32
        %broadcast_in_dim3A_325 = vector.broadcast %add3A_324 : i32 to vector<16xi32>
        %gather3A_326 = tpu.vector_load_idx %arg7[%add3A_300, %broadcast_in_dim3A_325] : memref<64x100xi32, #tpu.memory_space<vmem>>[vector<16xi32>, vector<16xi32>], vector<16xi32>,
        %mul3A_327 = arith.constant 1600 : i32
        %mul3A_328 = arith.muli %scan3A_295, %mul3A_327 : i32
        %add3A_329 = arith.constant 1 : i32
        %add3A_330 = arith.addi %mul3A_312, %add3A_329 : i32
        %mul3A_331 = arith.constant 16 : i32
        %mul3A_332 = arith.muli %add3A_330, %mul3A_331 : i32
        %add3A_333 = arith.addi %mul3A_328, %mul3A_332 : i32
        %swap3A_334 = arith.index_cast %add3A_333 : i32 to index
        %swap3A_335 = tpu.vector_load %arg9[%swap3A_334] {strides = array<i32>} : memref<6400xi32, #tpu.memory_space<vmem>>, vector<16xi32>,
        tpu.vector_store %arg9[%swap3A_334], %gather3A_326 {strides = array<i32>} : memref<6400xi32, #tpu.memory_space<vmem>>, vector<16xi32>,
        %add3A_336 = arith.constant 2 : i32
        %add3A_337 = arith.addi %mul3A_312, %add3A_336 : i32
        %broadcast_in_dim3A_338 = vector.broadcast %add3A_337 : i32 to vector<16xi32>
        %gather3A_339 = tpu.vector_load_idx %arg7[%add3A_300, %broadcast_in_dim3A_338] : memref<64x100xi32, #tpu.memory_space<vmem>>[vector<16xi32>, vector<16xi32>], vector<16xi32>,
        %mul3A_340 = arith.constant 1600 : i32
        %mul3A_341 = arith.muli %scan3A_295, %mul3A_340 : i32
        %add3A_342 = arith.constant 2 : i32
        %add3A_343 = arith.addi %mul3A_312, %add3A_342 : i32
        %mul3A_344 = arith.constant 16 : i32
        %mul3A_345 = arith.muli %add3A_343, %mul3A_344 : i32
        %add3A_346 = arith.addi %mul3A_341, %mul3A_345 : i32
        %swap3A_347 = arith.index_cast %add3A_346 : i32 to index
        %swap3A_348 = tpu.vector_load %arg9[%swap3A_347] {strides = array<i32>} : memref<6400xi32, #tpu.memory_space<vmem>>, vector<16xi32>,
        tpu.vector_store %arg9[%swap3A_347], %gather3A_339 {strides = array<i32>} : memref<6400xi32, #tpu.memory_space<vmem>>, vector<16xi32>,
        %add3A_349 = arith.constant 3 : i32
        %add3A_350 = arith.addi %mul3A_312, %add3A_349 : i32
        %broadcast_in_dim3A_351 = vector.broadcast %add3A_350 : i32 to vector<16xi32>
        %gather3A_352 = tpu.vector_load_idx %arg7[%add3A_300, %broadcast_in_dim3A_351] : memref<64x100xi32, #tpu.memory_space<vmem>>[vector<16xi32>, vector<16xi32>], vector<16xi32>,
        %mul3A_353 = arith.constant 1600 : i32
        %mul3A_354 = arith.muli %scan3A_295, %mul3A_353 : i32
        %add3A_355 = arith.constant 3 : i32
        %add3A_356 = arith.addi %mul3A_312, %add3A_355 : i32
        %mul3A_357 = arith.constant 16 : i32
        %mul3A_358 = arith.muli %add3A_356, %mul3A_357 : i32
        %add3A_359 = arith.addi %mul3A_354, %mul3A_358 : i32
        %swap3A_360 = arith.index_cast %add3A_359 : i32 to index
        %swap3A_361 = tpu.vector_load %arg9[%swap3A_360] {strides = array<i32>} : memref<6400xi32, #tpu.memory_space<vmem>>, vector<16xi32>,
        tpu.vector_store %arg9[%swap3A_360], %gather3A_352 {strides = array<i32>} : memref<6400xi32, #tpu.memory_space<vmem>>, vector<16xi32>,
        %add3A_362 = arith.constant 4 : i32
        %add3A_363 = arith.addi %mul3A_312, %add3A_362 : i32
        %broadcast_in_dim3A_364 = vector.broadcast %add3A_363 : i32 to vector<16xi32>
        %gather3A_365 = tpu.vector_load_idx %arg7[%add3A_300, %broadcast_in_dim3A_364] : memref<64x100xi32, #tpu.memory_space<vmem>>[vector<16xi32>, vector<16xi32>], vector<16xi32>,
        %mul3A_366 = arith.constant 1600 : i32
        %mul3A_367 = arith.muli %scan3A_295, %mul3A_366 : i32
        %add3A_368 = arith.constant 4 : i32
        %add3A_369 = arith.addi %mul3A_312, %add3A_368 : i32
        %mul3A_370 = arith.constant 16 : i32
        %mul3A_371 = arith.muli %add3A_369, %mul3A_370 : i32
        %add3A_372 = arith.addi %mul3A_367, %mul3A_371 : i32
        %swap3A_373 = arith.index_cast %add3A_372 : i32 to index
        %swap3A_374 = tpu.vector_load %arg9[%swap3A_373] {strides = array<i32>} : memref<6400xi32, #tpu.memory_space<vmem>>, vector<16xi32>,
        tpu.vector_store %arg9[%swap3A_373], %gather3A_365 {strides = array<i32>} : memref<6400xi32, #tpu.memory_space<vmem>>, vector<16xi32>,
        %add3A_375 = arith.constant 5 : i32
        %add3A_376 = arith.addi %mul3A_312, %add3A_375 : i32
        %broadcast_in_dim3A_377 = vector.broadcast %add3A_376 : i32 to vector<16xi32>
        %gather3A_378 = tpu.vector_load_idx %arg7[%add3A_300, %broadcast_in_dim3A_377] : memref<64x100xi32, #tpu.memory_space<vmem>>[vector<16xi32>, vector<16xi32>], vector<16xi32>,
        %mul3A_379 = arith.constant 1600 : i32
        %mul3A_380 = arith.muli %scan3A_295, %mul3A_379 : i32
        %add3A_381 = arith.constant 5 : i32
        %add3A_382 = arith.addi %mul3A_312, %add3A_381 : i32
        %mul3A_383 = arith.constant 16 : i32
        %mul3A_384 = arith.muli %add3A_382, %mul3A_383 : i32
        %add3A_385 = arith.addi %mul3A_380, %mul3A_384 : i32
        %swap3A_386 = arith.index_cast %add3A_385 : i32 to index
        %swap3A_387 = tpu.vector_load %arg9[%swap3A_386] {strides = array<i32>} : memref<6400xi32, #tpu.memory_space<vmem>>, vector<16xi32>,
        tpu.vector_store %arg9[%swap3A_386], %gather3A_378 {strides = array<i32>} : memref<6400xi32, #tpu.memory_space<vmem>>, vector<16xi32>,
        %add3A_388 = arith.constant 6 : i32
        %add3A_389 = arith.addi %mul3A_312, %add3A_388 : i32
        %broadcast_in_dim3A_390 = vector.broadcast %add3A_389 : i32 to vector<16xi32>
        %gather3A_391 = tpu.vector_load_idx %arg7[%add3A_300, %broadcast_in_dim3A_390] : memref<64x100xi32, #tpu.memory_space<vmem>>[vector<16xi32>, vector<16xi32>], vector<16xi32>,
        %mul3A_392 = arith.constant 1600 : i32
        %mul3A_393 = arith.muli %scan3A_295, %mul3A_392 : i32
        %add3A_394 = arith.constant 6 : i32
        %add3A_395 = arith.addi %mul3A_312, %add3A_394 : i32
        %mul3A_396 = arith.constant 16 : i32
        %mul3A_397 = arith.muli %add3A_395, %mul3A_396 : i32
        %add3A_398 = arith.addi %mul3A_393, %mul3A_397 : i32
        %swap3A_399 = arith.index_cast %add3A_398 : i32 to index
        %swap3A_400 = tpu.vector_load %arg9[%swap3A_399] {strides = array<i32>} : memref<6400xi32, #tpu.memory_space<vmem>>, vector<16xi32>,
        tpu.vector_store %arg9[%swap3A_399], %gather3A_391 {strides = array<i32>} : memref<6400xi32, #tpu.memory_space<vmem>>, vector<16xi32>,
        %add3A_401 = arith.constant 7 : i32
        %add3A_402 = arith.addi %mul3A_312, %add3A_401 : i32
        %broadcast_in_dim3A_403 = vector.broadcast %add3A_402 : i32 to vector<16xi32>
        %gather3A_404 = tpu.vector_load_idx %arg7[%add3A_300, %broadcast_in_dim3A_403] : memref<64x100xi32, #tpu.memory_space<vmem>>[vector<16xi32>, vector<16xi32>], vector<16xi32>,
        %mul3A_405 = arith.constant 1600 : i32
        %mul3A_406 = arith.muli %scan3A_295, %mul3A_405 : i32
        %add3A_407 = arith.constant 7 : i32
        %add3A_408 = arith.addi %mul3A_312, %add3A_407 : i32
        %mul3A_409 = arith.constant 16 : i32
        %mul3A_410 = arith.muli %add3A_408, %mul3A_409 : i32
        %add3A_411 = arith.addi %mul3A_406, %mul3A_410 : i32
        %swap3A_412 = arith.index_cast %add3A_411 : i32 to index
        %swap3A_413 = tpu.vector_load %arg9[%swap3A_412] {strides = array<i32>} : memref<6400xi32, #tpu.memory_space<vmem>>, vector<16xi32>,
        tpu.vector_store %arg9[%swap3A_412], %gather3A_404 {strides = array<i32>} : memref<6400xi32, #tpu.memory_space<vmem>>, vector<16xi32>,
        %add3A_414 = arith.constant 8 : i32
        %add3A_415 = arith.addi %mul3A_312, %add3A_414 : i32
        %broadcast_in_dim3A_416 = vector.broadcast %add3A_415 : i32 to vector<16xi32>
        %gather3A_417 = tpu.vector_load_idx %arg7[%add3A_300, %broadcast_in_dim3A_416] : memref<64x100xi32, #tpu.memory_space<vmem>>[vector<16xi32>, vector<16xi32>], vector<16xi32>,
        %mul3A_418 = arith.constant 1600 : i32
        %mul3A_419 = arith.muli %scan3A_295, %mul3A_418 : i32
        %add3A_420 = arith.constant 8 : i32
        %add3A_421 = arith.addi %mul3A_312, %add3A_420 : i32
        %mul3A_422 = arith.constant 16 : i32
        %mul3A_423 = arith.muli %add3A_421, %mul3A_422 : i32
        %add3A_424 = arith.addi %mul3A_419, %mul3A_423 : i32
        %swap3A_425 = arith.index_cast %add3A_424 : i32 to index
        %swap3A_426 = tpu.vector_load %arg9[%swap3A_425] {strides = array<i32>} : memref<6400xi32, #tpu.memory_space<vmem>>, vector<16xi32>,
        tpu.vector_store %arg9[%swap3A_425], %gather3A_417 {strides = array<i32>} : memref<6400xi32, #tpu.memory_space<vmem>>, vector<16xi32>,
        %add3A_427 = arith.constant 9 : i32
        %add3A_428 = arith.addi %mul3A_312, %add3A_427 : i32
        %broadcast_in_dim3A_429 = vector.broadcast %add3A_428 : i32 to vector<16xi32>
        %gather3A_430 = tpu.vector_load_idx %arg7[%add3A_300, %broadcast_in_dim3A_429] : memref<64x100xi32, #tpu.memory_space<vmem>>[vector<16xi32>, vector<16xi32>], vector<16xi32>,
        %mul3A_431 = arith.constant 1600 : i32
        %mul3A_432 = arith.muli %scan3A_295, %mul3A_431 : i32
        %add3A_433 = arith.constant 9 : i32
        %add3A_434 = arith.addi %mul3A_312, %add3A_433 : i32
        %mul3A_435 = arith.constant 16 : i32
        %mul3A_436 = arith.muli %add3A_434, %mul3A_435 : i32
        %add3A_437 = arith.addi %mul3A_432, %mul3A_436 : i32
        %swap3A_438 = arith.index_cast %add3A_437 : i32 to index
        %swap3A_439 = tpu.vector_load %arg9[%swap3A_438] {strides = array<i32>} : memref<6400xi32, #tpu.memory_space<vmem>>, vector<16xi32>,
        tpu.vector_store %arg9[%swap3A_438], %gather3A_430 {strides = array<i32>} : memref<6400xi32, #tpu.memory_space<vmem>>, vector<16xi32>,
        %scan3A_440 = arith.constant 0 : i32
        scf.yield %scan3A_440 : i32
      }
      %scan3A_307 = arith.constant 10 : i32
      %scan3A_308 = arith.constant 0 : i32
      scf.yield %scan3A_308 : i32
    }
    %scan3A_238 = arith.constant 4 : i32
    %dma_start3A_239 = arith.constant 0 : i32
    %dma_start3A_240 = tpu.memref_slice %arg6[%dma_start3A_239] : memref<1000000xf32, #tpu.memory_space<vmem_shared>> -> memref<1000000xf32, #tpu.memory_space<vmem_shared>>
    tpu.enqueue_indirect_dma source(%dma_start3A_240 : memref<1000000xf32, #tpu.memory_space<vmem_shared>>) target(%arg11 : memref<6400xf32, #tpu.memory_space<vmem>>) offsets(%arg9 : memref<6400xi32, #tpu.memory_space<vmem>>) semaphore(%arg21 : memref<!tpu.dma_semaphore, #tpu.memory_space<semaphore_mem>>)
    %dma_wait3A_241 = arith.constant 0 : i32
    %dma_wait3A_242 = tpu.memref_slice %arg6[%dma_wait3A_241] : memref<1000000xf32, #tpu.memory_space<vmem_shared>> -> memref<1000000xf32, #tpu.memory_space<vmem_shared>>
    tpu.wait_indirect_dma semaphore(%arg22 : memref<!tpu.dma_semaphore, #tpu.memory_space<semaphore_mem>>) src(%dma_wait3A_242 : memref<1000000xf32, #tpu.memory_space<vmem_shared>>) dst(%arg12 : memref<6400xf32, #tpu.memory_space<vmem>>)
    %scan3A_243 = arith.constant 0 : i32
    %scan3A_244 = arith.constant 0 : i32
    %scan3A_245 = arith.constant 4 : i32
    %scan3A_246 = arith.addi %scan3A_244, %scan3A_245 : i32
    %scan3A_247 = arith.constant 1 : i32
    %scan3A_248 = scf.for %scan3A_295 = %scan3A_244 to %scan3A_246 step %scan3A_247 iter_args(%scan3A_296 = %scan3A_243) -> (i32)  : i32 {
      %mul3A_297 = arith.constant 16 : i32
      %mul3A_298 = arith.muli %scan3A_295, %mul3A_297 : i32
      %add3A_299 = vector.broadcast %mul3A_298 : i32 to vector<16xi32>
      %add3A_300 = arith.addi %add3A_299, %iota3A : vector<16xi32>
      %mul3A_301 = arith.constant 1600 : i32
      %mul3A_302 = arith.muli %scan3A_295, %mul3A_301 : i32
      %broadcast_in_dim3A = arith.constant 0.000000e+00 : f32
      %broadcast_in_dim3A_303 = vector.broadcast %broadcast_in_dim3A : f32 to vector<16xf32>
      %scan3A_304 = arith.constant 0 : i32
      %scan3A_305 = arith.constant 10 : i32
      %scan3A_306 = arith.addi %scan3A_304, %scan3A_305 : i32
      %scan3A_307 = arith.constant 1 : i32
      %scan3A_308 = scf.for %scan3A_323 = %scan3A_304 to %scan3A_306 step %scan3A_307 iter_args(%scan3A_324 = %broadcast_in_dim3A_303) -> (vector<16xf32>)  : i32 {
        %mul3A_325 = arith.constant 10 : i32
        %mul3A_326 = arith.muli %scan3A_323, %mul3A_325 : i32
        %add3A_327 = arith.constant 0 : i32
        %add3A_328 = arith.addi %mul3A_326, %add3A_327 : i32
        %broadcast_in_dim3A_329 = vector.broadcast %add3A_328 : i32 to vector<16xi32>
        %add3A_330 = arith.constant 0 : i32
        %add3A_331 = arith.addi %mul3A_326, %add3A_330 : i32
        %mul3A_332 = arith.constant 16 : i32
        %mul3A_333 = arith.muli %add3A_331, %mul3A_332 : i32
        %add3A_334 = arith.addi %mul3A_302, %mul3A_333 : i32
        %get3A = arith.index_cast %add3A_334 : i32 to index
        %get3A_335 = tpu.vector_load %arg12[%get3A] {strides = array<i32>} : memref<6400xf32, #tpu.memory_space<vmem>>, vector<16xf32>,
        %gather3A = tpu.vector_load_idx %arg14[%add3A_300, %broadcast_in_dim3A_329] : memref<64x100xf32, #tpu.memory_space<vmem>>[vector<16xi32>, vector<16xi32>], vector<16xf32>,
        %mul3A_336 = arith.mulf %get3A_335, %gather3A : vector<16xf32>
        %add3A_337 = arith.addf %scan3A_324, %mul3A_336 : vector<16xf32>
        %add3A_338 = arith.constant 1 : i32
        %add3A_339 = arith.addi %mul3A_326, %add3A_338 : i32
        %broadcast_in_dim3A_340 = vector.broadcast %add3A_339 : i32 to vector<16xi32>
        %add3A_341 = arith.constant 1 : i32
        %add3A_342 = arith.addi %mul3A_326, %add3A_341 : i32
        %mul3A_343 = arith.constant 16 : i32
        %mul3A_344 = arith.muli %add3A_342, %mul3A_343 : i32
        %add3A_345 = arith.addi %mul3A_302, %mul3A_344 : i32
        %get3A_346 = arith.index_cast %add3A_345 : i32 to index
        %get3A_347 = tpu.vector_load %arg12[%get3A_346] {strides = array<i32>} : memref<6400xf32, #tpu.memory_space<vmem>>, vector<16xf32>,
        %gather3A_348 = tpu.vector_load_idx %arg14[%add3A_300, %broadcast_in_dim3A_340] : memref<64x100xf32, #tpu.memory_space<vmem>>[vector<16xi32>, vector<16xi32>], vector<16xf32>,
        %mul3A_349 = arith.mulf %get3A_347, %gather3A_348 : vector<16xf32>
        %add3A_350 = arith.addf %add3A_337, %mul3A_349 : vector<16xf32>
        %add3A_351 = arith.constant 2 : i32
        %add3A_352 = arith.addi %mul3A_326, %add3A_351 : i32
        %broadcast_in_dim3A_353 = vector.broadcast %add3A_352 : i32 to vector<16xi32>
        %add3A_354 = arith.constant 2 : i32
        %add3A_355 = arith.addi %mul3A_326, %add3A_354 : i32
        %mul3A_356 = arith.constant 16 : i32
        %mul3A_357 = arith.muli %add3A_355, %mul3A_356 : i32
        %add3A_358 = arith.addi %mul3A_302, %mul3A_357 : i32
        %get3A_359 = arith.index_cast %add3A_358 : i32 to index
        %get3A_360 = tpu.vector_load %arg12[%get3A_359] {strides = array<i32>} : memref<6400xf32, #tpu.memory_space<vmem>>, vector<16xf32>,
        %gather3A_361 = tpu.vector_load_idx %arg14[%add3A_300, %broadcast_in_dim3A_353] : memref<64x100xf32, #tpu.memory_space<vmem>>[vector<16xi32>, vector<16xi32>], vector<16xf32>,
        %mul3A_362 = arith.mulf %get3A_360, %gather3A_361 : vector<16xf32>
        %add3A_363 = arith.addf %add3A_350, %mul3A_362 : vector<16xf32>
        %add3A_364 = arith.constant 3 : i32
        %add3A_365 = arith.addi %mul3A_326, %add3A_364 : i32
        %broadcast_in_dim3A_366 = vector.broadcast %add3A_365 : i32 to vector<16xi32>
        %add3A_367 = arith.constant 3 : i32
        %add3A_368 = arith.addi %mul3A_326, %add3A_367 : i32
        %mul3A_369 = arith.constant 16 : i32
        %mul3A_370 = arith.muli %add3A_368, %mul3A_369 : i32
        %add3A_371 = arith.addi %mul3A_302, %mul3A_370 : i32
        %get3A_372 = arith.index_cast %add3A_371 : i32 to index
        %get3A_373 = tpu.vector_load %arg12[%get3A_372] {strides = array<i32>} : memref<6400xf32, #tpu.memory_space<vmem>>, vector<16xf32>,
        %gather3A_374 = tpu.vector_load_idx %arg14[%add3A_300, %broadcast_in_dim3A_366] : memref<64x100xf32, #tpu.memory_space<vmem>>[vector<16xi32>, vector<16xi32>], vector<16xf32>,
        %mul3A_375 = arith.mulf %get3A_373, %gather3A_374 : vector<16xf32>
        %add3A_376 = arith.addf %add3A_363, %mul3A_375 : vector<16xf32>
        %add3A_377 = arith.constant 4 : i32
        %add3A_378 = arith.addi %mul3A_326, %add3A_377 : i32
        %broadcast_in_dim3A_379 = vector.broadcast %add3A_378 : i32 to vector<16xi32>
        %add3A_380 = arith.constant 4 : i32
        %add3A_381 = arith.addi %mul3A_326, %add3A_380 : i32
        %mul3A_382 = arith.constant 16 : i32
        %mul3A_383 = arith.muli %add3A_381, %mul3A_382 : i32
        %add3A_384 = arith.addi %mul3A_302, %mul3A_383 : i32
        %get3A_385 = arith.index_cast %add3A_384 : i32 to index
        %get3A_386 = tpu.vector_load %arg12[%get3A_385] {strides = array<i32>} : memref<6400xf32, #tpu.memory_space<vmem>>, vector<16xf32>,
        %gather3A_387 = tpu.vector_load_idx %arg14[%add3A_300, %broadcast_in_dim3A_379] : memref<64x100xf32, #tpu.memory_space<vmem>>[vector<16xi32>, vector<16xi32>], vector<16xf32>,
        %mul3A_388 = arith.mulf %get3A_386, %gather3A_387 : vector<16xf32>
        %add3A_389 = arith.addf %add3A_376, %mul3A_388 : vector<16xf32>
        %add3A_390 = arith.constant 5 : i32
        %add3A_391 = arith.addi %mul3A_326, %add3A_390 : i32
        %broadcast_in_dim3A_392 = vector.broadcast %add3A_391 : i32 to vector<16xi32>
        %add3A_393 = arith.constant 5 : i32
        %add3A_394 = arith.addi %mul3A_326, %add3A_393 : i32
        %mul3A_395 = arith.constant 16 : i32
        %mul3A_396 = arith.muli %add3A_394, %mul3A_395 : i32
        %add3A_397 = arith.addi %mul3A_302, %mul3A_396 : i32
        %get3A_398 = arith.index_cast %add3A_397 : i32 to index
        %get3A_399 = tpu.vector_load %arg12[%get3A_398] {strides = array<i32>} : memref<6400xf32, #tpu.memory_space<vmem>>, vector<16xf32>,
        %gather3A_400 = tpu.vector_load_idx %arg14[%add3A_300, %broadcast_in_dim3A_392] : memref<64x100xf32, #tpu.memory_space<vmem>>[vector<16xi32>, vector<16xi32>], vector<16xf32>,
        %mul3A_401 = arith.mulf %get3A_399, %gather3A_400 : vector<16xf32>
        %add3A_402 = arith.addf %add3A_389, %mul3A_401 : vector<16xf32>
        %add3A_403 = arith.constant 6 : i32
        %add3A_404 = arith.addi %mul3A_326, %add3A_403 : i32
        %broadcast_in_dim3A_405 = vector.broadcast %add3A_404 : i32 to vector<16xi32>
        %add3A_406 = arith.constant 6 : i32
        %add3A_407 = arith.addi %mul3A_326, %add3A_406 : i32
        %mul3A_408 = arith.constant 16 : i32
        %mul3A_409 = arith.muli %add3A_407, %mul3A_408 : i32
        %add3A_410 = arith.addi %mul3A_302, %mul3A_409 : i32
        %get3A_411 = arith.index_cast %add3A_410 : i32 to index
        %get3A_412 = tpu.vector_load %arg12[%get3A_411] {strides = array<i32>} : memref<6400xf32, #tpu.memory_space<vmem>>, vector<16xf32>,
        %gather3A_413 = tpu.vector_load_idx %arg14[%add3A_300, %broadcast_in_dim3A_405] : memref<64x100xf32, #tpu.memory_space<vmem>>[vector<16xi32>, vector<16xi32>], vector<16xf32>,
        %mul3A_414 = arith.mulf %get3A_412, %gather3A_413 : vector<16xf32>
        %add3A_415 = arith.addf %add3A_402, %mul3A_414 : vector<16xf32>
        %add3A_416 = arith.constant 7 : i32
        %add3A_417 = arith.addi %mul3A_326, %add3A_416 : i32
        %broadcast_in_dim3A_418 = vector.broadcast %add3A_417 : i32 to vector<16xi32>
        %add3A_419 = arith.constant 7 : i32
        %add3A_420 = arith.addi %mul3A_326, %add3A_419 : i32
        %mul3A_421 = arith.constant 16 : i32
        %mul3A_422 = arith.muli %add3A_420, %mul3A_421 : i32
        %add3A_423 = arith.addi %mul3A_302, %mul3A_422 : i32
        %get3A_424 = arith.index_cast %add3A_423 : i32 to index
        %get3A_425 = tpu.vector_load %arg12[%get3A_424] {strides = array<i32>} : memref<6400xf32, #tpu.memory_space<vmem>>, vector<16xf32>,
        %gather3A_426 = tpu.vector_load_idx %arg14[%add3A_300, %broadcast_in_dim3A_418] : memref<64x100xf32, #tpu.memory_space<vmem>>[vector<16xi32>, vector<16xi32>], vector<16xf32>,
        %mul3A_427 = arith.mulf %get3A_425, %gather3A_426 : vector<16xf32>
        %add3A_428 = arith.addf %add3A_415, %mul3A_427 : vector<16xf32>
        %add3A_429 = arith.constant 8 : i32
        %add3A_430 = arith.addi %mul3A_326, %add3A_429 : i32
        %broadcast_in_dim3A_431 = vector.broadcast %add3A_430 : i32 to vector<16xi32>
        %add3A_432 = arith.constant 8 : i32
        %add3A_433 = arith.addi %mul3A_326, %add3A_432 : i32
        %mul3A_434 = arith.constant 16 : i32
        %mul3A_435 = arith.muli %add3A_433, %mul3A_434 : i32
        %add3A_436 = arith.addi %mul3A_302, %mul3A_435 : i32
        %get3A_437 = arith.index_cast %add3A_436 : i32 to index
        %get3A_438 = tpu.vector_load %arg12[%get3A_437] {strides = array<i32>} : memref<6400xf32, #tpu.memory_space<vmem>>, vector<16xf32>,
        %gather3A_439 = tpu.vector_load_idx %arg14[%add3A_300, %broadcast_in_dim3A_431] : memref<64x100xf32, #tpu.memory_space<vmem>>[vector<16xi32>, vector<16xi32>], vector<16xf32>,
        %mul3A_440 = arith.mulf %get3A_438, %gather3A_439 : vector<16xf32>
        %add3A_441 = arith.addf %add3A_428, %mul3A_440 : vector<16xf32>
        %add3A_442 = arith.constant 9 : i32
        %add3A_443 = arith.addi %mul3A_326, %add3A_442 : i32
        %broadcast_in_dim3A_444 = vector.broadcast %add3A_443 : i32 to vector<16xi32>
        %add3A_445 = arith.constant 9 : i32
        %add3A_446 = arith.addi %mul3A_326, %add3A_445 : i32
        %mul3A_447 = arith.constant 16 : i32
        %mul3A_448 = arith.muli %add3A_446, %mul3A_447 : i32
        %add3A_449 = arith.addi %mul3A_302, %mul3A_448 : i32
        %get3A_450 = arith.index_cast %add3A_449 : i32 to index
        %get3A_451 = tpu.vector_load %arg12[%get3A_450] {strides = array<i32>} : memref<6400xf32, #tpu.memory_space<vmem>>, vector<16xf32>,
        %gather3A_452 = tpu.vector_load_idx %arg14[%add3A_300, %broadcast_in_dim3A_444] : memref<64x100xf32, #tpu.memory_space<vmem>>[vector<16xi32>, vector<16xi32>], vector<16xf32>,
        %mul3A_453 = arith.mulf %get3A_451, %gather3A_452 : vector<16xf32>
        %add3A_454 = arith.addf %add3A_441, %mul3A_453 : vector<16xf32>
        scf.yield %add3A_454 : vector<16xf32>
      }
      %scan3A_309 = arith.constant 10 : i32
      %neg3A = arith.constant 0.000000e+00 : f32
      %neg3A_310 = vector.broadcast %neg3A : f32 to vector<16xf32>
      %neg3A_311 = arith.subf %neg3A_310, %scan3A_308 : vector<16xf32>
      %exp3A = math.exp %neg3A_311 : vector<16xf32>
      %add3A_312 = arith.constant 1.000000e+00 : f32
      %add3A_313 = vector.broadcast %add3A_312 : f32 to vector<16xf32>
      %add3A_314 = arith.addf %add3A_313, %exp3A : vector<16xf32>
      %div3A = arith.constant 1.000000e+00 : f32
      %div3A_315 = vector.broadcast %div3A : f32 to vector<16xf32>
      %div3A_316 = arith.divf %div3A_315, %add3A_314 : vector<16xf32>
      %mul3A_317 = arith.constant 16 : i32
      %mul3A_318 = arith.muli %scan3A_295, %mul3A_317 : i32
      %add3A_319 = arith.constant 320 : i32
      %add3A_320 = arith.addi %add3A_319, %mul3A_318 : i32
      %swap3A = arith.index_cast %add3A_320 : i32 to index
      %swap3A_321 = tpu.vector_load %arg15[%swap3A] {strides = array<i32>} : memref<512xf32, #tpu.memory_space<vmem>>, vector<16xf32>,
      tpu.vector_store %arg15[%swap3A], %div3A_316 {strides = array<i32>} : memref<512xf32, #tpu.memory_space<vmem>>, vector<16xf32>,
      %scan3A_322 = arith.constant 0 : i32
      scf.yield %scan3A_322 : i32
    }
    %scan3A_249 = arith.constant 4 : i32
    %add3A_250 = arith.constant 448 : i32
    %add3A_251 = arith.addi %mul3A_2, %add3A_250 : i32
    %dma_start3A_252 = arith.constant 0 : i32
    %dma_start3A_253 = tpu.memref_slice %arg2[%add3A_251, %dma_start3A_252] : memref<16384x100xi32, #tpu.memory_space<hbm>> -> memref<64x100xi32, #tpu.memory_space<hbm>>
    %dma_start3A_254 = arith.constant 0 : i32
    %dma_start3A_255 = tpu.memref_slice %arg2[%add3A_251, %dma_start3A_254] : memref<16384x100xi32, #tpu.memory_space<hbm>> -> memref<64x100xi32, #tpu.memory_space<hbm>>
    tpu.enqueue_dma source(%dma_start3A_255 : memref<64x100xi32, #tpu.memory_space<hbm>>) target(%arg8 : memref<64x100xi32, #tpu.memory_space<vmem>>) target_semaphore(%arg18 : memref<!tpu.dma_semaphore, #tpu.memory_space<semaphore_mem>>)
    %dma_start3A_256 = arith.constant 0 : i32
    %dma_start3A_257 = tpu.memref_slice %arg3[%add3A_251, %dma_start3A_256] : memref<16384x100xf32, #tpu.memory_space<hbm>> -> memref<64x100xf32, #tpu.memory_space<hbm>>
    %dma_start3A_258 = arith.constant 0 : i32
    %dma_start3A_259 = tpu.memref_slice %arg3[%add3A_251, %dma_start3A_258] : memref<16384x100xf32, #tpu.memory_space<hbm>> -> memref<64x100xf32, #tpu.memory_space<hbm>>
    tpu.enqueue_dma source(%dma_start3A_259 : memref<64x100xf32, #tpu.memory_space<hbm>>) target(%arg14 : memref<64x100xf32, #tpu.memory_space<vmem>>) target_semaphore(%arg18 : memref<!tpu.dma_semaphore, #tpu.memory_space<semaphore_mem>>)
    %dma_wait3A_260 = arith.constant 0 : i32
    %dma_wait3A_261 = tpu.memref_slice %arg2[%add3A_251, %dma_wait3A_260] : memref<16384x100xi32, #tpu.memory_space<hbm>> -> memref<64x100xi32, #tpu.memory_space<hbm>>
    %dma_wait3A_262 = arith.constant 0 : i32
    %dma_wait3A_263 = tpu.memref_slice %arg2[%add3A_251, %dma_wait3A_262] : memref<16384x100xi32, #tpu.memory_space<hbm>> -> memref<64x100xi32, #tpu.memory_space<hbm>>
    tpu.wait_dma2 semaphore(%arg18 : memref<!tpu.dma_semaphore, #tpu.memory_space<semaphore_mem>>) src(%dma_wait3A_263 : memref<64x100xi32, #tpu.memory_space<hbm>>) dst(%arg8 : memref<64x100xi32, #tpu.memory_space<vmem>>)
    %dma_wait3A_264 = arith.constant 0 : i32
    %dma_wait3A_265 = tpu.memref_slice %arg3[%add3A_251, %dma_wait3A_264] : memref<16384x100xf32, #tpu.memory_space<hbm>> -> memref<64x100xf32, #tpu.memory_space<hbm>>
    %dma_wait3A_266 = arith.constant 0 : i32
    %dma_wait3A_267 = tpu.memref_slice %arg3[%add3A_251, %dma_wait3A_266] : memref<16384x100xf32, #tpu.memory_space<hbm>> -> memref<64x100xf32, #tpu.memory_space<hbm>>
    tpu.wait_dma2 semaphore(%arg18 : memref<!tpu.dma_semaphore, #tpu.memory_space<semaphore_mem>>) src(%dma_wait3A_267 : memref<64x100xf32, #tpu.memory_space<hbm>>) dst(%arg14 : memref<64x100xf32, #tpu.memory_space<vmem>>)
    %scan3A_268 = arith.constant 0 : i32
    %scan3A_269 = arith.constant 0 : i32
    %scan3A_270 = arith.constant 4 : i32
    %scan3A_271 = arith.addi %scan3A_269, %scan3A_270 : i32
    %scan3A_272 = arith.constant 1 : i32
    %scan3A_273 = scf.for %scan3A_295 = %scan3A_269 to %scan3A_271 step %scan3A_272 iter_args(%scan3A_296 = %scan3A_268) -> (i32)  : i32 {
      %mul3A_297 = arith.constant 16 : i32
      %mul3A_298 = arith.muli %scan3A_295, %mul3A_297 : i32
      %add3A_299 = vector.broadcast %mul3A_298 : i32 to vector<16xi32>
      %add3A_300 = arith.addi %add3A_299, %iota3A : vector<16xi32>
      %scan3A_301 = arith.constant 0 : i32
      %scan3A_302 = arith.constant 0 : i32
      %scan3A_303 = arith.constant 10 : i32
      %scan3A_304 = arith.addi %scan3A_302, %scan3A_303 : i32
      %scan3A_305 = arith.constant 1 : i32
      %scan3A_306 = scf.for %scan3A_309 = %scan3A_302 to %scan3A_304 step %scan3A_305 iter_args(%scan3A_310 = %scan3A_301) -> (i32)  : i32 {
        %mul3A_311 = arith.constant 10 : i32
        %mul3A_312 = arith.muli %scan3A_309, %mul3A_311 : i32
        %add3A_313 = arith.constant 0 : i32
        %add3A_314 = arith.addi %mul3A_312, %add3A_313 : i32
        %broadcast_in_dim3A = vector.broadcast %add3A_314 : i32 to vector<16xi32>
        %gather3A = tpu.vector_load_idx %arg8[%add3A_300, %broadcast_in_dim3A] : memref<64x100xi32, #tpu.memory_space<vmem>>[vector<16xi32>, vector<16xi32>], vector<16xi32>,
        %mul3A_315 = arith.constant 1600 : i32
        %mul3A_316 = arith.muli %scan3A_295, %mul3A_315 : i32
        %add3A_317 = arith.constant 0 : i32
        %add3A_318 = arith.addi %mul3A_312, %add3A_317 : i32
        %mul3A_319 = arith.constant 16 : i32
        %mul3A_320 = arith.muli %add3A_318, %mul3A_319 : i32
        %add3A_321 = arith.addi %mul3A_316, %mul3A_320 : i32
        %swap3A = arith.index_cast %add3A_321 : i32 to index
        %swap3A_322 = tpu.vector_load %arg10[%swap3A] {strides = array<i32>} : memref<6400xi32, #tpu.memory_space<vmem>>, vector<16xi32>,
        tpu.vector_store %arg10[%swap3A], %gather3A {strides = array<i32>} : memref<6400xi32, #tpu.memory_space<vmem>>, vector<16xi32>,
        %add3A_323 = arith.constant 1 : i32
        %add3A_324 = arith.addi %mul3A_312, %add3A_323 : i32
        %broadcast_in_dim3A_325 = vector.broadcast %add3A_324 : i32 to vector<16xi32>
        %gather3A_326 = tpu.vector_load_idx %arg8[%add3A_300, %broadcast_in_dim3A_325] : memref<64x100xi32, #tpu.memory_space<vmem>>[vector<16xi32>, vector<16xi32>], vector<16xi32>,
        %mul3A_327 = arith.constant 1600 : i32
        %mul3A_328 = arith.muli %scan3A_295, %mul3A_327 : i32
        %add3A_329 = arith.constant 1 : i32
        %add3A_330 = arith.addi %mul3A_312, %add3A_329 : i32
        %mul3A_331 = arith.constant 16 : i32
        %mul3A_332 = arith.muli %add3A_330, %mul3A_331 : i32
        %add3A_333 = arith.addi %mul3A_328, %mul3A_332 : i32
        %swap3A_334 = arith.index_cast %add3A_333 : i32 to index
        %swap3A_335 = tpu.vector_load %arg10[%swap3A_334] {strides = array<i32>} : memref<6400xi32, #tpu.memory_space<vmem>>, vector<16xi32>,
        tpu.vector_store %arg10[%swap3A_334], %gather3A_326 {strides = array<i32>} : memref<6400xi32, #tpu.memory_space<vmem>>, vector<16xi32>,
        %add3A_336 = arith.constant 2 : i32
        %add3A_337 = arith.addi %mul3A_312, %add3A_336 : i32
        %broadcast_in_dim3A_338 = vector.broadcast %add3A_337 : i32 to vector<16xi32>
        %gather3A_339 = tpu.vector_load_idx %arg8[%add3A_300, %broadcast_in_dim3A_338] : memref<64x100xi32, #tpu.memory_space<vmem>>[vector<16xi32>, vector<16xi32>], vector<16xi32>,
        %mul3A_340 = arith.constant 1600 : i32
        %mul3A_341 = arith.muli %scan3A_295, %mul3A_340 : i32
        %add3A_342 = arith.constant 2 : i32
        %add3A_343 = arith.addi %mul3A_312, %add3A_342 : i32
        %mul3A_344 = arith.constant 16 : i32
        %mul3A_345 = arith.muli %add3A_343, %mul3A_344 : i32
        %add3A_346 = arith.addi %mul3A_341, %mul3A_345 : i32
        %swap3A_347 = arith.index_cast %add3A_346 : i32 to index
        %swap3A_348 = tpu.vector_load %arg10[%swap3A_347] {strides = array<i32>} : memref<6400xi32, #tpu.memory_space<vmem>>, vector<16xi32>,
        tpu.vector_store %arg10[%swap3A_347], %gather3A_339 {strides = array<i32>} : memref<6400xi32, #tpu.memory_space<vmem>>, vector<16xi32>,
        %add3A_349 = arith.constant 3 : i32
        %add3A_350 = arith.addi %mul3A_312, %add3A_349 : i32
        %broadcast_in_dim3A_351 = vector.broadcast %add3A_350 : i32 to vector<16xi32>
        %gather3A_352 = tpu.vector_load_idx %arg8[%add3A_300, %broadcast_in_dim3A_351] : memref<64x100xi32, #tpu.memory_space<vmem>>[vector<16xi32>, vector<16xi32>], vector<16xi32>,
        %mul3A_353 = arith.constant 1600 : i32
        %mul3A_354 = arith.muli %scan3A_295, %mul3A_353 : i32
        %add3A_355 = arith.constant 3 : i32
        %add3A_356 = arith.addi %mul3A_312, %add3A_355 : i32
        %mul3A_357 = arith.constant 16 : i32
        %mul3A_358 = arith.muli %add3A_356, %mul3A_357 : i32
        %add3A_359 = arith.addi %mul3A_354, %mul3A_358 : i32
        %swap3A_360 = arith.index_cast %add3A_359 : i32 to index
        %swap3A_361 = tpu.vector_load %arg10[%swap3A_360] {strides = array<i32>} : memref<6400xi32, #tpu.memory_space<vmem>>, vector<16xi32>,
        tpu.vector_store %arg10[%swap3A_360], %gather3A_352 {strides = array<i32>} : memref<6400xi32, #tpu.memory_space<vmem>>, vector<16xi32>,
        %add3A_362 = arith.constant 4 : i32
        %add3A_363 = arith.addi %mul3A_312, %add3A_362 : i32
        %broadcast_in_dim3A_364 = vector.broadcast %add3A_363 : i32 to vector<16xi32>
        %gather3A_365 = tpu.vector_load_idx %arg8[%add3A_300, %broadcast_in_dim3A_364] : memref<64x100xi32, #tpu.memory_space<vmem>>[vector<16xi32>, vector<16xi32>], vector<16xi32>,
        %mul3A_366 = arith.constant 1600 : i32
        %mul3A_367 = arith.muli %scan3A_295, %mul3A_366 : i32
        %add3A_368 = arith.constant 4 : i32
        %add3A_369 = arith.addi %mul3A_312, %add3A_368 : i32
        %mul3A_370 = arith.constant 16 : i32
        %mul3A_371 = arith.muli %add3A_369, %mul3A_370 : i32
        %add3A_372 = arith.addi %mul3A_367, %mul3A_371 : i32
        %swap3A_373 = arith.index_cast %add3A_372 : i32 to index
        %swap3A_374 = tpu.vector_load %arg10[%swap3A_373] {strides = array<i32>} : memref<6400xi32, #tpu.memory_space<vmem>>, vector<16xi32>,
        tpu.vector_store %arg10[%swap3A_373], %gather3A_365 {strides = array<i32>} : memref<6400xi32, #tpu.memory_space<vmem>>, vector<16xi32>,
        %add3A_375 = arith.constant 5 : i32
        %add3A_376 = arith.addi %mul3A_312, %add3A_375 : i32
        %broadcast_in_dim3A_377 = vector.broadcast %add3A_376 : i32 to vector<16xi32>
        %gather3A_378 = tpu.vector_load_idx %arg8[%add3A_300, %broadcast_in_dim3A_377] : memref<64x100xi32, #tpu.memory_space<vmem>>[vector<16xi32>, vector<16xi32>], vector<16xi32>,
        %mul3A_379 = arith.constant 1600 : i32
        %mul3A_380 = arith.muli %scan3A_295, %mul3A_379 : i32
        %add3A_381 = arith.constant 5 : i32
        %add3A_382 = arith.addi %mul3A_312, %add3A_381 : i32
        %mul3A_383 = arith.constant 16 : i32
        %mul3A_384 = arith.muli %add3A_382, %mul3A_383 : i32
        %add3A_385 = arith.addi %mul3A_380, %mul3A_384 : i32
        %swap3A_386 = arith.index_cast %add3A_385 : i32 to index
        %swap3A_387 = tpu.vector_load %arg10[%swap3A_386] {strides = array<i32>} : memref<6400xi32, #tpu.memory_space<vmem>>, vector<16xi32>,
        tpu.vector_store %arg10[%swap3A_386], %gather3A_378 {strides = array<i32>} : memref<6400xi32, #tpu.memory_space<vmem>>, vector<16xi32>,
        %add3A_388 = arith.constant 6 : i32
        %add3A_389 = arith.addi %mul3A_312, %add3A_388 : i32
        %broadcast_in_dim3A_390 = vector.broadcast %add3A_389 : i32 to vector<16xi32>
        %gather3A_391 = tpu.vector_load_idx %arg8[%add3A_300, %broadcast_in_dim3A_390] : memref<64x100xi32, #tpu.memory_space<vmem>>[vector<16xi32>, vector<16xi32>], vector<16xi32>,
        %mul3A_392 = arith.constant 1600 : i32
        %mul3A_393 = arith.muli %scan3A_295, %mul3A_392 : i32
        %add3A_394 = arith.constant 6 : i32
        %add3A_395 = arith.addi %mul3A_312, %add3A_394 : i32
        %mul3A_396 = arith.constant 16 : i32
        %mul3A_397 = arith.muli %add3A_395, %mul3A_396 : i32
        %add3A_398 = arith.addi %mul3A_393, %mul3A_397 : i32
        %swap3A_399 = arith.index_cast %add3A_398 : i32 to index
        %swap3A_400 = tpu.vector_load %arg10[%swap3A_399] {strides = array<i32>} : memref<6400xi32, #tpu.memory_space<vmem>>, vector<16xi32>,
        tpu.vector_store %arg10[%swap3A_399], %gather3A_391 {strides = array<i32>} : memref<6400xi32, #tpu.memory_space<vmem>>, vector<16xi32>,
        %add3A_401 = arith.constant 7 : i32
        %add3A_402 = arith.addi %mul3A_312, %add3A_401 : i32
        %broadcast_in_dim3A_403 = vector.broadcast %add3A_402 : i32 to vector<16xi32>
        %gather3A_404 = tpu.vector_load_idx %arg8[%add3A_300, %broadcast_in_dim3A_403] : memref<64x100xi32, #tpu.memory_space<vmem>>[vector<16xi32>, vector<16xi32>], vector<16xi32>,
        %mul3A_405 = arith.constant 1600 : i32
        %mul3A_406 = arith.muli %scan3A_295, %mul3A_405 : i32
        %add3A_407 = arith.constant 7 : i32
        %add3A_408 = arith.addi %mul3A_312, %add3A_407 : i32
        %mul3A_409 = arith.constant 16 : i32
        %mul3A_410 = arith.muli %add3A_408, %mul3A_409 : i32
        %add3A_411 = arith.addi %mul3A_406, %mul3A_410 : i32
        %swap3A_412 = arith.index_cast %add3A_411 : i32 to index
        %swap3A_413 = tpu.vector_load %arg10[%swap3A_412] {strides = array<i32>} : memref<6400xi32, #tpu.memory_space<vmem>>, vector<16xi32>,
        tpu.vector_store %arg10[%swap3A_412], %gather3A_404 {strides = array<i32>} : memref<6400xi32, #tpu.memory_space<vmem>>, vector<16xi32>,
        %add3A_414 = arith.constant 8 : i32
        %add3A_415 = arith.addi %mul3A_312, %add3A_414 : i32
        %broadcast_in_dim3A_416 = vector.broadcast %add3A_415 : i32 to vector<16xi32>
        %gather3A_417 = tpu.vector_load_idx %arg8[%add3A_300, %broadcast_in_dim3A_416] : memref<64x100xi32, #tpu.memory_space<vmem>>[vector<16xi32>, vector<16xi32>], vector<16xi32>,
        %mul3A_418 = arith.constant 1600 : i32
        %mul3A_419 = arith.muli %scan3A_295, %mul3A_418 : i32
        %add3A_420 = arith.constant 8 : i32
        %add3A_421 = arith.addi %mul3A_312, %add3A_420 : i32
        %mul3A_422 = arith.constant 16 : i32
        %mul3A_423 = arith.muli %add3A_421, %mul3A_422 : i32
        %add3A_424 = arith.addi %mul3A_419, %mul3A_423 : i32
        %swap3A_425 = arith.index_cast %add3A_424 : i32 to index
        %swap3A_426 = tpu.vector_load %arg10[%swap3A_425] {strides = array<i32>} : memref<6400xi32, #tpu.memory_space<vmem>>, vector<16xi32>,
        tpu.vector_store %arg10[%swap3A_425], %gather3A_417 {strides = array<i32>} : memref<6400xi32, #tpu.memory_space<vmem>>, vector<16xi32>,
        %add3A_427 = arith.constant 9 : i32
        %add3A_428 = arith.addi %mul3A_312, %add3A_427 : i32
        %broadcast_in_dim3A_429 = vector.broadcast %add3A_428 : i32 to vector<16xi32>
        %gather3A_430 = tpu.vector_load_idx %arg8[%add3A_300, %broadcast_in_dim3A_429] : memref<64x100xi32, #tpu.memory_space<vmem>>[vector<16xi32>, vector<16xi32>], vector<16xi32>,
        %mul3A_431 = arith.constant 1600 : i32
        %mul3A_432 = arith.muli %scan3A_295, %mul3A_431 : i32
        %add3A_433 = arith.constant 9 : i32
        %add3A_434 = arith.addi %mul3A_312, %add3A_433 : i32
        %mul3A_435 = arith.constant 16 : i32
        %mul3A_436 = arith.muli %add3A_434, %mul3A_435 : i32
        %add3A_437 = arith.addi %mul3A_432, %mul3A_436 : i32
        %swap3A_438 = arith.index_cast %add3A_437 : i32 to index
        %swap3A_439 = tpu.vector_load %arg10[%swap3A_438] {strides = array<i32>} : memref<6400xi32, #tpu.memory_space<vmem>>, vector<16xi32>,
        tpu.vector_store %arg10[%swap3A_438], %gather3A_430 {strides = array<i32>} : memref<6400xi32, #tpu.memory_space<vmem>>, vector<16xi32>,
        %scan3A_440 = arith.constant 0 : i32
        scf.yield %scan3A_440 : i32
      }
      %scan3A_307 = arith.constant 10 : i32
      %scan3A_308 = arith.constant 0 : i32
      scf.yield %scan3A_308 : i32
    }
    %scan3A_274 = arith.constant 4 : i32
    %dma_start3A_275 = arith.constant 0 : i32
    %dma_start3A_276 = tpu.memref_slice %arg6[%dma_start3A_275] : memref<1000000xf32, #tpu.memory_space<vmem_shared>> -> memref<1000000xf32, #tpu.memory_space<vmem_shared>>
    tpu.enqueue_indirect_dma source(%dma_start3A_276 : memref<1000000xf32, #tpu.memory_space<vmem_shared>>) target(%arg12 : memref<6400xf32, #tpu.memory_space<vmem>>) offsets(%arg10 : memref<6400xi32, #tpu.memory_space<vmem>>) semaphore(%arg22 : memref<!tpu.dma_semaphore, #tpu.memory_space<semaphore_mem>>)
    %dma_wait3A_277 = arith.constant 0 : i32
    %dma_wait3A_278 = tpu.memref_slice %arg6[%dma_wait3A_277] : memref<1000000xf32, #tpu.memory_space<vmem_shared>> -> memref<1000000xf32, #tpu.memory_space<vmem_shared>>
    tpu.wait_indirect_dma semaphore(%arg21 : memref<!tpu.dma_semaphore, #tpu.memory_space<semaphore_mem>>) src(%dma_wait3A_278 : memref<1000000xf32, #tpu.memory_space<vmem_shared>>) dst(%arg11 : memref<6400xf32, #tpu.memory_space<vmem>>)
    %scan3A_279 = arith.constant 0 : i32
    %scan3A_280 = arith.constant 0 : i32
    %scan3A_281 = arith.constant 4 : i32
    %scan3A_282 = arith.addi %scan3A_280, %scan3A_281 : i32
    %scan3A_283 = arith.constant 1 : i32
    %scan3A_284 = scf.for %scan3A_295 = %scan3A_280 to %scan3A_282 step %scan3A_283 iter_args(%scan3A_296 = %scan3A_279) -> (i32)  : i32 {
      %mul3A_297 = arith.constant 16 : i32
      %mul3A_298 = arith.muli %scan3A_295, %mul3A_297 : i32
      %add3A_299 = vector.broadcast %mul3A_298 : i32 to vector<16xi32>
      %add3A_300 = arith.addi %add3A_299, %iota3A : vector<16xi32>
      %mul3A_301 = arith.constant 1600 : i32
      %mul3A_302 = arith.muli %scan3A_295, %mul3A_301 : i32
      %broadcast_in_dim3A = arith.constant 0.000000e+00 : f32
      %broadcast_in_dim3A_303 = vector.broadcast %broadcast_in_dim3A : f32 to vector<16xf32>
      %scan3A_304 = arith.constant 0 : i32
      %scan3A_305 = arith.constant 10 : i32
      %scan3A_306 = arith.addi %scan3A_304, %scan3A_305 : i32
      %scan3A_307 = arith.constant 1 : i32
      %scan3A_308 = scf.for %scan3A_323 = %scan3A_304 to %scan3A_306 step %scan3A_307 iter_args(%scan3A_324 = %broadcast_in_dim3A_303) -> (vector<16xf32>)  : i32 {
        %mul3A_325 = arith.constant 10 : i32
        %mul3A_326 = arith.muli %scan3A_323, %mul3A_325 : i32
        %add3A_327 = arith.constant 0 : i32
        %add3A_328 = arith.addi %mul3A_326, %add3A_327 : i32
        %broadcast_in_dim3A_329 = vector.broadcast %add3A_328 : i32 to vector<16xi32>
        %add3A_330 = arith.constant 0 : i32
        %add3A_331 = arith.addi %mul3A_326, %add3A_330 : i32
        %mul3A_332 = arith.constant 16 : i32
        %mul3A_333 = arith.muli %add3A_331, %mul3A_332 : i32
        %add3A_334 = arith.addi %mul3A_302, %mul3A_333 : i32
        %get3A = arith.index_cast %add3A_334 : i32 to index
        %get3A_335 = tpu.vector_load %arg11[%get3A] {strides = array<i32>} : memref<6400xf32, #tpu.memory_space<vmem>>, vector<16xf32>,
        %gather3A = tpu.vector_load_idx %arg13[%add3A_300, %broadcast_in_dim3A_329] : memref<64x100xf32, #tpu.memory_space<vmem>>[vector<16xi32>, vector<16xi32>], vector<16xf32>,
        %mul3A_336 = arith.mulf %get3A_335, %gather3A : vector<16xf32>
        %add3A_337 = arith.addf %scan3A_324, %mul3A_336 : vector<16xf32>
        %add3A_338 = arith.constant 1 : i32
        %add3A_339 = arith.addi %mul3A_326, %add3A_338 : i32
        %broadcast_in_dim3A_340 = vector.broadcast %add3A_339 : i32 to vector<16xi32>
        %add3A_341 = arith.constant 1 : i32
        %add3A_342 = arith.addi %mul3A_326, %add3A_341 : i32
        %mul3A_343 = arith.constant 16 : i32
        %mul3A_344 = arith.muli %add3A_342, %mul3A_343 : i32
        %add3A_345 = arith.addi %mul3A_302, %mul3A_344 : i32
        %get3A_346 = arith.index_cast %add3A_345 : i32 to index
        %get3A_347 = tpu.vector_load %arg11[%get3A_346] {strides = array<i32>} : memref<6400xf32, #tpu.memory_space<vmem>>, vector<16xf32>,
        %gather3A_348 = tpu.vector_load_idx %arg13[%add3A_300, %broadcast_in_dim3A_340] : memref<64x100xf32, #tpu.memory_space<vmem>>[vector<16xi32>, vector<16xi32>], vector<16xf32>,
        %mul3A_349 = arith.mulf %get3A_347, %gather3A_348 : vector<16xf32>
        %add3A_350 = arith.addf %add3A_337, %mul3A_349 : vector<16xf32>
        %add3A_351 = arith.constant 2 : i32
        %add3A_352 = arith.addi %mul3A_326, %add3A_351 : i32
        %broadcast_in_dim3A_353 = vector.broadcast %add3A_352 : i32 to vector<16xi32>
        %add3A_354 = arith.constant 2 : i32
        %add3A_355 = arith.addi %mul3A_326, %add3A_354 : i32
        %mul3A_356 = arith.constant 16 : i32
        %mul3A_357 = arith.muli %add3A_355, %mul3A_356 : i32
        %add3A_358 = arith.addi %mul3A_302, %mul3A_357 : i32
        %get3A_359 = arith.index_cast %add3A_358 : i32 to index
        %get3A_360 = tpu.vector_load %arg11[%get3A_359] {strides = array<i32>} : memref<6400xf32, #tpu.memory_space<vmem>>, vector<16xf32>,
        %gather3A_361 = tpu.vector_load_idx %arg13[%add3A_300, %broadcast_in_dim3A_353] : memref<64x100xf32, #tpu.memory_space<vmem>>[vector<16xi32>, vector<16xi32>], vector<16xf32>,
        %mul3A_362 = arith.mulf %get3A_360, %gather3A_361 : vector<16xf32>
        %add3A_363 = arith.addf %add3A_350, %mul3A_362 : vector<16xf32>
        %add3A_364 = arith.constant 3 : i32
        %add3A_365 = arith.addi %mul3A_326, %add3A_364 : i32
        %broadcast_in_dim3A_366 = vector.broadcast %add3A_365 : i32 to vector<16xi32>
        %add3A_367 = arith.constant 3 : i32
        %add3A_368 = arith.addi %mul3A_326, %add3A_367 : i32
        %mul3A_369 = arith.constant 16 : i32
        %mul3A_370 = arith.muli %add3A_368, %mul3A_369 : i32
        %add3A_371 = arith.addi %mul3A_302, %mul3A_370 : i32
        %get3A_372 = arith.index_cast %add3A_371 : i32 to index
        %get3A_373 = tpu.vector_load %arg11[%get3A_372] {strides = array<i32>} : memref<6400xf32, #tpu.memory_space<vmem>>, vector<16xf32>,
        %gather3A_374 = tpu.vector_load_idx %arg13[%add3A_300, %broadcast_in_dim3A_366] : memref<64x100xf32, #tpu.memory_space<vmem>>[vector<16xi32>, vector<16xi32>], vector<16xf32>,
        %mul3A_375 = arith.mulf %get3A_373, %gather3A_374 : vector<16xf32>
        %add3A_376 = arith.addf %add3A_363, %mul3A_375 : vector<16xf32>
        %add3A_377 = arith.constant 4 : i32
        %add3A_378 = arith.addi %mul3A_326, %add3A_377 : i32
        %broadcast_in_dim3A_379 = vector.broadcast %add3A_378 : i32 to vector<16xi32>
        %add3A_380 = arith.constant 4 : i32
        %add3A_381 = arith.addi %mul3A_326, %add3A_380 : i32
        %mul3A_382 = arith.constant 16 : i32
        %mul3A_383 = arith.muli %add3A_381, %mul3A_382 : i32
        %add3A_384 = arith.addi %mul3A_302, %mul3A_383 : i32
        %get3A_385 = arith.index_cast %add3A_384 : i32 to index
        %get3A_386 = tpu.vector_load %arg11[%get3A_385] {strides = array<i32>} : memref<6400xf32, #tpu.memory_space<vmem>>, vector<16xf32>,
        %gather3A_387 = tpu.vector_load_idx %arg13[%add3A_300, %broadcast_in_dim3A_379] : memref<64x100xf32, #tpu.memory_space<vmem>>[vector<16xi32>, vector<16xi32>], vector<16xf32>,
        %mul3A_388 = arith.mulf %get3A_386, %gather3A_387 : vector<16xf32>
        %add3A_389 = arith.addf %add3A_376, %mul3A_388 : vector<16xf32>
        %add3A_390 = arith.constant 5 : i32
        %add3A_391 = arith.addi %mul3A_326, %add3A_390 : i32
        %broadcast_in_dim3A_392 = vector.broadcast %add3A_391 : i32 to vector<16xi32>
        %add3A_393 = arith.constant 5 : i32
        %add3A_394 = arith.addi %mul3A_326, %add3A_393 : i32
        %mul3A_395 = arith.constant 16 : i32
        %mul3A_396 = arith.muli %add3A_394, %mul3A_395 : i32
        %add3A_397 = arith.addi %mul3A_302, %mul3A_396 : i32
        %get3A_398 = arith.index_cast %add3A_397 : i32 to index
        %get3A_399 = tpu.vector_load %arg11[%get3A_398] {strides = array<i32>} : memref<6400xf32, #tpu.memory_space<vmem>>, vector<16xf32>,
        %gather3A_400 = tpu.vector_load_idx %arg13[%add3A_300, %broadcast_in_dim3A_392] : memref<64x100xf32, #tpu.memory_space<vmem>>[vector<16xi32>, vector<16xi32>], vector<16xf32>,
        %mul3A_401 = arith.mulf %get3A_399, %gather3A_400 : vector<16xf32>
        %add3A_402 = arith.addf %add3A_389, %mul3A_401 : vector<16xf32>
        %add3A_403 = arith.constant 6 : i32
        %add3A_404 = arith.addi %mul3A_326, %add3A_403 : i32
        %broadcast_in_dim3A_405 = vector.broadcast %add3A_404 : i32 to vector<16xi32>
        %add3A_406 = arith.constant 6 : i32
        %add3A_407 = arith.addi %mul3A_326, %add3A_406 : i32
        %mul3A_408 = arith.constant 16 : i32
        %mul3A_409 = arith.muli %add3A_407, %mul3A_408 : i32
        %add3A_410 = arith.addi %mul3A_302, %mul3A_409 : i32
        %get3A_411 = arith.index_cast %add3A_410 : i32 to index
        %get3A_412 = tpu.vector_load %arg11[%get3A_411] {strides = array<i32>} : memref<6400xf32, #tpu.memory_space<vmem>>, vector<16xf32>,
        %gather3A_413 = tpu.vector_load_idx %arg13[%add3A_300, %broadcast_in_dim3A_405] : memref<64x100xf32, #tpu.memory_space<vmem>>[vector<16xi32>, vector<16xi32>], vector<16xf32>,
        %mul3A_414 = arith.mulf %get3A_412, %gather3A_413 : vector<16xf32>
        %add3A_415 = arith.addf %add3A_402, %mul3A_414 : vector<16xf32>
        %add3A_416 = arith.constant 7 : i32
        %add3A_417 = arith.addi %mul3A_326, %add3A_416 : i32
        %broadcast_in_dim3A_418 = vector.broadcast %add3A_417 : i32 to vector<16xi32>
        %add3A_419 = arith.constant 7 : i32
        %add3A_420 = arith.addi %mul3A_326, %add3A_419 : i32
        %mul3A_421 = arith.constant 16 : i32
        %mul3A_422 = arith.muli %add3A_420, %mul3A_421 : i32
        %add3A_423 = arith.addi %mul3A_302, %mul3A_422 : i32
        %get3A_424 = arith.index_cast %add3A_423 : i32 to index
        %get3A_425 = tpu.vector_load %arg11[%get3A_424] {strides = array<i32>} : memref<6400xf32, #tpu.memory_space<vmem>>, vector<16xf32>,
        %gather3A_426 = tpu.vector_load_idx %arg13[%add3A_300, %broadcast_in_dim3A_418] : memref<64x100xf32, #tpu.memory_space<vmem>>[vector<16xi32>, vector<16xi32>], vector<16xf32>,
        %mul3A_427 = arith.mulf %get3A_425, %gather3A_426 : vector<16xf32>
        %add3A_428 = arith.addf %add3A_415, %mul3A_427 : vector<16xf32>
        %add3A_429 = arith.constant 8 : i32
        %add3A_430 = arith.addi %mul3A_326, %add3A_429 : i32
        %broadcast_in_dim3A_431 = vector.broadcast %add3A_430 : i32 to vector<16xi32>
        %add3A_432 = arith.constant 8 : i32
        %add3A_433 = arith.addi %mul3A_326, %add3A_432 : i32
        %mul3A_434 = arith.constant 16 : i32
        %mul3A_435 = arith.muli %add3A_433, %mul3A_434 : i32
        %add3A_436 = arith.addi %mul3A_302, %mul3A_435 : i32
        %get3A_437 = arith.index_cast %add3A_436 : i32 to index
        %get3A_438 = tpu.vector_load %arg11[%get3A_437] {strides = array<i32>} : memref<6400xf32, #tpu.memory_space<vmem>>, vector<16xf32>,
        %gather3A_439 = tpu.vector_load_idx %arg13[%add3A_300, %broadcast_in_dim3A_431] : memref<64x100xf32, #tpu.memory_space<vmem>>[vector<16xi32>, vector<16xi32>], vector<16xf32>,
        %mul3A_440 = arith.mulf %get3A_438, %gather3A_439 : vector<16xf32>
        %add3A_441 = arith.addf %add3A_428, %mul3A_440 : vector<16xf32>
        %add3A_442 = arith.constant 9 : i32
        %add3A_443 = arith.addi %mul3A_326, %add3A_442 : i32
        %broadcast_in_dim3A_444 = vector.broadcast %add3A_443 : i32 to vector<16xi32>
        %add3A_445 = arith.constant 9 : i32
        %add3A_446 = arith.addi %mul3A_326, %add3A_445 : i32
        %mul3A_447 = arith.constant 16 : i32
        %mul3A_448 = arith.muli %add3A_446, %mul3A_447 : i32
        %add3A_449 = arith.addi %mul3A_302, %mul3A_448 : i32
        %get3A_450 = arith.index_cast %add3A_449 : i32 to index
        %get3A_451 = tpu.vector_load %arg11[%get3A_450] {strides = array<i32>} : memref<6400xf32, #tpu.memory_space<vmem>>, vector<16xf32>,
        %gather3A_452 = tpu.vector_load_idx %arg13[%add3A_300, %broadcast_in_dim3A_444] : memref<64x100xf32, #tpu.memory_space<vmem>>[vector<16xi32>, vector<16xi32>], vector<16xf32>,
        %mul3A_453 = arith.mulf %get3A_451, %gather3A_452 : vector<16xf32>
        %add3A_454 = arith.addf %add3A_441, %mul3A_453 : vector<16xf32>
        scf.yield %add3A_454 : vector<16xf32>
      }
      %scan3A_309 = arith.constant 10 : i32
      %neg3A = arith.constant 0.000000e+00 : f32
      %neg3A_310 = vector.broadcast %neg3A : f32 to vector<16xf32>
      %neg3A_311 = arith.subf %neg3A_310, %scan3A_308 : vector<16xf32>
      %exp3A = math.exp %neg3A_311 : vector<16xf32>
      %add3A_312 = arith.constant 1.000000e+00 : f32
      %add3A_313 = vector.broadcast %add3A_312 : f32 to vector<16xf32>
      %add3A_314 = arith.addf %add3A_313, %exp3A : vector<16xf32>
      %div3A = arith.constant 1.000000e+00 : f32
      %div3A_315 = vector.broadcast %div3A : f32 to vector<16xf32>
      %div3A_316 = arith.divf %div3A_315, %add3A_314 : vector<16xf32>
      %mul3A_317 = arith.constant 16 : i32
      %mul3A_318 = arith.muli %scan3A_295, %mul3A_317 : i32
      %add3A_319 = arith.constant 384 : i32
      %add3A_320 = arith.addi %add3A_319, %mul3A_318 : i32
      %swap3A = arith.index_cast %add3A_320 : i32 to index
      %swap3A_321 = tpu.vector_load %arg15[%swap3A] {strides = array<i32>} : memref<512xf32, #tpu.memory_space<vmem>>, vector<16xf32>,
      tpu.vector_store %arg15[%swap3A], %div3A_316 {strides = array<i32>} : memref<512xf32, #tpu.memory_space<vmem>>, vector<16xf32>,
      %scan3A_322 = arith.constant 0 : i32
      scf.yield %scan3A_322 : i32
    }
    %scan3A_285 = arith.constant 4 : i32
    %dma_wait3A_286 = arith.constant 0 : i32
    %dma_wait3A_287 = tpu.memref_slice %arg6[%dma_wait3A_286] : memref<1000000xf32, #tpu.memory_space<vmem_shared>> -> memref<1000000xf32, #tpu.memory_space<vmem_shared>>
    tpu.wait_indirect_dma semaphore(%arg22 : memref<!tpu.dma_semaphore, #tpu.memory_space<semaphore_mem>>) src(%dma_wait3A_287 : memref<1000000xf32, #tpu.memory_space<vmem_shared>>) dst(%arg12 : memref<6400xf32, #tpu.memory_space<vmem>>)
    %scan3A_288 = arith.constant 0 : i32
    %scan3A_289 = arith.constant 0 : i32
    %scan3A_290 = arith.constant 4 : i32
    %scan3A_291 = arith.addi %scan3A_289, %scan3A_290 : i32
    %scan3A_292 = arith.constant 1 : i32
    %scan3A_293 = scf.for %scan3A_295 = %scan3A_289 to %scan3A_291 step %scan3A_292 iter_args(%scan3A_296 = %scan3A_288) -> (i32)  : i32 {
      %mul3A_297 = arith.constant 16 : i32
      %mul3A_298 = arith.muli %scan3A_295, %mul3A_297 : i32
      %add3A_299 = vector.broadcast %mul3A_298 : i32 to vector<16xi32>
      %add3A_300 = arith.addi %add3A_299, %iota3A : vector<16xi32>
      %mul3A_301 = arith.constant 1600 : i32
      %mul3A_302 = arith.muli %scan3A_295, %mul3A_301 : i32
      %broadcast_in_dim3A = arith.constant 0.000000e+00 : f32
      %broadcast_in_dim3A_303 = vector.broadcast %broadcast_in_dim3A : f32 to vector<16xf32>
      %scan3A_304 = arith.constant 0 : i32
      %scan3A_305 = arith.constant 10 : i32
      %scan3A_306 = arith.addi %scan3A_304, %scan3A_305 : i32
      %scan3A_307 = arith.constant 1 : i32
      %scan3A_308 = scf.for %scan3A_323 = %scan3A_304 to %scan3A_306 step %scan3A_307 iter_args(%scan3A_324 = %broadcast_in_dim3A_303) -> (vector<16xf32>)  : i32 {
        %mul3A_325 = arith.constant 10 : i32
        %mul3A_326 = arith.muli %scan3A_323, %mul3A_325 : i32
        %add3A_327 = arith.constant 0 : i32
        %add3A_328 = arith.addi %mul3A_326, %add3A_327 : i32
        %broadcast_in_dim3A_329 = vector.broadcast %add3A_328 : i32 to vector<16xi32>
        %add3A_330 = arith.constant 0 : i32
        %add3A_331 = arith.addi %mul3A_326, %add3A_330 : i32
        %mul3A_332 = arith.constant 16 : i32
        %mul3A_333 = arith.muli %add3A_331, %mul3A_332 : i32
        %add3A_334 = arith.addi %mul3A_302, %mul3A_333 : i32
        %get3A = arith.index_cast %add3A_334 : i32 to index
        %get3A_335 = tpu.vector_load %arg12[%get3A] {strides = array<i32>} : memref<6400xf32, #tpu.memory_space<vmem>>, vector<16xf32>,
        %gather3A = tpu.vector_load_idx %arg14[%add3A_300, %broadcast_in_dim3A_329] : memref<64x100xf32, #tpu.memory_space<vmem>>[vector<16xi32>, vector<16xi32>], vector<16xf32>,
        %mul3A_336 = arith.mulf %get3A_335, %gather3A : vector<16xf32>
        %add3A_337 = arith.addf %scan3A_324, %mul3A_336 : vector<16xf32>
        %add3A_338 = arith.constant 1 : i32
        %add3A_339 = arith.addi %mul3A_326, %add3A_338 : i32
        %broadcast_in_dim3A_340 = vector.broadcast %add3A_339 : i32 to vector<16xi32>
        %add3A_341 = arith.constant 1 : i32
        %add3A_342 = arith.addi %mul3A_326, %add3A_341 : i32
        %mul3A_343 = arith.constant 16 : i32
        %mul3A_344 = arith.muli %add3A_342, %mul3A_343 : i32
        %add3A_345 = arith.addi %mul3A_302, %mul3A_344 : i32
        %get3A_346 = arith.index_cast %add3A_345 : i32 to index
        %get3A_347 = tpu.vector_load %arg12[%get3A_346] {strides = array<i32>} : memref<6400xf32, #tpu.memory_space<vmem>>, vector<16xf32>,
        %gather3A_348 = tpu.vector_load_idx %arg14[%add3A_300, %broadcast_in_dim3A_340] : memref<64x100xf32, #tpu.memory_space<vmem>>[vector<16xi32>, vector<16xi32>], vector<16xf32>,
        %mul3A_349 = arith.mulf %get3A_347, %gather3A_348 : vector<16xf32>
        %add3A_350 = arith.addf %add3A_337, %mul3A_349 : vector<16xf32>
        %add3A_351 = arith.constant 2 : i32
        %add3A_352 = arith.addi %mul3A_326, %add3A_351 : i32
        %broadcast_in_dim3A_353 = vector.broadcast %add3A_352 : i32 to vector<16xi32>
        %add3A_354 = arith.constant 2 : i32
        %add3A_355 = arith.addi %mul3A_326, %add3A_354 : i32
        %mul3A_356 = arith.constant 16 : i32
        %mul3A_357 = arith.muli %add3A_355, %mul3A_356 : i32
        %add3A_358 = arith.addi %mul3A_302, %mul3A_357 : i32
        %get3A_359 = arith.index_cast %add3A_358 : i32 to index
        %get3A_360 = tpu.vector_load %arg12[%get3A_359] {strides = array<i32>} : memref<6400xf32, #tpu.memory_space<vmem>>, vector<16xf32>,
        %gather3A_361 = tpu.vector_load_idx %arg14[%add3A_300, %broadcast_in_dim3A_353] : memref<64x100xf32, #tpu.memory_space<vmem>>[vector<16xi32>, vector<16xi32>], vector<16xf32>,
        %mul3A_362 = arith.mulf %get3A_360, %gather3A_361 : vector<16xf32>
        %add3A_363 = arith.addf %add3A_350, %mul3A_362 : vector<16xf32>
        %add3A_364 = arith.constant 3 : i32
        %add3A_365 = arith.addi %mul3A_326, %add3A_364 : i32
        %broadcast_in_dim3A_366 = vector.broadcast %add3A_365 : i32 to vector<16xi32>
        %add3A_367 = arith.constant 3 : i32
        %add3A_368 = arith.addi %mul3A_326, %add3A_367 : i32
        %mul3A_369 = arith.constant 16 : i32
        %mul3A_370 = arith.muli %add3A_368, %mul3A_369 : i32
        %add3A_371 = arith.addi %mul3A_302, %mul3A_370 : i32
        %get3A_372 = arith.index_cast %add3A_371 : i32 to index
        %get3A_373 = tpu.vector_load %arg12[%get3A_372] {strides = array<i32>} : memref<6400xf32, #tpu.memory_space<vmem>>, vector<16xf32>,
        %gather3A_374 = tpu.vector_load_idx %arg14[%add3A_300, %broadcast_in_dim3A_366] : memref<64x100xf32, #tpu.memory_space<vmem>>[vector<16xi32>, vector<16xi32>], vector<16xf32>,
        %mul3A_375 = arith.mulf %get3A_373, %gather3A_374 : vector<16xf32>
        %add3A_376 = arith.addf %add3A_363, %mul3A_375 : vector<16xf32>
        %add3A_377 = arith.constant 4 : i32
        %add3A_378 = arith.addi %mul3A_326, %add3A_377 : i32
        %broadcast_in_dim3A_379 = vector.broadcast %add3A_378 : i32 to vector<16xi32>
        %add3A_380 = arith.constant 4 : i32
        %add3A_381 = arith.addi %mul3A_326, %add3A_380 : i32
        %mul3A_382 = arith.constant 16 : i32
        %mul3A_383 = arith.muli %add3A_381, %mul3A_382 : i32
        %add3A_384 = arith.addi %mul3A_302, %mul3A_383 : i32
        %get3A_385 = arith.index_cast %add3A_384 : i32 to index
        %get3A_386 = tpu.vector_load %arg12[%get3A_385] {strides = array<i32>} : memref<6400xf32, #tpu.memory_space<vmem>>, vector<16xf32>,
        %gather3A_387 = tpu.vector_load_idx %arg14[%add3A_300, %broadcast_in_dim3A_379] : memref<64x100xf32, #tpu.memory_space<vmem>>[vector<16xi32>, vector<16xi32>], vector<16xf32>,
        %mul3A_388 = arith.mulf %get3A_386, %gather3A_387 : vector<16xf32>
        %add3A_389 = arith.addf %add3A_376, %mul3A_388 : vector<16xf32>
        %add3A_390 = arith.constant 5 : i32
        %add3A_391 = arith.addi %mul3A_326, %add3A_390 : i32
        %broadcast_in_dim3A_392 = vector.broadcast %add3A_391 : i32 to vector<16xi32>
        %add3A_393 = arith.constant 5 : i32
        %add3A_394 = arith.addi %mul3A_326, %add3A_393 : i32
        %mul3A_395 = arith.constant 16 : i32
        %mul3A_396 = arith.muli %add3A_394, %mul3A_395 : i32
        %add3A_397 = arith.addi %mul3A_302, %mul3A_396 : i32
        %get3A_398 = arith.index_cast %add3A_397 : i32 to index
        %get3A_399 = tpu.vector_load %arg12[%get3A_398] {strides = array<i32>} : memref<6400xf32, #tpu.memory_space<vmem>>, vector<16xf32>,
        %gather3A_400 = tpu.vector_load_idx %arg14[%add3A_300, %broadcast_in_dim3A_392] : memref<64x100xf32, #tpu.memory_space<vmem>>[vector<16xi32>, vector<16xi32>], vector<16xf32>,
        %mul3A_401 = arith.mulf %get3A_399, %gather3A_400 : vector<16xf32>
        %add3A_402 = arith.addf %add3A_389, %mul3A_401 : vector<16xf32>
        %add3A_403 = arith.constant 6 : i32
        %add3A_404 = arith.addi %mul3A_326, %add3A_403 : i32
        %broadcast_in_dim3A_405 = vector.broadcast %add3A_404 : i32 to vector<16xi32>
        %add3A_406 = arith.constant 6 : i32
        %add3A_407 = arith.addi %mul3A_326, %add3A_406 : i32
        %mul3A_408 = arith.constant 16 : i32
        %mul3A_409 = arith.muli %add3A_407, %mul3A_408 : i32
        %add3A_410 = arith.addi %mul3A_302, %mul3A_409 : i32
        %get3A_411 = arith.index_cast %add3A_410 : i32 to index
        %get3A_412 = tpu.vector_load %arg12[%get3A_411] {strides = array<i32>} : memref<6400xf32, #tpu.memory_space<vmem>>, vector<16xf32>,
        %gather3A_413 = tpu.vector_load_idx %arg14[%add3A_300, %broadcast_in_dim3A_405] : memref<64x100xf32, #tpu.memory_space<vmem>>[vector<16xi32>, vector<16xi32>], vector<16xf32>,
        %mul3A_414 = arith.mulf %get3A_412, %gather3A_413 : vector<16xf32>
        %add3A_415 = arith.addf %add3A_402, %mul3A_414 : vector<16xf32>
        %add3A_416 = arith.constant 7 : i32
        %add3A_417 = arith.addi %mul3A_326, %add3A_416 : i32
        %broadcast_in_dim3A_418 = vector.broadcast %add3A_417 : i32 to vector<16xi32>
        %add3A_419 = arith.constant 7 : i32
        %add3A_420 = arith.addi %mul3A_326, %add3A_419 : i32
        %mul3A_421 = arith.constant 16 : i32
        %mul3A_422 = arith.muli %add3A_420, %mul3A_421 : i32
        %add3A_423 = arith.addi %mul3A_302, %mul3A_422 : i32
        %get3A_424 = arith.index_cast %add3A_423 : i32 to index
        %get3A_425 = tpu.vector_load %arg12[%get3A_424] {strides = array<i32>} : memref<6400xf32, #tpu.memory_space<vmem>>, vector<16xf32>,
        %gather3A_426 = tpu.vector_load_idx %arg14[%add3A_300, %broadcast_in_dim3A_418] : memref<64x100xf32, #tpu.memory_space<vmem>>[vector<16xi32>, vector<16xi32>], vector<16xf32>,
        %mul3A_427 = arith.mulf %get3A_425, %gather3A_426 : vector<16xf32>
        %add3A_428 = arith.addf %add3A_415, %mul3A_427 : vector<16xf32>
        %add3A_429 = arith.constant 8 : i32
        %add3A_430 = arith.addi %mul3A_326, %add3A_429 : i32
        %broadcast_in_dim3A_431 = vector.broadcast %add3A_430 : i32 to vector<16xi32>
        %add3A_432 = arith.constant 8 : i32
        %add3A_433 = arith.addi %mul3A_326, %add3A_432 : i32
        %mul3A_434 = arith.constant 16 : i32
        %mul3A_435 = arith.muli %add3A_433, %mul3A_434 : i32
        %add3A_436 = arith.addi %mul3A_302, %mul3A_435 : i32
        %get3A_437 = arith.index_cast %add3A_436 : i32 to index
        %get3A_438 = tpu.vector_load %arg12[%get3A_437] {strides = array<i32>} : memref<6400xf32, #tpu.memory_space<vmem>>, vector<16xf32>,
        %gather3A_439 = tpu.vector_load_idx %arg14[%add3A_300, %broadcast_in_dim3A_431] : memref<64x100xf32, #tpu.memory_space<vmem>>[vector<16xi32>, vector<16xi32>], vector<16xf32>,
        %mul3A_440 = arith.mulf %get3A_438, %gather3A_439 : vector<16xf32>
        %add3A_441 = arith.addf %add3A_428, %mul3A_440 : vector<16xf32>
        %add3A_442 = arith.constant 9 : i32
        %add3A_443 = arith.addi %mul3A_326, %add3A_442 : i32
        %broadcast_in_dim3A_444 = vector.broadcast %add3A_443 : i32 to vector<16xi32>
        %add3A_445 = arith.constant 9 : i32
        %add3A_446 = arith.addi %mul3A_326, %add3A_445 : i32
        %mul3A_447 = arith.constant 16 : i32
        %mul3A_448 = arith.muli %add3A_446, %mul3A_447 : i32
        %add3A_449 = arith.addi %mul3A_302, %mul3A_448 : i32
        %get3A_450 = arith.index_cast %add3A_449 : i32 to index
        %get3A_451 = tpu.vector_load %arg12[%get3A_450] {strides = array<i32>} : memref<6400xf32, #tpu.memory_space<vmem>>, vector<16xf32>,
        %gather3A_452 = tpu.vector_load_idx %arg14[%add3A_300, %broadcast_in_dim3A_444] : memref<64x100xf32, #tpu.memory_space<vmem>>[vector<16xi32>, vector<16xi32>], vector<16xf32>,
        %mul3A_453 = arith.mulf %get3A_451, %gather3A_452 : vector<16xf32>
        %add3A_454 = arith.addf %add3A_441, %mul3A_453 : vector<16xf32>
        scf.yield %add3A_454 : vector<16xf32>
      }
      %scan3A_309 = arith.constant 10 : i32
      %neg3A = arith.constant 0.000000e+00 : f32
      %neg3A_310 = vector.broadcast %neg3A : f32 to vector<16xf32>
      %neg3A_311 = arith.subf %neg3A_310, %scan3A_308 : vector<16xf32>
      %exp3A = math.exp %neg3A_311 : vector<16xf32>
      %add3A_312 = arith.constant 1.000000e+00 : f32
      %add3A_313 = vector.broadcast %add3A_312 : f32 to vector<16xf32>
      %add3A_314 = arith.addf %add3A_313, %exp3A : vector<16xf32>
      %div3A = arith.constant 1.000000e+00 : f32
      %div3A_315 = vector.broadcast %div3A : f32 to vector<16xf32>
      %div3A_316 = arith.divf %div3A_315, %add3A_314 : vector<16xf32>
      %mul3A_317 = arith.constant 16 : i32
      %mul3A_318 = arith.muli %scan3A_295, %mul3A_317 : i32
      %add3A_319 = arith.constant 448 : i32
      %add3A_320 = arith.addi %add3A_319, %mul3A_318 : i32
      %swap3A = arith.index_cast %add3A_320 : i32 to index
      %swap3A_321 = tpu.vector_load %arg15[%swap3A] {strides = array<i32>} : memref<512xf32, #tpu.memory_space<vmem>>, vector<16xf32>,
      tpu.vector_store %arg15[%swap3A], %div3A_316 {strides = array<i32>} : memref<512xf32, #tpu.memory_space<vmem>>, vector<16xf32>,
      %scan3A_322 = arith.constant 0 : i32
      scf.yield %scan3A_322 : i32
    }
    %scan3A_294 = arith.constant 4 : i32
    "tpu.region"() ({
      %run_scoped3A = tpu.sem_alloc : memref<!tpu.dma_semaphore, #tpu.memory_space<semaphore_mem>>
      %dma_start3A_295 = tpu.memref_slice %arg5[%mul3A_2] : memref<16384xf32, #tpu.memory_space<hbm>> -> memref<512xf32, #tpu.memory_space<hbm>>
      %dma_start3A_296 = tpu.memref_slice %arg5[%mul3A_2] : memref<16384xf32, #tpu.memory_space<hbm>> -> memref<512xf32, #tpu.memory_space<hbm>>
      tpu.enqueue_dma source(%arg15 : memref<512xf32, #tpu.memory_space<vmem>>) target(%dma_start3A_296 : memref<512xf32, #tpu.memory_space<hbm>>) target_semaphore(%run_scoped3A : memref<!tpu.dma_semaphore, #tpu.memory_space<semaphore_mem>>)
      %dma_wait3A_297 = tpu.memref_slice %arg5[%mul3A_2] : memref<16384xf32, #tpu.memory_space<hbm>> -> memref<512xf32, #tpu.memory_space<hbm>>
      %dma_wait3A_298 = tpu.memref_slice %arg5[%mul3A_2] : memref<16384xf32, #tpu.memory_space<hbm>> -> memref<512xf32, #tpu.memory_space<hbm>>
      tpu.wait_dma2 semaphore(%run_scoped3A : memref<!tpu.dma_semaphore, #tpu.memory_space<semaphore_mem>>) src(%arg15 : memref<512xf32, #tpu.memory_space<vmem>>) dst(%dma_wait3A_298 : memref<512xf32, #tpu.memory_space<hbm>>)
      tpu.yield
    }) : () -> ()
    return
  }
}

</mosaic_0001>

<sc_bundles>
// kernel: kernel.3.cloned.1.call-start
scs
__scs_entry_jumppad:
0x0: {  	(pc) =	sbr.rel $0x88, $3  }
0x1: {  	(tag) =	ssettag $0x0;
	lr =	simm.s32 $0x1  }
0x2: {  	[smem:$0x3F9E] =	sst lr;
	_ =	strace $0xD0000000  }
0x3: {  	_ = 	snop  }
0x4: {  	_ = 	snop  }
0x5: {  	_ = 	snop  }
0x6: {  	_ = 	snop  }
0x7: {  	_ = 	snop  }
__scs_overlays_trampoline_lowered:
0x8: {  	[smem:$0x3FAD] =	sst s0  }
0x9: {  	[smem:$0x3FAE] =	sst s1  }
0xa: {  	[smem:$0x3FAF] =	sst s2  }
0xb: {  	[smem:$0x3FB0] =	sst s3  }
0xc: {  	[smem:$0x3FB1] =	sst s4  }
0xd: {  	[smem:$0x3FB2] =	sst s5  }
0xe: {  	[smem:$0x3FB3] =	sst s6  }
0xf: {  	[smem:$0x3FB4] =	sst s7  }
0x10: {  	[smem:$0x3FB5] =	sst s8  }
0x11: {  	[smem:$0x3FB6] =	sst s9;
	s0 =	simm.s32 @!p0 $0x0  }
0x12: {  	s1 =	sld [smem:$0x3F9C];
	s0 =	simm.s32 @p0 $0x1  }
0x13: {  	[smem:$0x3FB7] =	sst s0;
	s0 =	simm.s32 @!p1 $0x0  }
0x14: {  	s2 =	sld [smem:$0x3F9B];
	s0 =	simm.s32 @p1 $0x1  }
0x15: {  	[smem:$0x3FB8] =	sst s0;
	s0 =	simm.s32 @!p2 $0x0  }
0x16: {  	s3 =	sld [smem:$0x3FDB];
	s0 =	simm.s32 @p2 $0x1  }
0x17: {  	s4 =	simm.s32 $0x1BF5;
	[smem:$0x3FBA] =	sst s0  }
0x18: {  	s0 =	sld [smem:$0x3F9D];
	_ =	swait.ge [sflag:s4], $0x0  }
0x19: {  	s7 =	sld [smem:$0x3F9E]  }
0x1a: {  	s8 =	sadd.s32 $0xFFFFE003, lr  }
0x1b: {  	s9 =	sadd.s32 $0xFFFFFEF7, lr;
	s5 =	simm.s32 $0xFFFFFFFF;
	p2 =	slt.u32 s8, $0xFFFFF086  }
0x1c: {  	p1 =	slt.u32 s9, $0xF7A;
	s5 =	simm.s32 @!p2 $0x0  }
0x1d: {  	s5 =	simm.s32 @p1 $0x1;
	p0 =	seq.s32 s7, s2  }
0x1e: {  	s7 =	smul.u32 @!p0 $0xF7A, s2;
	p2 =	seq.s32 @!p0 s5, $0x0  }
0x1f: {  	s9 =	smul.u32 $0xF7A, s1;
	s8 =	simm.s32 @!p0 $0x1BF5;
	p2 =	por !p2, p0  }
0x20: {  	[sflag:s8] =	ssyncset.s32 @!p0 $0xFFFFF086;
	s6 =	sadd.s32 @!p0 s3, s7;
	s7 =	simm.s32 @!p0 $0x108  }
0x21: {  	s3 =	sadd.s32 s3, s9;
	s6 =	sadd.s32 @!p0 $0x88, s6;
	s7 =	simm.s32 @p2 $0x1082  }
0x22: {  	[simem:s7], [sflag:s8] =	dma.local @!p0 [hbm:s6], $0xF7A  }
0x23: {  	s9 =	sor.u32 $0xD0000000, s2;
	s6 =	simm.s32 $0x108;
	_ =	swait.ge @!p0 [sflag:s8], $0x0  }
0x24: {  	s3 =	sadd.s32 $0x88, s3;
	s6 =	simm.s32 @!p1 $0x1082;
	[sflag:s4] =	ssyncset.s32 $0xFFFFF086  }
0x25: {  	[simem:s6], [sflag:s4] =	dma.local [hbm:s3], $0xF7A  }
0x26: {  	[smem:$0x3F9E] =	sst s1;
	(tag) =	ssettag s2;
	_ =	strace s9  }
0x27: {  	s1 =	sld [smem:$0x3FAE]  }
0x28: {  	s2 =	sld [smem:$0x3FAF]  }
0x29: {  	s4 =	sld [smem:$0x3FB1]  }
0x2a: {  	p0 =	seq.s32 s5, $0x0;
	s5 =	sld [smem:$0x3FB2]  }
0x2b: {  	s6 =	sld [smem:$0x3FB3]  }
0x2c: {  	s7 =	sld [smem:$0x3FB4]  }
0x2d: {  	s3 =	simm.s32 $0x108;
	s8 =	sld [smem:$0x3FB5]  }
0x2e: {  	s3 =	simm.s32 @!p0 $0x1082;
	s9 =	sld [smem:$0x3FB6]  }
0x2f: {  	lr =	sadd.s32 s0, s3;
	s0 =	sld [smem:$0x3FAD]  }
0x30: {  	s3 =	sld [smem:$0x3FB0]  }
0x31: {  	[smem:$0x3FB9] =	sst s10  }
0x32: {  	s10 =	sld [smem:$0x3FB7];
	_ =	sdelay $0x3  }
0x33: {  	p0 =	seq.s32 s10, $0x1;
	s10 =	sld [smem:$0x3FB9];
	_ =	sdelay $0x3  }
0x34: {  	[smem:$0x3FB9] =	sst s10  }
0x35: {  	s10 =	sld [smem:$0x3FB8];
	_ =	sdelay $0x3  }
0x36: {  	p1 =	seq.s32 s10, $0x1;
	s10 =	sld [smem:$0x3FB9];
	_ =	sdelay $0x3  }
0x37: {  	[smem:$0x3FB9] =	sst s10  }
0x38: {  	s10 =	sld [smem:$0x3FBA]  }
0x39: {  	_ = 	snop;
	(pc) =	sbr.ind lr, $3  }
0x3a: {  	_ = 	snop  }
0x3b: {  	_ = 	snop  }
0x3c: {  	p2 =	seq.s32 s10, $0x1;
	s10 =	sld [smem:$0x3FB9]  }
0x3d: {  	_ =	shalt  }
0x3e: {  	_ =	shalt  }
0x3f: {  	_ =	shalt  }
0x40: {  	_ =	shalt  }
0x41: {  	_ =	shalt  }
0x42: {  	_ =	shalt  }
0x43: {  	_ =	shalt  }
0x44: {  	_ =	shalt  }
0x45: {  	_ =	shalt  }
0x46: {  	_ =	shalt  }
0x47: {  	_ =	shalt  }
0x48: {  	_ =	shalt  }
0x49: {  	_ =	shalt  }
0x4a: {  	_ =	shalt  }
0x4b: {  	_ =	shalt  }
0x4c: {  	_ =	shalt  }
0x4d: {  	_ =	shalt  }
0x4e: {  	_ =	shalt  }
0x4f: {  	_ =	shalt  }
0x50: {  	_ =	shalt  }
0x51: {  	_ =	shalt  }
0x52: {  	_ =	shalt  }
0x53: {  	_ =	shalt  }
0x54: {  	_ =	shalt  }
0x55: {  	_ =	shalt  }
0x56: {  	_ =	shalt  }
0x57: {  	_ =	shalt  }
0x58: {  	_ =	shalt  }
0x59: {  	_ =	shalt  }
0x5a: {  	_ =	shalt  }
0x5b: {  	_ =	shalt  }
0x5c: {  	_ =	shalt  }
0x5d: {  	_ =	shalt  }
0x5e: {  	_ =	shalt  }
0x5f: {  	_ =	shalt  }
0x60: {  	_ =	shalt  }
0x61: {  	_ =	shalt  }
0x62: {  	_ =	shalt  }
0x63: {  	_ =	shalt  }
0x64: {  	_ =	shalt  }
0x65: {  	_ =	shalt  }
0x66: {  	_ =	shalt  }
0x67: {  	_ =	shalt  }
0x68: {  	_ =	shalt  }
0x69: {  	_ =	shalt  }
0x6a: {  	_ =	shalt  }
0x6b: {  	_ =	shalt  }
0x6c: {  	_ =	shalt  }
0x6d: {  	_ =	shalt  }
0x6e: {  	_ =	shalt  }
0x6f: {  	_ =	shalt  }
0x70: {  	_ =	shalt  }
0x71: {  	_ =	shalt  }
0x72: {  	_ =	shalt  }
0x73: {  	_ =	shalt  }
0x74: {  	_ =	shalt  }
0x75: {  	_ =	shalt  }
0x76: {  	_ =	shalt  }
0x77: {  	_ =	shalt  }
0x78: {  	_ =	shalt  }
0x79: {  	_ =	shalt  }
0x7a: {  	_ =	shalt  }
0x7b: {  	_ =	shalt  }
0x7c: {  	_ =	shalt  }
0x7d: {  	_ =	shalt  }
0x7e: {  	_ =	shalt  }
0x7f: {  	_ =	shalt  }
0x80: {  	_ =	shalt  }
0x81: {  	_ =	shalt  }
0x82: {  	_ =	shalt  }
0x83: {  	_ =	shalt  }
0x84: {  	_ =	shalt  }
0x85: {  	_ =	shalt  }
0x86: {  	_ =	shalt  }
0x87: {  	_ =	shalt  }
.Lfunc_end0:
.L_simem_size_0:
called_computation_lowered:
.L_overlay_start_0:
0x88: {  	s2 =	sld [smem:$0x3FD9]  }
0x89: {  	s3 =	sld [smem:$0x3FFE];
	_ =	sdelay $0x1  }
0x8a: {  	s1 =	srdreg.scid  }
0x8b: {  	s0 =	sand.u32 $0x1, s1  }
0x8c: {  	s17 =	sshll.u32 s0, $0xA;
	s2 =	sadd.s32 s3, s2  }
0x8d: {  	s2 =	sadd.s32 s2, s17  }
0x8e: {  	[smem:$0x3FC5] =	sst s2  }
0x8f: {  	_ = 	snop  }
0x90: {  	s2 =	sld [smem:$0x3FC7]  }
0x91: {  	s18 =	sld [smem:$0x3FD0];
	(tm) =	ssettm $0x1  }
0x92: {  	s4 =	sld [smem:$0x3FFB];
	_ =	sdelay $0x3  }
0x93: {  	_ =	strace s4  }
0x94: {  	s4 =	sld [smem:$0x3FFC];
	_ =	sdelay $0x3  }
0x95: {  	_ =	strace s4  }
0x96: {  	s4 =	sld [smem:$0x3FFD];
	_ =	sdelay $0x3  }
0x97: {  	_ =	strace s4  }
0x98: {  	_ =	strace $0x8FFFFFFF  }
0x99: {  	s19 =	sld [smem:$0x3FDB];
	_ =	sdelay $0x1  }
0x9a: {  	s5 =	simm.s32 $_scs_section_size  }
0x9b: {  	s6 =	simm.s32 $_size__tile_overlayer_lowered;
	s7 =	simm.s32 $_tile_overlayer_lowered  }
0x9c: {  	s22 =	simm.s32 $0x1BFF;
	s21 =	sshll.u32 s7, $0x1;
	s4 =	sadd.s32 s5, s19  }
0x9d: {  	s8 =	simm.s32 $0x0;
	s20 =	sshll.u32 s6, $0x1;
	s6 =	sadd.s32 s21, s4  }
0x9e: {  	[timem:s8], [sflag:s22] =	dma.local [hbm:s6], s20  }
0x9f: {  	_ =	swait.ge [sflag:s22], s20  }
0xa0: {  	s5 =	ssub.s32 $0x0, s20;
	[sflag:s22] =	ssyncset.done $0x0  }
0xa1: {  	[sflag:s22] =	ssyncadd.s32 s5;
	_ =	sdelay $0x1  }
0xa2: {  	s23 =	simm.s32 $0x1B8B  }
0xa3: {  	_ =	swait.ge [sflag:s23], $0x1  }
0xa4: {  	[sflag:s23] =	ssyncset.done $0x0  }
0xa5: {  	s25 =	simm.s32 $0x1B8E;
	s24 =	sld [smem:$0x3FFE];
	[sflag:s23] =	ssyncadd.s32 $0xFFFFFFFF  }
0xa6: {  	s26 =	simm.s32 $execute0_lowered;
	[smem:$0x3FD2] =	sst s25  }
0xa7: {  	s6 =	sshll.u32 s26, $0x1;
	_ =	strace $0x80000046;
	[dreg:$0x1] =	wrdreg $0xFFFFFFFF  }
0xa8: {  	s28 =	simm.s32 $_size_execute0_lowered;
	s4 =	sadd.s32 s4, s6;
	[dreg:$0x0] =	wrdreg $0x0  }
0xa9: {  	s6 =	sshll.u32 s28, $0x1;
	[dreg:$0x2] =	wrdreg s4  }
0xaa: {  	[dreg:$0x3] =	wrdreg s6  }
0xab: {  	[dreg:$0x4] =	wrdreg $0xC0  }
0xac: {  	_ =	task [dreg:s8], $0x5FFFF  }
0xad: {  	[dreg:$0x1] =	wrdreg $0xFFFFFFFF  }
0xae: {  	[dreg:$0x0] =	wrdreg $0x60  }
0xaf: {  	[dreg:$0x2] =	wrdreg s24  }
0xb0: {  	[dreg:$0x3] =	wrdreg s2  }
0xb1: {  	[dreg:$0x4] =	wrdreg s18  }
0xb2: {  	[dreg:$0x5] =	wrdreg $0x0  }
0xb3: {  	[dreg:$0x6] =	wrdreg $0x9  }
0xb4: {  	_ =	task.clear_ibuf [dreg:s8], $0x7FFFF;
	_ =	strace $0x90000046  }
0xb5: {  	s29 =	simm.s32 $0x9;
	_ =	strace $0x80000048  }
0xb6: {  	_ =	swait.ge [sflag:s29], $0x1  }
0xb7: {  	[sflag:s29] =	ssyncadd.s32 $0xFFFFFFFF  }
0xb8: {  	_ =	strace $0x90000048  }
0xb9: {  	_ =	sfence  }
0xba: {  	s30 =	sld [smem:$0x0];
	_ =	sdelay $0x2  }
0xbb: {  	s31 =	sshll.u32 s1, $0xD;
	s1 =	sshrl.u32 s1, $0x2  }
0xbc: {  	s3 =	sand.u32 $0x4000, s31;
	s1 =	sadd.s32 s1, s30  }
0xbd: {  	s0 =	sor.u32 s3, s0;
	s1 =	sshll.u32 s1, $0x11  }
0xbe: {  	s0 =	sor.u32 s1, s0  }
0xbf: {  	s0 =	sadd.s32 $0x8F2B, s0  }
0xc0: {  	[sflag:s0] =	ssyncadd.remote.s32 $0x1  }
0xc1: {  	_ =	sfence.sel $0xFFFF  }
0xc2: {  	[dreg:$0x0] =	wrdreg $0xFFFFFFFF;
	(pc) =	sbr.abs _section_cstart, $3  }
0xc3: {  	[dreg:$0x1] =	wrdreg $0xFFFFFFFF  }
0xc4: {  	_ =	task.clear_ibuf [dreg:s8], $0x2FFFF;
	_ =	strace $0x9FFFFFFF  }
0xc5: {  	(tm) =	ssettm $0x7FFFFFFF  }
tec
execute0_lowered:
.L_overlay_start_1:
0x0: {  	(tag) =	ssettag $0x1  }
0x1: {  	s0 =	rddreg [dreg:$0x0]  }
0x2: {  	s19 =	rddreg [dreg:$0x1]  }
0x3: {  	s1 =	rddreg [dreg:$0x2]  }
0x4: {  	s2 =	rddreg [dreg:$0x3];
	s3 =	simm.s32 $0x0;
	s4 =	srdreg.scid  }
0x5: {  	s5 =	stileid.u32;
	s28 =	simm.s32 $0x1900;
	s29 =	simm.s32 $0x13428  }
0x6: {  	s30 =	simm.s32 $0x16628;
	s31 =	simm.s32 $0x3;
	s4 =	sand.u32 $0x1, s4  }
0x7: {  	[smem:$0x7FF] =	sst s3;
	s6 =	sshll.u32 s5, $0xA;
	s7 =	sshll.u32 s4, $0x9  }
0x8: {  	s8 =	sadd.s32 $0x600, s0;
	s4 =	ssub.s32 $0x2, s4;
	s6 =	sor.u32 s7, s6  }
0x9: {  	s0 =	sadd.s32 $0x40600, s0;
	s10 =	sshrl.u32 s4, $0x1;
	s9 =	sshll.u32 s6, $0x4  }
0xa: {  	_ =	strace $0x80000047;
	s4 =	ssub.s32 s4, s10;
	s11 =	sadd.s32 s8, s9  }
0xb: {  	s12 =	sor.u32 $0x400, s9;
	s10 =	sadd.s32 s0, s9;
	[dreg:$0x5] =	wrdreg s11  }
0xc: {  	p0 =	sne.s32 s5, $0x0;
	[dreg:$0x6] =	wrdreg s10;
	s13 =	sadd.s32 s8, s12  }
0xd: {  	s14 =	sor.u32 $0x800, s9;
	s7 =	sadd.s32 s0, s12;
	[dreg:$0x7] =	wrdreg s13  }
0xe: {  	s5 =	simm.s32 $0x6;
	s15 =	sadd.s32 s8, s14;
	[dreg:$0x8] =	wrdreg s7  }
0xf: {  	s16 =	sor.u32 $0xC00, s9;
	s10 =	sadd.s32 s0, s14;
	[dreg:$0x9] =	wrdreg s15  }
0x10: {  	s18 =	sor.u32 $0x1000, s9;
	s17 =	sadd.s32 s8, s16;
	[dreg:$0xa] =	wrdreg s10  }
0x11: {  	s21 =	sor.u32 $0x1400, s9;
	s20 =	sadd.s32 s8, s18;
	[dreg:$0xb] =	wrdreg s17  }
0x12: {  	s23 =	sor.u32 $0x1800, s9;
	s22 =	sadd.s32 s8, s21;
	[dreg:$0xd] =	wrdreg s20  }
0x13: {  	s6 =	sshrl.u32 s6, $0x3;
	s24 =	sadd.s32 s8, s23;
	[dreg:$0xf] =	wrdreg s22  }
0x14: {  	s25 =	sor.u32 $0x1C00, s9;
	s26 =	sadd.s32 s0, s23;
	[dreg:$0x11] =	wrdreg s24  }
0x15: {  	s8 =	sadd.s32 s8, s25;
	s23 =	simm.s32 $0x19828;
	[dreg:$0x12] =	wrdreg s26  }
0x16: {  	s7 =	sadd.s32 s0, s16;
	s10 =	sadd.s32 s0, s18;
	[dreg:$0x13] =	wrdreg s8  }
0x17: {  	s20 =	sadd.s32 s1, s6;
	s22 =	simm.s32 $0xF428;
	s24 =	simm.s32 $0x11428  }
0x18: {  	s26 =	simm.s32 $0x2;
	s1 =	simm.s32 $0x17F28;
	[dreg:$0xc] =	wrdreg s7  }
0x19: {  	s6 =	simm.s32 $0x5;
	s8 =	simm.s32 $0x0;
	[dreg:$0xe] =	wrdreg s10  }
0x1a: {  	s7 =	sadd.s32 s0, s21;
	s0 =	sadd.s32 s0, s25;
	s21 =	smax.u32 s4, $0x1  }
0x1b: {  	v0 =	vlaneseq.u32;
	s25 =	simm.s32 $0x1B828;
	s4 =	simm.s32 $0x4;
	[dreg:$0x10] =	wrdreg s7  }
0x1c: {  	v0 =	vmul.u32 $0x80, v0;
	[dreg:$0x14] =	wrdreg s0;
	s0 =	simm.s32 $0x14D28;
	s7 =	simm.s32 $0x7  }
.LBB2_1:
0x1d: {  	s9 =	sshrl.u32 @!p0 s2, $0x3;
	s10 =	simm.s32 @!p0 $0x1C01  }
0x1e: {  	[spmem:s9], [sflag:s10] =	dma.local @!p0 [hbm:s19], $0x1E850  }
0x1f: {  	s9 =	rddreg [dreg:$0x5]  }
0x20: {  	[tilespmem:s22], [sflag:$0x2] =	stream.linear.gather [hbm4b:s9+s3], $0x2000, $0x38;
	[tilespmem:$0x1DA28] =	vst v63  }
0x21: {  	s16 =	rddreg [dreg:$0x6]  }
0x22: {  	[tilespmem:s23], [sflag:$0x2] =	stream.linear.gather [hbm4b:s16+s3], $0x2000, $0x38;
	[tilespmem:$0x1DA28] =	vst v63  }
0x23: {  	s17 =	rddreg [dreg:$0x7]  }
0x24: {  	[tilespmem:s24], [sflag:$0x3] =	stream.linear.gather [hbm4b:s17+s3], $0x2000, $0x38;
	[tilespmem:$0x1DA28] =	vst v63  }
0x25: {  	s18 =	rddreg [dreg:$0x8]  }
0x26: {  	[tilespmem:s25], [sflag:$0x3] =	stream.linear.gather [hbm4b:s18+s3], $0x2000, $0x38;
	[tilespmem:$0x1DA28] =	vst v63  }
0x27: {  	_ =	swait.ge [sflag:s26], $0x2000  }
0x28: {  	[sflag:s26] =	ssyncset.done $0x0  }
0x29: {  	[sflag:s26] =	ssyncadd.s32 $0xFFFFE000  }
0x2a: {  	_ =	swait.ge [sflag:s26], $0x2000  }
0x2b: {  	[sflag:s26] =	ssyncset.done $0x0  }
0x2c: {  	s10 =	simm.s32 $0x0;
	s9 =	simm.s32 $0x13478;
	[sflag:s26] =	ssyncadd.s32 $0xFFFFE000  }
.LBB2_2:
0x2d: {  	s11 =	sshll.u32 s10, $0x4  }
0x2e: {  	s16 =	simm.s32 $0x0;
	v1 =	vmov s11  }
0x2f: {  	v2 =	vmov s16;
	v1 =	vshll.u32 v1, $0x7  }
0x30: {  	v3 =	vand.u32 $0x80, v2;
	v1 =	vor.u32 v0, v1  }
0x31: {  	v2 =	vand.u32 $0x7E, v2;
	v3 =	vadd.s32 v1, v3  }
0x32: {  	v2 =	vor.u32 v2, v3;
	_ =	sdelay $0x1  }
0x33: {  	s17 =	simm.s32 $0x1  }
0x34: {  	v3 =	vmov s17  }
0x35: {  	v4 =	vand.u32 $0x80, v3  }
0x36: {  	v3 =	vand.u32 $0x7F, v3;
	v4 =	vadd.s32 v1, v4;
	v2 =	vld.idx.msk [tilespmem:v2+s22+$0x0], $0xffff  }
0x37: {  	v3 =	vor.u32 v3, v4;
	_ =	sdelay $0x1  }
0x38: {  	s18 =	simm.s32 $0x2  }
0x39: {  	v4 =	vmov s18  }
0x3a: {  	[tilespmem:s9+$0xFFFFFFB0] =	vst v2;
	v2 =	vand.u32 $0x180, v4  }
0x3b: {  	v4 =	vand.u32 $0x7E, v4;
	v3 =	vld.idx.msk [tilespmem:v3+s22+$0x0], $0xffff;
	v2 =	vadd.s32 v1, v2  }
0x3c: {  	v2 =	vor.u32 v4, v2;
	_ =	sdelay $0x1  }
0x3d: {  	s12 =	simm.s32 $0x3  }
0x3e: {  	v4 =	vmov s12  }
0x3f: {  	[tilespmem:s9+$0xFFFFFFC0] =	vst v3;
	v3 =	vand.u32 $0x180, v4  }
0x40: {  	v4 =	vand.u32 $0x7F, v4;
	v2 =	vld.idx.msk [tilespmem:v2+s22+$0x0], $0xffff;
	v3 =	vadd.s32 v1, v3  }
0x41: {  	v3 =	vor.u32 v4, v3;
	_ =	sdelay $0x1  }
0x42: {  	s13 =	simm.s32 $0x4  }
0x43: {  	v4 =	vmov s13  }
0x44: {  	[tilespmem:s9+$0xFFFFFFD0] =	vst v2;
	v2 =	vand.u32 $0x180, v4  }
0x45: {  	v4 =	vand.u32 $0x7E, v4;
	v3 =	vld.idx.msk [tilespmem:v3+s22+$0x0], $0xffff;
	v2 =	vadd.s32 v1, v2  }
0x46: {  	v2 =	vor.u32 v4, v2;
	_ =	sdelay $0x1  }
0x47: {  	s14 =	simm.s32 $0x5  }
0x48: {  	v4 =	vmov s14  }
0x49: {  	[tilespmem:s9+$0xFFFFFFE0] =	vst v3;
	v3 =	vand.u32 $0x180, v4  }
0x4a: {  	v4 =	vand.u32 $0x7F, v4;
	v2 =	vld.idx.msk [tilespmem:v2+s22+$0x0], $0xffff;
	v3 =	vadd.s32 v1, v3  }
0x4b: {  	v3 =	vor.u32 v4, v3;
	_ =	sdelay $0x1  }
0x4c: {  	s15 =	simm.s32 $0x6  }
0x4d: {  	v4 =	vmov s15  }
0x4e: {  	[tilespmem:s9+$0xFFFFFFF0] =	vst v2;
	v2 =	vand.u32 $0x180, v4  }
0x4f: {  	v4 =	vand.u32 $0x7E, v4;
	v3 =	vld.idx.msk [tilespmem:v3+s22+$0x0], $0xffff;
	v2 =	vadd.s32 v1, v2  }
0x50: {  	v2 =	vor.u32 v4, v2;
	_ =	sdelay $0x1  }
0x51: {  	s16 =	simm.s32 $0x7  }
0x52: {  	v4 =	vmov s16  }
0x53: {  	[tilespmem:s9+$0x0] =	vst v3;
	v3 =	vand.u32 $0x180, v4  }
0x54: {  	v4 =	vand.u32 $0x7F, v4;
	v2 =	vld.idx.msk [tilespmem:v2+s22+$0x0], $0xffff;
	v3 =	vadd.s32 v1, v3  }
0x55: {  	v3 =	vor.u32 v4, v3;
	_ =	sdelay $0x1  }
0x56: {  	s17 =	simm.s32 $0x8  }
0x57: {  	v4 =	vmov s17  }
0x58: {  	[tilespmem:s9+$0x10] =	vst v2;
	v2 =	vand.u32 $0x180, v4  }
0x59: {  	v4 =	vand.u32 $0x7E, v4;
	v3 =	vld.idx.msk [tilespmem:v3+s22+$0x0], $0xffff;
	v2 =	vadd.s32 v1, v2  }
0x5a: {  	v2 =	vor.u32 v4, v2;
	_ =	sdelay $0x1  }
0x5b: {  	s18 =	simm.s32 $0x9  }
0x5c: {  	v4 =	vmov s18  }
0x5d: {  	v5 =	vand.u32 $0x180, v4;
	[tilespmem:s9+$0x20] =	vst v3  }
0x5e: {  	v3 =	vand.u32 $0x7F, v4;
	v4 =	vadd.s32 v1, v5;
	v2 =	vld.idx.msk [tilespmem:v2+s22+$0x0], $0xffff  }
0x5f: {  	v3 =	vor.u32 v3, v4;
	_ =	sdelay $0x1  }
0x60: {  	s11 =	simm.s32 $0x13  }
0x61: {  	s12 =	smov.u32 s9;
	s13 =	simm.s32 $0x1D;
	s14 =	simm.s32 $0xA  }
.LBB2_3:
0x62: {  	p1 =	sne.s32 s13, $0x63;
	v4 =	vmov s14;
	[tilespmem:s12+$0x30] =	vst v2  }
0x63: {  	v2 =	vand.u32 $0x80, v4;
	v3 =	vld.idx.msk [tilespmem:v3+s22+$0x0], $0xffff  }
0x64: {  	v4 =	vand.u32 $0x7E, v4;
	v2 =	vadd.s32 v1, v2  }
0x65: {  	v2 =	vor.u32 v4, v2;
	_ =	sdelay $0x2  }
0x66: {  	s14 =	sadd.s32 $0xFFFFFFF8, s11  }
0x67: {  	v4 =	vmov s14;
	[tilespmem:s12+$0x40] =	vst v3  }
0x68: {  	v3 =	vand.u32 $0x80, v4;
	v2 =	vld.idx.msk [tilespmem:v2+s22+$0x0], $0xffff  }
0x69: {  	v4 =	vand.u32 $0x7F, v4;
	v3 =	vadd.s32 v1, v3  }
0x6a: {  	v3 =	vor.u32 v4, v3;
	_ =	sdelay $0x2  }
0x6b: {  	s14 =	sadd.s32 $0xFFFFFFF9, s11;
	s12 =	sadd.s32 $0xA0, s12  }
0x6c: {  	[tilespmem:s12+$0xFFFFFFB0] =	vst v2;
	v2 =	vmov s14  }
0x6d: {  	v3 =	vld.idx.msk [tilespmem:v3+s22+$0x0], $0xffff;
	v4 =	vand.u32 $0x180, v2  }
0x6e: {  	v2 =	vand.u32 $0x7E, v2;
	v4 =	vadd.s32 v1, v4  }
0x6f: {  	v2 =	vor.u32 v2, v4;
	_ =	sdelay $0x2  }
0x70: {  	s14 =	sadd.s32 $0xFFFFFFFA, s11  }
0x71: {  	[tilespmem:s12+$0xFFFFFFC0] =	vst v3;
	v3 =	vmov s14  }
0x72: {  	v2 =	vld.idx.msk [tilespmem:v2+s22+$0x0], $0xffff;
	v4 =	vand.u32 $0x180, v3  }
0x73: {  	v3 =	vand.u32 $0x7F, v3;
	v4 =	vadd.s32 v1, v4  }
0x74: {  	v3 =	vor.u32 v3, v4;
	_ =	sdelay $0x2  }
0x75: {  	s14 =	sadd.s32 $0xFFFFFFFB, s11  }
0x76: {  	[tilespmem:s12+$0xFFFFFFD0] =	vst v2;
	v2 =	vmov s14  }
0x77: {  	v3 =	vld.idx.msk [tilespmem:v3+s22+$0x0], $0xffff;
	v4 =	vand.u32 $0x180, v2  }
0x78: {  	v2 =	vand.u32 $0x7E, v2;
	v4 =	vadd.s32 v1, v4  }
0x79: {  	v2 =	vor.u32 v2, v4;
	_ =	sdelay $0x2  }
0x7a: {  	s14 =	sadd.s32 $0xFFFFFFFC, s11  }
0x7b: {  	[tilespmem:s12+$0xFFFFFFE0] =	vst v3;
	v3 =	vmov s14  }
0x7c: {  	v2 =	vld.idx.msk [tilespmem:v2+s22+$0x0], $0xffff;
	v4 =	vand.u32 $0x180, v3  }
0x7d: {  	v3 =	vand.u32 $0x7F, v3;
	v4 =	vadd.s32 v1, v4  }
0x7e: {  	v3 =	vor.u32 v3, v4;
	_ =	sdelay $0x2  }
0x7f: {  	s14 =	sadd.s32 $0xFFFFFFFD, s11  }
0x80: {  	[tilespmem:s12+$0xFFFFFFF0] =	vst v2;
	v2 =	vmov s14  }
0x81: {  	v3 =	vld.idx.msk [tilespmem:v3+s22+$0x0], $0xffff;
	v4 =	vand.u32 $0x180, v2  }
0x82: {  	v2 =	vand.u32 $0x7E, v2;
	v4 =	vadd.s32 v1, v4  }
0x83: {  	v2 =	vor.u32 v2, v4;
	_ =	sdelay $0x2  }
0x84: {  	s14 =	sadd.s32 $0xFFFFFFFE, s11  }
0x85: {  	[tilespmem:s12+$0x0] =	vst v3;
	v3 =	vmov s14  }
0x86: {  	v2 =	vld.idx.msk [tilespmem:v2+s22+$0x0], $0xffff;
	v4 =	vand.u32 $0x180, v3  }
0x87: {  	v3 =	vand.u32 $0x7F, v3;
	v4 =	vadd.s32 v1, v4  }
0x88: {  	v3 =	vor.u32 v3, v4;
	_ =	sdelay $0x2  }
0x89: {  	s14 =	sadd.s32 $0xFFFFFFFF, s11  }
0x8a: {  	[tilespmem:s12+$0x10] =	vst v2;
	v2 =	vmov s14  }
0x8b: {  	v3 =	vld.idx.msk [tilespmem:v3+s22+$0x0], $0xffff;
	v4 =	vand.u32 $0x180, v2  }
0x8c: {  	v2 =	vand.u32 $0x7E, v2;
	v4 =	vadd.s32 v1, v4  }
0x8d: {  	v2 =	vor.u32 v2, v4;
	_ =	sdelay $0x3  }
0x8e: {  	[tilespmem:s12+$0x20] =	vst v3;
	v3 =	vmov s11;
	s11 =	smov.u32 s13  }
0x8f: {  	v2 =	vld.idx.msk [tilespmem:v2+s22+$0x0], $0xffff;
	v4 =	vand.u32 $0x180, v3  }
.Ltmp0:
0x90: {  	v3 =	vand.u32 $0x7F, v3;
	v4 =	vadd.s32 v1, v4;
	(pc) =	sbr.rel @p1 .LBB2_3-.Ltmp0, $2  }
0x91: {  	v3 =	vor.u32 v3, v4;
	_ =	sdelay $0x2  }
0x92: {  	s13 =	sadd.s32 $0xA, s13;
	s14 =	sadd.s32 $0xFFFFFFF7, s11  }
0x93: {  	_ =	sdelay $0x1  }
0x94: {  	v4 =	vmov s14  }
0x95: {  	[tilespmem:s12+$0x30] =	vst v2;
	v2 =	vand.u32 $0x80, v4  }
0x96: {  	v3 =	vld.idx.msk [tilespmem:v3+s22+$0x0], $0xffff;
	v4 =	vand.u32 $0x7E, v4;
	v2 =	vadd.s32 v1, v2  }
0x97: {  	v2 =	vor.u32 v4, v2;
	_ =	sdelay $0x1  }
0x98: {  	s13 =	sadd.s32 $0xFFFFFFF8, s11  }
0x99: {  	v55 =	vmov s13  }
0x9a: {  	[tilespmem:s12+$0x40] =	vst v3;
	v3 =	vand.u32 $0x80, v55  }
0x9b: {  	v4 =	vand.u32 $0x7F, v55;
	v3 =	vadd.s32 v1, v3;
	v2 =	vld.idx.msk [tilespmem:v2+s22+$0x0], $0xffff  }
0x9c: {  	v3 =	vor.u32 v4, v3;
	_ =	sdelay $0x1  }
0x9d: {  	s17 =	sadd.s32 $0xFFFFFFF9, s11  }
0x9e: {  	v56 =	vmov s17;
	s12 =	sadd.s32 $0xA0, s12  }
0x9f: {  	[tilespmem:s12+$0xFFFFFFB0] =	vst v2;
	v2 =	vand.u32 $0x180, v56  }
0xa0: {  	v4 =	vand.u32 $0x7E, v56;
	v3 =	vld.idx.msk [tilespmem:v3+s22+$0x0], $0xffff;
	v2 =	vadd.s32 v1, v2  }
0xa1: {  	v2 =	vor.u32 v4, v2;
	_ =	sdelay $0x1  }
0xa2: {  	s18 =	sadd.s32 $0xFFFFFFFA, s11  }
0xa3: {  	v57 =	vmov s18  }
0xa4: {  	[tilespmem:s12+$0xFFFFFFC0] =	vst v3;
	v3 =	vand.u32 $0x180, v57  }
0xa5: {  	v4 =	vand.u32 $0x7F, v57;
	v2 =	vld.idx.msk [tilespmem:v2+s22+$0x0], $0xffff;
	v3 =	vadd.s32 v1, v3  }
0xa6: {  	v3 =	vor.u32 v4, v3;
	_ =	sdelay $0x1  }
0xa7: {  	s14 =	sadd.s32 $0xFFFFFFFB, s11  }
0xa8: {  	v58 =	vmov s14  }
0xa9: {  	[tilespmem:s12+$0xFFFFFFD0] =	vst v2;
	v2 =	vand.u32 $0x180, v58  }
0xaa: {  	v4 =	vand.u32 $0x7E, v58;
	v3 =	vld.idx.msk [tilespmem:v3+s22+$0x0], $0xffff;
	v2 =	vadd.s32 v1, v2  }
0xab: {  	v2 =	vor.u32 v4, v2;
	_ =	sdelay $0x1  }
0xac: {  	s15 =	sadd.s32 $0xFFFFFFFC, s11  }
0xad: {  	v59 =	vmov s15  }
0xae: {  	[tilespmem:s12+$0xFFFFFFE0] =	vst v3;
	v3 =	vand.u32 $0x180, v59  }
0xaf: {  	v4 =	vand.u32 $0x7F, v59;
	v2 =	vld.idx.msk [tilespmem:v2+s22+$0x0], $0xffff;
	v3 =	vadd.s32 v1, v3  }
0xb0: {  	v3 =	vor.u32 v4, v3;
	_ =	sdelay $0x1  }
0xb1: {  	s16 =	sadd.s32 $0xFFFFFFFD, s11  }
0xb2: {  	v60 =	vmov s16  }
0xb3: {  	[tilespmem:s12+$0xFFFFFFF0] =	vst v2;
	v2 =	vand.u32 $0x180, v60  }
0xb4: {  	v4 =	vand.u32 $0x7E, v60;
	v3 =	vld.idx.msk [tilespmem:v3+s22+$0x0], $0xffff;
	v2 =	vadd.s32 v1, v2  }
0xb5: {  	v2 =	vor.u32 v4, v2;
	_ =	sdelay $0x1  }
0xb6: {  	s17 =	sadd.s32 $0xFFFFFFFE, s11  }
0xb7: {  	v61 =	vmov s17  }
0xb8: {  	[tilespmem:s12+$0x0] =	vst v3;
	v3 =	vand.u32 $0x180, v61  }
0xb9: {  	v4 =	vand.u32 $0x7F, v61;
	v2 =	vld.idx.msk [tilespmem:v2+s22+$0x0], $0xffff;
	v3 =	vadd.s32 v1, v3  }
0xba: {  	v3 =	vor.u32 v4, v3;
	_ =	sdelay $0x1  }
0xbb: {  	s18 =	sadd.s32 $0xFFFFFFFF, s11  }
0xbc: {  	v62 =	vmov s18  }
0xbd: {  	[tilespmem:s12+$0x10] =	vst v2;
	v2 =	vand.u32 $0x180, v62  }
0xbe: {  	v4 =	vand.u32 $0x7E, v62;
	v3 =	vld.idx.msk [tilespmem:v3+s22+$0x0], $0xffff;
	v2 =	vadd.s32 v1, v2  }
0xbf: {  	v2 =	vor.u32 v4, v2;
	_ =	sdelay $0x2  }
0xc0: {  	v63 =	vmov s11  }
0xc1: {  	[tilespmem:s12+$0x20] =	vst v3;
	v3 =	vand.u32 $0x180, v63  }
0xc2: {  	v4 =	vand.u32 $0x7F, v63;
	v2 =	vld.idx.msk [tilespmem:v2+s22+$0x0], $0xffff;
	v1 =	vadd.s32 v1, v3  }
0xc3: {  	v1 =	vor.u32 v4, v1;
	_ =	sdelay $0x3  }
0xc4: {  	s10 =	sadd.s32 $0x1, s10;
	[tilespmem:s12+$0x30] =	vst v2  }
0xc5: {  	p1 =	sne.s32 s10, $0x4;
	v1 =	vld.idx.msk [tilespmem:v1+s22+$0x0], $0xffff  }
.Ltmp1:
0xc6: {  	_ = 	snop;
	(pc) =	sbr.rel @p1 .LBB2_2-.Ltmp1, $2  }
0xc7: {  	_ =	sdelay $0x2  }
0xc8: {  	s9 =	sadd.s32 $0x640, s9;
	[tilespmem:s12+$0x40] =	vst v1  }
0xc9: {  	[tilespmem:s30], [sflag:$0x4] =	stream.indirect.gather [hbm4b:s19+s28], $0x1, s29, s28, $0xb8;
	[tilespmem:$0x1DA28] =	vst v63  }
0xca: {  	_ =	swait.ge [sflag:s31], $0x2000  }
0xcb: {  	[sflag:s31] =	ssyncset.done $0x0  }
0xcc: {  	[sflag:s31] =	ssyncadd.s32 $0xFFFFE000  }
0xcd: {  	_ =	swait.ge [sflag:s31], $0x2000  }
0xce: {  	[sflag:s31] =	ssyncset.done $0x0  }
0xcf: {  	s9 =	simm.s32 $0x0;
	s10 =	simm.s32 $0x14D78;
	[sflag:s31] =	ssyncadd.s32 $0xFFFFE000  }
.LBB2_6:
0xd0: {  	s11 =	sshll.u32 s9, $0x4  }
0xd1: {  	s16 =	simm.s32 $0x0;
	v1 =	vmov s11  }
0xd2: {  	v2 =	vmov s16;
	v1 =	vshll.u32 v1, $0x7  }
0xd3: {  	v3 =	vand.u32 $0x80, v2;
	v1 =	vor.u32 v0, v1  }
0xd4: {  	v2 =	vand.u32 $0x7E, v2;
	v3 =	vadd.s32 v1, v3  }
0xd5: {  	v2 =	vor.u32 v2, v3;
	_ =	sdelay $0x1  }
0xd6: {  	s17 =	simm.s32 $0x1  }
0xd7: {  	v3 =	vmov s17  }
0xd8: {  	v4 =	vand.u32 $0x80, v3  }
0xd9: {  	v3 =	vand.u32 $0x7F, v3;
	v4 =	vadd.s32 v1, v4;
	v2 =	vld.idx.msk [tilespmem:v2+s24+$0x0], $0xffff  }
0xda: {  	v3 =	vor.u32 v3, v4;
	_ =	sdelay $0x1  }
0xdb: {  	s18 =	simm.s32 $0x2  }
0xdc: {  	v4 =	vmov s18  }
0xdd: {  	[tilespmem:s10+$0xFFFFFFB0] =	vst v2;
	v2 =	vand.u32 $0x180, v4  }
0xde: {  	v4 =	vand.u32 $0x7E, v4;
	v3 =	vld.idx.msk [tilespmem:v3+s24+$0x0], $0xffff;
	v2 =	vadd.s32 v1, v2  }
0xdf: {  	v2 =	vor.u32 v4, v2;
	_ =	sdelay $0x1  }
0xe0: {  	s12 =	simm.s32 $0x3  }
0xe1: {  	v4 =	vmov s12  }
0xe2: {  	[tilespmem:s10+$0xFFFFFFC0] =	vst v3;
	v3 =	vand.u32 $0x180, v4  }
0xe3: {  	v4 =	vand.u32 $0x7F, v4;
	v2 =	vld.idx.msk [tilespmem:v2+s24+$0x0], $0xffff;
	v3 =	vadd.s32 v1, v3  }
0xe4: {  	v3 =	vor.u32 v4, v3;
	_ =	sdelay $0x1  }
0xe5: {  	s13 =	simm.s32 $0x4  }
0xe6: {  	v4 =	vmov s13  }
0xe7: {  	[tilespmem:s10+$0xFFFFFFD0] =	vst v2;
	v2 =	vand.u32 $0x180, v4  }
0xe8: {  	v4 =	vand.u32 $0x7E, v4;
	v3 =	vld.idx.msk [tilespmem:v3+s24+$0x0], $0xffff;
	v2 =	vadd.s32 v1, v2  }
0xe9: {  	v2 =	vor.u32 v4, v2;
	_ =	sdelay $0x1  }
0xea: {  	s14 =	simm.s32 $0x5  }
0xeb: {  	v4 =	vmov s14  }
0xec: {  	[tilespmem:s10+$0xFFFFFFE0] =	vst v3;
	v3 =	vand.u32 $0x180, v4  }
0xed: {  	v4 =	vand.u32 $0x7F, v4;
	v2 =	vld.idx.msk [tilespmem:v2+s24+$0x0], $0xffff;
	v3 =	vadd.s32 v1, v3  }
0xee: {  	v3 =	vor.u32 v4, v3;
	_ =	sdelay $0x1  }
0xef: {  	s15 =	simm.s32 $0x6  }
0xf0: {  	v4 =	vmov s15  }
0xf1: {  	[tilespmem:s10+$0xFFFFFFF0] =	vst v2;
	v2 =	vand.u32 $0x180, v4  }
0xf2: {  	v4 =	vand.u32 $0x7E, v4;
	v3 =	vld.idx.msk [tilespmem:v3+s24+$0x0], $0xffff;
	v2 =	vadd.s32 v1, v2  }
0xf3: {  	v2 =	vor.u32 v4, v2;
	_ =	sdelay $0x1  }
0xf4: {  	s16 =	simm.s32 $0x7  }
0xf5: {  	v4 =	vmov s16  }
0xf6: {  	[tilespmem:s10+$0x0] =	vst v3;
	v3 =	vand.u32 $0x180, v4  }
0xf7: {  	v4 =	vand.u32 $0x7F, v4;
	v2 =	vld.idx.msk [tilespmem:v2+s24+$0x0], $0xffff;
	v3 =	vadd.s32 v1, v3  }
0xf8: {  	v3 =	vor.u32 v4, v3;
	_ =	sdelay $0x1  }
0xf9: {  	s17 =	simm.s32 $0x8  }
0xfa: {  	v4 =	vmov s17  }
0xfb: {  	[tilespmem:s10+$0x10] =	vst v2;
	v2 =	vand.u32 $0x180, v4  }
0xfc: {  	v4 =	vand.u32 $0x7E, v4;
	v3 =	vld.idx.msk [tilespmem:v3+s24+$0x0], $0xffff;
	v2 =	vadd.s32 v1, v2  }
0xfd: {  	v2 =	vor.u32 v4, v2;
	_ =	sdelay $0x1  }
0xfe: {  	s18 =	simm.s32 $0x9  }
0xff: {  	v4 =	vmov s18  }
0x100: {  	v5 =	vand.u32 $0x180, v4;
	[tilespmem:s10+$0x20] =	vst v3  }
0x101: {  	v3 =	vand.u32 $0x7F, v4;
	v4 =	vadd.s32 v1, v5;
	v2 =	vld.idx.msk [tilespmem:v2+s24+$0x0], $0xffff  }
0x102: {  	v3 =	vor.u32 v3, v4;
	_ =	sdelay $0x1  }
0x103: {  	s11 =	simm.s32 $0x13  }
0x104: {  	s12 =	smov.u32 s10;
	s13 =	simm.s32 $0x1D;
	s14 =	simm.s32 $0xA  }
.LBB2_7:
0x105: {  	p1 =	sne.s32 s13, $0x63;
	v4 =	vmov s14;
	[tilespmem:s12+$0x30] =	vst v2  }
0x106: {  	v2 =	vand.u32 $0x80, v4;
	v3 =	vld.idx.msk [tilespmem:v3+s24+$0x0], $0xffff  }
0x107: {  	v4 =	vand.u32 $0x7E, v4;
	v2 =	vadd.s32 v1, v2  }
0x108: {  	v2 =	vor.u32 v4, v2;
	_ =	sdelay $0x2  }
0x109: {  	s14 =	sadd.s32 $0xFFFFFFF8, s11  }
0x10a: {  	v4 =	vmov s14;
	[tilespmem:s12+$0x40] =	vst v3  }
0x10b: {  	v3 =	vand.u32 $0x80, v4;
	v2 =	vld.idx.msk [tilespmem:v2+s24+$0x0], $0xffff  }
0x10c: {  	v4 =	vand.u32 $0x7F, v4;
	v3 =	vadd.s32 v1, v3  }
0x10d: {  	v3 =	vor.u32 v4, v3;
	_ =	sdelay $0x2  }
0x10e: {  	s14 =	sadd.s32 $0xFFFFFFF9, s11;
	s12 =	sadd.s32 $0xA0, s12  }
0x10f: {  	[tilespmem:s12+$0xFFFFFFB0] =	vst v2;
	v2 =	vmov s14  }
0x110: {  	v3 =	vld.idx.msk [tilespmem:v3+s24+$0x0], $0xffff;
	v4 =	vand.u32 $0x180, v2  }
0x111: {  	v2 =	vand.u32 $0x7E, v2;
	v4 =	vadd.s32 v1, v4  }
0x112: {  	v2 =	vor.u32 v2, v4;
	_ =	sdelay $0x2  }
0x113: {  	s14 =	sadd.s32 $0xFFFFFFFA, s11  }
0x114: {  	[tilespmem:s12+$0xFFFFFFC0] =	vst v3;
	v3 =	vmov s14  }
0x115: {  	v2 =	vld.idx.msk [tilespmem:v2+s24+$0x0], $0xffff;
	v4 =	vand.u32 $0x180, v3  }
0x116: {  	v3 =	vand.u32 $0x7F, v3;
	v4 =	vadd.s32 v1, v4  }
0x117: {  	v3 =	vor.u32 v3, v4;
	_ =	sdelay $0x2  }
0x118: {  	s14 =	sadd.s32 $0xFFFFFFFB, s11  }
0x119: {  	[tilespmem:s12+$0xFFFFFFD0] =	vst v2;
	v2 =	vmov s14  }
0x11a: {  	v3 =	vld.idx.msk [tilespmem:v3+s24+$0x0], $0xffff;
	v4 =	vand.u32 $0x180, v2  }
0x11b: {  	v2 =	vand.u32 $0x7E, v2;
	v4 =	vadd.s32 v1, v4  }
0x11c: {  	v2 =	vor.u32 v2, v4;
	_ =	sdelay $0x2  }
0x11d: {  	s14 =	sadd.s32 $0xFFFFFFFC, s11  }
0x11e: {  	[tilespmem:s12+$0xFFFFFFE0] =	vst v3;
	v3 =	vmov s14  }
0x11f: {  	v2 =	vld.idx.msk [tilespmem:v2+s24+$0x0], $0xffff;
	v4 =	vand.u32 $0x180, v3  }
0x120: {  	v3 =	vand.u32 $0x7F, v3;
	v4 =	vadd.s32 v1, v4  }
0x121: {  	v3 =	vor.u32 v3, v4;
	_ =	sdelay $0x2  }
0x122: {  	s14 =	sadd.s32 $0xFFFFFFFD, s11  }
0x123: {  	[tilespmem:s12+$0xFFFFFFF0] =	vst v2;
	v2 =	vmov s14  }
0x124: {  	v3 =	vld.idx.msk [tilespmem:v3+s24+$0x0], $0xffff;
	v4 =	vand.u32 $0x180, v2  }
0x125: {  	v2 =	vand.u32 $0x7E, v2;
	v4 =	vadd.s32 v1, v4  }
0x126: {  	v2 =	vor.u32 v2, v4;
	_ =	sdelay $0x2  }
0x127: {  	s14 =	sadd.s32 $0xFFFFFFFE, s11  }
0x128: {  	[tilespmem:s12+$0x0] =	vst v3;
	v3 =	vmov s14  }
0x129: {  	v2 =	vld.idx.msk [tilespmem:v2+s24+$0x0], $0xffff;
	v4 =	vand.u32 $0x180, v3  }
0x12a: {  	v3 =	vand.u32 $0x7F, v3;
	v4 =	vadd.s32 v1, v4  }
0x12b: {  	v3 =	vor.u32 v3, v4;
	_ =	sdelay $0x2  }
0x12c: {  	s14 =	sadd.s32 $0xFFFFFFFF, s11  }
0x12d: {  	[tilespmem:s12+$0x10] =	vst v2;
	v2 =	vmov s14  }
0x12e: {  	v3 =	vld.idx.msk [tilespmem:v3+s24+$0x0], $0xffff;
	v4 =	vand.u32 $0x180, v2  }
0x12f: {  	v2 =	vand.u32 $0x7E, v2;
	v4 =	vadd.s32 v1, v4  }
0x130: {  	v2 =	vor.u32 v2, v4;
	_ =	sdelay $0x3  }
0x131: {  	[tilespmem:s12+$0x20] =	vst v3;
	v3 =	vmov s11;
	s11 =	smov.u32 s13  }
0x132: {  	v2 =	vld.idx.msk [tilespmem:v2+s24+$0x0], $0xffff;
	v4 =	vand.u32 $0x180, v3  }
.Ltmp2:
0x133: {  	v3 =	vand.u32 $0x7F, v3;
	v4 =	vadd.s32 v1, v4;
	(pc) =	sbr.rel @p1 .LBB2_7-.Ltmp2, $2  }
0x134: {  	v3 =	vor.u32 v3, v4;
	_ =	sdelay $0x2  }
0x135: {  	s13 =	sadd.s32 $0xA, s13;
	s14 =	sadd.s32 $0xFFFFFFF7, s11  }
0x136: {  	_ =	sdelay $0x1  }
0x137: {  	v4 =	vmov s14  }
0x138: {  	[tilespmem:s12+$0x30] =	vst v2;
	v2 =	vand.u32 $0x80, v4  }
0x139: {  	v3 =	vld.idx.msk [tilespmem:v3+s24+$0x0], $0xffff;
	v4 =	vand.u32 $0x7E, v4;
	v2 =	vadd.s32 v1, v2  }
0x13a: {  	v2 =	vor.u32 v4, v2;
	_ =	sdelay $0x1  }
0x13b: {  	s13 =	sadd.s32 $0xFFFFFFF8, s11  }
0x13c: {  	v55 =	vmov s13  }
0x13d: {  	[tilespmem:s12+$0x40] =	vst v3;
	v3 =	vand.u32 $0x80, v55  }
0x13e: {  	v4 =	vand.u32 $0x7F, v55;
	v3 =	vadd.s32 v1, v3;
	v2 =	vld.idx.msk [tilespmem:v2+s24+$0x0], $0xffff  }
0x13f: {  	v3 =	vor.u32 v4, v3;
	_ =	sdelay $0x1  }
0x140: {  	s17 =	sadd.s32 $0xFFFFFFF9, s11  }
0x141: {  	v56 =	vmov s17;
	s12 =	sadd.s32 $0xA0, s12  }
0x142: {  	[tilespmem:s12+$0xFFFFFFB0] =	vst v2;
	v2 =	vand.u32 $0x180, v56  }
0x143: {  	v4 =	vand.u32 $0x7E, v56;
	v3 =	vld.idx.msk [tilespmem:v3+s24+$0x0], $0xffff;
	v2 =	vadd.s32 v1, v2  }
0x144: {  	v2 =	vor.u32 v4, v2;
	_ =	sdelay $0x1  }
0x145: {  	s18 =	sadd.s32 $0xFFFFFFFA, s11  }
0x146: {  	v57 =	vmov s18  }
0x147: {  	[tilespmem:s12+$0xFFFFFFC0] =	vst v3;
	v3 =	vand.u32 $0x180, v57  }
0x148: {  	v4 =	vand.u32 $0x7F, v57;
	v2 =	vld.idx.msk [tilespmem:v2+s24+$0x0], $0xffff;
	v3 =	vadd.s32 v1, v3  }
0x149: {  	v3 =	vor.u32 v4, v3;
	_ =	sdelay $0x1  }
0x14a: {  	s14 =	sadd.s32 $0xFFFFFFFB, s11  }
0x14b: {  	v58 =	vmov s14  }
0x14c: {  	[tilespmem:s12+$0xFFFFFFD0] =	vst v2;
	v2 =	vand.u32 $0x180, v58  }
0x14d: {  	v4 =	vand.u32 $0x7E, v58;
	v3 =	vld.idx.msk [tilespmem:v3+s24+$0x0], $0xffff;
	v2 =	vadd.s32 v1, v2  }
0x14e: {  	v2 =	vor.u32 v4, v2;
	_ =	sdelay $0x1  }
0x14f: {  	s15 =	sadd.s32 $0xFFFFFFFC, s11  }
0x150: {  	v59 =	vmov s15  }
0x151: {  	[tilespmem:s12+$0xFFFFFFE0] =	vst v3;
	v3 =	vand.u32 $0x180, v59  }
0x152: {  	v4 =	vand.u32 $0x7F, v59;
	v2 =	vld.idx.msk [tilespmem:v2+s24+$0x0], $0xffff;
	v3 =	vadd.s32 v1, v3  }
0x153: {  	v3 =	vor.u32 v4, v3;
	_ =	sdelay $0x1  }
0x154: {  	s16 =	sadd.s32 $0xFFFFFFFD, s11  }
0x155: {  	v60 =	vmov s16  }
0x156: {  	[tilespmem:s12+$0xFFFFFFF0] =	vst v2;
	v2 =	vand.u32 $0x180, v60  }
0x157: {  	v4 =	vand.u32 $0x7E, v60;
	v3 =	vld.idx.msk [tilespmem:v3+s24+$0x0], $0xffff;
	v2 =	vadd.s32 v1, v2  }
0x158: {  	v2 =	vor.u32 v4, v2;
	_ =	sdelay $0x1  }
0x159: {  	s17 =	sadd.s32 $0xFFFFFFFE, s11  }
0x15a: {  	v61 =	vmov s17  }
0x15b: {  	[tilespmem:s12+$0x0] =	vst v3;
	v3 =	vand.u32 $0x180, v61  }
0x15c: {  	v4 =	vand.u32 $0x7F, v61;
	v2 =	vld.idx.msk [tilespmem:v2+s24+$0x0], $0xffff;
	v3 =	vadd.s32 v1, v3  }
0x15d: {  	v3 =	vor.u32 v4, v3;
	_ =	sdelay $0x1  }
0x15e: {  	s18 =	sadd.s32 $0xFFFFFFFF, s11  }
0x15f: {  	v62 =	vmov s18  }
0x160: {  	[tilespmem:s12+$0x10] =	vst v2;
	v2 =	vand.u32 $0x180, v62  }
0x161: {  	v4 =	vand.u32 $0x7E, v62;
	v3 =	vld.idx.msk [tilespmem:v3+s24+$0x0], $0xffff;
	v2 =	vadd.s32 v1, v2  }
0x162: {  	v2 =	vor.u32 v4, v2;
	_ =	sdelay $0x2  }
0x163: {  	v63 =	vmov s11  }
0x164: {  	[tilespmem:s12+$0x20] =	vst v3;
	v3 =	vand.u32 $0x180, v63  }
0x165: {  	v4 =	vand.u32 $0x7F, v63;
	v2 =	vld.idx.msk [tilespmem:v2+s24+$0x0], $0xffff;
	v1 =	vadd.s32 v1, v3  }
0x166: {  	v1 =	vor.u32 v4, v1;
	_ =	sdelay $0x3  }
0x167: {  	s9 =	sadd.s32 $0x1, s9;
	[tilespmem:s12+$0x30] =	vst v2  }
0x168: {  	p1 =	sne.s32 s9, $0x4;
	v1 =	vld.idx.msk [tilespmem:v1+s24+$0x0], $0xffff  }
.Ltmp3:
0x169: {  	_ = 	snop;
	(pc) =	sbr.rel @p1 .LBB2_6-.Ltmp3, $2  }
0x16a: {  	_ =	sdelay $0x2  }
0x16b: {  	s10 =	sadd.s32 $0x640, s10;
	[tilespmem:s12+$0x40] =	vst v1  }
0x16c: {  	s9 =	simm.s32 @!p0 $0x1  }
0x16d: {  	_ =	swait.ge @!p0 [sflag:s9], $0x1E850  }
0x16e: {  	[sflag:s9] =	ssyncset.done @!p0 $0x0  }
0x16f: {  	[sflag:s9] =	ssyncadd.s32 @!p0 $0xFFFE17B0  }
0x170: {  	[bflag:$0x0] =	sbarrier.arrive $0xFFFF  }
0x171: {  	[tilespmem:s1], [sflag:$0x6] =	stream.indirect.gather [spmem:s2], $0x1, s0, s28, $0xb8;
	[tilespmem:$0x1DA28] =	vst v63  }
0x172: {  	_ =	swait.ge [sflag:s4], $0x1900  }
0x173: {  	[sflag:s4] =	ssyncset.done $0x0  }
0x174: {  	s13 =	simm.s32 $0x16678;
	s9 =	simm.s32 $0x0;
	[sflag:s4] =	ssyncadd.s32 $0xFFFFE700  }
.LBB2_10:
0x175: {  	s11 =	sshll.u32 s9, $0x4  }
0x176: {  	s10 =	simm.s32 $0x0;
	v1 =	vmov s11  }
0x177: {  	v2 =	vmov s10;
	v1 =	vshll.u32 v1, $0x7  }
0x178: {  	s16 =	simm.s32 $0x1;
	v3 =	vand.u32 $0x80, v2;
	v1 =	vor.u32 v0, v1  }
0x179: {  	v4 =	vmov s16;
	v2 =	vand.u32 $0x7E, v2;
	v3 =	vadd.s32 v1, v3  }
0x17a: {  	s17 =	simm.s32 $0x2;
	v2 =	vor.u32 v2, v3;
	v3 =	vand.u32 $0x80, v4  }
0x17b: {  	v5 =	vmov s17;
	v4 =	vand.u32 $0x7F, v4;
	v3 =	vadd.s32 v1, v3  }
0x17c: {  	s18 =	simm.s32 $0x3;
	v3 =	vor.u32 v4, v3;
	v4 =	vand.u32 $0x180, v5  }
0x17d: {  	v6 =	vmov s18;
	v5 =	vand.u32 $0x7E, v5;
	v4 =	vadd.s32 v1, v4  }
0x17e: {  	s12 =	simm.s32 $0x4;
	v4 =	vor.u32 v5, v4;
	v5 =	vand.u32 $0x180, v6  }
0x17f: {  	v9 =	vld [tilespmem:s13+$0xFFFFFFB0];
	v7 =	vmov s12;
	v6 =	vand.u32 $0x7F, v6;
	v5 =	vadd.s32 v1, v5  }
0x180: {  	s14 =	simm.s32 $0x5;
	v2 =	vld.idx.msk [tilespmem:v2+s23+$0x0], $0xffff;
	v5 =	vor.u32 v6, v5;
	v6 =	vand.u32 $0x180, v7  }
0x181: {  	v10 =	vmov s14;
	v7 =	vand.u32 $0x7E, v7;
	v6 =	vadd.s32 v1, v6  }
0x182: {  	v11 =	vld [tilespmem:s13+$0xFFFFFFC0];
	s12 =	simm.s32 $0x6;
	v6 =	vor.u32 v7, v6;
	v7 =	vand.u32 $0x180, v10  }
0x183: {  	v13 =	vmov s12;
	v3 =	vld.idx.msk [tilespmem:v3+s23+$0x0], $0xffff;
	v10 =	vand.u32 $0x7F, v10;
	v7 =	vadd.s32 v1, v7  }
0x184: {  	v8 =	vimm.f32 $0.0e+00;
	v14 =	vld [tilespmem:s13+$0xFFFFFFD0];
	v7 =	vor.u32 v10, v7;
	v10 =	vand.u32 $0x180, v13  }
0x185: {  	s15 =	simm.s32 $0x8;
	s16 =	simm.s32 $0x7;
	v4 =	vld.idx.msk [tilespmem:v4+s23+$0x0], $0xffff;
	v2 =	vmul.f32 v2, v9;
	v9 =	vand.u32 $0x7E, v13;
	v10 =	vadd.s32 v1, v10  }
0x186: {  	v12 =	vmov s15;
	v15 =	vmov s16;
	v13 =	vld [tilespmem:s13+$0xFFFFFFE0];
	v9 =	vor.u32 v9, v10  }
0x187: {  	v5 =	vld.idx.msk [tilespmem:v5+s23+$0x0], $0xffff;
	v10 =	vand.u32 $0x180, v15;
	v15 =	vand.u32 $0x7F, v15;
	v2 =	vadd.f32 v2, v8  }
0x188: {  	s17 =	simm.s32 $0x9;
	v3 =	vmul.f32 v3, v11;
	v8 =	vand.u32 $0x180, v12;
	v16 =	vld.idx.msk [tilespmem:v6+s23+$0x0], $0xffff;
	v6 =	vadd.s32 v1, v10  }
0x189: {  	v17 =	vld [tilespmem:s13+$0xFFFFFFF0];
	v11 =	vand.u32 $0x7E, v12;
	v10 =	vmov s17;
	v18 =	vor.u32 v15, v6  }
0x18a: {  	v2 =	vadd.f32 v3, v2;
	v3 =	vmul.f32 v4, v14;
	v4 =	vadd.s32 v1, v8;
	v8 =	vld [tilespmem:s13+$0x0]  }
0x18b: {  	v14 =	vand.u32 $0x7F, v10;
	v6 =	vld.idx.msk [tilespmem:v7+s23+$0x0], $0xffff;
	v7 =	vand.u32 $0x180, v10;
	v12 =	vor.u32 v11, v4  }
0x18c: {  	v10 =	vld [tilespmem:s13+$0x10];
	v3 =	vadd.f32 v3, v2;
	v13 =	vmul.f32 v5, v13;
	v2 =	vadd.s32 v1, v7  }
0x18d: {  	s14 =	simm.s32 $0xD;
	v5 =	vld.idx.msk [tilespmem:v9+s23+$0x0], $0xffff;
	v11 =	vor.u32 v14, v2  }
0x18e: {  	s18 =	simm.s32 $0xC;
	s12 =	simm.s32 $0x13;
	s16 =	simm.s32 $0xE;
	v4 =	vmov s14;
	v14 =	vadd.f32 v13, v3;
	v15 =	vmul.f32 v16, v17;
	v13 =	vld [tilespmem:s13+$0x20]  }
0x18f: {  	s15 =	simm.s32 $0xA;
	s10 =	smov.u32 s13;
	s14 =	simm.s32 $0x1D;
	v7 =	vmov s18;
	v2 =	vmov s12;
	v3 =	vmov s16;
	v9 =	vld.idx.msk [tilespmem:v18+s23+$0x0], $0xffff  }
.LBB2_11:
0x190: {  	p1 =	sne.s32 s14, $0x63;
	v16 =	vmov s15;
	s15 =	sadd.s32 $0xFFFFFFF8, s12;
	v14 =	vadd.f32 v15, v14;
	v6 =	vmul.f32 v6, v8;
	v8 =	vld.idx.msk [tilespmem:v12+s23+$0x0], $0xffff  }
0x191: {  	v12 =	vand.u32 $0x80, v16;
	v15 =	vand.u32 $0x7E, v16;
	v16 =	vmov s15;
	v17 =	vld [tilespmem:s10+$0x30]  }
0x192: {  	v12 =	vadd.s32 v1, v12;
	v6 =	vadd.f32 v6, v14;
	v5 =	vmul.f32 v5, v10;
	v10 =	vld.idx.msk [tilespmem:v11+s23+$0x0], $0xffff  }
0x193: {  	v14 =	vand.u32 $0x7F, v16;
	v11 =	vor.u32 v15, v12;
	v12 =	vand.u32 $0x80, v16;
	v15 =	vld [tilespmem:s10+$0x40]  }
0x194: {  	v12 =	vadd.s32 v1, v12;
	v5 =	vadd.f32 v5, v6;
	v6 =	vmul.f32 v9, v13  }
0x195: {  	v9 =	vor.u32 v14, v12;
	v12 =	vand.u32 $0x180, v7;
	v7 =	vand.u32 $0x7E, v7  }
0x196: {  	v12 =	vadd.s32 v1, v12;
	v5 =	vadd.f32 v6, v5;
	v6 =	vmul.f32 v8, v17  }
0x197: {  	v8 =	vand.u32 $0x180, v4;
	v4 =	vand.u32 $0x7F, v4;
	v7 =	vor.u32 v7, v12  }
0x198: {  	s15 =	sadd.s32 $0xFFFFFFFC, s12;
	s10 =	sadd.s32 $0xA0, s10;
	v8 =	vadd.s32 v1, v8;
	v11 =	vld.idx.msk [tilespmem:v11+s23+$0x0], $0xffff;
	v5 =	vadd.f32 v6, v5;
	v6 =	vmul.f32 v10, v15  }
0x199: {  	v12 =	vmov s15;
	v4 =	vor.u32 v4, v8;
	v8 =	vand.u32 $0x180, v3;
	v10 =	vld [tilespmem:s10+$0xFFFFFFB0]  }
0x19a: {  	s15 =	sadd.s32 $0xFFFFFFFF, s12;
	v3 =	vand.u32 $0x7E, v3;
	v8 =	vadd.s32 v1, v8;
	v9 =	vld.idx.msk [tilespmem:v9+s23+$0x0], $0xffff;
	v5 =	vadd.f32 v6, v5  }
0x19b: {  	s16 =	sadd.s32 $0xFFFFFFFD, s12;
	v13 =	vmov s15;
	v3 =	vor.u32 v3, v8;
	v8 =	vand.u32 $0x180, v12;
	v6 =	vld [tilespmem:s10+$0xFFFFFFC0]  }
0x19c: {  	v14 =	vmov s16;
	s15 =	sadd.s32 $0xFFFFFFFE, s12;
	s12 =	smov.u32 s14;
	v12 =	vand.u32 $0x7F, v12;
	v8 =	vadd.s32 v1, v8;
	v7 =	vld.idx.msk [tilespmem:v7+s23+$0x0], $0xffff  }
0x19d: {  	v16 =	vmov s15;
	v8 =	vor.u32 v12, v8;
	v12 =	vand.u32 $0x180, v14;
	v15 =	vld [tilespmem:s10+$0xFFFFFFD0]  }
0x19e: {  	v12 =	vadd.s32 v1, v12;
	v10 =	vmul.f32 v11, v10;
	v4 =	vld.idx.msk [tilespmem:v4+s23+$0x0], $0xffff;
	v11 =	vand.u32 $0x7E, v14  }
0x19f: {  	v14 =	vld [tilespmem:s10+$0xFFFFFFE0];
	v11 =	vor.u32 v11, v12;
	v12 =	vand.u32 $0x180, v16;
	v16 =	vand.u32 $0x7F, v16  }
0x1a0: {  	v5 =	vadd.f32 v10, v5;
	v6 =	vmul.f32 v9, v6;
	v3 =	vld.idx.msk [tilespmem:v3+s23+$0x0], $0xffff;
	v9 =	vadd.s32 v1, v12  }
0x1a1: {  	v10 =	vand.u32 $0x180, v13;
	v12 =	vand.u32 $0x7E, v13;
	v17 =	vld [tilespmem:s10+$0xFFFFFFF0];
	v9 =	vor.u32 v16, v9  }
0x1a2: {  	v10 =	vadd.s32 v1, v10;
	v5 =	vadd.f32 v6, v5;
	v7 =	vmul.f32 v7, v15;
	v6 =	vld.idx.msk [tilespmem:v8+s23+$0x0], $0xffff  }
.Ltmp4:
0x1a3: {  	v12 =	vor.u32 v12, v10;
	v10 =	vand.u32 $0x180, v2;
	v2 =	vand.u32 $0x7F, v2;
	v8 =	vld [tilespmem:s10+$0x0];
	(pc) =	sbr.rel @p1 .LBB2_11-.Ltmp4, $4  }
0x1a4: {  	v7 =	vadd.f32 v7, v5;
	v4 =	vmul.f32 v4, v14;
	v5 =	vld.idx.msk [tilespmem:v11+s23+$0x0], $0xffff;
	v11 =	vadd.s32 v1, v10  }
0x1a5: {  	v10 =	vld [tilespmem:s10+$0x10];
	v11 =	vor.u32 v2, v11  }
0x1a6: {  	s17 =	sadd.s32 $0xFFFFFFFA, s14;
	s18 =	sadd.s32 $0xFFFFFFFB, s14;
	s16 =	sadd.s32 $0xFFFFFFF9, s14;
	v2 =	vmov s14;
	v14 =	vadd.f32 v4, v7;
	v15 =	vmul.f32 v3, v17;
	v9 =	vld.idx.msk [tilespmem:v9+s23+$0x0], $0xffff  }
0x1a7: {  	s15 =	sadd.s32 $0xFFFFFFF7, s12;
	s14 =	sadd.s32 $0xA, s14;
	v7 =	vmov s16;
	v4 =	vmov s17;
	v3 =	vmov s18;
	v13 =	vld [tilespmem:s10+$0x20]  }
0x1a8: {  	_ = 	snop  }
0x1a9: {  	v16 =	vmov s15  }
0x1aa: {  	v14 =	vadd.f32 v15, v14;
	v6 =	vmul.f32 v6, v8;
	v30 =	vand.u32 $0x180, v7  }
0x1ab: {  	s14 =	sadd.s32 $0xFFFFFFF8, s12;
	v31 =	vand.u32 $0x7E, v7;
	v33 =	vand.u32 $0x180, v4;
	v20 =	vand.u32 $0x80, v16  }
0x1ac: {  	v63 =	vld.idx.msk [tilespmem:v12+s23+$0x0], $0xffff;
	v21 =	vand.u32 $0x7E, v16;
	v22 =	vmov s14;
	v12 =	vadd.s32 v1, v20  }
0x1ad: {  	v34 =	vand.u32 $0x7F, v4;
	v25 =	vand.u32 $0x80, v22;
	v24 =	vor.u32 v21, v12  }
0x1ae: {  	v17 =	vld [tilespmem:s10+$0x30];
	v37 =	vand.u32 $0x180, v3;
	v26 =	vand.u32 $0x7F, v22;
	v12 =	vadd.s32 v1, v25  }
0x1af: {  	v23 =	vld.idx.msk [tilespmem:v11+s23+$0x0], $0xffff;
	v6 =	vadd.f32 v6, v14;
	v5 =	vmul.f32 v5, v10;
	v29 =	vor.u32 v26, v12  }
0x1b0: {  	v27 =	vld [tilespmem:s10+$0x40];
	s10 =	sadd.s32 $0xA0, s10;
	v3 =	vand.u32 $0x7E, v3;
	v8 =	vadd.s32 v1, v33;
	v12 =	vadd.s32 v1, v30  }
0x1b1: {  	s15 =	sadd.s32 $0xFFFFFFFC, s12;
	s16 =	sadd.s32 $0xFFFFFFFF, s12;
	s17 =	sadd.s32 $0xFFFFFFFD, s12;
	v36 =	vld [tilespmem:s10+$0xFFFFFFB0];
	v5 =	vadd.f32 v5, v6;
	v28 =	vmul.f32 v9, v13;
	v7 =	vor.u32 v31, v12  }
0x1b2: {  	v38 =	vmov s15;
	v41 =	vmov s16;
	v42 =	vmov s17;
	v11 =	vld.idx.msk [tilespmem:v24+s23+$0x0], $0xffff  }
0x1b3: {  	s18 =	sadd.s32 $0xFFFFFFFE, s12;
	v39 =	vld [tilespmem:s10+$0xFFFFFFC0];
	v4 =	vor.u32 v34, v8;
	v32 =	vmul.f32 v63, v17;
	v5 =	vadd.f32 v28, v5  }
0x1b4: {  	v45 =	vmov s18;
	v8 =	vadd.s32 v1, v37;
	v40 =	vand.u32 $0x180, v38;
	v9 =	vld.idx.msk [tilespmem:v29+s23+$0x0], $0xffff  }
0x1b5: {  	v43 =	vld [tilespmem:s10+$0xFFFFFFD0];
	v3 =	vor.u32 v3, v8;
	v35 =	vmul.f32 v23, v27;
	v5 =	vadd.f32 v32, v5  }
0x1b6: {  	v44 =	vand.u32 $0x180, v42;
	v8 =	vadd.s32 v1, v40;
	v12 =	vand.u32 $0x7F, v38;
	v7 =	vld.idx.msk [tilespmem:v7+s23+$0x0], $0xffff  }
0x1b7: {  	v47 =	vld [tilespmem:s10+$0xFFFFFFE0];
	v8 =	vor.u32 v12, v8;
	v5 =	vadd.f32 v35, v5;
	v10 =	vmul.f32 v11, v36  }
0x1b8: {  	v46 =	vand.u32 $0x7E, v42;
	v48 =	vand.u32 $0x180, v45;
	v12 =	vadd.s32 v1, v44;
	v4 =	vld.idx.msk [tilespmem:v4+s23+$0x0], $0xffff  }
0x1b9: {  	v50 =	vld [tilespmem:s10+$0xFFFFFFF0];
	v11 =	vor.u32 v46, v12;
	v6 =	vmul.f32 v9, v39;
	v5 =	vadd.f32 v10, v5  }
0x1ba: {  	v16 =	vand.u32 $0x7F, v45;
	v51 =	vand.u32 $0x180, v41;
	v49 =	vadd.s32 v1, v48;
	v3 =	vld.idx.msk [tilespmem:v3+s23+$0x0], $0xffff  }
0x1bb: {  	v55 =	vld [tilespmem:s10+$0x0];
	v9 =	vor.u32 v16, v49;
	v52 =	vmul.f32 v7, v43;
	v5 =	vadd.f32 v6, v5  }
0x1bc: {  	v56 =	vand.u32 $0x180, v2;
	v54 =	vadd.s32 v1, v51;
	v13 =	vand.u32 $0x7E, v41;
	v53 =	vld.idx.msk [tilespmem:v8+s23+$0x0], $0xffff  }
0x1bd: {  	v58 =	vld [tilespmem:s10+$0x10];
	v8 =	vor.u32 v13, v54;
	v4 =	vmul.f32 v4, v47;
	v5 =	vadd.f32 v52, v5  }
0x1be: {  	v2 =	vand.u32 $0x7F, v2;
	v1 =	vadd.s32 v1, v56;
	v57 =	vld.idx.msk [tilespmem:v11+s23+$0x0], $0xffff  }
0x1bf: {  	v60 =	vld [tilespmem:s10+$0x20];
	v1 =	vor.u32 v2, v1;
	v3 =	vmul.f32 v3, v50;
	v2 =	vadd.f32 v4, v5  }
0x1c0: {  	v59 =	vld.idx.msk [tilespmem:v9+s23+$0x0], $0xffff  }
0x1c1: {  	v62 =	vld [tilespmem:s10+$0x30];
	v2 =	vadd.f32 v3, v2;
	v3 =	vmul.f32 v53, v55  }
0x1c2: {  	v61 =	vld.idx.msk [tilespmem:v8+s23+$0x0], $0xffff  }
0x1c3: {  	v63 =	vld [tilespmem:s10+$0x40];
	v2 =	vadd.f32 v3, v2;
	v3 =	vmul.f32 v57, v58  }
0x1c4: {  	v1 =	vld.idx.msk [tilespmem:v1+s23+$0x0], $0xffff  }
0x1c5: {  	v2 =	vadd.f32 v3, v2;
	v3 =	vmul.f32 v59, v60;
	_ =	sdelay $0x1  }
0x1c6: {  	v2 =	vadd.f32 v3, v2;
	v3 =	vmul.f32 v61, v62;
	_ =	sdelay $0x1  }
0x1c7: {  	v1 =	vmul.f32 v1, v63;
	v2 =	vadd.f32 v3, v2;
	_ =	sdelay $0x1  }
0x1c8: {  	v1 =	vadd.f32 v1, v2;
	_ =	sdelay $0x1  }
0x1c9: {  	v1 =	vsub.f32 $0.0e+00, v1;
	_ =	sdelay $0x1  }
0x1ca: {  	v1 =	vmul.f32 $1.442695020e+00, v1;
	_ =	sdelay $0x1  }
0x1cb: {  	(erf) = vpow2.f32 v1;
	_ =	sdelay $0x8  }
0x1cc: {  	v1 =	vpop (erf)  }
0x1cd: {  	v1 =	vadd.f32 $1.000000000e+00, v1;
	_ =	sdelay $0x1  }
0x1ce: {  	(erf) = vrcp.f32 v1;
	_ =	sdelay $0x3  }
0x1cf: {  	s9 =	sadd.s32 $0x1, s9  }
0x1d0: {  	p1 =	sne.s32 s9, $0x4  }
.Ltmp5:
0x1d1: {  	_ = 	snop;
	(pc) =	sbr.rel @p1 .LBB2_10-.Ltmp5, $3  }
0x1d2: {  	_ =	sdelay $0x1  }
0x1d3: {  	v1 =	vpop (erf)  }
0x1d4: {  	s13 =	sadd.s32 $0x640, s13;
	[tilespmem:s11+$0x1D828] =	vst v1  }
0x1d5: {  	s9 =	simm.s32 $0x0;
	s10 =	rddreg [dreg:$0x9]  }
0x1d6: {  	[tilespmem:s22], [sflag:$0x2] =	stream.linear.gather [hbm4b:s10+s9], $0x2000, $0x38;
	[tilespmem:$0x1DA28] =	vst v63  }
0x1d7: {  	s18 =	rddreg [dreg:$0xa]  }
0x1d8: {  	[tilespmem:s23], [sflag:$0x2] =	stream.linear.gather [hbm4b:s18+s9], $0x2000, $0x38;
	[tilespmem:$0x1DA28] =	vst v63  }
0x1d9: {  	_ =	swait.ge [sflag:s26], $0x2000  }
0x1da: {  	[sflag:s26] =	ssyncset.done $0x0  }
0x1db: {  	[sflag:s26] =	ssyncadd.s32 $0xFFFFE000  }
0x1dc: {  	_ =	swait.ge [sflag:s26], $0x2000  }
0x1dd: {  	[sflag:s26] =	ssyncset.done $0x0  }
0x1de: {  	s10 =	simm.s32 $0x13478;
	[sflag:s26] =	ssyncadd.s32 $0xFFFFE000  }
.LBB2_14:
0x1df: {  	s11 =	sshll.u32 s9, $0x4  }
0x1e0: {  	s16 =	simm.s32 $0x0;
	v1 =	vmov s11  }
0x1e1: {  	v2 =	vmov s16;
	v1 =	vshll.u32 v1, $0x7  }
0x1e2: {  	v3 =	vand.u32 $0x80, v2;
	v1 =	vor.u32 v0, v1  }
0x1e3: {  	v2 =	vand.u32 $0x7E, v2;
	v3 =	vadd.s32 v1, v3  }
0x1e4: {  	v2 =	vor.u32 v2, v3;
	_ =	sdelay $0x1  }
0x1e5: {  	s17 =	simm.s32 $0x1  }
0x1e6: {  	v3 =	vmov s17  }
0x1e7: {  	v4 =	vand.u32 $0x80, v3  }
0x1e8: {  	v3 =	vand.u32 $0x7F, v3;
	v4 =	vadd.s32 v1, v4;
	v2 =	vld.idx.msk [tilespmem:v2+s22+$0x0], $0xffff  }
0x1e9: {  	v3 =	vor.u32 v3, v4;
	_ =	sdelay $0x1  }
0x1ea: {  	s18 =	simm.s32 $0x2  }
0x1eb: {  	v4 =	vmov s18  }
0x1ec: {  	[tilespmem:s10+$0xFFFFFFB0] =	vst v2;
	v2 =	vand.u32 $0x180, v4  }
0x1ed: {  	v4 =	vand.u32 $0x7E, v4;
	v3 =	vld.idx.msk [tilespmem:v3+s22+$0x0], $0xffff;
	v2 =	vadd.s32 v1, v2  }
0x1ee: {  	v2 =	vor.u32 v4, v2;
	_ =	sdelay $0x1  }
0x1ef: {  	s12 =	simm.s32 $0x3  }
0x1f0: {  	v4 =	vmov s12  }
0x1f1: {  	[tilespmem:s10+$0xFFFFFFC0] =	vst v3;
	v3 =	vand.u32 $0x180, v4  }
0x1f2: {  	v4 =	vand.u32 $0x7F, v4;
	v2 =	vld.idx.msk [tilespmem:v2+s22+$0x0], $0xffff;
	v3 =	vadd.s32 v1, v3  }
0x1f3: {  	v3 =	vor.u32 v4, v3;
	_ =	sdelay $0x1  }
0x1f4: {  	s13 =	simm.s32 $0x4  }
0x1f5: {  	v4 =	vmov s13  }
0x1f6: {  	[tilespmem:s10+$0xFFFFFFD0] =	vst v2;
	v2 =	vand.u32 $0x180, v4  }
0x1f7: {  	v4 =	vand.u32 $0x7E, v4;
	v3 =	vld.idx.msk [tilespmem:v3+s22+$0x0], $0xffff;
	v2 =	vadd.s32 v1, v2  }
0x1f8: {  	v2 =	vor.u32 v4, v2;
	_ =	sdelay $0x1  }
0x1f9: {  	s14 =	simm.s32 $0x5  }
0x1fa: {  	v4 =	vmov s14  }
0x1fb: {  	[tilespmem:s10+$0xFFFFFFE0] =	vst v3;
	v3 =	vand.u32 $0x180, v4  }
0x1fc: {  	v4 =	vand.u32 $0x7F, v4;
	v2 =	vld.idx.msk [tilespmem:v2+s22+$0x0], $0xffff;
	v3 =	vadd.s32 v1, v3  }
0x1fd: {  	v3 =	vor.u32 v4, v3;
	_ =	sdelay $0x1  }
0x1fe: {  	s15 =	simm.s32 $0x6  }
0x1ff: {  	v4 =	vmov s15  }
0x200: {  	[tilespmem:s10+$0xFFFFFFF0] =	vst v2;
	v2 =	vand.u32 $0x180, v4  }
0x201: {  	v4 =	vand.u32 $0x7E, v4;
	v3 =	vld.idx.msk [tilespmem:v3+s22+$0x0], $0xffff;
	v2 =	vadd.s32 v1, v2  }
0x202: {  	v2 =	vor.u32 v4, v2;
	_ =	sdelay $0x1  }
0x203: {  	s16 =	simm.s32 $0x7  }
0x204: {  	v4 =	vmov s16  }
0x205: {  	[tilespmem:s10+$0x0] =	vst v3;
	v3 =	vand.u32 $0x180, v4  }
0x206: {  	v4 =	vand.u32 $0x7F, v4;
	v2 =	vld.idx.msk [tilespmem:v2+s22+$0x0], $0xffff;
	v3 =	vadd.s32 v1, v3  }
0x207: {  	v3 =	vor.u32 v4, v3;
	_ =	sdelay $0x1  }
0x208: {  	s17 =	simm.s32 $0x8  }
0x209: {  	v4 =	vmov s17  }
0x20a: {  	[tilespmem:s10+$0x10] =	vst v2;
	v2 =	vand.u32 $0x180, v4  }
0x20b: {  	v4 =	vand.u32 $0x7E, v4;
	v3 =	vld.idx.msk [tilespmem:v3+s22+$0x0], $0xffff;
	v2 =	vadd.s32 v1, v2  }
0x20c: {  	v2 =	vor.u32 v4, v2;
	_ =	sdelay $0x1  }
0x20d: {  	s18 =	simm.s32 $0x9  }
0x20e: {  	v4 =	vmov s18  }
0x20f: {  	v5 =	vand.u32 $0x180, v4;
	[tilespmem:s10+$0x20] =	vst v3  }
0x210: {  	v3 =	vand.u32 $0x7F, v4;
	v4 =	vadd.s32 v1, v5;
	v2 =	vld.idx.msk [tilespmem:v2+s22+$0x0], $0xffff  }
0x211: {  	v3 =	vor.u32 v3, v4;
	_ =	sdelay $0x1  }
0x212: {  	s11 =	simm.s32 $0x13  }
0x213: {  	s12 =	smov.u32 s10;
	s13 =	simm.s32 $0x1D;
	s14 =	simm.s32 $0xA  }
.LBB2_15:
0x214: {  	p1 =	sne.s32 s13, $0x63;
	v4 =	vmov s14;
	[tilespmem:s12+$0x30] =	vst v2  }
0x215: {  	v2 =	vand.u32 $0x80, v4;
	v3 =	vld.idx.msk [tilespmem:v3+s22+$0x0], $0xffff  }
0x216: {  	v4 =	vand.u32 $0x7E, v4;
	v2 =	vadd.s32 v1, v2  }
0x217: {  	v2 =	vor.u32 v4, v2;
	_ =	sdelay $0x2  }
0x218: {  	s14 =	sadd.s32 $0xFFFFFFF8, s11  }
0x219: {  	v4 =	vmov s14;
	[tilespmem:s12+$0x40] =	vst v3  }
0x21a: {  	v3 =	vand.u32 $0x80, v4;
	v2 =	vld.idx.msk [tilespmem:v2+s22+$0x0], $0xffff  }
0x21b: {  	v4 =	vand.u32 $0x7F, v4;
	v3 =	vadd.s32 v1, v3  }
0x21c: {  	v3 =	vor.u32 v4, v3;
	_ =	sdelay $0x2  }
0x21d: {  	s14 =	sadd.s32 $0xFFFFFFF9, s11;
	s12 =	sadd.s32 $0xA0, s12  }
0x21e: {  	[tilespmem:s12+$0xFFFFFFB0] =	vst v2;
	v2 =	vmov s14  }
0x21f: {  	v3 =	vld.idx.msk [tilespmem:v3+s22+$0x0], $0xffff;
	v4 =	vand.u32 $0x180, v2  }
0x220: {  	v2 =	vand.u32 $0x7E, v2;
	v4 =	vadd.s32 v1, v4  }
0x221: {  	v2 =	vor.u32 v2, v4;
	_ =	sdelay $0x2  }
0x222: {  	s14 =	sadd.s32 $0xFFFFFFFA, s11  }
0x223: {  	[tilespmem:s12+$0xFFFFFFC0] =	vst v3;
	v3 =	vmov s14  }
0x224: {  	v2 =	vld.idx.msk [tilespmem:v2+s22+$0x0], $0xffff;
	v4 =	vand.u32 $0x180, v3  }
0x225: {  	v3 =	vand.u32 $0x7F, v3;
	v4 =	vadd.s32 v1, v4  }
0x226: {  	v3 =	vor.u32 v3, v4;
	_ =	sdelay $0x2  }
0x227: {  	s14 =	sadd.s32 $0xFFFFFFFB, s11  }
0x228: {  	[tilespmem:s12+$0xFFFFFFD0] =	vst v2;
	v2 =	vmov s14  }
0x229: {  	v3 =	vld.idx.msk [tilespmem:v3+s22+$0x0], $0xffff;
	v4 =	vand.u32 $0x180, v2  }
0x22a: {  	v2 =	vand.u32 $0x7E, v2;
	v4 =	vadd.s32 v1, v4  }
0x22b: {  	v2 =	vor.u32 v2, v4;
	_ =	sdelay $0x2  }
0x22c: {  	s14 =	sadd.s32 $0xFFFFFFFC, s11  }
0x22d: {  	[tilespmem:s12+$0xFFFFFFE0] =	vst v3;
	v3 =	vmov s14  }
0x22e: {  	v2 =	vld.idx.msk [tilespmem:v2+s22+$0x0], $0xffff;
	v4 =	vand.u32 $0x180, v3  }
0x22f: {  	v3 =	vand.u32 $0x7F, v3;
	v4 =	vadd.s32 v1, v4  }
0x230: {  	v3 =	vor.u32 v3, v4;
	_ =	sdelay $0x2  }
0x231: {  	s14 =	sadd.s32 $0xFFFFFFFD, s11  }
0x232: {  	[tilespmem:s12+$0xFFFFFFF0] =	vst v2;
	v2 =	vmov s14  }
0x233: {  	v3 =	vld.idx.msk [tilespmem:v3+s22+$0x0], $0xffff;
	v4 =	vand.u32 $0x180, v2  }
0x234: {  	v2 =	vand.u32 $0x7E, v2;
	v4 =	vadd.s32 v1, v4  }
0x235: {  	v2 =	vor.u32 v2, v4;
	_ =	sdelay $0x2  }
0x236: {  	s14 =	sadd.s32 $0xFFFFFFFE, s11  }
0x237: {  	[tilespmem:s12+$0x0] =	vst v3;
	v3 =	vmov s14  }
0x238: {  	v2 =	vld.idx.msk [tilespmem:v2+s22+$0x0], $0xffff;
	v4 =	vand.u32 $0x180, v3  }
0x239: {  	v3 =	vand.u32 $0x7F, v3;
	v4 =	vadd.s32 v1, v4  }
0x23a: {  	v3 =	vor.u32 v3, v4;
	_ =	sdelay $0x2  }
0x23b: {  	s14 =	sadd.s32 $0xFFFFFFFF, s11  }
0x23c: {  	[tilespmem:s12+$0x10] =	vst v2;
	v2 =	vmov s14  }
0x23d: {  	v3 =	vld.idx.msk [tilespmem:v3+s22+$0x0], $0xffff;
	v4 =	vand.u32 $0x180, v2  }
0x23e: {  	v2 =	vand.u32 $0x7E, v2;
	v4 =	vadd.s32 v1, v4  }
0x23f: {  	v2 =	vor.u32 v2, v4;
	_ =	sdelay $0x3  }
0x240: {  	[tilespmem:s12+$0x20] =	vst v3;
	v3 =	vmov s11;
	s11 =	smov.u32 s13  }
0x241: {  	v2 =	vld.idx.msk [tilespmem:v2+s22+$0x0], $0xffff;
	v4 =	vand.u32 $0x180, v3  }
.Ltmp6:
0x242: {  	v3 =	vand.u32 $0x7F, v3;
	v4 =	vadd.s32 v1, v4;
	(pc) =	sbr.rel @p1 .LBB2_15-.Ltmp6, $2  }
0x243: {  	v3 =	vor.u32 v3, v4;
	_ =	sdelay $0x2  }
0x244: {  	s13 =	sadd.s32 $0xA, s13;
	s14 =	sadd.s32 $0xFFFFFFF7, s11  }
0x245: {  	_ =	sdelay $0x1  }
0x246: {  	v4 =	vmov s14  }
0x247: {  	[tilespmem:s12+$0x30] =	vst v2;
	v2 =	vand.u32 $0x80, v4  }
0x248: {  	v3 =	vld.idx.msk [tilespmem:v3+s22+$0x0], $0xffff;
	v4 =	vand.u32 $0x7E, v4;
	v2 =	vadd.s32 v1, v2  }
0x249: {  	v2 =	vor.u32 v4, v2;
	_ =	sdelay $0x1  }
0x24a: {  	s13 =	sadd.s32 $0xFFFFFFF8, s11  }
0x24b: {  	v55 =	vmov s13  }
0x24c: {  	[tilespmem:s12+$0x40] =	vst v3;
	v3 =	vand.u32 $0x80, v55  }
0x24d: {  	v4 =	vand.u32 $0x7F, v55;
	v3 =	vadd.s32 v1, v3;
	v2 =	vld.idx.msk [tilespmem:v2+s22+$0x0], $0xffff  }
0x24e: {  	v3 =	vor.u32 v4, v3;
	_ =	sdelay $0x1  }
0x24f: {  	s17 =	sadd.s32 $0xFFFFFFF9, s11  }
0x250: {  	v56 =	vmov s17;
	s12 =	sadd.s32 $0xA0, s12  }
0x251: {  	[tilespmem:s12+$0xFFFFFFB0] =	vst v2;
	v2 =	vand.u32 $0x180, v56  }
0x252: {  	v4 =	vand.u32 $0x7E, v56;
	v3 =	vld.idx.msk [tilespmem:v3+s22+$0x0], $0xffff;
	v2 =	vadd.s32 v1, v2  }
0x253: {  	v2 =	vor.u32 v4, v2;
	_ =	sdelay $0x1  }
0x254: {  	s18 =	sadd.s32 $0xFFFFFFFA, s11  }
0x255: {  	v57 =	vmov s18  }
0x256: {  	[tilespmem:s12+$0xFFFFFFC0] =	vst v3;
	v3 =	vand.u32 $0x180, v57  }
0x257: {  	v4 =	vand.u32 $0x7F, v57;
	v2 =	vld.idx.msk [tilespmem:v2+s22+$0x0], $0xffff;
	v3 =	vadd.s32 v1, v3  }
0x258: {  	v3 =	vor.u32 v4, v3;
	_ =	sdelay $0x1  }
0x259: {  	s14 =	sadd.s32 $0xFFFFFFFB, s11  }
0x25a: {  	v58 =	vmov s14  }
0x25b: {  	[tilespmem:s12+$0xFFFFFFD0] =	vst v2;
	v2 =	vand.u32 $0x180, v58  }
0x25c: {  	v4 =	vand.u32 $0x7E, v58;
	v3 =	vld.idx.msk [tilespmem:v3+s22+$0x0], $0xffff;
	v2 =	vadd.s32 v1, v2  }
0x25d: {  	v2 =	vor.u32 v4, v2;
	_ =	sdelay $0x1  }
0x25e: {  	s15 =	sadd.s32 $0xFFFFFFFC, s11  }
0x25f: {  	v59 =	vmov s15  }
0x260: {  	[tilespmem:s12+$0xFFFFFFE0] =	vst v3;
	v3 =	vand.u32 $0x180, v59  }
0x261: {  	v4 =	vand.u32 $0x7F, v59;
	v2 =	vld.idx.msk [tilespmem:v2+s22+$0x0], $0xffff;
	v3 =	vadd.s32 v1, v3  }
0x262: {  	v3 =	vor.u32 v4, v3;
	_ =	sdelay $0x1  }
0x263: {  	s16 =	sadd.s32 $0xFFFFFFFD, s11  }
0x264: {  	v60 =	vmov s16  }
0x265: {  	[tilespmem:s12+$0xFFFFFFF0] =	vst v2;
	v2 =	vand.u32 $0x180, v60  }
0x266: {  	v4 =	vand.u32 $0x7E, v60;
	v3 =	vld.idx.msk [tilespmem:v3+s22+$0x0], $0xffff;
	v2 =	vadd.s32 v1, v2  }
0x267: {  	v2 =	vor.u32 v4, v2;
	_ =	sdelay $0x1  }
0x268: {  	s17 =	sadd.s32 $0xFFFFFFFE, s11  }
0x269: {  	v61 =	vmov s17  }
0x26a: {  	[tilespmem:s12+$0x0] =	vst v3;
	v3 =	vand.u32 $0x180, v61  }
0x26b: {  	v4 =	vand.u32 $0x7F, v61;
	v2 =	vld.idx.msk [tilespmem:v2+s22+$0x0], $0xffff;
	v3 =	vadd.s32 v1, v3  }
0x26c: {  	v3 =	vor.u32 v4, v3;
	_ =	sdelay $0x1  }
0x26d: {  	s18 =	sadd.s32 $0xFFFFFFFF, s11  }
0x26e: {  	v62 =	vmov s18  }
0x26f: {  	[tilespmem:s12+$0x10] =	vst v2;
	v2 =	vand.u32 $0x180, v62  }
0x270: {  	v4 =	vand.u32 $0x7E, v62;
	v3 =	vld.idx.msk [tilespmem:v3+s22+$0x0], $0xffff;
	v2 =	vadd.s32 v1, v2  }
0x271: {  	v2 =	vor.u32 v4, v2;
	_ =	sdelay $0x2  }
0x272: {  	v63 =	vmov s11  }
0x273: {  	[tilespmem:s12+$0x20] =	vst v3;
	v3 =	vand.u32 $0x180, v63  }
0x274: {  	v4 =	vand.u32 $0x7F, v63;
	v2 =	vld.idx.msk [tilespmem:v2+s22+$0x0], $0xffff;
	v1 =	vadd.s32 v1, v3  }
0x275: {  	v1 =	vor.u32 v4, v1;
	_ =	sdelay $0x3  }
0x276: {  	s9 =	sadd.s32 $0x1, s9;
	[tilespmem:s12+$0x30] =	vst v2  }
0x277: {  	p1 =	sne.s32 s9, $0x4;
	v1 =	vld.idx.msk [tilespmem:v1+s22+$0x0], $0xffff  }
.Ltmp7:
0x278: {  	_ = 	snop;
	(pc) =	sbr.rel @p1 .LBB2_14-.Ltmp7, $2  }
0x279: {  	_ =	sdelay $0x2  }
0x27a: {  	s10 =	sadd.s32 $0x640, s10;
	[tilespmem:s12+$0x40] =	vst v1  }
0x27b: {  	[tilespmem:s30], [sflag:$0x5] =	stream.indirect.gather [spmem:s2], $0x1, s29, s28, $0xb8;
	[tilespmem:$0x1DA28] =	vst v63  }
0x27c: {  	_ =	swait.ge [sflag:s5], $0x1900  }
0x27d: {  	[sflag:s5] =	ssyncset.done $0x0  }
0x27e: {  	s9 =	simm.s32 $0x0;
	s10 =	simm.s32 $0x17F78;
	[sflag:s5] =	ssyncadd.s32 $0xFFFFE700  }
.LBB2_18:
0x27f: {  	s11 =	sshll.u32 s9, $0x4  }
0x280: {  	s12 =	simm.s32 $0x0;
	v1 =	vmov s11  }
0x281: {  	v2 =	vmov s12;
	v1 =	vshll.u32 v1, $0x7  }
0x282: {  	s16 =	simm.s32 $0x1;
	v3 =	vand.u32 $0x80, v2;
	v1 =	vor.u32 v0, v1  }
0x283: {  	v4 =	vmov s16;
	v2 =	vand.u32 $0x7E, v2;
	v3 =	vadd.s32 v1, v3  }
0x284: {  	s17 =	simm.s32 $0x2;
	v2 =	vor.u32 v2, v3;
	v3 =	vand.u32 $0x80, v4  }
0x285: {  	v5 =	vmov s17;
	v4 =	vand.u32 $0x7F, v4;
	v3 =	vadd.s32 v1, v3  }
0x286: {  	s18 =	simm.s32 $0x3;
	v3 =	vor.u32 v4, v3;
	v4 =	vand.u32 $0x180, v5  }
0x287: {  	v6 =	vmov s18;
	v5 =	vand.u32 $0x7E, v5;
	v4 =	vadd.s32 v1, v4  }
0x288: {  	s13 =	simm.s32 $0x4;
	v4 =	vor.u32 v5, v4;
	v5 =	vand.u32 $0x180, v6  }
0x289: {  	v9 =	vld [tilespmem:s10+$0xFFFFFFB0];
	v7 =	vmov s13;
	v6 =	vand.u32 $0x7F, v6;
	v5 =	vadd.s32 v1, v5  }
0x28a: {  	s14 =	simm.s32 $0x5;
	v2 =	vld.idx.msk [tilespmem:v2+s25+$0x0], $0xffff;
	v5 =	vor.u32 v6, v5;
	v6 =	vand.u32 $0x180, v7  }
0x28b: {  	v10 =	vmov s14;
	v7 =	vand.u32 $0x7E, v7;
	v6 =	vadd.s32 v1, v6  }
0x28c: {  	v11 =	vld [tilespmem:s10+$0xFFFFFFC0];
	s13 =	simm.s32 $0x6;
	v6 =	vor.u32 v7, v6;
	v7 =	vand.u32 $0x180, v10  }
0x28d: {  	v13 =	vmov s13;
	v3 =	vld.idx.msk [tilespmem:v3+s25+$0x0], $0xffff;
	v10 =	vand.u32 $0x7F, v10;
	v7 =	vadd.s32 v1, v7  }
0x28e: {  	v8 =	vimm.f32 $0.0e+00;
	v14 =	vld [tilespmem:s10+$0xFFFFFFD0];
	v7 =	vor.u32 v10, v7;
	v10 =	vand.u32 $0x180, v13  }
0x28f: {  	s15 =	simm.s32 $0x8;
	s16 =	simm.s32 $0x7;
	v4 =	vld.idx.msk [tilespmem:v4+s25+$0x0], $0xffff;
	v2 =	vmul.f32 v2, v9;
	v9 =	vand.u32 $0x7E, v13;
	v10 =	vadd.s32 v1, v10  }
0x290: {  	v12 =	vmov s15;
	v15 =	vmov s16;
	v13 =	vld [tilespmem:s10+$0xFFFFFFE0];
	v9 =	vor.u32 v9, v10  }
0x291: {  	v5 =	vld.idx.msk [tilespmem:v5+s25+$0x0], $0xffff;
	v10 =	vand.u32 $0x180, v15;
	v15 =	vand.u32 $0x7F, v15;
	v2 =	vadd.f32 v2, v8  }
0x292: {  	s17 =	simm.s32 $0x9;
	v3 =	vmul.f32 v3, v11;
	v8 =	vand.u32 $0x180, v12;
	v16 =	vld.idx.msk [tilespmem:v6+s25+$0x0], $0xffff;
	v6 =	vadd.s32 v1, v10  }
0x293: {  	v17 =	vld [tilespmem:s10+$0xFFFFFFF0];
	v11 =	vand.u32 $0x7E, v12;
	v10 =	vmov s17;
	v18 =	vor.u32 v15, v6  }
0x294: {  	v2 =	vadd.f32 v3, v2;
	v3 =	vmul.f32 v4, v14;
	v4 =	vadd.s32 v1, v8;
	v8 =	vld [tilespmem:s10+$0x0]  }
0x295: {  	v14 =	vand.u32 $0x7F, v10;
	v6 =	vld.idx.msk [tilespmem:v7+s25+$0x0], $0xffff;
	v7 =	vand.u32 $0x180, v10;
	v12 =	vor.u32 v11, v4  }
0x296: {  	v10 =	vld [tilespmem:s10+$0x10];
	v3 =	vadd.f32 v3, v2;
	v13 =	vmul.f32 v5, v13;
	v2 =	vadd.s32 v1, v7  }
0x297: {  	s14 =	simm.s32 $0xD;
	v5 =	vld.idx.msk [tilespmem:v9+s25+$0x0], $0xffff;
	v11 =	vor.u32 v14, v2  }
0x298: {  	s12 =	simm.s32 $0x13;
	s18 =	simm.s32 $0xC;
	s16 =	simm.s32 $0xE;
	v4 =	vmov s14;
	v14 =	vadd.f32 v13, v3;
	v15 =	vmul.f32 v16, v17;
	v13 =	vld [tilespmem:s10+$0x20]  }
0x299: {  	s15 =	simm.s32 $0xA;
	s13 =	smov.u32 s10;
	s14 =	simm.s32 $0x1D;
	v7 =	vmov s18;
	v2 =	vmov s12;
	v3 =	vmov s16;
	v9 =	vld.idx.msk [tilespmem:v18+s25+$0x0], $0xffff  }
.LBB2_19:
0x29a: {  	p1 =	sne.s32 s14, $0x63;
	v16 =	vmov s15;
	s15 =	sadd.s32 $0xFFFFFFF8, s12;
	v14 =	vadd.f32 v15, v14;
	v6 =	vmul.f32 v6, v8;
	v8 =	vld.idx.msk [tilespmem:v12+s25+$0x0], $0xffff  }
0x29b: {  	v12 =	vand.u32 $0x80, v16;
	v15 =	vand.u32 $0x7E, v16;
	v16 =	vmov s15;
	v17 =	vld [tilespmem:s13+$0x30]  }
0x29c: {  	v12 =	vadd.s32 v1, v12;
	v6 =	vadd.f32 v6, v14;
	v5 =	vmul.f32 v5, v10;
	v10 =	vld.idx.msk [tilespmem:v11+s25+$0x0], $0xffff  }
0x29d: {  	v14 =	vand.u32 $0x7F, v16;
	v11 =	vor.u32 v15, v12;
	v12 =	vand.u32 $0x80, v16;
	v15 =	vld [tilespmem:s13+$0x40]  }
0x29e: {  	v12 =	vadd.s32 v1, v12;
	v5 =	vadd.f32 v5, v6;
	v6 =	vmul.f32 v9, v13  }
0x29f: {  	v9 =	vor.u32 v14, v12;
	v12 =	vand.u32 $0x180, v7;
	v7 =	vand.u32 $0x7E, v7  }
0x2a0: {  	v12 =	vadd.s32 v1, v12;
	v5 =	vadd.f32 v6, v5;
	v6 =	vmul.f32 v8, v17  }
0x2a1: {  	v8 =	vand.u32 $0x180, v4;
	v4 =	vand.u32 $0x7F, v4;
	v7 =	vor.u32 v7, v12  }
0x2a2: {  	s15 =	sadd.s32 $0xFFFFFFFC, s12;
	s13 =	sadd.s32 $0xA0, s13;
	v8 =	vadd.s32 v1, v8;
	v11 =	vld.idx.msk [tilespmem:v11+s25+$0x0], $0xffff;
	v5 =	vadd.f32 v6, v5;
	v6 =	vmul.f32 v10, v15  }
0x2a3: {  	v12 =	vmov s15;
	v4 =	vor.u32 v4, v8;
	v8 =	vand.u32 $0x180, v3;
	v10 =	vld [tilespmem:s13+$0xFFFFFFB0]  }
0x2a4: {  	s15 =	sadd.s32 $0xFFFFFFFF, s12;
	v3 =	vand.u32 $0x7E, v3;
	v8 =	vadd.s32 v1, v8;
	v9 =	vld.idx.msk [tilespmem:v9+s25+$0x0], $0xffff;
	v5 =	vadd.f32 v6, v5  }
0x2a5: {  	s16 =	sadd.s32 $0xFFFFFFFD, s12;
	v13 =	vmov s15;
	v3 =	vor.u32 v3, v8;
	v8 =	vand.u32 $0x180, v12;
	v6 =	vld [tilespmem:s13+$0xFFFFFFC0]  }
0x2a6: {  	v14 =	vmov s16;
	s15 =	sadd.s32 $0xFFFFFFFE, s12;
	s12 =	smov.u32 s14;
	v12 =	vand.u32 $0x7F, v12;
	v8 =	vadd.s32 v1, v8;
	v7 =	vld.idx.msk [tilespmem:v7+s25+$0x0], $0xffff  }
0x2a7: {  	v16 =	vmov s15;
	v8 =	vor.u32 v12, v8;
	v12 =	vand.u32 $0x180, v14;
	v15 =	vld [tilespmem:s13+$0xFFFFFFD0]  }
0x2a8: {  	v12 =	vadd.s32 v1, v12;
	v10 =	vmul.f32 v11, v10;
	v4 =	vld.idx.msk [tilespmem:v4+s25+$0x0], $0xffff;
	v11 =	vand.u32 $0x7E, v14  }
0x2a9: {  	v14 =	vld [tilespmem:s13+$0xFFFFFFE0];
	v11 =	vor.u32 v11, v12;
	v12 =	vand.u32 $0x180, v16;
	v16 =	vand.u32 $0x7F, v16  }
0x2aa: {  	v5 =	vadd.f32 v10, v5;
	v6 =	vmul.f32 v9, v6;
	v3 =	vld.idx.msk [tilespmem:v3+s25+$0x0], $0xffff;
	v9 =	vadd.s32 v1, v12  }
0x2ab: {  	v10 =	vand.u32 $0x180, v13;
	v12 =	vand.u32 $0x7E, v13;
	v17 =	vld [tilespmem:s13+$0xFFFFFFF0];
	v9 =	vor.u32 v16, v9  }
0x2ac: {  	v10 =	vadd.s32 v1, v10;
	v5 =	vadd.f32 v6, v5;
	v7 =	vmul.f32 v7, v15;
	v6 =	vld.idx.msk [tilespmem:v8+s25+$0x0], $0xffff  }
.Ltmp8:
0x2ad: {  	v12 =	vor.u32 v12, v10;
	v10 =	vand.u32 $0x180, v2;
	v2 =	vand.u32 $0x7F, v2;
	v8 =	vld [tilespmem:s13+$0x0];
	(pc) =	sbr.rel @p1 .LBB2_19-.Ltmp8, $4  }
0x2ae: {  	v7 =	vadd.f32 v7, v5;
	v4 =	vmul.f32 v4, v14;
	v5 =	vld.idx.msk [tilespmem:v11+s25+$0x0], $0xffff;
	v11 =	vadd.s32 v1, v10  }
0x2af: {  	v10 =	vld [tilespmem:s13+$0x10];
	v11 =	vor.u32 v2, v11  }
0x2b0: {  	s17 =	sadd.s32 $0xFFFFFFFA, s14;
	s18 =	sadd.s32 $0xFFFFFFFB, s14;
	s16 =	sadd.s32 $0xFFFFFFF9, s14;
	v2 =	vmov s14;
	v14 =	vadd.f32 v4, v7;
	v15 =	vmul.f32 v3, v17;
	v9 =	vld.idx.msk [tilespmem:v9+s25+$0x0], $0xffff  }
0x2b1: {  	s15 =	sadd.s32 $0xFFFFFFF7, s12;
	s14 =	sadd.s32 $0xA, s14;
	v7 =	vmov s16;
	v4 =	vmov s17;
	v3 =	vmov s18;
	v13 =	vld [tilespmem:s13+$0x20]  }
0x2b2: {  	_ = 	snop  }
0x2b3: {  	v16 =	vmov s15  }
0x2b4: {  	v14 =	vadd.f32 v15, v14;
	v6 =	vmul.f32 v6, v8;
	v30 =	vand.u32 $0x180, v7  }
0x2b5: {  	s14 =	sadd.s32 $0xFFFFFFF8, s12;
	v31 =	vand.u32 $0x7E, v7;
	v33 =	vand.u32 $0x180, v4;
	v20 =	vand.u32 $0x80, v16  }
0x2b6: {  	v63 =	vld.idx.msk [tilespmem:v12+s25+$0x0], $0xffff;
	v21 =	vand.u32 $0x7E, v16;
	v22 =	vmov s14;
	v12 =	vadd.s32 v1, v20  }
0x2b7: {  	v34 =	vand.u32 $0x7F, v4;
	v25 =	vand.u32 $0x80, v22;
	v24 =	vor.u32 v21, v12  }
0x2b8: {  	v17 =	vld [tilespmem:s13+$0x30];
	v37 =	vand.u32 $0x180, v3;
	v26 =	vand.u32 $0x7F, v22;
	v12 =	vadd.s32 v1, v25  }
0x2b9: {  	v23 =	vld.idx.msk [tilespmem:v11+s25+$0x0], $0xffff;
	v6 =	vadd.f32 v6, v14;
	v5 =	vmul.f32 v5, v10;
	v29 =	vor.u32 v26, v12  }
0x2ba: {  	v27 =	vld [tilespmem:s13+$0x40];
	s13 =	sadd.s32 $0xA0, s13;
	v3 =	vand.u32 $0x7E, v3;
	v8 =	vadd.s32 v1, v33;
	v12 =	vadd.s32 v1, v30  }
0x2bb: {  	s15 =	sadd.s32 $0xFFFFFFFC, s12;
	s16 =	sadd.s32 $0xFFFFFFFF, s12;
	s17 =	sadd.s32 $0xFFFFFFFD, s12;
	v36 =	vld [tilespmem:s13+$0xFFFFFFB0];
	v5 =	vadd.f32 v5, v6;
	v28 =	vmul.f32 v9, v13;
	v7 =	vor.u32 v31, v12  }
0x2bc: {  	v38 =	vmov s15;
	v41 =	vmov s16;
	v42 =	vmov s17;
	v11 =	vld.idx.msk [tilespmem:v24+s25+$0x0], $0xffff  }
0x2bd: {  	s18 =	sadd.s32 $0xFFFFFFFE, s12;
	v39 =	vld [tilespmem:s13+$0xFFFFFFC0];
	v4 =	vor.u32 v34, v8;
	v32 =	vmul.f32 v63, v17;
	v5 =	vadd.f32 v28, v5  }
0x2be: {  	v45 =	vmov s18;
	v8 =	vadd.s32 v1, v37;
	v40 =	vand.u32 $0x180, v38;
	v9 =	vld.idx.msk [tilespmem:v29+s25+$0x0], $0xffff  }
0x2bf: {  	v43 =	vld [tilespmem:s13+$0xFFFFFFD0];
	v3 =	vor.u32 v3, v8;
	v35 =	vmul.f32 v23, v27;
	v5 =	vadd.f32 v32, v5  }
0x2c0: {  	v44 =	vand.u32 $0x180, v42;
	v8 =	vadd.s32 v1, v40;
	v12 =	vand.u32 $0x7F, v38;
	v7 =	vld.idx.msk [tilespmem:v7+s25+$0x0], $0xffff  }
0x2c1: {  	v47 =	vld [tilespmem:s13+$0xFFFFFFE0];
	v8 =	vor.u32 v12, v8;
	v5 =	vadd.f32 v35, v5;
	v10 =	vmul.f32 v11, v36  }
0x2c2: {  	v46 =	vand.u32 $0x7E, v42;
	v48 =	vand.u32 $0x180, v45;
	v12 =	vadd.s32 v1, v44;
	v4 =	vld.idx.msk [tilespmem:v4+s25+$0x0], $0xffff  }
0x2c3: {  	v50 =	vld [tilespmem:s13+$0xFFFFFFF0];
	v11 =	vor.u32 v46, v12;
	v6 =	vmul.f32 v9, v39;
	v5 =	vadd.f32 v10, v5  }
0x2c4: {  	v16 =	vand.u32 $0x7F, v45;
	v51 =	vand.u32 $0x180, v41;
	v49 =	vadd.s32 v1, v48;
	v3 =	vld.idx.msk [tilespmem:v3+s25+$0x0], $0xffff  }
0x2c5: {  	v55 =	vld [tilespmem:s13+$0x0];
	v9 =	vor.u32 v16, v49;
	v52 =	vmul.f32 v7, v43;
	v5 =	vadd.f32 v6, v5  }
0x2c6: {  	v56 =	vand.u32 $0x180, v2;
	v54 =	vadd.s32 v1, v51;
	v13 =	vand.u32 $0x7E, v41;
	v53 =	vld.idx.msk [tilespmem:v8+s25+$0x0], $0xffff  }
0x2c7: {  	v58 =	vld [tilespmem:s13+$0x10];
	v8 =	vor.u32 v13, v54;
	v4 =	vmul.f32 v4, v47;
	v5 =	vadd.f32 v52, v5  }
0x2c8: {  	v2 =	vand.u32 $0x7F, v2;
	v1 =	vadd.s32 v1, v56;
	v57 =	vld.idx.msk [tilespmem:v11+s25+$0x0], $0xffff  }
0x2c9: {  	v60 =	vld [tilespmem:s13+$0x20];
	v1 =	vor.u32 v2, v1;
	v3 =	vmul.f32 v3, v50;
	v2 =	vadd.f32 v4, v5  }
0x2ca: {  	v59 =	vld.idx.msk [tilespmem:v9+s25+$0x0], $0xffff  }
0x2cb: {  	v62 =	vld [tilespmem:s13+$0x30];
	v2 =	vadd.f32 v3, v2;
	v3 =	vmul.f32 v53, v55  }
0x2cc: {  	v61 =	vld.idx.msk [tilespmem:v8+s25+$0x0], $0xffff  }
0x2cd: {  	v63 =	vld [tilespmem:s13+$0x40];
	v2 =	vadd.f32 v3, v2;
	v3 =	vmul.f32 v57, v58  }
0x2ce: {  	v1 =	vld.idx.msk [tilespmem:v1+s25+$0x0], $0xffff  }
0x2cf: {  	v2 =	vadd.f32 v3, v2;
	v3 =	vmul.f32 v59, v60;
	_ =	sdelay $0x1  }
0x2d0: {  	v2 =	vadd.f32 v3, v2;
	v3 =	vmul.f32 v61, v62;
	_ =	sdelay $0x1  }
0x2d1: {  	v1 =	vmul.f32 v1, v63;
	v2 =	vadd.f32 v3, v2;
	_ =	sdelay $0x1  }
0x2d2: {  	v1 =	vadd.f32 v1, v2;
	_ =	sdelay $0x1  }
0x2d3: {  	v1 =	vsub.f32 $0.0e+00, v1;
	_ =	sdelay $0x1  }
0x2d4: {  	v1 =	vmul.f32 $1.442695020e+00, v1;
	_ =	sdelay $0x1  }
0x2d5: {  	(erf) = vpow2.f32 v1;
	_ =	sdelay $0x8  }
0x2d6: {  	v1 =	vpop (erf)  }
0x2d7: {  	v1 =	vadd.f32 $1.000000000e+00, v1;
	_ =	sdelay $0x1  }
0x2d8: {  	(erf) = vrcp.f32 v1;
	_ =	sdelay $0x3  }
0x2d9: {  	s9 =	sadd.s32 $0x1, s9  }
0x2da: {  	p1 =	sne.s32 s9, $0x4  }
.Ltmp9:
0x2db: {  	_ = 	snop;
	(pc) =	sbr.rel @p1 .LBB2_18-.Ltmp9, $3  }
0x2dc: {  	_ =	sdelay $0x1  }
0x2dd: {  	v1 =	vpop (erf)  }
0x2de: {  	s10 =	sadd.s32 $0x640, s10;
	[tilespmem:s11+$0x1D868] =	vst v1  }
0x2df: {  	s9 =	simm.s32 $0x0;
	s10 =	rddreg [dreg:$0xb]  }
0x2e0: {  	[tilespmem:s24], [sflag:$0x3] =	stream.linear.gather [hbm4b:s10+s9], $0x2000, $0x38;
	[tilespmem:$0x1DA28] =	vst v63  }
0x2e1: {  	s18 =	rddreg [dreg:$0xc]  }
0x2e2: {  	[tilespmem:s25], [sflag:$0x3] =	stream.linear.gather [hbm4b:s18+s9], $0x2000, $0x38;
	[tilespmem:$0x1DA28] =	vst v63  }
0x2e3: {  	_ =	swait.ge [sflag:s31], $0x2000  }
0x2e4: {  	[sflag:s31] =	ssyncset.done $0x0  }
0x2e5: {  	[sflag:s31] =	ssyncadd.s32 $0xFFFFE000  }
0x2e6: {  	_ =	swait.ge [sflag:s31], $0x2000  }
0x2e7: {  	[sflag:s31] =	ssyncset.done $0x0  }
0x2e8: {  	s10 =	simm.s32 $0x14D78;
	[sflag:s31] =	ssyncadd.s32 $0xFFFFE000  }
.LBB2_22:
0x2e9: {  	s11 =	sshll.u32 s9, $0x4  }
0x2ea: {  	s16 =	simm.s32 $0x0;
	v1 =	vmov s11  }
0x2eb: {  	v2 =	vmov s16;
	v1 =	vshll.u32 v1, $0x7  }
0x2ec: {  	v3 =	vand.u32 $0x80, v2;
	v1 =	vor.u32 v0, v1  }
0x2ed: {  	v2 =	vand.u32 $0x7E, v2;
	v3 =	vadd.s32 v1, v3  }
0x2ee: {  	v2 =	vor.u32 v2, v3;
	_ =	sdelay $0x1  }
0x2ef: {  	s17 =	simm.s32 $0x1  }
0x2f0: {  	v3 =	vmov s17  }
0x2f1: {  	v4 =	vand.u32 $0x80, v3  }
0x2f2: {  	v3 =	vand.u32 $0x7F, v3;
	v4 =	vadd.s32 v1, v4;
	v2 =	vld.idx.msk [tilespmem:v2+s24+$0x0], $0xffff  }
0x2f3: {  	v3 =	vor.u32 v3, v4;
	_ =	sdelay $0x1  }
0x2f4: {  	s18 =	simm.s32 $0x2  }
0x2f5: {  	v4 =	vmov s18  }
0x2f6: {  	[tilespmem:s10+$0xFFFFFFB0] =	vst v2;
	v2 =	vand.u32 $0x180, v4  }
0x2f7: {  	v4 =	vand.u32 $0x7E, v4;
	v3 =	vld.idx.msk [tilespmem:v3+s24+$0x0], $0xffff;
	v2 =	vadd.s32 v1, v2  }
0x2f8: {  	v2 =	vor.u32 v4, v2;
	_ =	sdelay $0x1  }
0x2f9: {  	s12 =	simm.s32 $0x3  }
0x2fa: {  	v4 =	vmov s12  }
0x2fb: {  	[tilespmem:s10+$0xFFFFFFC0] =	vst v3;
	v3 =	vand.u32 $0x180, v4  }
0x2fc: {  	v4 =	vand.u32 $0x7F, v4;
	v2 =	vld.idx.msk [tilespmem:v2+s24+$0x0], $0xffff;
	v3 =	vadd.s32 v1, v3  }
0x2fd: {  	v3 =	vor.u32 v4, v3;
	_ =	sdelay $0x1  }
0x2fe: {  	s13 =	simm.s32 $0x4  }
0x2ff: {  	v4 =	vmov s13  }
0x300: {  	[tilespmem:s10+$0xFFFFFFD0] =	vst v2;
	v2 =	vand.u32 $0x180, v4  }
0x301: {  	v4 =	vand.u32 $0x7E, v4;
	v3 =	vld.idx.msk [tilespmem:v3+s24+$0x0], $0xffff;
	v2 =	vadd.s32 v1, v2  }
0x302: {  	v2 =	vor.u32 v4, v2;
	_ =	sdelay $0x1  }
0x303: {  	s14 =	simm.s32 $0x5  }
0x304: {  	v4 =	vmov s14  }
0x305: {  	[tilespmem:s10+$0xFFFFFFE0] =	vst v3;
	v3 =	vand.u32 $0x180, v4  }
0x306: {  	v4 =	vand.u32 $0x7F, v4;
	v2 =	vld.idx.msk [tilespmem:v2+s24+$0x0], $0xffff;
	v3 =	vadd.s32 v1, v3  }
0x307: {  	v3 =	vor.u32 v4, v3;
	_ =	sdelay $0x1  }
0x308: {  	s15 =	simm.s32 $0x6  }
0x309: {  	v4 =	vmov s15  }
0x30a: {  	[tilespmem:s10+$0xFFFFFFF0] =	vst v2;
	v2 =	vand.u32 $0x180, v4  }
0x30b: {  	v4 =	vand.u32 $0x7E, v4;
	v3 =	vld.idx.msk [tilespmem:v3+s24+$0x0], $0xffff;
	v2 =	vadd.s32 v1, v2  }
0x30c: {  	v2 =	vor.u32 v4, v2;
	_ =	sdelay $0x1  }
0x30d: {  	s16 =	simm.s32 $0x7  }
0x30e: {  	v4 =	vmov s16  }
0x30f: {  	[tilespmem:s10+$0x0] =	vst v3;
	v3 =	vand.u32 $0x180, v4  }
0x310: {  	v4 =	vand.u32 $0x7F, v4;
	v2 =	vld.idx.msk [tilespmem:v2+s24+$0x0], $0xffff;
	v3 =	vadd.s32 v1, v3  }
0x311: {  	v3 =	vor.u32 v4, v3;
	_ =	sdelay $0x1  }
0x312: {  	s17 =	simm.s32 $0x8  }
0x313: {  	v4 =	vmov s17  }
0x314: {  	[tilespmem:s10+$0x10] =	vst v2;
	v2 =	vand.u32 $0x180, v4  }
0x315: {  	v4 =	vand.u32 $0x7E, v4;
	v3 =	vld.idx.msk [tilespmem:v3+s24+$0x0], $0xffff;
	v2 =	vadd.s32 v1, v2  }
0x316: {  	v2 =	vor.u32 v4, v2;
	_ =	sdelay $0x1  }
0x317: {  	s18 =	simm.s32 $0x9  }
0x318: {  	v4 =	vmov s18  }
0x319: {  	v5 =	vand.u32 $0x180, v4;
	[tilespmem:s10+$0x20] =	vst v3  }
0x31a: {  	v3 =	vand.u32 $0x7F, v4;
	v4 =	vadd.s32 v1, v5;
	v2 =	vld.idx.msk [tilespmem:v2+s24+$0x0], $0xffff  }
0x31b: {  	v3 =	vor.u32 v3, v4;
	_ =	sdelay $0x1  }
0x31c: {  	s11 =	simm.s32 $0x13  }
0x31d: {  	s12 =	smov.u32 s10;
	s13 =	simm.s32 $0x1D;
	s14 =	simm.s32 $0xA  }
.LBB2_23:
0x31e: {  	p1 =	sne.s32 s13, $0x63;
	v4 =	vmov s14;
	[tilespmem:s12+$0x30] =	vst v2  }
0x31f: {  	v2 =	vand.u32 $0x80, v4;
	v3 =	vld.idx.msk [tilespmem:v3+s24+$0x0], $0xffff  }
0x320: {  	v4 =	vand.u32 $0x7E, v4;
	v2 =	vadd.s32 v1, v2  }
0x321: {  	v2 =	vor.u32 v4, v2;
	_ =	sdelay $0x2  }
0x322: {  	s14 =	sadd.s32 $0xFFFFFFF8, s11  }
0x323: {  	v4 =	vmov s14;
	[tilespmem:s12+$0x40] =	vst v3  }
0x324: {  	v3 =	vand.u32 $0x80, v4;
	v2 =	vld.idx.msk [tilespmem:v2+s24+$0x0], $0xffff  }
0x325: {  	v4 =	vand.u32 $0x7F, v4;
	v3 =	vadd.s32 v1, v3  }
0x326: {  	v3 =	vor.u32 v4, v3;
	_ =	sdelay $0x2  }
0x327: {  	s14 =	sadd.s32 $0xFFFFFFF9, s11;
	s12 =	sadd.s32 $0xA0, s12  }
0x328: {  	[tilespmem:s12+$0xFFFFFFB0] =	vst v2;
	v2 =	vmov s14  }
0x329: {  	v3 =	vld.idx.msk [tilespmem:v3+s24+$0x0], $0xffff;
	v4 =	vand.u32 $0x180, v2  }
0x32a: {  	v2 =	vand.u32 $0x7E, v2;
	v4 =	vadd.s32 v1, v4  }
0x32b: {  	v2 =	vor.u32 v2, v4;
	_ =	sdelay $0x2  }
0x32c: {  	s14 =	sadd.s32 $0xFFFFFFFA, s11  }
0x32d: {  	[tilespmem:s12+$0xFFFFFFC0] =	vst v3;
	v3 =	vmov s14  }
0x32e: {  	v2 =	vld.idx.msk [tilespmem:v2+s24+$0x0], $0xffff;
	v4 =	vand.u32 $0x180, v3  }
0x32f: {  	v3 =	vand.u32 $0x7F, v3;
	v4 =	vadd.s32 v1, v4  }
0x330: {  	v3 =	vor.u32 v3, v4;
	_ =	sdelay $0x2  }
0x331: {  	s14 =	sadd.s32 $0xFFFFFFFB, s11  }
0x332: {  	[tilespmem:s12+$0xFFFFFFD0] =	vst v2;
	v2 =	vmov s14  }
0x333: {  	v3 =	vld.idx.msk [tilespmem:v3+s24+$0x0], $0xffff;
	v4 =	vand.u32 $0x180, v2  }
0x334: {  	v2 =	vand.u32 $0x7E, v2;
	v4 =	vadd.s32 v1, v4  }
0x335: {  	v2 =	vor.u32 v2, v4;
	_ =	sdelay $0x2  }
0x336: {  	s14 =	sadd.s32 $0xFFFFFFFC, s11  }
0x337: {  	[tilespmem:s12+$0xFFFFFFE0] =	vst v3;
	v3 =	vmov s14  }
0x338: {  	v2 =	vld.idx.msk [tilespmem:v2+s24+$0x0], $0xffff;
	v4 =	vand.u32 $0x180, v3  }
0x339: {  	v3 =	vand.u32 $0x7F, v3;
	v4 =	vadd.s32 v1, v4  }
0x33a: {  	v3 =	vor.u32 v3, v4;
	_ =	sdelay $0x2  }
0x33b: {  	s14 =	sadd.s32 $0xFFFFFFFD, s11  }
0x33c: {  	[tilespmem:s12+$0xFFFFFFF0] =	vst v2;
	v2 =	vmov s14  }
0x33d: {  	v3 =	vld.idx.msk [tilespmem:v3+s24+$0x0], $0xffff;
	v4 =	vand.u32 $0x180, v2  }
0x33e: {  	v2 =	vand.u32 $0x7E, v2;
	v4 =	vadd.s32 v1, v4  }
0x33f: {  	v2 =	vor.u32 v2, v4;
	_ =	sdelay $0x2  }
0x340: {  	s14 =	sadd.s32 $0xFFFFFFFE, s11  }
0x341: {  	[tilespmem:s12+$0x0] =	vst v3;
	v3 =	vmov s14  }
0x342: {  	v2 =	vld.idx.msk [tilespmem:v2+s24+$0x0], $0xffff;
	v4 =	vand.u32 $0x180, v3  }
0x343: {  	v3 =	vand.u32 $0x7F, v3;
	v4 =	vadd.s32 v1, v4  }
0x344: {  	v3 =	vor.u32 v3, v4;
	_ =	sdelay $0x2  }
0x345: {  	s14 =	sadd.s32 $0xFFFFFFFF, s11  }
0x346: {  	[tilespmem:s12+$0x10] =	vst v2;
	v2 =	vmov s14  }
0x347: {  	v3 =	vld.idx.msk [tilespmem:v3+s24+$0x0], $0xffff;
	v4 =	vand.u32 $0x180, v2  }
0x348: {  	v2 =	vand.u32 $0x7E, v2;
	v4 =	vadd.s32 v1, v4  }
0x349: {  	v2 =	vor.u32 v2, v4;
	_ =	sdelay $0x3  }
0x34a: {  	[tilespmem:s12+$0x20] =	vst v3;
	v3 =	vmov s11;
	s11 =	smov.u32 s13  }
0x34b: {  	v2 =	vld.idx.msk [tilespmem:v2+s24+$0x0], $0xffff;
	v4 =	vand.u32 $0x180, v3  }
.Ltmp10:
0x34c: {  	v3 =	vand.u32 $0x7F, v3;
	v4 =	vadd.s32 v1, v4;
	(pc) =	sbr.rel @p1 .LBB2_23-.Ltmp10, $2  }
0x34d: {  	v3 =	vor.u32 v3, v4;
	_ =	sdelay $0x2  }
0x34e: {  	s13 =	sadd.s32 $0xA, s13;
	s14 =	sadd.s32 $0xFFFFFFF7, s11  }
0x34f: {  	_ =	sdelay $0x1  }
0x350: {  	v4 =	vmov s14  }
0x351: {  	[tilespmem:s12+$0x30] =	vst v2;
	v2 =	vand.u32 $0x80, v4  }
0x352: {  	v3 =	vld.idx.msk [tilespmem:v3+s24+$0x0], $0xffff;
	v4 =	vand.u32 $0x7E, v4;
	v2 =	vadd.s32 v1, v2  }
0x353: {  	v2 =	vor.u32 v4, v2;
	_ =	sdelay $0x1  }
0x354: {  	s13 =	sadd.s32 $0xFFFFFFF8, s11  }
0x355: {  	v55 =	vmov s13  }
0x356: {  	[tilespmem:s12+$0x40] =	vst v3;
	v3 =	vand.u32 $0x80, v55  }
0x357: {  	v4 =	vand.u32 $0x7F, v55;
	v3 =	vadd.s32 v1, v3;
	v2 =	vld.idx.msk [tilespmem:v2+s24+$0x0], $0xffff  }
0x358: {  	v3 =	vor.u32 v4, v3;
	_ =	sdelay $0x1  }
0x359: {  	s17 =	sadd.s32 $0xFFFFFFF9, s11  }
0x35a: {  	v56 =	vmov s17;
	s12 =	sadd.s32 $0xA0, s12  }
0x35b: {  	[tilespmem:s12+$0xFFFFFFB0] =	vst v2;
	v2 =	vand.u32 $0x180, v56  }
0x35c: {  	v4 =	vand.u32 $0x7E, v56;
	v3 =	vld.idx.msk [tilespmem:v3+s24+$0x0], $0xffff;
	v2 =	vadd.s32 v1, v2  }
0x35d: {  	v2 =	vor.u32 v4, v2;
	_ =	sdelay $0x1  }
0x35e: {  	s18 =	sadd.s32 $0xFFFFFFFA, s11  }
0x35f: {  	v57 =	vmov s18  }
0x360: {  	[tilespmem:s12+$0xFFFFFFC0] =	vst v3;
	v3 =	vand.u32 $0x180, v57  }
0x361: {  	v4 =	vand.u32 $0x7F, v57;
	v2 =	vld.idx.msk [tilespmem:v2+s24+$0x0], $0xffff;
	v3 =	vadd.s32 v1, v3  }
0x362: {  	v3 =	vor.u32 v4, v3;
	_ =	sdelay $0x1  }
0x363: {  	s14 =	sadd.s32 $0xFFFFFFFB, s11  }
0x364: {  	v58 =	vmov s14  }
0x365: {  	[tilespmem:s12+$0xFFFFFFD0] =	vst v2;
	v2 =	vand.u32 $0x180, v58  }
0x366: {  	v4 =	vand.u32 $0x7E, v58;
	v3 =	vld.idx.msk [tilespmem:v3+s24+$0x0], $0xffff;
	v2 =	vadd.s32 v1, v2  }
0x367: {  	v2 =	vor.u32 v4, v2;
	_ =	sdelay $0x1  }
0x368: {  	s15 =	sadd.s32 $0xFFFFFFFC, s11  }
0x369: {  	v59 =	vmov s15  }
0x36a: {  	[tilespmem:s12+$0xFFFFFFE0] =	vst v3;
	v3 =	vand.u32 $0x180, v59  }
0x36b: {  	v4 =	vand.u32 $0x7F, v59;
	v2 =	vld.idx.msk [tilespmem:v2+s24+$0x0], $0xffff;
	v3 =	vadd.s32 v1, v3  }
0x36c: {  	v3 =	vor.u32 v4, v3;
	_ =	sdelay $0x1  }
0x36d: {  	s16 =	sadd.s32 $0xFFFFFFFD, s11  }
0x36e: {  	v60 =	vmov s16  }
0x36f: {  	[tilespmem:s12+$0xFFFFFFF0] =	vst v2;
	v2 =	vand.u32 $0x180, v60  }
0x370: {  	v4 =	vand.u32 $0x7E, v60;
	v3 =	vld.idx.msk [tilespmem:v3+s24+$0x0], $0xffff;
	v2 =	vadd.s32 v1, v2  }
0x371: {  	v2 =	vor.u32 v4, v2;
	_ =	sdelay $0x1  }
0x372: {  	s17 =	sadd.s32 $0xFFFFFFFE, s11  }
0x373: {  	v61 =	vmov s17  }
0x374: {  	[tilespmem:s12+$0x0] =	vst v3;
	v3 =	vand.u32 $0x180, v61  }
0x375: {  	v4 =	vand.u32 $0x7F, v61;
	v2 =	vld.idx.msk [tilespmem:v2+s24+$0x0], $0xffff;
	v3 =	vadd.s32 v1, v3  }
0x376: {  	v3 =	vor.u32 v4, v3;
	_ =	sdelay $0x1  }
0x377: {  	s18 =	sadd.s32 $0xFFFFFFFF, s11  }
0x378: {  	v62 =	vmov s18  }
0x379: {  	[tilespmem:s12+$0x10] =	vst v2;
	v2 =	vand.u32 $0x180, v62  }
0x37a: {  	v4 =	vand.u32 $0x7E, v62;
	v3 =	vld.idx.msk [tilespmem:v3+s24+$0x0], $0xffff;
	v2 =	vadd.s32 v1, v2  }
0x37b: {  	v2 =	vor.u32 v4, v2;
	_ =	sdelay $0x2  }
0x37c: {  	v63 =	vmov s11  }
0x37d: {  	[tilespmem:s12+$0x20] =	vst v3;
	v3 =	vand.u32 $0x180, v63  }
0x37e: {  	v4 =	vand.u32 $0x7F, v63;
	v2 =	vld.idx.msk [tilespmem:v2+s24+$0x0], $0xffff;
	v1 =	vadd.s32 v1, v3  }
0x37f: {  	v1 =	vor.u32 v4, v1;
	_ =	sdelay $0x3  }
0x380: {  	s9 =	sadd.s32 $0x1, s9;
	[tilespmem:s12+$0x30] =	vst v2  }
0x381: {  	p1 =	sne.s32 s9, $0x4;
	v1 =	vld.idx.msk [tilespmem:v1+s24+$0x0], $0xffff  }
.Ltmp11:
0x382: {  	_ = 	snop;
	(pc) =	sbr.rel @p1 .LBB2_22-.Ltmp11, $2  }
0x383: {  	_ =	sdelay $0x2  }
0x384: {  	s10 =	sadd.s32 $0x640, s10;
	[tilespmem:s12+$0x40] =	vst v1  }
0x385: {  	[tilespmem:s1], [sflag:$0x6] =	stream.indirect.gather [spmem:s2], $0x1, s0, s28, $0xb8;
	[tilespmem:$0x1DA28] =	vst v63  }
0x386: {  	_ =	swait.ge [sflag:s6], $0x1900  }
0x387: {  	[sflag:s6] =	ssyncset.done $0x0  }
0x388: {  	s9 =	simm.s32 $0x0;
	s10 =	simm.s32 $0x16678;
	[sflag:s6] =	ssyncadd.s32 $0xFFFFE700  }
.LBB2_26:
0x389: {  	s11 =	sshll.u32 s9, $0x4  }
0x38a: {  	s12 =	simm.s32 $0x0;
	v1 =	vmov s11  }
0x38b: {  	v2 =	vmov s12;
	v1 =	vshll.u32 v1, $0x7  }
0x38c: {  	s16 =	simm.s32 $0x1;
	v3 =	vand.u32 $0x80, v2;
	v1 =	vor.u32 v0, v1  }
0x38d: {  	v4 =	vmov s16;
	v2 =	vand.u32 $0x7E, v2;
	v3 =	vadd.s32 v1, v3  }
0x38e: {  	s17 =	simm.s32 $0x2;
	v2 =	vor.u32 v2, v3;
	v3 =	vand.u32 $0x80, v4  }
0x38f: {  	v5 =	vmov s17;
	v4 =	vand.u32 $0x7F, v4;
	v3 =	vadd.s32 v1, v3  }
0x390: {  	s18 =	simm.s32 $0x3;
	v3 =	vor.u32 v4, v3;
	v4 =	vand.u32 $0x180, v5  }
0x391: {  	v6 =	vmov s18;
	v5 =	vand.u32 $0x7E, v5;
	v4 =	vadd.s32 v1, v4  }
0x392: {  	s13 =	simm.s32 $0x4;
	v4 =	vor.u32 v5, v4;
	v5 =	vand.u32 $0x180, v6  }
0x393: {  	v9 =	vld [tilespmem:s10+$0xFFFFFFB0];
	v7 =	vmov s13;
	v6 =	vand.u32 $0x7F, v6;
	v5 =	vadd.s32 v1, v5  }
0x394: {  	s14 =	simm.s32 $0x5;
	v2 =	vld.idx.msk [tilespmem:v2+s23+$0x0], $0xffff;
	v5 =	vor.u32 v6, v5;
	v6 =	vand.u32 $0x180, v7  }
0x395: {  	v10 =	vmov s14;
	v7 =	vand.u32 $0x7E, v7;
	v6 =	vadd.s32 v1, v6  }
0x396: {  	v11 =	vld [tilespmem:s10+$0xFFFFFFC0];
	s13 =	simm.s32 $0x6;
	v6 =	vor.u32 v7, v6;
	v7 =	vand.u32 $0x180, v10  }
0x397: {  	v13 =	vmov s13;
	v3 =	vld.idx.msk [tilespmem:v3+s23+$0x0], $0xffff;
	v10 =	vand.u32 $0x7F, v10;
	v7 =	vadd.s32 v1, v7  }
0x398: {  	v8 =	vimm.f32 $0.0e+00;
	v14 =	vld [tilespmem:s10+$0xFFFFFFD0];
	v7 =	vor.u32 v10, v7;
	v10 =	vand.u32 $0x180, v13  }
0x399: {  	s15 =	simm.s32 $0x8;
	s16 =	simm.s32 $0x7;
	v4 =	vld.idx.msk [tilespmem:v4+s23+$0x0], $0xffff;
	v2 =	vmul.f32 v2, v9;
	v9 =	vand.u32 $0x7E, v13;
	v10 =	vadd.s32 v1, v10  }
0x39a: {  	v12 =	vmov s15;
	v15 =	vmov s16;
	v13 =	vld [tilespmem:s10+$0xFFFFFFE0];
	v9 =	vor.u32 v9, v10  }
0x39b: {  	v5 =	vld.idx.msk [tilespmem:v5+s23+$0x0], $0xffff;
	v10 =	vand.u32 $0x180, v15;
	v15 =	vand.u32 $0x7F, v15;
	v2 =	vadd.f32 v2, v8  }
0x39c: {  	s17 =	simm.s32 $0x9;
	v3 =	vmul.f32 v3, v11;
	v8 =	vand.u32 $0x180, v12;
	v16 =	vld.idx.msk [tilespmem:v6+s23+$0x0], $0xffff;
	v6 =	vadd.s32 v1, v10  }
0x39d: {  	v17 =	vld [tilespmem:s10+$0xFFFFFFF0];
	v11 =	vand.u32 $0x7E, v12;
	v10 =	vmov s17;
	v18 =	vor.u32 v15, v6  }
0x39e: {  	v2 =	vadd.f32 v3, v2;
	v3 =	vmul.f32 v4, v14;
	v4 =	vadd.s32 v1, v8;
	v8 =	vld [tilespmem:s10+$0x0]  }
0x39f: {  	v14 =	vand.u32 $0x7F, v10;
	v6 =	vld.idx.msk [tilespmem:v7+s23+$0x0], $0xffff;
	v7 =	vand.u32 $0x180, v10;
	v12 =	vor.u32 v11, v4  }
0x3a0: {  	v10 =	vld [tilespmem:s10+$0x10];
	v3 =	vadd.f32 v3, v2;
	v13 =	vmul.f32 v5, v13;
	v2 =	vadd.s32 v1, v7  }
0x3a1: {  	s14 =	simm.s32 $0xD;
	v5 =	vld.idx.msk [tilespmem:v9+s23+$0x0], $0xffff;
	v11 =	vor.u32 v14, v2  }
0x3a2: {  	s12 =	simm.s32 $0x13;
	s18 =	simm.s32 $0xC;
	s16 =	simm.s32 $0xE;
	v4 =	vmov s14;
	v14 =	vadd.f32 v13, v3;
	v15 =	vmul.f32 v16, v17;
	v13 =	vld [tilespmem:s10+$0x20]  }
0x3a3: {  	s15 =	simm.s32 $0xA;
	s13 =	smov.u32 s10;
	s14 =	simm.s32 $0x1D;
	v7 =	vmov s18;
	v2 =	vmov s12;
	v3 =	vmov s16;
	v9 =	vld.idx.msk [tilespmem:v18+s23+$0x0], $0xffff  }
.LBB2_27:
0x3a4: {  	p1 =	sne.s32 s14, $0x63;
	v16 =	vmov s15;
	s15 =	sadd.s32 $0xFFFFFFF8, s12;
	v14 =	vadd.f32 v15, v14;
	v6 =	vmul.f32 v6, v8;
	v8 =	vld.idx.msk [tilespmem:v12+s23+$0x0], $0xffff  }
0x3a5: {  	v12 =	vand.u32 $0x80, v16;
	v15 =	vand.u32 $0x7E, v16;
	v16 =	vmov s15;
	v17 =	vld [tilespmem:s13+$0x30]  }
0x3a6: {  	v12 =	vadd.s32 v1, v12;
	v6 =	vadd.f32 v6, v14;
	v5 =	vmul.f32 v5, v10;
	v10 =	vld.idx.msk [tilespmem:v11+s23+$0x0], $0xffff  }
0x3a7: {  	v14 =	vand.u32 $0x7F, v16;
	v11 =	vor.u32 v15, v12;
	v12 =	vand.u32 $0x80, v16;
	v15 =	vld [tilespmem:s13+$0x40]  }
0x3a8: {  	v12 =	vadd.s32 v1, v12;
	v5 =	vadd.f32 v5, v6;
	v6 =	vmul.f32 v9, v13  }
0x3a9: {  	v9 =	vor.u32 v14, v12;
	v12 =	vand.u32 $0x180, v7;
	v7 =	vand.u32 $0x7E, v7  }
0x3aa: {  	v12 =	vadd.s32 v1, v12;
	v5 =	vadd.f32 v6, v5;
	v6 =	vmul.f32 v8, v17  }
0x3ab: {  	v8 =	vand.u32 $0x180, v4;
	v4 =	vand.u32 $0x7F, v4;
	v7 =	vor.u32 v7, v12  }
0x3ac: {  	s15 =	sadd.s32 $0xFFFFFFFC, s12;
	s13 =	sadd.s32 $0xA0, s13;
	v8 =	vadd.s32 v1, v8;
	v11 =	vld.idx.msk [tilespmem:v11+s23+$0x0], $0xffff;
	v5 =	vadd.f32 v6, v5;
	v6 =	vmul.f32 v10, v15  }
0x3ad: {  	v12 =	vmov s15;
	v4 =	vor.u32 v4, v8;
	v8 =	vand.u32 $0x180, v3;
	v10 =	vld [tilespmem:s13+$0xFFFFFFB0]  }
0x3ae: {  	s15 =	sadd.s32 $0xFFFFFFFF, s12;
	v3 =	vand.u32 $0x7E, v3;
	v8 =	vadd.s32 v1, v8;
	v9 =	vld.idx.msk [tilespmem:v9+s23+$0x0], $0xffff;
	v5 =	vadd.f32 v6, v5  }
0x3af: {  	s16 =	sadd.s32 $0xFFFFFFFD, s12;
	v13 =	vmov s15;
	v3 =	vor.u32 v3, v8;
	v8 =	vand.u32 $0x180, v12;
	v6 =	vld [tilespmem:s13+$0xFFFFFFC0]  }
0x3b0: {  	v14 =	vmov s16;
	s15 =	sadd.s32 $0xFFFFFFFE, s12;
	s12 =	smov.u32 s14;
	v12 =	vand.u32 $0x7F, v12;
	v8 =	vadd.s32 v1, v8;
	v7 =	vld.idx.msk [tilespmem:v7+s23+$0x0], $0xffff  }
0x3b1: {  	v16 =	vmov s15;
	v8 =	vor.u32 v12, v8;
	v12 =	vand.u32 $0x180, v14;
	v15 =	vld [tilespmem:s13+$0xFFFFFFD0]  }
0x3b2: {  	v12 =	vadd.s32 v1, v12;
	v10 =	vmul.f32 v11, v10;
	v4 =	vld.idx.msk [tilespmem:v4+s23+$0x0], $0xffff;
	v11 =	vand.u32 $0x7E, v14  }
0x3b3: {  	v14 =	vld [tilespmem:s13+$0xFFFFFFE0];
	v11 =	vor.u32 v11, v12;
	v12 =	vand.u32 $0x180, v16;
	v16 =	vand.u32 $0x7F, v16  }
0x3b4: {  	v5 =	vadd.f32 v10, v5;
	v6 =	vmul.f32 v9, v6;
	v3 =	vld.idx.msk [tilespmem:v3+s23+$0x0], $0xffff;
	v9 =	vadd.s32 v1, v12  }
0x3b5: {  	v10 =	vand.u32 $0x180, v13;
	v12 =	vand.u32 $0x7E, v13;
	v17 =	vld [tilespmem:s13+$0xFFFFFFF0];
	v9 =	vor.u32 v16, v9  }
0x3b6: {  	v10 =	vadd.s32 v1, v10;
	v5 =	vadd.f32 v6, v5;
	v7 =	vmul.f32 v7, v15;
	v6 =	vld.idx.msk [tilespmem:v8+s23+$0x0], $0xffff  }
.Ltmp12:
0x3b7: {  	v12 =	vor.u32 v12, v10;
	v10 =	vand.u32 $0x180, v2;
	v2 =	vand.u32 $0x7F, v2;
	v8 =	vld [tilespmem:s13+$0x0];
	(pc) =	sbr.rel @p1 .LBB2_27-.Ltmp12, $4  }
0x3b8: {  	v7 =	vadd.f32 v7, v5;
	v4 =	vmul.f32 v4, v14;
	v5 =	vld.idx.msk [tilespmem:v11+s23+$0x0], $0xffff;
	v11 =	vadd.s32 v1, v10  }
0x3b9: {  	v10 =	vld [tilespmem:s13+$0x10];
	v11 =	vor.u32 v2, v11  }
0x3ba: {  	s17 =	sadd.s32 $0xFFFFFFFA, s14;
	s18 =	sadd.s32 $0xFFFFFFFB, s14;
	s16 =	sadd.s32 $0xFFFFFFF9, s14;
	v2 =	vmov s14;
	v14 =	vadd.f32 v4, v7;
	v15 =	vmul.f32 v3, v17;
	v9 =	vld.idx.msk [tilespmem:v9+s23+$0x0], $0xffff  }
0x3bb: {  	s15 =	sadd.s32 $0xFFFFFFF7, s12;
	s14 =	sadd.s32 $0xA, s14;
	v7 =	vmov s16;
	v4 =	vmov s17;
	v3 =	vmov s18;
	v13 =	vld [tilespmem:s13+$0x20]  }
0x3bc: {  	_ = 	snop  }
0x3bd: {  	v16 =	vmov s15  }
0x3be: {  	v14 =	vadd.f32 v15, v14;
	v6 =	vmul.f32 v6, v8;
	v30 =	vand.u32 $0x180, v7  }
0x3bf: {  	s14 =	sadd.s32 $0xFFFFFFF8, s12;
	v31 =	vand.u32 $0x7E, v7;
	v33 =	vand.u32 $0x180, v4;
	v20 =	vand.u32 $0x80, v16  }
0x3c0: {  	v63 =	vld.idx.msk [tilespmem:v12+s23+$0x0], $0xffff;
	v21 =	vand.u32 $0x7E, v16;
	v22 =	vmov s14;
	v12 =	vadd.s32 v1, v20  }
0x3c1: {  	v34 =	vand.u32 $0x7F, v4;
	v25 =	vand.u32 $0x80, v22;
	v24 =	vor.u32 v21, v12  }
0x3c2: {  	v17 =	vld [tilespmem:s13+$0x30];
	v37 =	vand.u32 $0x180, v3;
	v26 =	vand.u32 $0x7F, v22;
	v12 =	vadd.s32 v1, v25  }
0x3c3: {  	v23 =	vld.idx.msk [tilespmem:v11+s23+$0x0], $0xffff;
	v6 =	vadd.f32 v6, v14;
	v5 =	vmul.f32 v5, v10;
	v29 =	vor.u32 v26, v12  }
0x3c4: {  	v27 =	vld [tilespmem:s13+$0x40];
	s13 =	sadd.s32 $0xA0, s13;
	v3 =	vand.u32 $0x7E, v3;
	v8 =	vadd.s32 v1, v33;
	v12 =	vadd.s32 v1, v30  }
0x3c5: {  	s15 =	sadd.s32 $0xFFFFFFFC, s12;
	s16 =	sadd.s32 $0xFFFFFFFF, s12;
	s17 =	sadd.s32 $0xFFFFFFFD, s12;
	v36 =	vld [tilespmem:s13+$0xFFFFFFB0];
	v5 =	vadd.f32 v5, v6;
	v28 =	vmul.f32 v9, v13;
	v7 =	vor.u32 v31, v12  }
0x3c6: {  	v38 =	vmov s15;
	v41 =	vmov s16;
	v42 =	vmov s17;
	v11 =	vld.idx.msk [tilespmem:v24+s23+$0x0], $0xffff  }
0x3c7: {  	s18 =	sadd.s32 $0xFFFFFFFE, s12;
	v39 =	vld [tilespmem:s13+$0xFFFFFFC0];
	v4 =	vor.u32 v34, v8;
	v32 =	vmul.f32 v63, v17;
	v5 =	vadd.f32 v28, v5  }
0x3c8: {  	v45 =	vmov s18;
	v8 =	vadd.s32 v1, v37;
	v40 =	vand.u32 $0x180, v38;
	v9 =	vld.idx.msk [tilespmem:v29+s23+$0x0], $0xffff  }
0x3c9: {  	v43 =	vld [tilespmem:s13+$0xFFFFFFD0];
	v3 =	vor.u32 v3, v8;
	v35 =	vmul.f32 v23, v27;
	v5 =	vadd.f32 v32, v5  }
0x3ca: {  	v44 =	vand.u32 $0x180, v42;
	v8 =	vadd.s32 v1, v40;
	v12 =	vand.u32 $0x7F, v38;
	v7 =	vld.idx.msk [tilespmem:v7+s23+$0x0], $0xffff  }
0x3cb: {  	v47 =	vld [tilespmem:s13+$0xFFFFFFE0];
	v8 =	vor.u32 v12, v8;
	v5 =	vadd.f32 v35, v5;
	v10 =	vmul.f32 v11, v36  }
0x3cc: {  	v46 =	vand.u32 $0x7E, v42;
	v48 =	vand.u32 $0x180, v45;
	v12 =	vadd.s32 v1, v44;
	v4 =	vld.idx.msk [tilespmem:v4+s23+$0x0], $0xffff  }
0x3cd: {  	v50 =	vld [tilespmem:s13+$0xFFFFFFF0];
	v11 =	vor.u32 v46, v12;
	v6 =	vmul.f32 v9, v39;
	v5 =	vadd.f32 v10, v5  }
0x3ce: {  	v16 =	vand.u32 $0x7F, v45;
	v51 =	vand.u32 $0x180, v41;
	v49 =	vadd.s32 v1, v48;
	v3 =	vld.idx.msk [tilespmem:v3+s23+$0x0], $0xffff  }
0x3cf: {  	v55 =	vld [tilespmem:s13+$0x0];
	v9 =	vor.u32 v16, v49;
	v52 =	vmul.f32 v7, v43;
	v5 =	vadd.f32 v6, v5  }
0x3d0: {  	v56 =	vand.u32 $0x180, v2;
	v54 =	vadd.s32 v1, v51;
	v13 =	vand.u32 $0x7E, v41;
	v53 =	vld.idx.msk [tilespmem:v8+s23+$0x0], $0xffff  }
0x3d1: {  	v58 =	vld [tilespmem:s13+$0x10];
	v8 =	vor.u32 v13, v54;
	v4 =	vmul.f32 v4, v47;
	v5 =	vadd.f32 v52, v5  }
0x3d2: {  	v2 =	vand.u32 $0x7F, v2;
	v1 =	vadd.s32 v1, v56;
	v57 =	vld.idx.msk [tilespmem:v11+s23+$0x0], $0xffff  }
0x3d3: {  	v60 =	vld [tilespmem:s13+$0x20];
	v1 =	vor.u32 v2, v1;
	v3 =	vmul.f32 v3, v50;
	v2 =	vadd.f32 v4, v5  }
0x3d4: {  	v59 =	vld.idx.msk [tilespmem:v9+s23+$0x0], $0xffff  }
0x3d5: {  	v62 =	vld [tilespmem:s13+$0x30];
	v2 =	vadd.f32 v3, v2;
	v3 =	vmul.f32 v53, v55  }
0x3d6: {  	v61 =	vld.idx.msk [tilespmem:v8+s23+$0x0], $0xffff  }
0x3d7: {  	v63 =	vld [tilespmem:s13+$0x40];
	v2 =	vadd.f32 v3, v2;
	v3 =	vmul.f32 v57, v58  }
0x3d8: {  	v1 =	vld.idx.msk [tilespmem:v1+s23+$0x0], $0xffff  }
0x3d9: {  	v2 =	vadd.f32 v3, v2;
	v3 =	vmul.f32 v59, v60;
	_ =	sdelay $0x1  }
0x3da: {  	v2 =	vadd.f32 v3, v2;
	v3 =	vmul.f32 v61, v62;
	_ =	sdelay $0x1  }
0x3db: {  	v1 =	vmul.f32 v1, v63;
	v2 =	vadd.f32 v3, v2;
	_ =	sdelay $0x1  }
0x3dc: {  	v1 =	vadd.f32 v1, v2;
	_ =	sdelay $0x1  }
0x3dd: {  	v1 =	vsub.f32 $0.0e+00, v1;
	_ =	sdelay $0x1  }
0x3de: {  	v1 =	vmul.f32 $1.442695020e+00, v1;
	_ =	sdelay $0x1  }
0x3df: {  	(erf) = vpow2.f32 v1;
	_ =	sdelay $0x8  }
0x3e0: {  	v1 =	vpop (erf)  }
0x3e1: {  	v1 =	vadd.f32 $1.000000000e+00, v1;
	_ =	sdelay $0x1  }
0x3e2: {  	(erf) = vrcp.f32 v1;
	_ =	sdelay $0x3  }
0x3e3: {  	s9 =	sadd.s32 $0x1, s9  }
0x3e4: {  	p1 =	sne.s32 s9, $0x4  }
.Ltmp13:
0x3e5: {  	_ = 	snop;
	(pc) =	sbr.rel @p1 .LBB2_26-.Ltmp13, $3  }
0x3e6: {  	_ =	sdelay $0x1  }
0x3e7: {  	v1 =	vpop (erf)  }
0x3e8: {  	s10 =	sadd.s32 $0x640, s10;
	[tilespmem:s11+$0x1D8A8] =	vst v1  }
0x3e9: {  	s9 =	simm.s32 $0x0;
	s10 =	rddreg [dreg:$0xd]  }
0x3ea: {  	[tilespmem:s22], [sflag:$0x2] =	stream.linear.gather [hbm4b:s10+s9], $0x2000, $0x38;
	[tilespmem:$0x1DA28] =	vst v63  }
0x3eb: {  	s18 =	rddreg [dreg:$0xe]  }
0x3ec: {  	[tilespmem:s23], [sflag:$0x2] =	stream.linear.gather [hbm4b:s18+s9], $0x2000, $0x38;
	[tilespmem:$0x1DA28] =	vst v63  }
0x3ed: {  	_ =	swait.ge [sflag:s26], $0x2000  }
0x3ee: {  	[sflag:s26] =	ssyncset.done $0x0  }
0x3ef: {  	[sflag:s26] =	ssyncadd.s32 $0xFFFFE000  }
0x3f0: {  	_ =	swait.ge [sflag:s26], $0x2000  }
0x3f1: {  	[sflag:s26] =	ssyncset.done $0x0  }
0x3f2: {  	s10 =	simm.s32 $0x13478;
	[sflag:s26] =	ssyncadd.s32 $0xFFFFE000  }
.LBB2_30:
0x3f3: {  	s11 =	sshll.u32 s9, $0x4  }
0x3f4: {  	s16 =	simm.s32 $0x0;
	v1 =	vmov s11  }
0x3f5: {  	v2 =	vmov s16;
	v1 =	vshll.u32 v1, $0x7  }
0x3f6: {  	v3 =	vand.u32 $0x80, v2;
	v1 =	vor.u32 v0, v1  }
0x3f7: {  	v2 =	vand.u32 $0x7E, v2;
	v3 =	vadd.s32 v1, v3  }
0x3f8: {  	v2 =	vor.u32 v2, v3;
	_ =	sdelay $0x1  }
0x3f9: {  	s17 =	simm.s32 $0x1  }
0x3fa: {  	v3 =	vmov s17  }
0x3fb: {  	v4 =	vand.u32 $0x80, v3  }
0x3fc: {  	v3 =	vand.u32 $0x7F, v3;
	v4 =	vadd.s32 v1, v4;
	v2 =	vld.idx.msk [tilespmem:v2+s22+$0x0], $0xffff  }
0x3fd: {  	v3 =	vor.u32 v3, v4;
	_ =	sdelay $0x1  }
0x3fe: {  	s18 =	simm.s32 $0x2  }
0x3ff: {  	v4 =	vmov s18  }
0x400: {  	[tilespmem:s10+$0xFFFFFFB0] =	vst v2;
	v2 =	vand.u32 $0x180, v4  }
0x401: {  	v4 =	vand.u32 $0x7E, v4;
	v3 =	vld.idx.msk [tilespmem:v3+s22+$0x0], $0xffff;
	v2 =	vadd.s32 v1, v2  }
0x402: {  	v2 =	vor.u32 v4, v2;
	_ =	sdelay $0x1  }
0x403: {  	s12 =	simm.s32 $0x3  }
0x404: {  	v4 =	vmov s12  }
0x405: {  	[tilespmem:s10+$0xFFFFFFC0] =	vst v3;
	v3 =	vand.u32 $0x180, v4  }
0x406: {  	v4 =	vand.u32 $0x7F, v4;
	v2 =	vld.idx.msk [tilespmem:v2+s22+$0x0], $0xffff;
	v3 =	vadd.s32 v1, v3  }
0x407: {  	v3 =	vor.u32 v4, v3;
	_ =	sdelay $0x1  }
0x408: {  	s13 =	simm.s32 $0x4  }
0x409: {  	v4 =	vmov s13  }
0x40a: {  	[tilespmem:s10+$0xFFFFFFD0] =	vst v2;
	v2 =	vand.u32 $0x180, v4  }
0x40b: {  	v4 =	vand.u32 $0x7E, v4;
	v3 =	vld.idx.msk [tilespmem:v3+s22+$0x0], $0xffff;
	v2 =	vadd.s32 v1, v2  }
0x40c: {  	v2 =	vor.u32 v4, v2;
	_ =	sdelay $0x1  }
0x40d: {  	s14 =	simm.s32 $0x5  }
0x40e: {  	v4 =	vmov s14  }
0x40f: {  	[tilespmem:s10+$0xFFFFFFE0] =	vst v3;
	v3 =	vand.u32 $0x180, v4  }
0x410: {  	v4 =	vand.u32 $0x7F, v4;
	v2 =	vld.idx.msk [tilespmem:v2+s22+$0x0], $0xffff;
	v3 =	vadd.s32 v1, v3  }
0x411: {  	v3 =	vor.u32 v4, v3;
	_ =	sdelay $0x1  }
0x412: {  	s15 =	simm.s32 $0x6  }
0x413: {  	v4 =	vmov s15  }
0x414: {  	[tilespmem:s10+$0xFFFFFFF0] =	vst v2;
	v2 =	vand.u32 $0x180, v4  }
0x415: {  	v4 =	vand.u32 $0x7E, v4;
	v3 =	vld.idx.msk [tilespmem:v3+s22+$0x0], $0xffff;
	v2 =	vadd.s32 v1, v2  }
0x416: {  	v2 =	vor.u32 v4, v2;
	_ =	sdelay $0x1  }
0x417: {  	s16 =	simm.s32 $0x7  }
0x418: {  	v4 =	vmov s16  }
0x419: {  	[tilespmem:s10+$0x0] =	vst v3;
	v3 =	vand.u32 $0x180, v4  }
0x41a: {  	v4 =	vand.u32 $0x7F, v4;
	v2 =	vld.idx.msk [tilespmem:v2+s22+$0x0], $0xffff;
	v3 =	vadd.s32 v1, v3  }
0x41b: {  	v3 =	vor.u32 v4, v3;
	_ =	sdelay $0x1  }
0x41c: {  	s17 =	simm.s32 $0x8  }
0x41d: {  	v4 =	vmov s17  }
0x41e: {  	[tilespmem:s10+$0x10] =	vst v2;
	v2 =	vand.u32 $0x180, v4  }
0x41f: {  	v4 =	vand.u32 $0x7E, v4;
	v3 =	vld.idx.msk [tilespmem:v3+s22+$0x0], $0xffff;
	v2 =	vadd.s32 v1, v2  }
0x420: {  	v2 =	vor.u32 v4, v2;
	_ =	sdelay $0x1  }
0x421: {  	s18 =	simm.s32 $0x9  }
0x422: {  	v4 =	vmov s18  }
0x423: {  	v5 =	vand.u32 $0x180, v4;
	[tilespmem:s10+$0x20] =	vst v3  }
0x424: {  	v3 =	vand.u32 $0x7F, v4;
	v4 =	vadd.s32 v1, v5;
	v2 =	vld.idx.msk [tilespmem:v2+s22+$0x0], $0xffff  }
0x425: {  	v3 =	vor.u32 v3, v4;
	_ =	sdelay $0x1  }
0x426: {  	s11 =	simm.s32 $0x13  }
0x427: {  	s12 =	smov.u32 s10;
	s13 =	simm.s32 $0x1D;
	s14 =	simm.s32 $0xA  }
.LBB2_31:
0x428: {  	p1 =	sne.s32 s13, $0x63;
	v4 =	vmov s14;
	[tilespmem:s12+$0x30] =	vst v2  }
0x429: {  	v2 =	vand.u32 $0x80, v4;
	v3 =	vld.idx.msk [tilespmem:v3+s22+$0x0], $0xffff  }
0x42a: {  	v4 =	vand.u32 $0x7E, v4;
	v2 =	vadd.s32 v1, v2  }
0x42b: {  	v2 =	vor.u32 v4, v2;
	_ =	sdelay $0x2  }
0x42c: {  	s14 =	sadd.s32 $0xFFFFFFF8, s11  }
0x42d: {  	v4 =	vmov s14;
	[tilespmem:s12+$0x40] =	vst v3  }
0x42e: {  	v3 =	vand.u32 $0x80, v4;
	v2 =	vld.idx.msk [tilespmem:v2+s22+$0x0], $0xffff  }
0x42f: {  	v4 =	vand.u32 $0x7F, v4;
	v3 =	vadd.s32 v1, v3  }
0x430: {  	v3 =	vor.u32 v4, v3;
	_ =	sdelay $0x2  }
0x431: {  	s14 =	sadd.s32 $0xFFFFFFF9, s11;
	s12 =	sadd.s32 $0xA0, s12  }
0x432: {  	[tilespmem:s12+$0xFFFFFFB0] =	vst v2;
	v2 =	vmov s14  }
0x433: {  	v3 =	vld.idx.msk [tilespmem:v3+s22+$0x0], $0xffff;
	v4 =	vand.u32 $0x180, v2  }
0x434: {  	v2 =	vand.u32 $0x7E, v2;
	v4 =	vadd.s32 v1, v4  }
0x435: {  	v2 =	vor.u32 v2, v4;
	_ =	sdelay $0x2  }
0x436: {  	s14 =	sadd.s32 $0xFFFFFFFA, s11  }
0x437: {  	[tilespmem:s12+$0xFFFFFFC0] =	vst v3;
	v3 =	vmov s14  }
0x438: {  	v2 =	vld.idx.msk [tilespmem:v2+s22+$0x0], $0xffff;
	v4 =	vand.u32 $0x180, v3  }
0x439: {  	v3 =	vand.u32 $0x7F, v3;
	v4 =	vadd.s32 v1, v4  }
0x43a: {  	v3 =	vor.u32 v3, v4;
	_ =	sdelay $0x2  }
0x43b: {  	s14 =	sadd.s32 $0xFFFFFFFB, s11  }
0x43c: {  	[tilespmem:s12+$0xFFFFFFD0] =	vst v2;
	v2 =	vmov s14  }
0x43d: {  	v3 =	vld.idx.msk [tilespmem:v3+s22+$0x0], $0xffff;
	v4 =	vand.u32 $0x180, v2  }
0x43e: {  	v2 =	vand.u32 $0x7E, v2;
	v4 =	vadd.s32 v1, v4  }
0x43f: {  	v2 =	vor.u32 v2, v4;
	_ =	sdelay $0x2  }
0x440: {  	s14 =	sadd.s32 $0xFFFFFFFC, s11  }
0x441: {  	[tilespmem:s12+$0xFFFFFFE0] =	vst v3;
	v3 =	vmov s14  }
0x442: {  	v2 =	vld.idx.msk [tilespmem:v2+s22+$0x0], $0xffff;
	v4 =	vand.u32 $0x180, v3  }
0x443: {  	v3 =	vand.u32 $0x7F, v3;
	v4 =	vadd.s32 v1, v4  }
0x444: {  	v3 =	vor.u32 v3, v4;
	_ =	sdelay $0x2  }
0x445: {  	s14 =	sadd.s32 $0xFFFFFFFD, s11  }
0x446: {  	[tilespmem:s12+$0xFFFFFFF0] =	vst v2;
	v2 =	vmov s14  }
0x447: {  	v3 =	vld.idx.msk [tilespmem:v3+s22+$0x0], $0xffff;
	v4 =	vand.u32 $0x180, v2  }
0x448: {  	v2 =	vand.u32 $0x7E, v2;
	v4 =	vadd.s32 v1, v4  }
0x449: {  	v2 =	vor.u32 v2, v4;
	_ =	sdelay $0x2  }
0x44a: {  	s14 =	sadd.s32 $0xFFFFFFFE, s11  }
0x44b: {  	[tilespmem:s12+$0x0] =	vst v3;
	v3 =	vmov s14  }
0x44c: {  	v2 =	vld.idx.msk [tilespmem:v2+s22+$0x0], $0xffff;
	v4 =	vand.u32 $0x180, v3  }
0x44d: {  	v3 =	vand.u32 $0x7F, v3;
	v4 =	vadd.s32 v1, v4  }
0x44e: {  	v3 =	vor.u32 v3, v4;
	_ =	sdelay $0x2  }
0x44f: {  	s14 =	sadd.s32 $0xFFFFFFFF, s11  }
0x450: {  	[tilespmem:s12+$0x10] =	vst v2;
	v2 =	vmov s14  }
0x451: {  	v3 =	vld.idx.msk [tilespmem:v3+s22+$0x0], $0xffff;
	v4 =	vand.u32 $0x180, v2  }
0x452: {  	v2 =	vand.u32 $0x7E, v2;
	v4 =	vadd.s32 v1, v4  }
0x453: {  	v2 =	vor.u32 v2, v4;
	_ =	sdelay $0x3  }
0x454: {  	[tilespmem:s12+$0x20] =	vst v3;
	v3 =	vmov s11;
	s11 =	smov.u32 s13  }
0x455: {  	v2 =	vld.idx.msk [tilespmem:v2+s22+$0x0], $0xffff;
	v4 =	vand.u32 $0x180, v3  }
.Ltmp14:
0x456: {  	v3 =	vand.u32 $0x7F, v3;
	v4 =	vadd.s32 v1, v4;
	(pc) =	sbr.rel @p1 .LBB2_31-.Ltmp14, $2  }
0x457: {  	v3 =	vor.u32 v3, v4;
	_ =	sdelay $0x2  }
0x458: {  	s13 =	sadd.s32 $0xA, s13;
	s14 =	sadd.s32 $0xFFFFFFF7, s11  }
0x459: {  	_ =	sdelay $0x1  }
0x45a: {  	v4 =	vmov s14  }
0x45b: {  	[tilespmem:s12+$0x30] =	vst v2;
	v2 =	vand.u32 $0x80, v4  }
0x45c: {  	v3 =	vld.idx.msk [tilespmem:v3+s22+$0x0], $0xffff;
	v4 =	vand.u32 $0x7E, v4;
	v2 =	vadd.s32 v1, v2  }
0x45d: {  	v2 =	vor.u32 v4, v2;
	_ =	sdelay $0x1  }
0x45e: {  	s13 =	sadd.s32 $0xFFFFFFF8, s11  }
0x45f: {  	v55 =	vmov s13  }
0x460: {  	[tilespmem:s12+$0x40] =	vst v3;
	v3 =	vand.u32 $0x80, v55  }
0x461: {  	v4 =	vand.u32 $0x7F, v55;
	v3 =	vadd.s32 v1, v3;
	v2 =	vld.idx.msk [tilespmem:v2+s22+$0x0], $0xffff  }
0x462: {  	v3 =	vor.u32 v4, v3;
	_ =	sdelay $0x1  }
0x463: {  	s17 =	sadd.s32 $0xFFFFFFF9, s11  }
0x464: {  	v56 =	vmov s17;
	s12 =	sadd.s32 $0xA0, s12  }
0x465: {  	[tilespmem:s12+$0xFFFFFFB0] =	vst v2;
	v2 =	vand.u32 $0x180, v56  }
0x466: {  	v4 =	vand.u32 $0x7E, v56;
	v3 =	vld.idx.msk [tilespmem:v3+s22+$0x0], $0xffff;
	v2 =	vadd.s32 v1, v2  }
0x467: {  	v2 =	vor.u32 v4, v2;
	_ =	sdelay $0x1  }
0x468: {  	s18 =	sadd.s32 $0xFFFFFFFA, s11  }
0x469: {  	v57 =	vmov s18  }
0x46a: {  	[tilespmem:s12+$0xFFFFFFC0] =	vst v3;
	v3 =	vand.u32 $0x180, v57  }
0x46b: {  	v4 =	vand.u32 $0x7F, v57;
	v2 =	vld.idx.msk [tilespmem:v2+s22+$0x0], $0xffff;
	v3 =	vadd.s32 v1, v3  }
0x46c: {  	v3 =	vor.u32 v4, v3;
	_ =	sdelay $0x1  }
0x46d: {  	s14 =	sadd.s32 $0xFFFFFFFB, s11  }
0x46e: {  	v58 =	vmov s14  }
0x46f: {  	[tilespmem:s12+$0xFFFFFFD0] =	vst v2;
	v2 =	vand.u32 $0x180, v58  }
0x470: {  	v4 =	vand.u32 $0x7E, v58;
	v3 =	vld.idx.msk [tilespmem:v3+s22+$0x0], $0xffff;
	v2 =	vadd.s32 v1, v2  }
0x471: {  	v2 =	vor.u32 v4, v2;
	_ =	sdelay $0x1  }
0x472: {  	s15 =	sadd.s32 $0xFFFFFFFC, s11  }
0x473: {  	v59 =	vmov s15  }
0x474: {  	[tilespmem:s12+$0xFFFFFFE0] =	vst v3;
	v3 =	vand.u32 $0x180, v59  }
0x475: {  	v4 =	vand.u32 $0x7F, v59;
	v2 =	vld.idx.msk [tilespmem:v2+s22+$0x0], $0xffff;
	v3 =	vadd.s32 v1, v3  }
0x476: {  	v3 =	vor.u32 v4, v3;
	_ =	sdelay $0x1  }
0x477: {  	s16 =	sadd.s32 $0xFFFFFFFD, s11  }
0x478: {  	v60 =	vmov s16  }
0x479: {  	[tilespmem:s12+$0xFFFFFFF0] =	vst v2;
	v2 =	vand.u32 $0x180, v60  }
0x47a: {  	v4 =	vand.u32 $0x7E, v60;
	v3 =	vld.idx.msk [tilespmem:v3+s22+$0x0], $0xffff;
	v2 =	vadd.s32 v1, v2  }
0x47b: {  	v2 =	vor.u32 v4, v2;
	_ =	sdelay $0x1  }
0x47c: {  	s17 =	sadd.s32 $0xFFFFFFFE, s11  }
0x47d: {  	v61 =	vmov s17  }
0x47e: {  	[tilespmem:s12+$0x0] =	vst v3;
	v3 =	vand.u32 $0x180, v61  }
0x47f: {  	v4 =	vand.u32 $0x7F, v61;
	v2 =	vld.idx.msk [tilespmem:v2+s22+$0x0], $0xffff;
	v3 =	vadd.s32 v1, v3  }
0x480: {  	v3 =	vor.u32 v4, v3;
	_ =	sdelay $0x1  }
0x481: {  	s18 =	sadd.s32 $0xFFFFFFFF, s11  }
0x482: {  	v62 =	vmov s18  }
0x483: {  	[tilespmem:s12+$0x10] =	vst v2;
	v2 =	vand.u32 $0x180, v62  }
0x484: {  	v4 =	vand.u32 $0x7E, v62;
	v3 =	vld.idx.msk [tilespmem:v3+s22+$0x0], $0xffff;
	v2 =	vadd.s32 v1, v2  }
0x485: {  	v2 =	vor.u32 v4, v2;
	_ =	sdelay $0x2  }
0x486: {  	v63 =	vmov s11  }
0x487: {  	[tilespmem:s12+$0x20] =	vst v3;
	v3 =	vand.u32 $0x180, v63  }
0x488: {  	v4 =	vand.u32 $0x7F, v63;
	v2 =	vld.idx.msk [tilespmem:v2+s22+$0x0], $0xffff;
	v1 =	vadd.s32 v1, v3  }
0x489: {  	v1 =	vor.u32 v4, v1;
	_ =	sdelay $0x3  }
0x48a: {  	s9 =	sadd.s32 $0x1, s9;
	[tilespmem:s12+$0x30] =	vst v2  }
0x48b: {  	p1 =	sne.s32 s9, $0x4;
	v1 =	vld.idx.msk [tilespmem:v1+s22+$0x0], $0xffff  }
.Ltmp15:
0x48c: {  	_ = 	snop;
	(pc) =	sbr.rel @p1 .LBB2_30-.Ltmp15, $2  }
0x48d: {  	_ =	sdelay $0x2  }
0x48e: {  	s10 =	sadd.s32 $0x640, s10;
	[tilespmem:s12+$0x40] =	vst v1  }
0x48f: {  	[tilespmem:s30], [sflag:$0x5] =	stream.indirect.gather [spmem:s2], $0x1, s29, s28, $0xb8;
	[tilespmem:$0x1DA28] =	vst v63  }
0x490: {  	_ =	swait.ge [sflag:s5], $0x1900  }
0x491: {  	[sflag:s5] =	ssyncset.done $0x0  }
0x492: {  	s9 =	simm.s32 $0x0;
	s10 =	simm.s32 $0x17F78;
	[sflag:s5] =	ssyncadd.s32 $0xFFFFE700  }
.LBB2_34:
0x493: {  	s11 =	sshll.u32 s9, $0x4  }
0x494: {  	s12 =	simm.s32 $0x0;
	v1 =	vmov s11  }
0x495: {  	v2 =	vmov s12;
	v1 =	vshll.u32 v1, $0x7  }
0x496: {  	s16 =	simm.s32 $0x1;
	v3 =	vand.u32 $0x80, v2;
	v1 =	vor.u32 v0, v1  }
0x497: {  	v4 =	vmov s16;
	v2 =	vand.u32 $0x7E, v2;
	v3 =	vadd.s32 v1, v3  }
0x498: {  	s17 =	simm.s32 $0x2;
	v2 =	vor.u32 v2, v3;
	v3 =	vand.u32 $0x80, v4  }
0x499: {  	v5 =	vmov s17;
	v4 =	vand.u32 $0x7F, v4;
	v3 =	vadd.s32 v1, v3  }
0x49a: {  	s18 =	simm.s32 $0x3;
	v3 =	vor.u32 v4, v3;
	v4 =	vand.u32 $0x180, v5  }
0x49b: {  	v6 =	vmov s18;
	v5 =	vand.u32 $0x7E, v5;
	v4 =	vadd.s32 v1, v4  }
0x49c: {  	s13 =	simm.s32 $0x4;
	v4 =	vor.u32 v5, v4;
	v5 =	vand.u32 $0x180, v6  }
0x49d: {  	v9 =	vld [tilespmem:s10+$0xFFFFFFB0];
	v7 =	vmov s13;
	v6 =	vand.u32 $0x7F, v6;
	v5 =	vadd.s32 v1, v5  }
0x49e: {  	s14 =	simm.s32 $0x5;
	v2 =	vld.idx.msk [tilespmem:v2+s25+$0x0], $0xffff;
	v5 =	vor.u32 v6, v5;
	v6 =	vand.u32 $0x180, v7  }
0x49f: {  	v10 =	vmov s14;
	v7 =	vand.u32 $0x7E, v7;
	v6 =	vadd.s32 v1, v6  }
0x4a0: {  	v11 =	vld [tilespmem:s10+$0xFFFFFFC0];
	s13 =	simm.s32 $0x6;
	v6 =	vor.u32 v7, v6;
	v7 =	vand.u32 $0x180, v10  }
0x4a1: {  	v13 =	vmov s13;
	v3 =	vld.idx.msk [tilespmem:v3+s25+$0x0], $0xffff;
	v10 =	vand.u32 $0x7F, v10;
	v7 =	vadd.s32 v1, v7  }
0x4a2: {  	v8 =	vimm.f32 $0.0e+00;
	v14 =	vld [tilespmem:s10+$0xFFFFFFD0];
	v7 =	vor.u32 v10, v7;
	v10 =	vand.u32 $0x180, v13  }
0x4a3: {  	s15 =	simm.s32 $0x8;
	s16 =	simm.s32 $0x7;
	v4 =	vld.idx.msk [tilespmem:v4+s25+$0x0], $0xffff;
	v2 =	vmul.f32 v2, v9;
	v9 =	vand.u32 $0x7E, v13;
	v10 =	vadd.s32 v1, v10  }
0x4a4: {  	v12 =	vmov s15;
	v15 =	vmov s16;
	v13 =	vld [tilespmem:s10+$0xFFFFFFE0];
	v9 =	vor.u32 v9, v10  }
0x4a5: {  	v5 =	vld.idx.msk [tilespmem:v5+s25+$0x0], $0xffff;
	v10 =	vand.u32 $0x180, v15;
	v15 =	vand.u32 $0x7F, v15;
	v2 =	vadd.f32 v2, v8  }
0x4a6: {  	s17 =	simm.s32 $0x9;
	v3 =	vmul.f32 v3, v11;
	v8 =	vand.u32 $0x180, v12;
	v16 =	vld.idx.msk [tilespmem:v6+s25+$0x0], $0xffff;
	v6 =	vadd.s32 v1, v10  }
0x4a7: {  	v17 =	vld [tilespmem:s10+$0xFFFFFFF0];
	v11 =	vand.u32 $0x7E, v12;
	v10 =	vmov s17;
	v18 =	vor.u32 v15, v6  }
0x4a8: {  	v2 =	vadd.f32 v3, v2;
	v3 =	vmul.f32 v4, v14;
	v4 =	vadd.s32 v1, v8;
	v8 =	vld [tilespmem:s10+$0x0]  }
0x4a9: {  	v14 =	vand.u32 $0x7F, v10;
	v6 =	vld.idx.msk [tilespmem:v7+s25+$0x0], $0xffff;
	v7 =	vand.u32 $0x180, v10;
	v12 =	vor.u32 v11, v4  }
0x4aa: {  	v10 =	vld [tilespmem:s10+$0x10];
	v3 =	vadd.f32 v3, v2;
	v13 =	vmul.f32 v5, v13;
	v2 =	vadd.s32 v1, v7  }
0x4ab: {  	s14 =	simm.s32 $0xD;
	v5 =	vld.idx.msk [tilespmem:v9+s25+$0x0], $0xffff;
	v11 =	vor.u32 v14, v2  }
0x4ac: {  	s12 =	simm.s32 $0x13;
	s18 =	simm.s32 $0xC;
	s16 =	simm.s32 $0xE;
	v4 =	vmov s14;
	v14 =	vadd.f32 v13, v3;
	v15 =	vmul.f32 v16, v17;
	v13 =	vld [tilespmem:s10+$0x20]  }
0x4ad: {  	s15 =	simm.s32 $0xA;
	s13 =	smov.u32 s10;
	s14 =	simm.s32 $0x1D;
	v7 =	vmov s18;
	v2 =	vmov s12;
	v3 =	vmov s16;
	v9 =	vld.idx.msk [tilespmem:v18+s25+$0x0], $0xffff  }
.LBB2_35:
0x4ae: {  	p1 =	sne.s32 s14, $0x63;
	v16 =	vmov s15;
	s15 =	sadd.s32 $0xFFFFFFF8, s12;
	v14 =	vadd.f32 v15, v14;
	v6 =	vmul.f32 v6, v8;
	v8 =	vld.idx.msk [tilespmem:v12+s25+$0x0], $0xffff  }
0x4af: {  	v12 =	vand.u32 $0x80, v16;
	v15 =	vand.u32 $0x7E, v16;
	v16 =	vmov s15;
	v17 =	vld [tilespmem:s13+$0x30]  }
0x4b0: {  	v12 =	vadd.s32 v1, v12;
	v6 =	vadd.f32 v6, v14;
	v5 =	vmul.f32 v5, v10;
	v10 =	vld.idx.msk [tilespmem:v11+s25+$0x0], $0xffff  }
0x4b1: {  	v14 =	vand.u32 $0x7F, v16;
	v11 =	vor.u32 v15, v12;
	v12 =	vand.u32 $0x80, v16;
	v15 =	vld [tilespmem:s13+$0x40]  }
0x4b2: {  	v12 =	vadd.s32 v1, v12;
	v5 =	vadd.f32 v5, v6;
	v6 =	vmul.f32 v9, v13  }
0x4b3: {  	v9 =	vor.u32 v14, v12;
	v12 =	vand.u32 $0x180, v7;
	v7 =	vand.u32 $0x7E, v7  }
0x4b4: {  	v12 =	vadd.s32 v1, v12;
	v5 =	vadd.f32 v6, v5;
	v6 =	vmul.f32 v8, v17  }
0x4b5: {  	v8 =	vand.u32 $0x180, v4;
	v4 =	vand.u32 $0x7F, v4;
	v7 =	vor.u32 v7, v12  }
0x4b6: {  	s15 =	sadd.s32 $0xFFFFFFFC, s12;
	s13 =	sadd.s32 $0xA0, s13;
	v8 =	vadd.s32 v1, v8;
	v11 =	vld.idx.msk [tilespmem:v11+s25+$0x0], $0xffff;
	v5 =	vadd.f32 v6, v5;
	v6 =	vmul.f32 v10, v15  }
0x4b7: {  	v12 =	vmov s15;
	v4 =	vor.u32 v4, v8;
	v8 =	vand.u32 $0x180, v3;
	v10 =	vld [tilespmem:s13+$0xFFFFFFB0]  }
0x4b8: {  	s15 =	sadd.s32 $0xFFFFFFFF, s12;
	v3 =	vand.u32 $0x7E, v3;
	v8 =	vadd.s32 v1, v8;
	v9 =	vld.idx.msk [tilespmem:v9+s25+$0x0], $0xffff;
	v5 =	vadd.f32 v6, v5  }
0x4b9: {  	s16 =	sadd.s32 $0xFFFFFFFD, s12;
	v13 =	vmov s15;
	v3 =	vor.u32 v3, v8;
	v8 =	vand.u32 $0x180, v12;
	v6 =	vld [tilespmem:s13+$0xFFFFFFC0]  }
0x4ba: {  	v14 =	vmov s16;
	s15 =	sadd.s32 $0xFFFFFFFE, s12;
	s12 =	smov.u32 s14;
	v12 =	vand.u32 $0x7F, v12;
	v8 =	vadd.s32 v1, v8;
	v7 =	vld.idx.msk [tilespmem:v7+s25+$0x0], $0xffff  }
0x4bb: {  	v16 =	vmov s15;
	v8 =	vor.u32 v12, v8;
	v12 =	vand.u32 $0x180, v14;
	v15 =	vld [tilespmem:s13+$0xFFFFFFD0]  }
0x4bc: {  	v12 =	vadd.s32 v1, v12;
	v10 =	vmul.f32 v11, v10;
	v4 =	vld.idx.msk [tilespmem:v4+s25+$0x0], $0xffff;
	v11 =	vand.u32 $0x7E, v14  }
0x4bd: {  	v14 =	vld [tilespmem:s13+$0xFFFFFFE0];
	v11 =	vor.u32 v11, v12;
	v12 =	vand.u32 $0x180, v16;
	v16 =	vand.u32 $0x7F, v16  }
0x4be: {  	v5 =	vadd.f32 v10, v5;
	v6 =	vmul.f32 v9, v6;
	v3 =	vld.idx.msk [tilespmem:v3+s25+$0x0], $0xffff;
	v9 =	vadd.s32 v1, v12  }
0x4bf: {  	v10 =	vand.u32 $0x180, v13;
	v12 =	vand.u32 $0x7E, v13;
	v17 =	vld [tilespmem:s13+$0xFFFFFFF0];
	v9 =	vor.u32 v16, v9  }
0x4c0: {  	v10 =	vadd.s32 v1, v10;
	v5 =	vadd.f32 v6, v5;
	v7 =	vmul.f32 v7, v15;
	v6 =	vld.idx.msk [tilespmem:v8+s25+$0x0], $0xffff  }
.Ltmp16:
0x4c1: {  	v12 =	vor.u32 v12, v10;
	v10 =	vand.u32 $0x180, v2;
	v2 =	vand.u32 $0x7F, v2;
	v8 =	vld [tilespmem:s13+$0x0];
	(pc) =	sbr.rel @p1 .LBB2_35-.Ltmp16, $4  }
0x4c2: {  	v7 =	vadd.f32 v7, v5;
	v4 =	vmul.f32 v4, v14;
	v5 =	vld.idx.msk [tilespmem:v11+s25+$0x0], $0xffff;
	v11 =	vadd.s32 v1, v10  }
0x4c3: {  	v10 =	vld [tilespmem:s13+$0x10];
	v11 =	vor.u32 v2, v11  }
0x4c4: {  	s17 =	sadd.s32 $0xFFFFFFFA, s14;
	s18 =	sadd.s32 $0xFFFFFFFB, s14;
	s16 =	sadd.s32 $0xFFFFFFF9, s14;
	v2 =	vmov s14;
	v14 =	vadd.f32 v4, v7;
	v15 =	vmul.f32 v3, v17;
	v9 =	vld.idx.msk [tilespmem:v9+s25+$0x0], $0xffff  }
0x4c5: {  	s15 =	sadd.s32 $0xFFFFFFF7, s12;
	s14 =	sadd.s32 $0xA, s14;
	v7 =	vmov s16;
	v4 =	vmov s17;
	v3 =	vmov s18;
	v13 =	vld [tilespmem:s13+$0x20]  }
0x4c6: {  	_ = 	snop  }
0x4c7: {  	v16 =	vmov s15  }
0x4c8: {  	v14 =	vadd.f32 v15, v14;
	v6 =	vmul.f32 v6, v8;
	v30 =	vand.u32 $0x180, v7  }
0x4c9: {  	s14 =	sadd.s32 $0xFFFFFFF8, s12;
	v31 =	vand.u32 $0x7E, v7;
	v33 =	vand.u32 $0x180, v4;
	v20 =	vand.u32 $0x80, v16  }
0x4ca: {  	v63 =	vld.idx.msk [tilespmem:v12+s25+$0x0], $0xffff;
	v21 =	vand.u32 $0x7E, v16;
	v22 =	vmov s14;
	v12 =	vadd.s32 v1, v20  }
0x4cb: {  	v34 =	vand.u32 $0x7F, v4;
	v25 =	vand.u32 $0x80, v22;
	v24 =	vor.u32 v21, v12  }
0x4cc: {  	v17 =	vld [tilespmem:s13+$0x30];
	v37 =	vand.u32 $0x180, v3;
	v26 =	vand.u32 $0x7F, v22;
	v12 =	vadd.s32 v1, v25  }
0x4cd: {  	v23 =	vld.idx.msk [tilespmem:v11+s25+$0x0], $0xffff;
	v6 =	vadd.f32 v6, v14;
	v5 =	vmul.f32 v5, v10;
	v29 =	vor.u32 v26, v12  }
0x4ce: {  	v27 =	vld [tilespmem:s13+$0x40];
	s13 =	sadd.s32 $0xA0, s13;
	v3 =	vand.u32 $0x7E, v3;
	v8 =	vadd.s32 v1, v33;
	v12 =	vadd.s32 v1, v30  }
0x4cf: {  	s15 =	sadd.s32 $0xFFFFFFFC, s12;
	s16 =	sadd.s32 $0xFFFFFFFF, s12;
	s17 =	sadd.s32 $0xFFFFFFFD, s12;
	v36 =	vld [tilespmem:s13+$0xFFFFFFB0];
	v5 =	vadd.f32 v5, v6;
	v28 =	vmul.f32 v9, v13;
	v7 =	vor.u32 v31, v12  }
0x4d0: {  	v38 =	vmov s15;
	v41 =	vmov s16;
	v42 =	vmov s17;
	v11 =	vld.idx.msk [tilespmem:v24+s25+$0x0], $0xffff  }
0x4d1: {  	s18 =	sadd.s32 $0xFFFFFFFE, s12;
	v39 =	vld [tilespmem:s13+$0xFFFFFFC0];
	v4 =	vor.u32 v34, v8;
	v32 =	vmul.f32 v63, v17;
	v5 =	vadd.f32 v28, v5  }
0x4d2: {  	v45 =	vmov s18;
	v8 =	vadd.s32 v1, v37;
	v40 =	vand.u32 $0x180, v38;
	v9 =	vld.idx.msk [tilespmem:v29+s25+$0x0], $0xffff  }
0x4d3: {  	v43 =	vld [tilespmem:s13+$0xFFFFFFD0];
	v3 =	vor.u32 v3, v8;
	v35 =	vmul.f32 v23, v27;
	v5 =	vadd.f32 v32, v5  }
0x4d4: {  	v44 =	vand.u32 $0x180, v42;
	v8 =	vadd.s32 v1, v40;
	v12 =	vand.u32 $0x7F, v38;
	v7 =	vld.idx.msk [tilespmem:v7+s25+$0x0], $0xffff  }
0x4d5: {  	v47 =	vld [tilespmem:s13+$0xFFFFFFE0];
	v8 =	vor.u32 v12, v8;
	v5 =	vadd.f32 v35, v5;
	v10 =	vmul.f32 v11, v36  }
0x4d6: {  	v46 =	vand.u32 $0x7E, v42;
	v48 =	vand.u32 $0x180, v45;
	v12 =	vadd.s32 v1, v44;
	v4 =	vld.idx.msk [tilespmem:v4+s25+$0x0], $0xffff  }
0x4d7: {  	v50 =	vld [tilespmem:s13+$0xFFFFFFF0];
	v11 =	vor.u32 v46, v12;
	v6 =	vmul.f32 v9, v39;
	v5 =	vadd.f32 v10, v5  }
0x4d8: {  	v16 =	vand.u32 $0x7F, v45;
	v51 =	vand.u32 $0x180, v41;
	v49 =	vadd.s32 v1, v48;
	v3 =	vld.idx.msk [tilespmem:v3+s25+$0x0], $0xffff  }
0x4d9: {  	v55 =	vld [tilespmem:s13+$0x0];
	v9 =	vor.u32 v16, v49;
	v52 =	vmul.f32 v7, v43;
	v5 =	vadd.f32 v6, v5  }
0x4da: {  	v56 =	vand.u32 $0x180, v2;
	v54 =	vadd.s32 v1, v51;
	v13 =	vand.u32 $0x7E, v41;
	v53 =	vld.idx.msk [tilespmem:v8+s25+$0x0], $0xffff  }
0x4db: {  	v58 =	vld [tilespmem:s13+$0x10];
	v8 =	vor.u32 v13, v54;
	v4 =	vmul.f32 v4, v47;
	v5 =	vadd.f32 v52, v5  }
0x4dc: {  	v2 =	vand.u32 $0x7F, v2;
	v1 =	vadd.s32 v1, v56;
	v57 =	vld.idx.msk [tilespmem:v11+s25+$0x0], $0xffff  }
0x4dd: {  	v60 =	vld [tilespmem:s13+$0x20];
	v1 =	vor.u32 v2, v1;
	v3 =	vmul.f32 v3, v50;
	v2 =	vadd.f32 v4, v5  }
0x4de: {  	v59 =	vld.idx.msk [tilespmem:v9+s25+$0x0], $0xffff  }
0x4df: {  	v62 =	vld [tilespmem:s13+$0x30];
	v2 =	vadd.f32 v3, v2;
	v3 =	vmul.f32 v53, v55  }
0x4e0: {  	v61 =	vld.idx.msk [tilespmem:v8+s25+$0x0], $0xffff  }
0x4e1: {  	v63 =	vld [tilespmem:s13+$0x40];
	v2 =	vadd.f32 v3, v2;
	v3 =	vmul.f32 v57, v58  }
0x4e2: {  	v1 =	vld.idx.msk [tilespmem:v1+s25+$0x0], $0xffff  }
0x4e3: {  	v2 =	vadd.f32 v3, v2;
	v3 =	vmul.f32 v59, v60;
	_ =	sdelay $0x1  }
0x4e4: {  	v2 =	vadd.f32 v3, v2;
	v3 =	vmul.f32 v61, v62;
	_ =	sdelay $0x1  }
0x4e5: {  	v1 =	vmul.f32 v1, v63;
	v2 =	vadd.f32 v3, v2;
	_ =	sdelay $0x1  }
0x4e6: {  	v1 =	vadd.f32 v1, v2;
	_ =	sdelay $0x1  }
0x4e7: {  	v1 =	vsub.f32 $0.0e+00, v1;
	_ =	sdelay $0x1  }
0x4e8: {  	v1 =	vmul.f32 $1.442695020e+00, v1;
	_ =	sdelay $0x1  }
0x4e9: {  	(erf) = vpow2.f32 v1;
	_ =	sdelay $0x8  }
0x4ea: {  	v1 =	vpop (erf)  }
0x4eb: {  	v1 =	vadd.f32 $1.000000000e+00, v1;
	_ =	sdelay $0x1  }
0x4ec: {  	(erf) = vrcp.f32 v1;
	_ =	sdelay $0x3  }
0x4ed: {  	s9 =	sadd.s32 $0x1, s9  }
0x4ee: {  	p1 =	sne.s32 s9, $0x4  }
.Ltmp17:
0x4ef: {  	_ = 	snop;
	(pc) =	sbr.rel @p1 .LBB2_34-.Ltmp17, $3  }
0x4f0: {  	_ =	sdelay $0x1  }
0x4f1: {  	v1 =	vpop (erf)  }
0x4f2: {  	s10 =	sadd.s32 $0x640, s10;
	[tilespmem:s11+$0x1D8E8] =	vst v1  }
0x4f3: {  	s9 =	simm.s32 $0x0;
	s10 =	rddreg [dreg:$0xf]  }
0x4f4: {  	[tilespmem:s24], [sflag:$0x3] =	stream.linear.gather [hbm4b:s10+s9], $0x2000, $0x38;
	[tilespmem:$0x1DA28] =	vst v63  }
0x4f5: {  	s18 =	rddreg [dreg:$0x10]  }
0x4f6: {  	[tilespmem:s25], [sflag:$0x3] =	stream.linear.gather [hbm4b:s18+s9], $0x2000, $0x38;
	[tilespmem:$0x1DA28] =	vst v63  }
0x4f7: {  	_ =	swait.ge [sflag:s31], $0x2000  }
0x4f8: {  	[sflag:s31] =	ssyncset.done $0x0  }
0x4f9: {  	[sflag:s31] =	ssyncadd.s32 $0xFFFFE000  }
0x4fa: {  	_ =	swait.ge [sflag:s31], $0x2000  }
0x4fb: {  	[sflag:s31] =	ssyncset.done $0x0  }
0x4fc: {  	s10 =	simm.s32 $0x14D78;
	[sflag:s31] =	ssyncadd.s32 $0xFFFFE000  }
.LBB2_38:
0x4fd: {  	s11 =	sshll.u32 s9, $0x4  }
0x4fe: {  	s16 =	simm.s32 $0x0;
	v1 =	vmov s11  }
0x4ff: {  	v2 =	vmov s16;
	v1 =	vshll.u32 v1, $0x7  }
0x500: {  	v3 =	vand.u32 $0x80, v2;
	v1 =	vor.u32 v0, v1  }
0x501: {  	v2 =	vand.u32 $0x7E, v2;
	v3 =	vadd.s32 v1, v3  }
0x502: {  	v2 =	vor.u32 v2, v3;
	_ =	sdelay $0x1  }
0x503: {  	s17 =	simm.s32 $0x1  }
0x504: {  	v3 =	vmov s17  }
0x505: {  	v4 =	vand.u32 $0x80, v3  }
0x506: {  	v3 =	vand.u32 $0x7F, v3;
	v4 =	vadd.s32 v1, v4;
	v2 =	vld.idx.msk [tilespmem:v2+s24+$0x0], $0xffff  }
0x507: {  	v3 =	vor.u32 v3, v4;
	_ =	sdelay $0x1  }
0x508: {  	s18 =	simm.s32 $0x2  }
0x509: {  	v4 =	vmov s18  }
0x50a: {  	[tilespmem:s10+$0xFFFFFFB0] =	vst v2;
	v2 =	vand.u32 $0x180, v4  }
0x50b: {  	v4 =	vand.u32 $0x7E, v4;
	v3 =	vld.idx.msk [tilespmem:v3+s24+$0x0], $0xffff;
	v2 =	vadd.s32 v1, v2  }
0x50c: {  	v2 =	vor.u32 v4, v2;
	_ =	sdelay $0x1  }
0x50d: {  	s12 =	simm.s32 $0x3  }
0x50e: {  	v4 =	vmov s12  }
0x50f: {  	[tilespmem:s10+$0xFFFFFFC0] =	vst v3;
	v3 =	vand.u32 $0x180, v4  }
0x510: {  	v4 =	vand.u32 $0x7F, v4;
	v2 =	vld.idx.msk [tilespmem:v2+s24+$0x0], $0xffff;
	v3 =	vadd.s32 v1, v3  }
0x511: {  	v3 =	vor.u32 v4, v3;
	_ =	sdelay $0x1  }
0x512: {  	s13 =	simm.s32 $0x4  }
0x513: {  	v4 =	vmov s13  }
0x514: {  	[tilespmem:s10+$0xFFFFFFD0] =	vst v2;
	v2 =	vand.u32 $0x180, v4  }
0x515: {  	v4 =	vand.u32 $0x7E, v4;
	v3 =	vld.idx.msk [tilespmem:v3+s24+$0x0], $0xffff;
	v2 =	vadd.s32 v1, v2  }
0x516: {  	v2 =	vor.u32 v4, v2;
	_ =	sdelay $0x1  }
0x517: {  	s14 =	simm.s32 $0x5  }
0x518: {  	v4 =	vmov s14  }
0x519: {  	[tilespmem:s10+$0xFFFFFFE0] =	vst v3;
	v3 =	vand.u32 $0x180, v4  }
0x51a: {  	v4 =	vand.u32 $0x7F, v4;
	v2 =	vld.idx.msk [tilespmem:v2+s24+$0x0], $0xffff;
	v3 =	vadd.s32 v1, v3  }
0x51b: {  	v3 =	vor.u32 v4, v3;
	_ =	sdelay $0x1  }
0x51c: {  	s15 =	simm.s32 $0x6  }
0x51d: {  	v4 =	vmov s15  }
0x51e: {  	[tilespmem:s10+$0xFFFFFFF0] =	vst v2;
	v2 =	vand.u32 $0x180, v4  }
0x51f: {  	v4 =	vand.u32 $0x7E, v4;
	v3 =	vld.idx.msk [tilespmem:v3+s24+$0x0], $0xffff;
	v2 =	vadd.s32 v1, v2  }
0x520: {  	v2 =	vor.u32 v4, v2;
	_ =	sdelay $0x1  }
0x521: {  	s16 =	simm.s32 $0x7  }
0x522: {  	v4 =	vmov s16  }
0x523: {  	[tilespmem:s10+$0x0] =	vst v3;
	v3 =	vand.u32 $0x180, v4  }
0x524: {  	v4 =	vand.u32 $0x7F, v4;
	v2 =	vld.idx.msk [tilespmem:v2+s24+$0x0], $0xffff;
	v3 =	vadd.s32 v1, v3  }
0x525: {  	v3 =	vor.u32 v4, v3;
	_ =	sdelay $0x1  }
0x526: {  	s17 =	simm.s32 $0x8  }
0x527: {  	v4 =	vmov s17  }
0x528: {  	[tilespmem:s10+$0x10] =	vst v2;
	v2 =	vand.u32 $0x180, v4  }
0x529: {  	v4 =	vand.u32 $0x7E, v4;
	v3 =	vld.idx.msk [tilespmem:v3+s24+$0x0], $0xffff;
	v2 =	vadd.s32 v1, v2  }
0x52a: {  	v2 =	vor.u32 v4, v2;
	_ =	sdelay $0x1  }
0x52b: {  	s18 =	simm.s32 $0x9  }
0x52c: {  	v4 =	vmov s18  }
0x52d: {  	v5 =	vand.u32 $0x180, v4;
	[tilespmem:s10+$0x20] =	vst v3  }
0x52e: {  	v3 =	vand.u32 $0x7F, v4;
	v4 =	vadd.s32 v1, v5;
	v2 =	vld.idx.msk [tilespmem:v2+s24+$0x0], $0xffff  }
0x52f: {  	v3 =	vor.u32 v3, v4;
	_ =	sdelay $0x1  }
0x530: {  	s11 =	simm.s32 $0x13  }
0x531: {  	s12 =	smov.u32 s10;
	s13 =	simm.s32 $0x1D;
	s14 =	simm.s32 $0xA  }
.LBB2_39:
0x532: {  	p1 =	sne.s32 s13, $0x63;
	v4 =	vmov s14;
	[tilespmem:s12+$0x30] =	vst v2  }
0x533: {  	v2 =	vand.u32 $0x80, v4;
	v3 =	vld.idx.msk [tilespmem:v3+s24+$0x0], $0xffff  }
0x534: {  	v4 =	vand.u32 $0x7E, v4;
	v2 =	vadd.s32 v1, v2  }
0x535: {  	v2 =	vor.u32 v4, v2;
	_ =	sdelay $0x2  }
0x536: {  	s14 =	sadd.s32 $0xFFFFFFF8, s11  }
0x537: {  	v4 =	vmov s14;
	[tilespmem:s12+$0x40] =	vst v3  }
0x538: {  	v3 =	vand.u32 $0x80, v4;
	v2 =	vld.idx.msk [tilespmem:v2+s24+$0x0], $0xffff  }
0x539: {  	v4 =	vand.u32 $0x7F, v4;
	v3 =	vadd.s32 v1, v3  }
0x53a: {  	v3 =	vor.u32 v4, v3;
	_ =	sdelay $0x2  }
0x53b: {  	s14 =	sadd.s32 $0xFFFFFFF9, s11;
	s12 =	sadd.s32 $0xA0, s12  }
0x53c: {  	[tilespmem:s12+$0xFFFFFFB0] =	vst v2;
	v2 =	vmov s14  }
0x53d: {  	v3 =	vld.idx.msk [tilespmem:v3+s24+$0x0], $0xffff;
	v4 =	vand.u32 $0x180, v2  }
0x53e: {  	v2 =	vand.u32 $0x7E, v2;
	v4 =	vadd.s32 v1, v4  }
0x53f: {  	v2 =	vor.u32 v2, v4;
	_ =	sdelay $0x2  }
0x540: {  	s14 =	sadd.s32 $0xFFFFFFFA, s11  }
0x541: {  	[tilespmem:s12+$0xFFFFFFC0] =	vst v3;
	v3 =	vmov s14  }
0x542: {  	v2 =	vld.idx.msk [tilespmem:v2+s24+$0x0], $0xffff;
	v4 =	vand.u32 $0x180, v3  }
0x543: {  	v3 =	vand.u32 $0x7F, v3;
	v4 =	vadd.s32 v1, v4  }
0x544: {  	v3 =	vor.u32 v3, v4;
	_ =	sdelay $0x2  }
0x545: {  	s14 =	sadd.s32 $0xFFFFFFFB, s11  }
0x546: {  	[tilespmem:s12+$0xFFFFFFD0] =	vst v2;
	v2 =	vmov s14  }
0x547: {  	v3 =	vld.idx.msk [tilespmem:v3+s24+$0x0], $0xffff;
	v4 =	vand.u32 $0x180, v2  }
0x548: {  	v2 =	vand.u32 $0x7E, v2;
	v4 =	vadd.s32 v1, v4  }
0x549: {  	v2 =	vor.u32 v2, v4;
	_ =	sdelay $0x2  }
0x54a: {  	s14 =	sadd.s32 $0xFFFFFFFC, s11  }
0x54b: {  	[tilespmem:s12+$0xFFFFFFE0] =	vst v3;
	v3 =	vmov s14  }
0x54c: {  	v2 =	vld.idx.msk [tilespmem:v2+s24+$0x0], $0xffff;
	v4 =	vand.u32 $0x180, v3  }
0x54d: {  	v3 =	vand.u32 $0x7F, v3;
	v4 =	vadd.s32 v1, v4  }
0x54e: {  	v3 =	vor.u32 v3, v4;
	_ =	sdelay $0x2  }
0x54f: {  	s14 =	sadd.s32 $0xFFFFFFFD, s11  }
0x550: {  	[tilespmem:s12+$0xFFFFFFF0] =	vst v2;
	v2 =	vmov s14  }
0x551: {  	v3 =	vld.idx.msk [tilespmem:v3+s24+$0x0], $0xffff;
	v4 =	vand.u32 $0x180, v2  }
0x552: {  	v2 =	vand.u32 $0x7E, v2;
	v4 =	vadd.s32 v1, v4  }
0x553: {  	v2 =	vor.u32 v2, v4;
	_ =	sdelay $0x2  }
0x554: {  	s14 =	sadd.s32 $0xFFFFFFFE, s11  }
0x555: {  	[tilespmem:s12+$0x0] =	vst v3;
	v3 =	vmov s14  }
0x556: {  	v2 =	vld.idx.msk [tilespmem:v2+s24+$0x0], $0xffff;
	v4 =	vand.u32 $0x180, v3  }
0x557: {  	v3 =	vand.u32 $0x7F, v3;
	v4 =	vadd.s32 v1, v4  }
0x558: {  	v3 =	vor.u32 v3, v4;
	_ =	sdelay $0x2  }
0x559: {  	s14 =	sadd.s32 $0xFFFFFFFF, s11  }
0x55a: {  	[tilespmem:s12+$0x10] =	vst v2;
	v2 =	vmov s14  }
0x55b: {  	v3 =	vld.idx.msk [tilespmem:v3+s24+$0x0], $0xffff;
	v4 =	vand.u32 $0x180, v2  }
0x55c: {  	v2 =	vand.u32 $0x7E, v2;
	v4 =	vadd.s32 v1, v4  }
0x55d: {  	v2 =	vor.u32 v2, v4;
	_ =	sdelay $0x3  }
0x55e: {  	[tilespmem:s12+$0x20] =	vst v3;
	v3 =	vmov s11;
	s11 =	smov.u32 s13  }
0x55f: {  	v2 =	vld.idx.msk [tilespmem:v2+s24+$0x0], $0xffff;
	v4 =	vand.u32 $0x180, v3  }
.Ltmp18:
0x560: {  	v3 =	vand.u32 $0x7F, v3;
	v4 =	vadd.s32 v1, v4;
	(pc) =	sbr.rel @p1 .LBB2_39-.Ltmp18, $2  }
0x561: {  	v3 =	vor.u32 v3, v4;
	_ =	sdelay $0x2  }
0x562: {  	s13 =	sadd.s32 $0xA, s13;
	s14 =	sadd.s32 $0xFFFFFFF7, s11  }
0x563: {  	_ =	sdelay $0x1  }
0x564: {  	v4 =	vmov s14  }
0x565: {  	[tilespmem:s12+$0x30] =	vst v2;
	v2 =	vand.u32 $0x80, v4  }
0x566: {  	v3 =	vld.idx.msk [tilespmem:v3+s24+$0x0], $0xffff;
	v4 =	vand.u32 $0x7E, v4;
	v2 =	vadd.s32 v1, v2  }
0x567: {  	v2 =	vor.u32 v4, v2;
	_ =	sdelay $0x1  }
0x568: {  	s13 =	sadd.s32 $0xFFFFFFF8, s11  }
0x569: {  	v55 =	vmov s13  }
0x56a: {  	[tilespmem:s12+$0x40] =	vst v3;
	v3 =	vand.u32 $0x80, v55  }
0x56b: {  	v4 =	vand.u32 $0x7F, v55;
	v3 =	vadd.s32 v1, v3;
	v2 =	vld.idx.msk [tilespmem:v2+s24+$0x0], $0xffff  }
0x56c: {  	v3 =	vor.u32 v4, v3;
	_ =	sdelay $0x1  }
0x56d: {  	s17 =	sadd.s32 $0xFFFFFFF9, s11  }
0x56e: {  	v56 =	vmov s17;
	s12 =	sadd.s32 $0xA0, s12  }
0x56f: {  	[tilespmem:s12+$0xFFFFFFB0] =	vst v2;
	v2 =	vand.u32 $0x180, v56  }
0x570: {  	v4 =	vand.u32 $0x7E, v56;
	v3 =	vld.idx.msk [tilespmem:v3+s24+$0x0], $0xffff;
	v2 =	vadd.s32 v1, v2  }
0x571: {  	v2 =	vor.u32 v4, v2;
	_ =	sdelay $0x1  }
0x572: {  	s18 =	sadd.s32 $0xFFFFFFFA, s11  }
0x573: {  	v57 =	vmov s18  }
0x574: {  	[tilespmem:s12+$0xFFFFFFC0] =	vst v3;
	v3 =	vand.u32 $0x180, v57  }
0x575: {  	v4 =	vand.u32 $0x7F, v57;
	v2 =	vld.idx.msk [tilespmem:v2+s24+$0x0], $0xffff;
	v3 =	vadd.s32 v1, v3  }
0x576: {  	v3 =	vor.u32 v4, v3;
	_ =	sdelay $0x1  }
0x577: {  	s14 =	sadd.s32 $0xFFFFFFFB, s11  }
0x578: {  	v58 =	vmov s14  }
0x579: {  	[tilespmem:s12+$0xFFFFFFD0] =	vst v2;
	v2 =	vand.u32 $0x180, v58  }
0x57a: {  	v4 =	vand.u32 $0x7E, v58;
	v3 =	vld.idx.msk [tilespmem:v3+s24+$0x0], $0xffff;
	v2 =	vadd.s32 v1, v2  }
0x57b: {  	v2 =	vor.u32 v4, v2;
	_ =	sdelay $0x1  }
0x57c: {  	s15 =	sadd.s32 $0xFFFFFFFC, s11  }
0x57d: {  	v59 =	vmov s15  }
0x57e: {  	[tilespmem:s12+$0xFFFFFFE0] =	vst v3;
	v3 =	vand.u32 $0x180, v59  }
0x57f: {  	v4 =	vand.u32 $0x7F, v59;
	v2 =	vld.idx.msk [tilespmem:v2+s24+$0x0], $0xffff;
	v3 =	vadd.s32 v1, v3  }
0x580: {  	v3 =	vor.u32 v4, v3;
	_ =	sdelay $0x1  }
0x581: {  	s16 =	sadd.s32 $0xFFFFFFFD, s11  }
0x582: {  	v60 =	vmov s16  }
0x583: {  	[tilespmem:s12+$0xFFFFFFF0] =	vst v2;
	v2 =	vand.u32 $0x180, v60  }
0x584: {  	v4 =	vand.u32 $0x7E, v60;
	v3 =	vld.idx.msk [tilespmem:v3+s24+$0x0], $0xffff;
	v2 =	vadd.s32 v1, v2  }
0x585: {  	v2 =	vor.u32 v4, v2;
	_ =	sdelay $0x1  }
0x586: {  	s17 =	sadd.s32 $0xFFFFFFFE, s11  }
0x587: {  	v61 =	vmov s17  }
0x588: {  	[tilespmem:s12+$0x0] =	vst v3;
	v3 =	vand.u32 $0x180, v61  }
0x589: {  	v4 =	vand.u32 $0x7F, v61;
	v2 =	vld.idx.msk [tilespmem:v2+s24+$0x0], $0xffff;
	v3 =	vadd.s32 v1, v3  }
0x58a: {  	v3 =	vor.u32 v4, v3;
	_ =	sdelay $0x1  }
0x58b: {  	s18 =	sadd.s32 $0xFFFFFFFF, s11  }
0x58c: {  	v62 =	vmov s18  }
0x58d: {  	[tilespmem:s12+$0x10] =	vst v2;
	v2 =	vand.u32 $0x180, v62  }
0x58e: {  	v4 =	vand.u32 $0x7E, v62;
	v3 =	vld.idx.msk [tilespmem:v3+s24+$0x0], $0xffff;
	v2 =	vadd.s32 v1, v2  }
0x58f: {  	v2 =	vor.u32 v4, v2;
	_ =	sdelay $0x2  }
0x590: {  	v63 =	vmov s11  }
0x591: {  	[tilespmem:s12+$0x20] =	vst v3;
	v3 =	vand.u32 $0x180, v63  }
0x592: {  	v4 =	vand.u32 $0x7F, v63;
	v2 =	vld.idx.msk [tilespmem:v2+s24+$0x0], $0xffff;
	v1 =	vadd.s32 v1, v3  }
0x593: {  	v1 =	vor.u32 v4, v1;
	_ =	sdelay $0x3  }
0x594: {  	s9 =	sadd.s32 $0x1, s9;
	[tilespmem:s12+$0x30] =	vst v2  }
0x595: {  	p1 =	sne.s32 s9, $0x4;
	v1 =	vld.idx.msk [tilespmem:v1+s24+$0x0], $0xffff  }
.Ltmp19:
0x596: {  	_ = 	snop;
	(pc) =	sbr.rel @p1 .LBB2_38-.Ltmp19, $2  }
0x597: {  	_ =	sdelay $0x2  }
0x598: {  	s10 =	sadd.s32 $0x640, s10;
	[tilespmem:s12+$0x40] =	vst v1  }
0x599: {  	[tilespmem:s1], [sflag:$0x6] =	stream.indirect.gather [spmem:s2], $0x1, s0, s28, $0xb8;
	[tilespmem:$0x1DA28] =	vst v63  }
0x59a: {  	_ =	swait.ge [sflag:s6], $0x1900  }
0x59b: {  	[sflag:s6] =	ssyncset.done $0x0  }
0x59c: {  	s9 =	simm.s32 $0x0;
	s10 =	simm.s32 $0x16678;
	[sflag:s6] =	ssyncadd.s32 $0xFFFFE700  }
.LBB2_42:
0x59d: {  	s11 =	sshll.u32 s9, $0x4  }
0x59e: {  	s12 =	simm.s32 $0x0;
	v1 =	vmov s11  }
0x59f: {  	v2 =	vmov s12;
	v1 =	vshll.u32 v1, $0x7  }
0x5a0: {  	s16 =	simm.s32 $0x1;
	v3 =	vand.u32 $0x80, v2;
	v1 =	vor.u32 v0, v1  }
0x5a1: {  	v4 =	vmov s16;
	v2 =	vand.u32 $0x7E, v2;
	v3 =	vadd.s32 v1, v3  }
0x5a2: {  	s17 =	simm.s32 $0x2;
	v2 =	vor.u32 v2, v3;
	v3 =	vand.u32 $0x80, v4  }
0x5a3: {  	v5 =	vmov s17;
	v4 =	vand.u32 $0x7F, v4;
	v3 =	vadd.s32 v1, v3  }
0x5a4: {  	s18 =	simm.s32 $0x3;
	v3 =	vor.u32 v4, v3;
	v4 =	vand.u32 $0x180, v5  }
0x5a5: {  	v6 =	vmov s18;
	v5 =	vand.u32 $0x7E, v5;
	v4 =	vadd.s32 v1, v4  }
0x5a6: {  	s13 =	simm.s32 $0x4;
	v4 =	vor.u32 v5, v4;
	v5 =	vand.u32 $0x180, v6  }
0x5a7: {  	v9 =	vld [tilespmem:s10+$0xFFFFFFB0];
	v7 =	vmov s13;
	v6 =	vand.u32 $0x7F, v6;
	v5 =	vadd.s32 v1, v5  }
0x5a8: {  	s14 =	simm.s32 $0x5;
	v2 =	vld.idx.msk [tilespmem:v2+s23+$0x0], $0xffff;
	v5 =	vor.u32 v6, v5;
	v6 =	vand.u32 $0x180, v7  }
0x5a9: {  	v10 =	vmov s14;
	v7 =	vand.u32 $0x7E, v7;
	v6 =	vadd.s32 v1, v6  }
0x5aa: {  	v11 =	vld [tilespmem:s10+$0xFFFFFFC0];
	s13 =	simm.s32 $0x6;
	v6 =	vor.u32 v7, v6;
	v7 =	vand.u32 $0x180, v10  }
0x5ab: {  	v13 =	vmov s13;
	v3 =	vld.idx.msk [tilespmem:v3+s23+$0x0], $0xffff;
	v10 =	vand.u32 $0x7F, v10;
	v7 =	vadd.s32 v1, v7  }
0x5ac: {  	v8 =	vimm.f32 $0.0e+00;
	v14 =	vld [tilespmem:s10+$0xFFFFFFD0];
	v7 =	vor.u32 v10, v7;
	v10 =	vand.u32 $0x180, v13  }
0x5ad: {  	s15 =	simm.s32 $0x8;
	s16 =	simm.s32 $0x7;
	v4 =	vld.idx.msk [tilespmem:v4+s23+$0x0], $0xffff;
	v2 =	vmul.f32 v2, v9;
	v9 =	vand.u32 $0x7E, v13;
	v10 =	vadd.s32 v1, v10  }
0x5ae: {  	v12 =	vmov s15;
	v15 =	vmov s16;
	v13 =	vld [tilespmem:s10+$0xFFFFFFE0];
	v9 =	vor.u32 v9, v10  }
0x5af: {  	v5 =	vld.idx.msk [tilespmem:v5+s23+$0x0], $0xffff;
	v10 =	vand.u32 $0x180, v15;
	v15 =	vand.u32 $0x7F, v15;
	v2 =	vadd.f32 v2, v8  }
0x5b0: {  	s17 =	simm.s32 $0x9;
	v3 =	vmul.f32 v3, v11;
	v8 =	vand.u32 $0x180, v12;
	v16 =	vld.idx.msk [tilespmem:v6+s23+$0x0], $0xffff;
	v6 =	vadd.s32 v1, v10  }
0x5b1: {  	v17 =	vld [tilespmem:s10+$0xFFFFFFF0];
	v11 =	vand.u32 $0x7E, v12;
	v10 =	vmov s17;
	v18 =	vor.u32 v15, v6  }
0x5b2: {  	v2 =	vadd.f32 v3, v2;
	v3 =	vmul.f32 v4, v14;
	v4 =	vadd.s32 v1, v8;
	v8 =	vld [tilespmem:s10+$0x0]  }
0x5b3: {  	v14 =	vand.u32 $0x7F, v10;
	v6 =	vld.idx.msk [tilespmem:v7+s23+$0x0], $0xffff;
	v7 =	vand.u32 $0x180, v10;
	v12 =	vor.u32 v11, v4  }
0x5b4: {  	v10 =	vld [tilespmem:s10+$0x10];
	v3 =	vadd.f32 v3, v2;
	v13 =	vmul.f32 v5, v13;
	v2 =	vadd.s32 v1, v7  }
0x5b5: {  	s14 =	simm.s32 $0xD;
	v5 =	vld.idx.msk [tilespmem:v9+s23+$0x0], $0xffff;
	v11 =	vor.u32 v14, v2  }
0x5b6: {  	s12 =	simm.s32 $0x13;
	s18 =	simm.s32 $0xC;
	s16 =	simm.s32 $0xE;
	v4 =	vmov s14;
	v14 =	vadd.f32 v13, v3;
	v15 =	vmul.f32 v16, v17;
	v13 =	vld [tilespmem:s10+$0x20]  }
0x5b7: {  	s15 =	simm.s32 $0xA;
	s13 =	smov.u32 s10;
	s14 =	simm.s32 $0x1D;
	v7 =	vmov s18;
	v2 =	vmov s12;
	v3 =	vmov s16;
	v9 =	vld.idx.msk [tilespmem:v18+s23+$0x0], $0xffff  }
.LBB2_43:
0x5b8: {  	p1 =	sne.s32 s14, $0x63;
	v16 =	vmov s15;
	s15 =	sadd.s32 $0xFFFFFFF8, s12;
	v14 =	vadd.f32 v15, v14;
	v6 =	vmul.f32 v6, v8;
	v8 =	vld.idx.msk [tilespmem:v12+s23+$0x0], $0xffff  }
0x5b9: {  	v12 =	vand.u32 $0x80, v16;
	v15 =	vand.u32 $0x7E, v16;
	v16 =	vmov s15;
	v17 =	vld [tilespmem:s13+$0x30]  }
0x5ba: {  	v12 =	vadd.s32 v1, v12;
	v6 =	vadd.f32 v6, v14;
	v5 =	vmul.f32 v5, v10;
	v10 =	vld.idx.msk [tilespmem:v11+s23+$0x0], $0xffff  }
0x5bb: {  	v14 =	vand.u32 $0x7F, v16;
	v11 =	vor.u32 v15, v12;
	v12 =	vand.u32 $0x80, v16;
	v15 =	vld [tilespmem:s13+$0x40]  }
0x5bc: {  	v12 =	vadd.s32 v1, v12;
	v5 =	vadd.f32 v5, v6;
	v6 =	vmul.f32 v9, v13  }
0x5bd: {  	v9 =	vor.u32 v14, v12;
	v12 =	vand.u32 $0x180, v7;
	v7 =	vand.u32 $0x7E, v7  }
0x5be: {  	v12 =	vadd.s32 v1, v12;
	v5 =	vadd.f32 v6, v5;
	v6 =	vmul.f32 v8, v17  }
0x5bf: {  	v8 =	vand.u32 $0x180, v4;
	v4 =	vand.u32 $0x7F, v4;
	v7 =	vor.u32 v7, v12  }
0x5c0: {  	s15 =	sadd.s32 $0xFFFFFFFC, s12;
	s13 =	sadd.s32 $0xA0, s13;
	v8 =	vadd.s32 v1, v8;
	v11 =	vld.idx.msk [tilespmem:v11+s23+$0x0], $0xffff;
	v5 =	vadd.f32 v6, v5;
	v6 =	vmul.f32 v10, v15  }
0x5c1: {  	v12 =	vmov s15;
	v4 =	vor.u32 v4, v8;
	v8 =	vand.u32 $0x180, v3;
	v10 =	vld [tilespmem:s13+$0xFFFFFFB0]  }
0x5c2: {  	s15 =	sadd.s32 $0xFFFFFFFF, s12;
	v3 =	vand.u32 $0x7E, v3;
	v8 =	vadd.s32 v1, v8;
	v9 =	vld.idx.msk [tilespmem:v9+s23+$0x0], $0xffff;
	v5 =	vadd.f32 v6, v5  }
0x5c3: {  	s16 =	sadd.s32 $0xFFFFFFFD, s12;
	v13 =	vmov s15;
	v3 =	vor.u32 v3, v8;
	v8 =	vand.u32 $0x180, v12;
	v6 =	vld [tilespmem:s13+$0xFFFFFFC0]  }
0x5c4: {  	v14 =	vmov s16;
	s15 =	sadd.s32 $0xFFFFFFFE, s12;
	s12 =	smov.u32 s14;
	v12 =	vand.u32 $0x7F, v12;
	v8 =	vadd.s32 v1, v8;
	v7 =	vld.idx.msk [tilespmem:v7+s23+$0x0], $0xffff  }
0x5c5: {  	v16 =	vmov s15;
	v8 =	vor.u32 v12, v8;
	v12 =	vand.u32 $0x180, v14;
	v15 =	vld [tilespmem:s13+$0xFFFFFFD0]  }
0x5c6: {  	v12 =	vadd.s32 v1, v12;
	v10 =	vmul.f32 v11, v10;
	v4 =	vld.idx.msk [tilespmem:v4+s23+$0x0], $0xffff;
	v11 =	vand.u32 $0x7E, v14  }
0x5c7: {  	v14 =	vld [tilespmem:s13+$0xFFFFFFE0];
	v11 =	vor.u32 v11, v12;
	v12 =	vand.u32 $0x180, v16;
	v16 =	vand.u32 $0x7F, v16  }
0x5c8: {  	v5 =	vadd.f32 v10, v5;
	v6 =	vmul.f32 v9, v6;
	v3 =	vld.idx.msk [tilespmem:v3+s23+$0x0], $0xffff;
	v9 =	vadd.s32 v1, v12  }
0x5c9: {  	v10 =	vand.u32 $0x180, v13;
	v12 =	vand.u32 $0x7E, v13;
	v17 =	vld [tilespmem:s13+$0xFFFFFFF0];
	v9 =	vor.u32 v16, v9  }
0x5ca: {  	v10 =	vadd.s32 v1, v10;
	v5 =	vadd.f32 v6, v5;
	v7 =	vmul.f32 v7, v15;
	v6 =	vld.idx.msk [tilespmem:v8+s23+$0x0], $0xffff  }
.Ltmp20:
0x5cb: {  	v12 =	vor.u32 v12, v10;
	v10 =	vand.u32 $0x180, v2;
	v2 =	vand.u32 $0x7F, v2;
	v8 =	vld [tilespmem:s13+$0x0];
	(pc) =	sbr.rel @p1 .LBB2_43-.Ltmp20, $4  }
0x5cc: {  	v7 =	vadd.f32 v7, v5;
	v4 =	vmul.f32 v4, v14;
	v5 =	vld.idx.msk [tilespmem:v11+s23+$0x0], $0xffff;
	v11 =	vadd.s32 v1, v10  }
0x5cd: {  	v10 =	vld [tilespmem:s13+$0x10];
	v11 =	vor.u32 v2, v11  }
0x5ce: {  	s17 =	sadd.s32 $0xFFFFFFFA, s14;
	s18 =	sadd.s32 $0xFFFFFFFB, s14;
	s16 =	sadd.s32 $0xFFFFFFF9, s14;
	v2 =	vmov s14;
	v14 =	vadd.f32 v4, v7;
	v15 =	vmul.f32 v3, v17;
	v9 =	vld.idx.msk [tilespmem:v9+s23+$0x0], $0xffff  }
0x5cf: {  	s15 =	sadd.s32 $0xFFFFFFF7, s12;
	s14 =	sadd.s32 $0xA, s14;
	v7 =	vmov s16;
	v4 =	vmov s17;
	v3 =	vmov s18;
	v13 =	vld [tilespmem:s13+$0x20]  }
0x5d0: {  	_ = 	snop  }
0x5d1: {  	v16 =	vmov s15  }
0x5d2: {  	v14 =	vadd.f32 v15, v14;
	v6 =	vmul.f32 v6, v8;
	v30 =	vand.u32 $0x180, v7  }
0x5d3: {  	s14 =	sadd.s32 $0xFFFFFFF8, s12;
	v31 =	vand.u32 $0x7E, v7;
	v33 =	vand.u32 $0x180, v4;
	v20 =	vand.u32 $0x80, v16  }
0x5d4: {  	v63 =	vld.idx.msk [tilespmem:v12+s23+$0x0], $0xffff;
	v21 =	vand.u32 $0x7E, v16;
	v22 =	vmov s14;
	v12 =	vadd.s32 v1, v20  }
0x5d5: {  	v34 =	vand.u32 $0x7F, v4;
	v25 =	vand.u32 $0x80, v22;
	v24 =	vor.u32 v21, v12  }
0x5d6: {  	v17 =	vld [tilespmem:s13+$0x30];
	v37 =	vand.u32 $0x180, v3;
	v26 =	vand.u32 $0x7F, v22;
	v12 =	vadd.s32 v1, v25  }
0x5d7: {  	v23 =	vld.idx.msk [tilespmem:v11+s23+$0x0], $0xffff;
	v6 =	vadd.f32 v6, v14;
	v5 =	vmul.f32 v5, v10;
	v29 =	vor.u32 v26, v12  }
0x5d8: {  	v27 =	vld [tilespmem:s13+$0x40];
	s13 =	sadd.s32 $0xA0, s13;
	v3 =	vand.u32 $0x7E, v3;
	v8 =	vadd.s32 v1, v33;
	v12 =	vadd.s32 v1, v30  }
0x5d9: {  	s15 =	sadd.s32 $0xFFFFFFFC, s12;
	s16 =	sadd.s32 $0xFFFFFFFF, s12;
	s17 =	sadd.s32 $0xFFFFFFFD, s12;
	v36 =	vld [tilespmem:s13+$0xFFFFFFB0];
	v5 =	vadd.f32 v5, v6;
	v28 =	vmul.f32 v9, v13;
	v7 =	vor.u32 v31, v12  }
0x5da: {  	v38 =	vmov s15;
	v41 =	vmov s16;
	v42 =	vmov s17;
	v11 =	vld.idx.msk [tilespmem:v24+s23+$0x0], $0xffff  }
0x5db: {  	s18 =	sadd.s32 $0xFFFFFFFE, s12;
	v39 =	vld [tilespmem:s13+$0xFFFFFFC0];
	v4 =	vor.u32 v34, v8;
	v32 =	vmul.f32 v63, v17;
	v5 =	vadd.f32 v28, v5  }
0x5dc: {  	v45 =	vmov s18;
	v8 =	vadd.s32 v1, v37;
	v40 =	vand.u32 $0x180, v38;
	v9 =	vld.idx.msk [tilespmem:v29+s23+$0x0], $0xffff  }
0x5dd: {  	v43 =	vld [tilespmem:s13+$0xFFFFFFD0];
	v3 =	vor.u32 v3, v8;
	v35 =	vmul.f32 v23, v27;
	v5 =	vadd.f32 v32, v5  }
0x5de: {  	v44 =	vand.u32 $0x180, v42;
	v8 =	vadd.s32 v1, v40;
	v12 =	vand.u32 $0x7F, v38;
	v7 =	vld.idx.msk [tilespmem:v7+s23+$0x0], $0xffff  }
0x5df: {  	v47 =	vld [tilespmem:s13+$0xFFFFFFE0];
	v8 =	vor.u32 v12, v8;
	v5 =	vadd.f32 v35, v5;
	v10 =	vmul.f32 v11, v36  }
0x5e0: {  	v46 =	vand.u32 $0x7E, v42;
	v48 =	vand.u32 $0x180, v45;
	v12 =	vadd.s32 v1, v44;
	v4 =	vld.idx.msk [tilespmem:v4+s23+$0x0], $0xffff  }
0x5e1: {  	v50 =	vld [tilespmem:s13+$0xFFFFFFF0];
	v11 =	vor.u32 v46, v12;
	v6 =	vmul.f32 v9, v39;
	v5 =	vadd.f32 v10, v5  }
0x5e2: {  	v16 =	vand.u32 $0x7F, v45;
	v51 =	vand.u32 $0x180, v41;
	v49 =	vadd.s32 v1, v48;
	v3 =	vld.idx.msk [tilespmem:v3+s23+$0x0], $0xffff  }
0x5e3: {  	v55 =	vld [tilespmem:s13+$0x0];
	v9 =	vor.u32 v16, v49;
	v52 =	vmul.f32 v7, v43;
	v5 =	vadd.f32 v6, v5  }
0x5e4: {  	v56 =	vand.u32 $0x180, v2;
	v54 =	vadd.s32 v1, v51;
	v13 =	vand.u32 $0x7E, v41;
	v53 =	vld.idx.msk [tilespmem:v8+s23+$0x0], $0xffff  }
0x5e5: {  	v58 =	vld [tilespmem:s13+$0x10];
	v8 =	vor.u32 v13, v54;
	v4 =	vmul.f32 v4, v47;
	v5 =	vadd.f32 v52, v5  }
0x5e6: {  	v2 =	vand.u32 $0x7F, v2;
	v1 =	vadd.s32 v1, v56;
	v57 =	vld.idx.msk [tilespmem:v11+s23+$0x0], $0xffff  }
0x5e7: {  	v60 =	vld [tilespmem:s13+$0x20];
	v1 =	vor.u32 v2, v1;
	v3 =	vmul.f32 v3, v50;
	v2 =	vadd.f32 v4, v5  }
0x5e8: {  	v59 =	vld.idx.msk [tilespmem:v9+s23+$0x0], $0xffff  }
0x5e9: {  	v62 =	vld [tilespmem:s13+$0x30];
	v2 =	vadd.f32 v3, v2;
	v3 =	vmul.f32 v53, v55  }
0x5ea: {  	v61 =	vld.idx.msk [tilespmem:v8+s23+$0x0], $0xffff  }
0x5eb: {  	v63 =	vld [tilespmem:s13+$0x40];
	v2 =	vadd.f32 v3, v2;
	v3 =	vmul.f32 v57, v58  }
0x5ec: {  	v1 =	vld.idx.msk [tilespmem:v1+s23+$0x0], $0xffff  }
0x5ed: {  	v2 =	vadd.f32 v3, v2;
	v3 =	vmul.f32 v59, v60;
	_ =	sdelay $0x1  }
0x5ee: {  	v2 =	vadd.f32 v3, v2;
	v3 =	vmul.f32 v61, v62;
	_ =	sdelay $0x1  }
0x5ef: {  	v1 =	vmul.f32 v1, v63;
	v2 =	vadd.f32 v3, v2;
	_ =	sdelay $0x1  }
0x5f0: {  	v1 =	vadd.f32 v1, v2;
	_ =	sdelay $0x1  }
0x5f1: {  	v1 =	vsub.f32 $0.0e+00, v1;
	_ =	sdelay $0x1  }
0x5f2: {  	v1 =	vmul.f32 $1.442695020e+00, v1;
	_ =	sdelay $0x1  }
0x5f3: {  	(erf) = vpow2.f32 v1;
	_ =	sdelay $0x8  }
0x5f4: {  	v1 =	vpop (erf)  }
0x5f5: {  	v1 =	vadd.f32 $1.000000000e+00, v1;
	_ =	sdelay $0x1  }
0x5f6: {  	(erf) = vrcp.f32 v1;
	_ =	sdelay $0x3  }
0x5f7: {  	s9 =	sadd.s32 $0x1, s9  }
0x5f8: {  	p1 =	sne.s32 s9, $0x4  }
.Ltmp21:
0x5f9: {  	_ = 	snop;
	(pc) =	sbr.rel @p1 .LBB2_42-.Ltmp21, $3  }
0x5fa: {  	_ =	sdelay $0x1  }
0x5fb: {  	v1 =	vpop (erf)  }
0x5fc: {  	s10 =	sadd.s32 $0x640, s10;
	[tilespmem:s11+$0x1D928] =	vst v1  }
0x5fd: {  	s9 =	simm.s32 $0x0;
	s10 =	rddreg [dreg:$0x11]  }
0x5fe: {  	[tilespmem:s22], [sflag:$0x2] =	stream.linear.gather [hbm4b:s10+s9], $0x2000, $0x38;
	[tilespmem:$0x1DA28] =	vst v63  }
0x5ff: {  	s18 =	rddreg [dreg:$0x12]  }
0x600: {  	[tilespmem:s23], [sflag:$0x2] =	stream.linear.gather [hbm4b:s18+s9], $0x2000, $0x38;
	[tilespmem:$0x1DA28] =	vst v63  }
0x601: {  	_ =	swait.ge [sflag:s26], $0x2000  }
0x602: {  	[sflag:s26] =	ssyncset.done $0x0  }
0x603: {  	[sflag:s26] =	ssyncadd.s32 $0xFFFFE000  }
0x604: {  	_ =	swait.ge [sflag:s26], $0x2000  }
0x605: {  	[sflag:s26] =	ssyncset.done $0x0  }
0x606: {  	s10 =	simm.s32 $0x13478;
	[sflag:s26] =	ssyncadd.s32 $0xFFFFE000  }
.LBB2_46:
0x607: {  	s11 =	sshll.u32 s9, $0x4  }
0x608: {  	s16 =	simm.s32 $0x0;
	v1 =	vmov s11  }
0x609: {  	v2 =	vmov s16;
	v1 =	vshll.u32 v1, $0x7  }
0x60a: {  	v3 =	vand.u32 $0x80, v2;
	v1 =	vor.u32 v0, v1  }
0x60b: {  	v2 =	vand.u32 $0x7E, v2;
	v3 =	vadd.s32 v1, v3  }
0x60c: {  	v2 =	vor.u32 v2, v3;
	_ =	sdelay $0x1  }
0x60d: {  	s17 =	simm.s32 $0x1  }
0x60e: {  	v3 =	vmov s17  }
0x60f: {  	v4 =	vand.u32 $0x80, v3  }
0x610: {  	v3 =	vand.u32 $0x7F, v3;
	v4 =	vadd.s32 v1, v4;
	v2 =	vld.idx.msk [tilespmem:v2+s22+$0x0], $0xffff  }
0x611: {  	v3 =	vor.u32 v3, v4;
	_ =	sdelay $0x1  }
0x612: {  	s18 =	simm.s32 $0x2  }
0x613: {  	v4 =	vmov s18  }
0x614: {  	[tilespmem:s10+$0xFFFFFFB0] =	vst v2;
	v2 =	vand.u32 $0x180, v4  }
0x615: {  	v4 =	vand.u32 $0x7E, v4;
	v3 =	vld.idx.msk [tilespmem:v3+s22+$0x0], $0xffff;
	v2 =	vadd.s32 v1, v2  }
0x616: {  	v2 =	vor.u32 v4, v2;
	_ =	sdelay $0x1  }
0x617: {  	s12 =	simm.s32 $0x3  }
0x618: {  	v4 =	vmov s12  }
0x619: {  	[tilespmem:s10+$0xFFFFFFC0] =	vst v3;
	v3 =	vand.u32 $0x180, v4  }
0x61a: {  	v4 =	vand.u32 $0x7F, v4;
	v2 =	vld.idx.msk [tilespmem:v2+s22+$0x0], $0xffff;
	v3 =	vadd.s32 v1, v3  }
0x61b: {  	v3 =	vor.u32 v4, v3;
	_ =	sdelay $0x1  }
0x61c: {  	s13 =	simm.s32 $0x4  }
0x61d: {  	v4 =	vmov s13  }
0x61e: {  	[tilespmem:s10+$0xFFFFFFD0] =	vst v2;
	v2 =	vand.u32 $0x180, v4  }
0x61f: {  	v4 =	vand.u32 $0x7E, v4;
	v3 =	vld.idx.msk [tilespmem:v3+s22+$0x0], $0xffff;
	v2 =	vadd.s32 v1, v2  }
0x620: {  	v2 =	vor.u32 v4, v2;
	_ =	sdelay $0x1  }
0x621: {  	s14 =	simm.s32 $0x5  }
0x622: {  	v4 =	vmov s14  }
0x623: {  	[tilespmem:s10+$0xFFFFFFE0] =	vst v3;
	v3 =	vand.u32 $0x180, v4  }
0x624: {  	v4 =	vand.u32 $0x7F, v4;
	v2 =	vld.idx.msk [tilespmem:v2+s22+$0x0], $0xffff;
	v3 =	vadd.s32 v1, v3  }
0x625: {  	v3 =	vor.u32 v4, v3;
	_ =	sdelay $0x1  }
0x626: {  	s15 =	simm.s32 $0x6  }
0x627: {  	v4 =	vmov s15  }
0x628: {  	[tilespmem:s10+$0xFFFFFFF0] =	vst v2;
	v2 =	vand.u32 $0x180, v4  }
0x629: {  	v4 =	vand.u32 $0x7E, v4;
	v3 =	vld.idx.msk [tilespmem:v3+s22+$0x0], $0xffff;
	v2 =	vadd.s32 v1, v2  }
0x62a: {  	v2 =	vor.u32 v4, v2;
	_ =	sdelay $0x1  }
0x62b: {  	s16 =	simm.s32 $0x7  }
0x62c: {  	v4 =	vmov s16  }
0x62d: {  	[tilespmem:s10+$0x0] =	vst v3;
	v3 =	vand.u32 $0x180, v4  }
0x62e: {  	v4 =	vand.u32 $0x7F, v4;
	v2 =	vld.idx.msk [tilespmem:v2+s22+$0x0], $0xffff;
	v3 =	vadd.s32 v1, v3  }
0x62f: {  	v3 =	vor.u32 v4, v3;
	_ =	sdelay $0x1  }
0x630: {  	s17 =	simm.s32 $0x8  }
0x631: {  	v4 =	vmov s17  }
0x632: {  	[tilespmem:s10+$0x10] =	vst v2;
	v2 =	vand.u32 $0x180, v4  }
0x633: {  	v4 =	vand.u32 $0x7E, v4;
	v3 =	vld.idx.msk [tilespmem:v3+s22+$0x0], $0xffff;
	v2 =	vadd.s32 v1, v2  }
0x634: {  	v2 =	vor.u32 v4, v2;
	_ =	sdelay $0x1  }
0x635: {  	s18 =	simm.s32 $0x9  }
0x636: {  	v4 =	vmov s18  }
0x637: {  	v5 =	vand.u32 $0x180, v4;
	[tilespmem:s10+$0x20] =	vst v3  }
0x638: {  	v3 =	vand.u32 $0x7F, v4;
	v4 =	vadd.s32 v1, v5;
	v2 =	vld.idx.msk [tilespmem:v2+s22+$0x0], $0xffff  }
0x639: {  	v3 =	vor.u32 v3, v4;
	_ =	sdelay $0x1  }
0x63a: {  	s11 =	simm.s32 $0x13  }
0x63b: {  	s12 =	smov.u32 s10;
	s13 =	simm.s32 $0x1D;
	s14 =	simm.s32 $0xA  }
.LBB2_47:
0x63c: {  	p1 =	sne.s32 s13, $0x63;
	v4 =	vmov s14;
	[tilespmem:s12+$0x30] =	vst v2  }
0x63d: {  	v2 =	vand.u32 $0x80, v4;
	v3 =	vld.idx.msk [tilespmem:v3+s22+$0x0], $0xffff  }
0x63e: {  	v4 =	vand.u32 $0x7E, v4;
	v2 =	vadd.s32 v1, v2  }
0x63f: {  	v2 =	vor.u32 v4, v2;
	_ =	sdelay $0x2  }
0x640: {  	s14 =	sadd.s32 $0xFFFFFFF8, s11  }
0x641: {  	v4 =	vmov s14;
	[tilespmem:s12+$0x40] =	vst v3  }
0x642: {  	v3 =	vand.u32 $0x80, v4;
	v2 =	vld.idx.msk [tilespmem:v2+s22+$0x0], $0xffff  }
0x643: {  	v4 =	vand.u32 $0x7F, v4;
	v3 =	vadd.s32 v1, v3  }
0x644: {  	v3 =	vor.u32 v4, v3;
	_ =	sdelay $0x2  }
0x645: {  	s14 =	sadd.s32 $0xFFFFFFF9, s11;
	s12 =	sadd.s32 $0xA0, s12  }
0x646: {  	[tilespmem:s12+$0xFFFFFFB0] =	vst v2;
	v2 =	vmov s14  }
0x647: {  	v3 =	vld.idx.msk [tilespmem:v3+s22+$0x0], $0xffff;
	v4 =	vand.u32 $0x180, v2  }
0x648: {  	v2 =	vand.u32 $0x7E, v2;
	v4 =	vadd.s32 v1, v4  }
0x649: {  	v2 =	vor.u32 v2, v4;
	_ =	sdelay $0x2  }
0x64a: {  	s14 =	sadd.s32 $0xFFFFFFFA, s11  }
0x64b: {  	[tilespmem:s12+$0xFFFFFFC0] =	vst v3;
	v3 =	vmov s14  }
0x64c: {  	v2 =	vld.idx.msk [tilespmem:v2+s22+$0x0], $0xffff;
	v4 =	vand.u32 $0x180, v3  }
0x64d: {  	v3 =	vand.u32 $0x7F, v3;
	v4 =	vadd.s32 v1, v4  }
0x64e: {  	v3 =	vor.u32 v3, v4;
	_ =	sdelay $0x2  }
0x64f: {  	s14 =	sadd.s32 $0xFFFFFFFB, s11  }
0x650: {  	[tilespmem:s12+$0xFFFFFFD0] =	vst v2;
	v2 =	vmov s14  }
0x651: {  	v3 =	vld.idx.msk [tilespmem:v3+s22+$0x0], $0xffff;
	v4 =	vand.u32 $0x180, v2  }
0x652: {  	v2 =	vand.u32 $0x7E, v2;
	v4 =	vadd.s32 v1, v4  }
0x653: {  	v2 =	vor.u32 v2, v4;
	_ =	sdelay $0x2  }
0x654: {  	s14 =	sadd.s32 $0xFFFFFFFC, s11  }
0x655: {  	[tilespmem:s12+$0xFFFFFFE0] =	vst v3;
	v3 =	vmov s14  }
0x656: {  	v2 =	vld.idx.msk [tilespmem:v2+s22+$0x0], $0xffff;
	v4 =	vand.u32 $0x180, v3  }
0x657: {  	v3 =	vand.u32 $0x7F, v3;
	v4 =	vadd.s32 v1, v4  }
0x658: {  	v3 =	vor.u32 v3, v4;
	_ =	sdelay $0x2  }
0x659: {  	s14 =	sadd.s32 $0xFFFFFFFD, s11  }
0x65a: {  	[tilespmem:s12+$0xFFFFFFF0] =	vst v2;
	v2 =	vmov s14  }
0x65b: {  	v3 =	vld.idx.msk [tilespmem:v3+s22+$0x0], $0xffff;
	v4 =	vand.u32 $0x180, v2  }
0x65c: {  	v2 =	vand.u32 $0x7E, v2;
	v4 =	vadd.s32 v1, v4  }
0x65d: {  	v2 =	vor.u32 v2, v4;
	_ =	sdelay $0x2  }
0x65e: {  	s14 =	sadd.s32 $0xFFFFFFFE, s11  }
0x65f: {  	[tilespmem:s12+$0x0] =	vst v3;
	v3 =	vmov s14  }
0x660: {  	v2 =	vld.idx.msk [tilespmem:v2+s22+$0x0], $0xffff;
	v4 =	vand.u32 $0x180, v3  }
0x661: {  	v3 =	vand.u32 $0x7F, v3;
	v4 =	vadd.s32 v1, v4  }
0x662: {  	v3 =	vor.u32 v3, v4;
	_ =	sdelay $0x2  }
0x663: {  	s14 =	sadd.s32 $0xFFFFFFFF, s11  }
0x664: {  	[tilespmem:s12+$0x10] =	vst v2;
	v2 =	vmov s14  }
0x665: {  	v3 =	vld.idx.msk [tilespmem:v3+s22+$0x0], $0xffff;
	v4 =	vand.u32 $0x180, v2  }
0x666: {  	v2 =	vand.u32 $0x7E, v2;
	v4 =	vadd.s32 v1, v4  }
0x667: {  	v2 =	vor.u32 v2, v4;
	_ =	sdelay $0x3  }
0x668: {  	[tilespmem:s12+$0x20] =	vst v3;
	v3 =	vmov s11;
	s11 =	smov.u32 s13  }
0x669: {  	v2 =	vld.idx.msk [tilespmem:v2+s22+$0x0], $0xffff;
	v4 =	vand.u32 $0x180, v3  }
.Ltmp22:
0x66a: {  	v3 =	vand.u32 $0x7F, v3;
	v4 =	vadd.s32 v1, v4;
	(pc) =	sbr.rel @p1 .LBB2_47-.Ltmp22, $2  }
0x66b: {  	v3 =	vor.u32 v3, v4;
	_ =	sdelay $0x2  }
0x66c: {  	s13 =	sadd.s32 $0xA, s13;
	s14 =	sadd.s32 $0xFFFFFFF7, s11  }
0x66d: {  	_ =	sdelay $0x1  }
0x66e: {  	v4 =	vmov s14  }
0x66f: {  	[tilespmem:s12+$0x30] =	vst v2;
	v2 =	vand.u32 $0x80, v4  }
0x670: {  	v3 =	vld.idx.msk [tilespmem:v3+s22+$0x0], $0xffff;
	v4 =	vand.u32 $0x7E, v4;
	v2 =	vadd.s32 v1, v2  }
0x671: {  	v2 =	vor.u32 v4, v2;
	_ =	sdelay $0x1  }
0x672: {  	s13 =	sadd.s32 $0xFFFFFFF8, s11  }
0x673: {  	v55 =	vmov s13  }
0x674: {  	[tilespmem:s12+$0x40] =	vst v3;
	v3 =	vand.u32 $0x80, v55  }
0x675: {  	v4 =	vand.u32 $0x7F, v55;
	v3 =	vadd.s32 v1, v3;
	v2 =	vld.idx.msk [tilespmem:v2+s22+$0x0], $0xffff  }
0x676: {  	v3 =	vor.u32 v4, v3;
	_ =	sdelay $0x1  }
0x677: {  	s17 =	sadd.s32 $0xFFFFFFF9, s11  }
0x678: {  	v56 =	vmov s17;
	s12 =	sadd.s32 $0xA0, s12  }
0x679: {  	[tilespmem:s12+$0xFFFFFFB0] =	vst v2;
	v2 =	vand.u32 $0x180, v56  }
0x67a: {  	v4 =	vand.u32 $0x7E, v56;
	v3 =	vld.idx.msk [tilespmem:v3+s22+$0x0], $0xffff;
	v2 =	vadd.s32 v1, v2  }
0x67b: {  	v2 =	vor.u32 v4, v2;
	_ =	sdelay $0x1  }
0x67c: {  	s18 =	sadd.s32 $0xFFFFFFFA, s11  }
0x67d: {  	v57 =	vmov s18  }
0x67e: {  	[tilespmem:s12+$0xFFFFFFC0] =	vst v3;
	v3 =	vand.u32 $0x180, v57  }
0x67f: {  	v4 =	vand.u32 $0x7F, v57;
	v2 =	vld.idx.msk [tilespmem:v2+s22+$0x0], $0xffff;
	v3 =	vadd.s32 v1, v3  }
0x680: {  	v3 =	vor.u32 v4, v3;
	_ =	sdelay $0x1  }
0x681: {  	s14 =	sadd.s32 $0xFFFFFFFB, s11  }
0x682: {  	v58 =	vmov s14  }
0x683: {  	[tilespmem:s12+$0xFFFFFFD0] =	vst v2;
	v2 =	vand.u32 $0x180, v58  }
0x684: {  	v4 =	vand.u32 $0x7E, v58;
	v3 =	vld.idx.msk [tilespmem:v3+s22+$0x0], $0xffff;
	v2 =	vadd.s32 v1, v2  }
0x685: {  	v2 =	vor.u32 v4, v2;
	_ =	sdelay $0x1  }
0x686: {  	s15 =	sadd.s32 $0xFFFFFFFC, s11  }
0x687: {  	v59 =	vmov s15  }
0x688: {  	[tilespmem:s12+$0xFFFFFFE0] =	vst v3;
	v3 =	vand.u32 $0x180, v59  }
0x689: {  	v4 =	vand.u32 $0x7F, v59;
	v2 =	vld.idx.msk [tilespmem:v2+s22+$0x0], $0xffff;
	v3 =	vadd.s32 v1, v3  }
0x68a: {  	v3 =	vor.u32 v4, v3;
	_ =	sdelay $0x1  }
0x68b: {  	s16 =	sadd.s32 $0xFFFFFFFD, s11  }
0x68c: {  	v60 =	vmov s16  }
0x68d: {  	[tilespmem:s12+$0xFFFFFFF0] =	vst v2;
	v2 =	vand.u32 $0x180, v60  }
0x68e: {  	v4 =	vand.u32 $0x7E, v60;
	v3 =	vld.idx.msk [tilespmem:v3+s22+$0x0], $0xffff;
	v2 =	vadd.s32 v1, v2  }
0x68f: {  	v2 =	vor.u32 v4, v2;
	_ =	sdelay $0x1  }
0x690: {  	s17 =	sadd.s32 $0xFFFFFFFE, s11  }
0x691: {  	v61 =	vmov s17  }
0x692: {  	[tilespmem:s12+$0x0] =	vst v3;
	v3 =	vand.u32 $0x180, v61  }
0x693: {  	v4 =	vand.u32 $0x7F, v61;
	v2 =	vld.idx.msk [tilespmem:v2+s22+$0x0], $0xffff;
	v3 =	vadd.s32 v1, v3  }
0x694: {  	v3 =	vor.u32 v4, v3;
	_ =	sdelay $0x1  }
0x695: {  	s18 =	sadd.s32 $0xFFFFFFFF, s11  }
0x696: {  	v62 =	vmov s18  }
0x697: {  	[tilespmem:s12+$0x10] =	vst v2;
	v2 =	vand.u32 $0x180, v62  }
0x698: {  	v4 =	vand.u32 $0x7E, v62;
	v3 =	vld.idx.msk [tilespmem:v3+s22+$0x0], $0xffff;
	v2 =	vadd.s32 v1, v2  }
0x699: {  	v2 =	vor.u32 v4, v2;
	_ =	sdelay $0x2  }
0x69a: {  	v63 =	vmov s11  }
0x69b: {  	[tilespmem:s12+$0x20] =	vst v3;
	v3 =	vand.u32 $0x180, v63  }
0x69c: {  	v4 =	vand.u32 $0x7F, v63;
	v2 =	vld.idx.msk [tilespmem:v2+s22+$0x0], $0xffff;
	v1 =	vadd.s32 v1, v3  }
0x69d: {  	v1 =	vor.u32 v4, v1;
	_ =	sdelay $0x3  }
0x69e: {  	s9 =	sadd.s32 $0x1, s9;
	[tilespmem:s12+$0x30] =	vst v2  }
0x69f: {  	p1 =	sne.s32 s9, $0x4;
	v1 =	vld.idx.msk [tilespmem:v1+s22+$0x0], $0xffff  }
.Ltmp23:
0x6a0: {  	_ = 	snop;
	(pc) =	sbr.rel @p1 .LBB2_46-.Ltmp23, $2  }
0x6a1: {  	_ =	sdelay $0x2  }
0x6a2: {  	s10 =	sadd.s32 $0x640, s10;
	[tilespmem:s12+$0x40] =	vst v1  }
0x6a3: {  	[tilespmem:s30], [sflag:$0x5] =	stream.indirect.gather [spmem:s2], $0x1, s29, s28, $0xb8;
	[tilespmem:$0x1DA28] =	vst v63  }
0x6a4: {  	_ =	swait.ge [sflag:s5], $0x1900  }
0x6a5: {  	[sflag:s5] =	ssyncset.done $0x0  }
0x6a6: {  	s9 =	simm.s32 $0x0;
	s10 =	simm.s32 $0x17F78;
	[sflag:s5] =	ssyncadd.s32 $0xFFFFE700  }
.LBB2_50:
0x6a7: {  	s11 =	sshll.u32 s9, $0x4  }
0x6a8: {  	s12 =	simm.s32 $0x0;
	v1 =	vmov s11  }
0x6a9: {  	v2 =	vmov s12;
	v1 =	vshll.u32 v1, $0x7  }
0x6aa: {  	s16 =	simm.s32 $0x1;
	v3 =	vand.u32 $0x80, v2;
	v1 =	vor.u32 v0, v1  }
0x6ab: {  	v4 =	vmov s16;
	v2 =	vand.u32 $0x7E, v2;
	v3 =	vadd.s32 v1, v3  }
0x6ac: {  	s17 =	simm.s32 $0x2;
	v2 =	vor.u32 v2, v3;
	v3 =	vand.u32 $0x80, v4  }
0x6ad: {  	v5 =	vmov s17;
	v4 =	vand.u32 $0x7F, v4;
	v3 =	vadd.s32 v1, v3  }
0x6ae: {  	s18 =	simm.s32 $0x3;
	v3 =	vor.u32 v4, v3;
	v4 =	vand.u32 $0x180, v5  }
0x6af: {  	v6 =	vmov s18;
	v5 =	vand.u32 $0x7E, v5;
	v4 =	vadd.s32 v1, v4  }
0x6b0: {  	s13 =	simm.s32 $0x4;
	v4 =	vor.u32 v5, v4;
	v5 =	vand.u32 $0x180, v6  }
0x6b1: {  	v9 =	vld [tilespmem:s10+$0xFFFFFFB0];
	v7 =	vmov s13;
	v6 =	vand.u32 $0x7F, v6;
	v5 =	vadd.s32 v1, v5  }
0x6b2: {  	s14 =	simm.s32 $0x5;
	v2 =	vld.idx.msk [tilespmem:v2+s25+$0x0], $0xffff;
	v5 =	vor.u32 v6, v5;
	v6 =	vand.u32 $0x180, v7  }
0x6b3: {  	v10 =	vmov s14;
	v7 =	vand.u32 $0x7E, v7;
	v6 =	vadd.s32 v1, v6  }
0x6b4: {  	v11 =	vld [tilespmem:s10+$0xFFFFFFC0];
	s13 =	simm.s32 $0x6;
	v6 =	vor.u32 v7, v6;
	v7 =	vand.u32 $0x180, v10  }
0x6b5: {  	v13 =	vmov s13;
	v3 =	vld.idx.msk [tilespmem:v3+s25+$0x0], $0xffff;
	v10 =	vand.u32 $0x7F, v10;
	v7 =	vadd.s32 v1, v7  }
0x6b6: {  	v8 =	vimm.f32 $0.0e+00;
	v14 =	vld [tilespmem:s10+$0xFFFFFFD0];
	v7 =	vor.u32 v10, v7;
	v10 =	vand.u32 $0x180, v13  }
0x6b7: {  	s15 =	simm.s32 $0x8;
	s16 =	simm.s32 $0x7;
	v4 =	vld.idx.msk [tilespmem:v4+s25+$0x0], $0xffff;
	v2 =	vmul.f32 v2, v9;
	v9 =	vand.u32 $0x7E, v13;
	v10 =	vadd.s32 v1, v10  }
0x6b8: {  	v12 =	vmov s15;
	v15 =	vmov s16;
	v13 =	vld [tilespmem:s10+$0xFFFFFFE0];
	v9 =	vor.u32 v9, v10  }
0x6b9: {  	v5 =	vld.idx.msk [tilespmem:v5+s25+$0x0], $0xffff;
	v10 =	vand.u32 $0x180, v15;
	v15 =	vand.u32 $0x7F, v15;
	v2 =	vadd.f32 v2, v8  }
0x6ba: {  	s17 =	simm.s32 $0x9;
	v3 =	vmul.f32 v3, v11;
	v8 =	vand.u32 $0x180, v12;
	v16 =	vld.idx.msk [tilespmem:v6+s25+$0x0], $0xffff;
	v6 =	vadd.s32 v1, v10  }
0x6bb: {  	v17 =	vld [tilespmem:s10+$0xFFFFFFF0];
	v11 =	vand.u32 $0x7E, v12;
	v10 =	vmov s17;
	v18 =	vor.u32 v15, v6  }
0x6bc: {  	v2 =	vadd.f32 v3, v2;
	v3 =	vmul.f32 v4, v14;
	v4 =	vadd.s32 v1, v8;
	v8 =	vld [tilespmem:s10+$0x0]  }
0x6bd: {  	v14 =	vand.u32 $0x7F, v10;
	v6 =	vld.idx.msk [tilespmem:v7+s25+$0x0], $0xffff;
	v7 =	vand.u32 $0x180, v10;
	v12 =	vor.u32 v11, v4  }
0x6be: {  	v10 =	vld [tilespmem:s10+$0x10];
	v3 =	vadd.f32 v3, v2;
	v13 =	vmul.f32 v5, v13;
	v2 =	vadd.s32 v1, v7  }
0x6bf: {  	s14 =	simm.s32 $0xD;
	v5 =	vld.idx.msk [tilespmem:v9+s25+$0x0], $0xffff;
	v11 =	vor.u32 v14, v2  }
0x6c0: {  	s12 =	simm.s32 $0x13;
	s18 =	simm.s32 $0xC;
	s16 =	simm.s32 $0xE;
	v4 =	vmov s14;
	v14 =	vadd.f32 v13, v3;
	v15 =	vmul.f32 v16, v17;
	v13 =	vld [tilespmem:s10+$0x20]  }
0x6c1: {  	s15 =	simm.s32 $0xA;
	s13 =	smov.u32 s10;
	s14 =	simm.s32 $0x1D;
	v7 =	vmov s18;
	v2 =	vmov s12;
	v3 =	vmov s16;
	v9 =	vld.idx.msk [tilespmem:v18+s25+$0x0], $0xffff  }
.LBB2_51:
0x6c2: {  	p1 =	sne.s32 s14, $0x63;
	v16 =	vmov s15;
	s15 =	sadd.s32 $0xFFFFFFF8, s12;
	v14 =	vadd.f32 v15, v14;
	v6 =	vmul.f32 v6, v8;
	v8 =	vld.idx.msk [tilespmem:v12+s25+$0x0], $0xffff  }
0x6c3: {  	v12 =	vand.u32 $0x80, v16;
	v15 =	vand.u32 $0x7E, v16;
	v16 =	vmov s15;
	v17 =	vld [tilespmem:s13+$0x30]  }
0x6c4: {  	v12 =	vadd.s32 v1, v12;
	v6 =	vadd.f32 v6, v14;
	v5 =	vmul.f32 v5, v10;
	v10 =	vld.idx.msk [tilespmem:v11+s25+$0x0], $0xffff  }
0x6c5: {  	v14 =	vand.u32 $0x7F, v16;
	v11 =	vor.u32 v15, v12;
	v12 =	vand.u32 $0x80, v16;
	v15 =	vld [tilespmem:s13+$0x40]  }
0x6c6: {  	v12 =	vadd.s32 v1, v12;
	v5 =	vadd.f32 v5, v6;
	v6 =	vmul.f32 v9, v13  }
0x6c7: {  	v9 =	vor.u32 v14, v12;
	v12 =	vand.u32 $0x180, v7;
	v7 =	vand.u32 $0x7E, v7  }
0x6c8: {  	v12 =	vadd.s32 v1, v12;
	v5 =	vadd.f32 v6, v5;
	v6 =	vmul.f32 v8, v17  }
0x6c9: {  	v8 =	vand.u32 $0x180, v4;
	v4 =	vand.u32 $0x7F, v4;
	v7 =	vor.u32 v7, v12  }
0x6ca: {  	s15 =	sadd.s32 $0xFFFFFFFC, s12;
	s13 =	sadd.s32 $0xA0, s13;
	v8 =	vadd.s32 v1, v8;
	v11 =	vld.idx.msk [tilespmem:v11+s25+$0x0], $0xffff;
	v5 =	vadd.f32 v6, v5;
	v6 =	vmul.f32 v10, v15  }
0x6cb: {  	v12 =	vmov s15;
	v4 =	vor.u32 v4, v8;
	v8 =	vand.u32 $0x180, v3;
	v10 =	vld [tilespmem:s13+$0xFFFFFFB0]  }
0x6cc: {  	s15 =	sadd.s32 $0xFFFFFFFF, s12;
	v3 =	vand.u32 $0x7E, v3;
	v8 =	vadd.s32 v1, v8;
	v9 =	vld.idx.msk [tilespmem:v9+s25+$0x0], $0xffff;
	v5 =	vadd.f32 v6, v5  }
0x6cd: {  	s16 =	sadd.s32 $0xFFFFFFFD, s12;
	v13 =	vmov s15;
	v3 =	vor.u32 v3, v8;
	v8 =	vand.u32 $0x180, v12;
	v6 =	vld [tilespmem:s13+$0xFFFFFFC0]  }
0x6ce: {  	v14 =	vmov s16;
	s15 =	sadd.s32 $0xFFFFFFFE, s12;
	s12 =	smov.u32 s14;
	v12 =	vand.u32 $0x7F, v12;
	v8 =	vadd.s32 v1, v8;
	v7 =	vld.idx.msk [tilespmem:v7+s25+$0x0], $0xffff  }
0x6cf: {  	v16 =	vmov s15;
	v8 =	vor.u32 v12, v8;
	v12 =	vand.u32 $0x180, v14;
	v15 =	vld [tilespmem:s13+$0xFFFFFFD0]  }
0x6d0: {  	v12 =	vadd.s32 v1, v12;
	v10 =	vmul.f32 v11, v10;
	v4 =	vld.idx.msk [tilespmem:v4+s25+$0x0], $0xffff;
	v11 =	vand.u32 $0x7E, v14  }
0x6d1: {  	v14 =	vld [tilespmem:s13+$0xFFFFFFE0];
	v11 =	vor.u32 v11, v12;
	v12 =	vand.u32 $0x180, v16;
	v16 =	vand.u32 $0x7F, v16  }
0x6d2: {  	v5 =	vadd.f32 v10, v5;
	v6 =	vmul.f32 v9, v6;
	v3 =	vld.idx.msk [tilespmem:v3+s25+$0x0], $0xffff;
	v9 =	vadd.s32 v1, v12  }
0x6d3: {  	v10 =	vand.u32 $0x180, v13;
	v12 =	vand.u32 $0x7E, v13;
	v17 =	vld [tilespmem:s13+$0xFFFFFFF0];
	v9 =	vor.u32 v16, v9  }
0x6d4: {  	v10 =	vadd.s32 v1, v10;
	v5 =	vadd.f32 v6, v5;
	v7 =	vmul.f32 v7, v15;
	v6 =	vld.idx.msk [tilespmem:v8+s25+$0x0], $0xffff  }
.Ltmp24:
0x6d5: {  	v12 =	vor.u32 v12, v10;
	v10 =	vand.u32 $0x180, v2;
	v2 =	vand.u32 $0x7F, v2;
	v8 =	vld [tilespmem:s13+$0x0];
	(pc) =	sbr.rel @p1 .LBB2_51-.Ltmp24, $4  }
0x6d6: {  	v7 =	vadd.f32 v7, v5;
	v4 =	vmul.f32 v4, v14;
	v5 =	vld.idx.msk [tilespmem:v11+s25+$0x0], $0xffff;
	v11 =	vadd.s32 v1, v10  }
0x6d7: {  	v10 =	vld [tilespmem:s13+$0x10];
	v11 =	vor.u32 v2, v11  }
0x6d8: {  	s17 =	sadd.s32 $0xFFFFFFFA, s14;
	s18 =	sadd.s32 $0xFFFFFFFB, s14;
	s16 =	sadd.s32 $0xFFFFFFF9, s14;
	v2 =	vmov s14;
	v14 =	vadd.f32 v4, v7;
	v15 =	vmul.f32 v3, v17;
	v9 =	vld.idx.msk [tilespmem:v9+s25+$0x0], $0xffff  }
0x6d9: {  	s15 =	sadd.s32 $0xFFFFFFF7, s12;
	s14 =	sadd.s32 $0xA, s14;
	v7 =	vmov s16;
	v4 =	vmov s17;
	v3 =	vmov s18;
	v13 =	vld [tilespmem:s13+$0x20]  }
0x6da: {  	_ = 	snop  }
0x6db: {  	v16 =	vmov s15  }
0x6dc: {  	v14 =	vadd.f32 v15, v14;
	v6 =	vmul.f32 v6, v8;
	v30 =	vand.u32 $0x180, v7  }
0x6dd: {  	s14 =	sadd.s32 $0xFFFFFFF8, s12;
	v31 =	vand.u32 $0x7E, v7;
	v33 =	vand.u32 $0x180, v4;
	v20 =	vand.u32 $0x80, v16  }
0x6de: {  	v63 =	vld.idx.msk [tilespmem:v12+s25+$0x0], $0xffff;
	v21 =	vand.u32 $0x7E, v16;
	v22 =	vmov s14;
	v12 =	vadd.s32 v1, v20  }
0x6df: {  	v34 =	vand.u32 $0x7F, v4;
	v25 =	vand.u32 $0x80, v22;
	v24 =	vor.u32 v21, v12  }
0x6e0: {  	v17 =	vld [tilespmem:s13+$0x30];
	v37 =	vand.u32 $0x180, v3;
	v26 =	vand.u32 $0x7F, v22;
	v12 =	vadd.s32 v1, v25  }
0x6e1: {  	v23 =	vld.idx.msk [tilespmem:v11+s25+$0x0], $0xffff;
	v6 =	vadd.f32 v6, v14;
	v5 =	vmul.f32 v5, v10;
	v29 =	vor.u32 v26, v12  }
0x6e2: {  	v27 =	vld [tilespmem:s13+$0x40];
	s13 =	sadd.s32 $0xA0, s13;
	v3 =	vand.u32 $0x7E, v3;
	v8 =	vadd.s32 v1, v33;
	v12 =	vadd.s32 v1, v30  }
0x6e3: {  	s15 =	sadd.s32 $0xFFFFFFFC, s12;
	s16 =	sadd.s32 $0xFFFFFFFF, s12;
	s17 =	sadd.s32 $0xFFFFFFFD, s12;
	v36 =	vld [tilespmem:s13+$0xFFFFFFB0];
	v5 =	vadd.f32 v5, v6;
	v28 =	vmul.f32 v9, v13;
	v7 =	vor.u32 v31, v12  }
0x6e4: {  	v38 =	vmov s15;
	v41 =	vmov s16;
	v42 =	vmov s17;
	v11 =	vld.idx.msk [tilespmem:v24+s25+$0x0], $0xffff  }
0x6e5: {  	s18 =	sadd.s32 $0xFFFFFFFE, s12;
	v39 =	vld [tilespmem:s13+$0xFFFFFFC0];
	v4 =	vor.u32 v34, v8;
	v32 =	vmul.f32 v63, v17;
	v5 =	vadd.f32 v28, v5  }
0x6e6: {  	v45 =	vmov s18;
	v8 =	vadd.s32 v1, v37;
	v40 =	vand.u32 $0x180, v38;
	v9 =	vld.idx.msk [tilespmem:v29+s25+$0x0], $0xffff  }
0x6e7: {  	v43 =	vld [tilespmem:s13+$0xFFFFFFD0];
	v3 =	vor.u32 v3, v8;
	v35 =	vmul.f32 v23, v27;
	v5 =	vadd.f32 v32, v5  }
0x6e8: {  	v44 =	vand.u32 $0x180, v42;
	v8 =	vadd.s32 v1, v40;
	v12 =	vand.u32 $0x7F, v38;
	v7 =	vld.idx.msk [tilespmem:v7+s25+$0x0], $0xffff  }
0x6e9: {  	v47 =	vld [tilespmem:s13+$0xFFFFFFE0];
	v8 =	vor.u32 v12, v8;
	v5 =	vadd.f32 v35, v5;
	v10 =	vmul.f32 v11, v36  }
0x6ea: {  	v46 =	vand.u32 $0x7E, v42;
	v48 =	vand.u32 $0x180, v45;
	v12 =	vadd.s32 v1, v44;
	v4 =	vld.idx.msk [tilespmem:v4+s25+$0x0], $0xffff  }
0x6eb: {  	v50 =	vld [tilespmem:s13+$0xFFFFFFF0];
	v11 =	vor.u32 v46, v12;
	v6 =	vmul.f32 v9, v39;
	v5 =	vadd.f32 v10, v5  }
0x6ec: {  	v16 =	vand.u32 $0x7F, v45;
	v51 =	vand.u32 $0x180, v41;
	v49 =	vadd.s32 v1, v48;
	v3 =	vld.idx.msk [tilespmem:v3+s25+$0x0], $0xffff  }
0x6ed: {  	v55 =	vld [tilespmem:s13+$0x0];
	v9 =	vor.u32 v16, v49;
	v52 =	vmul.f32 v7, v43;
	v5 =	vadd.f32 v6, v5  }
0x6ee: {  	v56 =	vand.u32 $0x180, v2;
	v54 =	vadd.s32 v1, v51;
	v13 =	vand.u32 $0x7E, v41;
	v53 =	vld.idx.msk [tilespmem:v8+s25+$0x0], $0xffff  }
0x6ef: {  	v58 =	vld [tilespmem:s13+$0x10];
	v8 =	vor.u32 v13, v54;
	v4 =	vmul.f32 v4, v47;
	v5 =	vadd.f32 v52, v5  }
0x6f0: {  	v2 =	vand.u32 $0x7F, v2;
	v1 =	vadd.s32 v1, v56;
	v57 =	vld.idx.msk [tilespmem:v11+s25+$0x0], $0xffff  }
0x6f1: {  	v60 =	vld [tilespmem:s13+$0x20];
	v1 =	vor.u32 v2, v1;
	v3 =	vmul.f32 v3, v50;
	v2 =	vadd.f32 v4, v5  }
0x6f2: {  	v59 =	vld.idx.msk [tilespmem:v9+s25+$0x0], $0xffff  }
0x6f3: {  	v62 =	vld [tilespmem:s13+$0x30];
	v2 =	vadd.f32 v3, v2;
	v3 =	vmul.f32 v53, v55  }
0x6f4: {  	v61 =	vld.idx.msk [tilespmem:v8+s25+$0x0], $0xffff  }
0x6f5: {  	v63 =	vld [tilespmem:s13+$0x40];
	v2 =	vadd.f32 v3, v2;
	v3 =	vmul.f32 v57, v58  }
0x6f6: {  	v1 =	vld.idx.msk [tilespmem:v1+s25+$0x0], $0xffff  }
0x6f7: {  	v2 =	vadd.f32 v3, v2;
	v3 =	vmul.f32 v59, v60;
	_ =	sdelay $0x1  }
0x6f8: {  	v2 =	vadd.f32 v3, v2;
	v3 =	vmul.f32 v61, v62;
	_ =	sdelay $0x1  }
0x6f9: {  	v1 =	vmul.f32 v1, v63;
	v2 =	vadd.f32 v3, v2;
	_ =	sdelay $0x1  }
0x6fa: {  	v1 =	vadd.f32 v1, v2;
	_ =	sdelay $0x1  }
0x6fb: {  	v1 =	vsub.f32 $0.0e+00, v1;
	_ =	sdelay $0x1  }
0x6fc: {  	v1 =	vmul.f32 $1.442695020e+00, v1;
	_ =	sdelay $0x1  }
0x6fd: {  	(erf) = vpow2.f32 v1;
	_ =	sdelay $0x8  }
0x6fe: {  	v1 =	vpop (erf)  }
0x6ff: {  	v1 =	vadd.f32 $1.000000000e+00, v1;
	_ =	sdelay $0x1  }
0x700: {  	(erf) = vrcp.f32 v1;
	_ =	sdelay $0x3  }
0x701: {  	s9 =	sadd.s32 $0x1, s9  }
0x702: {  	p1 =	sne.s32 s9, $0x4  }
.Ltmp25:
0x703: {  	_ = 	snop;
	(pc) =	sbr.rel @p1 .LBB2_50-.Ltmp25, $3  }
0x704: {  	_ =	sdelay $0x1  }
0x705: {  	v1 =	vpop (erf)  }
0x706: {  	s10 =	sadd.s32 $0x640, s10;
	[tilespmem:s11+$0x1D968] =	vst v1  }
0x707: {  	s9 =	simm.s32 $0x0;
	s10 =	rddreg [dreg:$0x13]  }
0x708: {  	[tilespmem:s24], [sflag:$0x3] =	stream.linear.gather [hbm4b:s10+s9], $0x2000, $0x38;
	[tilespmem:$0x1DA28] =	vst v63  }
0x709: {  	s18 =	rddreg [dreg:$0x14]  }
0x70a: {  	[tilespmem:s25], [sflag:$0x3] =	stream.linear.gather [hbm4b:s18+s9], $0x2000, $0x38;
	[tilespmem:$0x1DA28] =	vst v63  }
0x70b: {  	_ =	swait.ge [sflag:s31], $0x2000  }
0x70c: {  	[sflag:s31] =	ssyncset.done $0x0  }
0x70d: {  	[sflag:s31] =	ssyncadd.s32 $0xFFFFE000  }
0x70e: {  	_ =	swait.ge [sflag:s31], $0x2000  }
0x70f: {  	[sflag:s31] =	ssyncset.done $0x0  }
0x710: {  	s10 =	simm.s32 $0x14D78;
	[sflag:s31] =	ssyncadd.s32 $0xFFFFE000  }
.LBB2_54:
0x711: {  	s11 =	sshll.u32 s9, $0x4  }
0x712: {  	s16 =	simm.s32 $0x0;
	v1 =	vmov s11  }
0x713: {  	v2 =	vmov s16;
	v1 =	vshll.u32 v1, $0x7  }
0x714: {  	v3 =	vand.u32 $0x80, v2;
	v1 =	vor.u32 v0, v1  }
0x715: {  	v2 =	vand.u32 $0x7E, v2;
	v3 =	vadd.s32 v1, v3  }
0x716: {  	v2 =	vor.u32 v2, v3;
	_ =	sdelay $0x1  }
0x717: {  	s17 =	simm.s32 $0x1  }
0x718: {  	v3 =	vmov s17  }
0x719: {  	v4 =	vand.u32 $0x80, v3  }
0x71a: {  	v3 =	vand.u32 $0x7F, v3;
	v4 =	vadd.s32 v1, v4;
	v2 =	vld.idx.msk [tilespmem:v2+s24+$0x0], $0xffff  }
0x71b: {  	v3 =	vor.u32 v3, v4;
	_ =	sdelay $0x1  }
0x71c: {  	s18 =	simm.s32 $0x2  }
0x71d: {  	v4 =	vmov s18  }
0x71e: {  	[tilespmem:s10+$0xFFFFFFB0] =	vst v2;
	v2 =	vand.u32 $0x180, v4  }
0x71f: {  	v4 =	vand.u32 $0x7E, v4;
	v3 =	vld.idx.msk [tilespmem:v3+s24+$0x0], $0xffff;
	v2 =	vadd.s32 v1, v2  }
0x720: {  	v2 =	vor.u32 v4, v2;
	_ =	sdelay $0x1  }
0x721: {  	s12 =	simm.s32 $0x3  }
0x722: {  	v4 =	vmov s12  }
0x723: {  	[tilespmem:s10+$0xFFFFFFC0] =	vst v3;
	v3 =	vand.u32 $0x180, v4  }
0x724: {  	v4 =	vand.u32 $0x7F, v4;
	v2 =	vld.idx.msk [tilespmem:v2+s24+$0x0], $0xffff;
	v3 =	vadd.s32 v1, v3  }
0x725: {  	v3 =	vor.u32 v4, v3;
	_ =	sdelay $0x1  }
0x726: {  	s13 =	simm.s32 $0x4  }
0x727: {  	v4 =	vmov s13  }
0x728: {  	[tilespmem:s10+$0xFFFFFFD0] =	vst v2;
	v2 =	vand.u32 $0x180, v4  }
0x729: {  	v4 =	vand.u32 $0x7E, v4;
	v3 =	vld.idx.msk [tilespmem:v3+s24+$0x0], $0xffff;
	v2 =	vadd.s32 v1, v2  }
0x72a: {  	v2 =	vor.u32 v4, v2;
	_ =	sdelay $0x1  }
0x72b: {  	s14 =	simm.s32 $0x5  }
0x72c: {  	v4 =	vmov s14  }
0x72d: {  	[tilespmem:s10+$0xFFFFFFE0] =	vst v3;
	v3 =	vand.u32 $0x180, v4  }
0x72e: {  	v4 =	vand.u32 $0x7F, v4;
	v2 =	vld.idx.msk [tilespmem:v2+s24+$0x0], $0xffff;
	v3 =	vadd.s32 v1, v3  }
0x72f: {  	v3 =	vor.u32 v4, v3;
	_ =	sdelay $0x1  }
0x730: {  	s15 =	simm.s32 $0x6  }
0x731: {  	v4 =	vmov s15  }
0x732: {  	[tilespmem:s10+$0xFFFFFFF0] =	vst v2;
	v2 =	vand.u32 $0x180, v4  }
0x733: {  	v4 =	vand.u32 $0x7E, v4;
	v3 =	vld.idx.msk [tilespmem:v3+s24+$0x0], $0xffff;
	v2 =	vadd.s32 v1, v2  }
0x734: {  	v2 =	vor.u32 v4, v2;
	_ =	sdelay $0x1  }
0x735: {  	s16 =	simm.s32 $0x7  }
0x736: {  	v4 =	vmov s16  }
0x737: {  	[tilespmem:s10+$0x0] =	vst v3;
	v3 =	vand.u32 $0x180, v4  }
0x738: {  	v4 =	vand.u32 $0x7F, v4;
	v2 =	vld.idx.msk [tilespmem:v2+s24+$0x0], $0xffff;
	v3 =	vadd.s32 v1, v3  }
0x739: {  	v3 =	vor.u32 v4, v3;
	_ =	sdelay $0x1  }
0x73a: {  	s17 =	simm.s32 $0x8  }
0x73b: {  	v4 =	vmov s17  }
0x73c: {  	[tilespmem:s10+$0x10] =	vst v2;
	v2 =	vand.u32 $0x180, v4  }
0x73d: {  	v4 =	vand.u32 $0x7E, v4;
	v3 =	vld.idx.msk [tilespmem:v3+s24+$0x0], $0xffff;
	v2 =	vadd.s32 v1, v2  }
0x73e: {  	v2 =	vor.u32 v4, v2;
	_ =	sdelay $0x1  }
0x73f: {  	s18 =	simm.s32 $0x9  }
0x740: {  	v4 =	vmov s18  }
0x741: {  	v5 =	vand.u32 $0x180, v4;
	[tilespmem:s10+$0x20] =	vst v3  }
0x742: {  	v3 =	vand.u32 $0x7F, v4;
	v4 =	vadd.s32 v1, v5;
	v2 =	vld.idx.msk [tilespmem:v2+s24+$0x0], $0xffff  }
0x743: {  	v3 =	vor.u32 v3, v4;
	_ =	sdelay $0x1  }
0x744: {  	s11 =	simm.s32 $0x13  }
0x745: {  	s12 =	smov.u32 s10;
	s13 =	simm.s32 $0x1D;
	s14 =	simm.s32 $0xA  }
.LBB2_55:
0x746: {  	p1 =	sne.s32 s13, $0x63;
	v4 =	vmov s14;
	[tilespmem:s12+$0x30] =	vst v2  }
0x747: {  	v2 =	vand.u32 $0x80, v4;
	v3 =	vld.idx.msk [tilespmem:v3+s24+$0x0], $0xffff  }
0x748: {  	v4 =	vand.u32 $0x7E, v4;
	v2 =	vadd.s32 v1, v2  }
0x749: {  	v2 =	vor.u32 v4, v2;
	_ =	sdelay $0x2  }
0x74a: {  	s14 =	sadd.s32 $0xFFFFFFF8, s11  }
0x74b: {  	v4 =	vmov s14;
	[tilespmem:s12+$0x40] =	vst v3  }
0x74c: {  	v3 =	vand.u32 $0x80, v4;
	v2 =	vld.idx.msk [tilespmem:v2+s24+$0x0], $0xffff  }
0x74d: {  	v4 =	vand.u32 $0x7F, v4;
	v3 =	vadd.s32 v1, v3  }
0x74e: {  	v3 =	vor.u32 v4, v3;
	_ =	sdelay $0x2  }
0x74f: {  	s14 =	sadd.s32 $0xFFFFFFF9, s11;
	s12 =	sadd.s32 $0xA0, s12  }
0x750: {  	[tilespmem:s12+$0xFFFFFFB0] =	vst v2;
	v2 =	vmov s14  }
0x751: {  	v3 =	vld.idx.msk [tilespmem:v3+s24+$0x0], $0xffff;
	v4 =	vand.u32 $0x180, v2  }
0x752: {  	v2 =	vand.u32 $0x7E, v2;
	v4 =	vadd.s32 v1, v4  }
0x753: {  	v2 =	vor.u32 v2, v4;
	_ =	sdelay $0x2  }
0x754: {  	s14 =	sadd.s32 $0xFFFFFFFA, s11  }
0x755: {  	[tilespmem:s12+$0xFFFFFFC0] =	vst v3;
	v3 =	vmov s14  }
0x756: {  	v2 =	vld.idx.msk [tilespmem:v2+s24+$0x0], $0xffff;
	v4 =	vand.u32 $0x180, v3  }
0x757: {  	v3 =	vand.u32 $0x7F, v3;
	v4 =	vadd.s32 v1, v4  }
0x758: {  	v3 =	vor.u32 v3, v4;
	_ =	sdelay $0x2  }
0x759: {  	s14 =	sadd.s32 $0xFFFFFFFB, s11  }
0x75a: {  	[tilespmem:s12+$0xFFFFFFD0] =	vst v2;
	v2 =	vmov s14  }
0x75b: {  	v3 =	vld.idx.msk [tilespmem:v3+s24+$0x0], $0xffff;
	v4 =	vand.u32 $0x180, v2  }
0x75c: {  	v2 =	vand.u32 $0x7E, v2;
	v4 =	vadd.s32 v1, v4  }
0x75d: {  	v2 =	vor.u32 v2, v4;
	_ =	sdelay $0x2  }
0x75e: {  	s14 =	sadd.s32 $0xFFFFFFFC, s11  }
0x75f: {  	[tilespmem:s12+$0xFFFFFFE0] =	vst v3;
	v3 =	vmov s14  }
0x760: {  	v2 =	vld.idx.msk [tilespmem:v2+s24+$0x0], $0xffff;
	v4 =	vand.u32 $0x180, v3  }
0x761: {  	v3 =	vand.u32 $0x7F, v3;
	v4 =	vadd.s32 v1, v4  }
0x762: {  	v3 =	vor.u32 v3, v4;
	_ =	sdelay $0x2  }
0x763: {  	s14 =	sadd.s32 $0xFFFFFFFD, s11  }
0x764: {  	[tilespmem:s12+$0xFFFFFFF0] =	vst v2;
	v2 =	vmov s14  }
0x765: {  	v3 =	vld.idx.msk [tilespmem:v3+s24+$0x0], $0xffff;
	v4 =	vand.u32 $0x180, v2  }
0x766: {  	v2 =	vand.u32 $0x7E, v2;
	v4 =	vadd.s32 v1, v4  }
0x767: {  	v2 =	vor.u32 v2, v4;
	_ =	sdelay $0x2  }
0x768: {  	s14 =	sadd.s32 $0xFFFFFFFE, s11  }
0x769: {  	[tilespmem:s12+$0x0] =	vst v3;
	v3 =	vmov s14  }
0x76a: {  	v2 =	vld.idx.msk [tilespmem:v2+s24+$0x0], $0xffff;
	v4 =	vand.u32 $0x180, v3  }
0x76b: {  	v3 =	vand.u32 $0x7F, v3;
	v4 =	vadd.s32 v1, v4  }
0x76c: {  	v3 =	vor.u32 v3, v4;
	_ =	sdelay $0x2  }
0x76d: {  	s14 =	sadd.s32 $0xFFFFFFFF, s11  }
0x76e: {  	[tilespmem:s12+$0x10] =	vst v2;
	v2 =	vmov s14  }
0x76f: {  	v3 =	vld.idx.msk [tilespmem:v3+s24+$0x0], $0xffff;
	v4 =	vand.u32 $0x180, v2  }
0x770: {  	v2 =	vand.u32 $0x7E, v2;
	v4 =	vadd.s32 v1, v4  }
0x771: {  	v2 =	vor.u32 v2, v4;
	_ =	sdelay $0x3  }
0x772: {  	[tilespmem:s12+$0x20] =	vst v3;
	v3 =	vmov s11;
	s11 =	smov.u32 s13  }
0x773: {  	v2 =	vld.idx.msk [tilespmem:v2+s24+$0x0], $0xffff;
	v4 =	vand.u32 $0x180, v3  }
.Ltmp26:
0x774: {  	v3 =	vand.u32 $0x7F, v3;
	v4 =	vadd.s32 v1, v4;
	(pc) =	sbr.rel @p1 .LBB2_55-.Ltmp26, $2  }
0x775: {  	v3 =	vor.u32 v3, v4;
	_ =	sdelay $0x2  }
0x776: {  	s13 =	sadd.s32 $0xA, s13;
	s14 =	sadd.s32 $0xFFFFFFF7, s11  }
0x777: {  	_ =	sdelay $0x1  }
0x778: {  	v4 =	vmov s14  }
0x779: {  	[tilespmem:s12+$0x30] =	vst v2;
	v2 =	vand.u32 $0x80, v4  }
0x77a: {  	v3 =	vld.idx.msk [tilespmem:v3+s24+$0x0], $0xffff;
	v4 =	vand.u32 $0x7E, v4;
	v2 =	vadd.s32 v1, v2  }
0x77b: {  	v2 =	vor.u32 v4, v2;
	_ =	sdelay $0x1  }
0x77c: {  	s13 =	sadd.s32 $0xFFFFFFF8, s11  }
0x77d: {  	v55 =	vmov s13  }
0x77e: {  	[tilespmem:s12+$0x40] =	vst v3;
	v3 =	vand.u32 $0x80, v55  }
0x77f: {  	v4 =	vand.u32 $0x7F, v55;
	v3 =	vadd.s32 v1, v3;
	v2 =	vld.idx.msk [tilespmem:v2+s24+$0x0], $0xffff  }
0x780: {  	v3 =	vor.u32 v4, v3;
	_ =	sdelay $0x1  }
0x781: {  	s17 =	sadd.s32 $0xFFFFFFF9, s11  }
0x782: {  	v56 =	vmov s17;
	s12 =	sadd.s32 $0xA0, s12  }
0x783: {  	[tilespmem:s12+$0xFFFFFFB0] =	vst v2;
	v2 =	vand.u32 $0x180, v56  }
0x784: {  	v4 =	vand.u32 $0x7E, v56;
	v3 =	vld.idx.msk [tilespmem:v3+s24+$0x0], $0xffff;
	v2 =	vadd.s32 v1, v2  }
0x785: {  	v2 =	vor.u32 v4, v2;
	_ =	sdelay $0x1  }
0x786: {  	s18 =	sadd.s32 $0xFFFFFFFA, s11  }
0x787: {  	v57 =	vmov s18  }
0x788: {  	[tilespmem:s12+$0xFFFFFFC0] =	vst v3;
	v3 =	vand.u32 $0x180, v57  }
0x789: {  	v4 =	vand.u32 $0x7F, v57;
	v2 =	vld.idx.msk [tilespmem:v2+s24+$0x0], $0xffff;
	v3 =	vadd.s32 v1, v3  }
0x78a: {  	v3 =	vor.u32 v4, v3;
	_ =	sdelay $0x1  }
0x78b: {  	s14 =	sadd.s32 $0xFFFFFFFB, s11  }
0x78c: {  	v58 =	vmov s14  }
0x78d: {  	[tilespmem:s12+$0xFFFFFFD0] =	vst v2;
	v2 =	vand.u32 $0x180, v58  }
0x78e: {  	v4 =	vand.u32 $0x7E, v58;
	v3 =	vld.idx.msk [tilespmem:v3+s24+$0x0], $0xffff;
	v2 =	vadd.s32 v1, v2  }
0x78f: {  	v2 =	vor.u32 v4, v2;
	_ =	sdelay $0x1  }
0x790: {  	s15 =	sadd.s32 $0xFFFFFFFC, s11  }
0x791: {  	v59 =	vmov s15  }
0x792: {  	[tilespmem:s12+$0xFFFFFFE0] =	vst v3;
	v3 =	vand.u32 $0x180, v59  }
0x793: {  	v4 =	vand.u32 $0x7F, v59;
	v2 =	vld.idx.msk [tilespmem:v2+s24+$0x0], $0xffff;
	v3 =	vadd.s32 v1, v3  }
0x794: {  	v3 =	vor.u32 v4, v3;
	_ =	sdelay $0x1  }
0x795: {  	s16 =	sadd.s32 $0xFFFFFFFD, s11  }
0x796: {  	v60 =	vmov s16  }
0x797: {  	[tilespmem:s12+$0xFFFFFFF0] =	vst v2;
	v2 =	vand.u32 $0x180, v60  }
0x798: {  	v4 =	vand.u32 $0x7E, v60;
	v3 =	vld.idx.msk [tilespmem:v3+s24+$0x0], $0xffff;
	v2 =	vadd.s32 v1, v2  }
0x799: {  	v2 =	vor.u32 v4, v2;
	_ =	sdelay $0x1  }
0x79a: {  	s17 =	sadd.s32 $0xFFFFFFFE, s11  }
0x79b: {  	v61 =	vmov s17  }
0x79c: {  	[tilespmem:s12+$0x0] =	vst v3;
	v3 =	vand.u32 $0x180, v61  }
0x79d: {  	v4 =	vand.u32 $0x7F, v61;
	v2 =	vld.idx.msk [tilespmem:v2+s24+$0x0], $0xffff;
	v3 =	vadd.s32 v1, v3  }
0x79e: {  	v3 =	vor.u32 v4, v3;
	_ =	sdelay $0x1  }
0x79f: {  	s18 =	sadd.s32 $0xFFFFFFFF, s11  }
0x7a0: {  	v62 =	vmov s18  }
0x7a1: {  	[tilespmem:s12+$0x10] =	vst v2;
	v2 =	vand.u32 $0x180, v62  }
0x7a2: {  	v4 =	vand.u32 $0x7E, v62;
	v3 =	vld.idx.msk [tilespmem:v3+s24+$0x0], $0xffff;
	v2 =	vadd.s32 v1, v2  }
0x7a3: {  	v2 =	vor.u32 v4, v2;
	_ =	sdelay $0x2  }
0x7a4: {  	v63 =	vmov s11  }
0x7a5: {  	[tilespmem:s12+$0x20] =	vst v3;
	v3 =	vand.u32 $0x180, v63  }
0x7a6: {  	v4 =	vand.u32 $0x7F, v63;
	v2 =	vld.idx.msk [tilespmem:v2+s24+$0x0], $0xffff;
	v1 =	vadd.s32 v1, v3  }
0x7a7: {  	v1 =	vor.u32 v4, v1;
	_ =	sdelay $0x3  }
0x7a8: {  	s9 =	sadd.s32 $0x1, s9;
	[tilespmem:s12+$0x30] =	vst v2  }
0x7a9: {  	p1 =	sne.s32 s9, $0x4;
	v1 =	vld.idx.msk [tilespmem:v1+s24+$0x0], $0xffff  }
.Ltmp27:
0x7aa: {  	_ = 	snop;
	(pc) =	sbr.rel @p1 .LBB2_54-.Ltmp27, $2  }
0x7ab: {  	_ =	sdelay $0x2  }
0x7ac: {  	s10 =	sadd.s32 $0x640, s10;
	[tilespmem:s12+$0x40] =	vst v1  }
0x7ad: {  	[tilespmem:s1], [sflag:$0x6] =	stream.indirect.gather [spmem:s2], $0x1, s0, s28, $0xb8;
	[tilespmem:$0x1DA28] =	vst v63  }
0x7ae: {  	_ =	swait.ge [sflag:s6], $0x1900  }
0x7af: {  	[sflag:s6] =	ssyncset.done $0x0  }
0x7b0: {  	s9 =	simm.s32 $0x0;
	s10 =	simm.s32 $0x16678;
	[sflag:s6] =	ssyncadd.s32 $0xFFFFE700  }
.LBB2_58:
0x7b1: {  	s11 =	sshll.u32 s9, $0x4  }
0x7b2: {  	s12 =	simm.s32 $0x0;
	v1 =	vmov s11  }
0x7b3: {  	v2 =	vmov s12;
	v1 =	vshll.u32 v1, $0x7  }
0x7b4: {  	s16 =	simm.s32 $0x1;
	v3 =	vand.u32 $0x80, v2;
	v1 =	vor.u32 v0, v1  }
0x7b5: {  	v4 =	vmov s16;
	v2 =	vand.u32 $0x7E, v2;
	v3 =	vadd.s32 v1, v3  }
0x7b6: {  	s17 =	simm.s32 $0x2;
	v2 =	vor.u32 v2, v3;
	v3 =	vand.u32 $0x80, v4  }
0x7b7: {  	v5 =	vmov s17;
	v4 =	vand.u32 $0x7F, v4;
	v3 =	vadd.s32 v1, v3  }
0x7b8: {  	s18 =	simm.s32 $0x3;
	v3 =	vor.u32 v4, v3;
	v4 =	vand.u32 $0x180, v5  }
0x7b9: {  	v6 =	vmov s18;
	v5 =	vand.u32 $0x7E, v5;
	v4 =	vadd.s32 v1, v4  }
0x7ba: {  	s13 =	simm.s32 $0x4;
	v4 =	vor.u32 v5, v4;
	v5 =	vand.u32 $0x180, v6  }
0x7bb: {  	v9 =	vld [tilespmem:s10+$0xFFFFFFB0];
	v7 =	vmov s13;
	v6 =	vand.u32 $0x7F, v6;
	v5 =	vadd.s32 v1, v5  }
0x7bc: {  	s14 =	simm.s32 $0x5;
	v2 =	vld.idx.msk [tilespmem:v2+s23+$0x0], $0xffff;
	v5 =	vor.u32 v6, v5;
	v6 =	vand.u32 $0x180, v7  }
0x7bd: {  	v10 =	vmov s14;
	v7 =	vand.u32 $0x7E, v7;
	v6 =	vadd.s32 v1, v6  }
0x7be: {  	v11 =	vld [tilespmem:s10+$0xFFFFFFC0];
	s13 =	simm.s32 $0x6;
	v6 =	vor.u32 v7, v6;
	v7 =	vand.u32 $0x180, v10  }
0x7bf: {  	v13 =	vmov s13;
	v3 =	vld.idx.msk [tilespmem:v3+s23+$0x0], $0xffff;
	v10 =	vand.u32 $0x7F, v10;
	v7 =	vadd.s32 v1, v7  }
0x7c0: {  	v8 =	vimm.f32 $0.0e+00;
	v14 =	vld [tilespmem:s10+$0xFFFFFFD0];
	v7 =	vor.u32 v10, v7;
	v10 =	vand.u32 $0x180, v13  }
0x7c1: {  	s15 =	simm.s32 $0x8;
	s16 =	simm.s32 $0x7;
	v4 =	vld.idx.msk [tilespmem:v4+s23+$0x0], $0xffff;
	v2 =	vmul.f32 v2, v9;
	v9 =	vand.u32 $0x7E, v13;
	v10 =	vadd.s32 v1, v10  }
0x7c2: {  	v12 =	vmov s15;
	v15 =	vmov s16;
	v13 =	vld [tilespmem:s10+$0xFFFFFFE0];
	v9 =	vor.u32 v9, v10  }
0x7c3: {  	v5 =	vld.idx.msk [tilespmem:v5+s23+$0x0], $0xffff;
	v10 =	vand.u32 $0x180, v15;
	v15 =	vand.u32 $0x7F, v15;
	v2 =	vadd.f32 v2, v8  }
0x7c4: {  	s17 =	simm.s32 $0x9;
	v3 =	vmul.f32 v3, v11;
	v8 =	vand.u32 $0x180, v12;
	v16 =	vld.idx.msk [tilespmem:v6+s23+$0x0], $0xffff;
	v6 =	vadd.s32 v1, v10  }
0x7c5: {  	v17 =	vld [tilespmem:s10+$0xFFFFFFF0];
	v11 =	vand.u32 $0x7E, v12;
	v10 =	vmov s17;
	v18 =	vor.u32 v15, v6  }
0x7c6: {  	v2 =	vadd.f32 v3, v2;
	v3 =	vmul.f32 v4, v14;
	v4 =	vadd.s32 v1, v8;
	v8 =	vld [tilespmem:s10+$0x0]  }
0x7c7: {  	v14 =	vand.u32 $0x7F, v10;
	v6 =	vld.idx.msk [tilespmem:v7+s23+$0x0], $0xffff;
	v7 =	vand.u32 $0x180, v10;
	v12 =	vor.u32 v11, v4  }
0x7c8: {  	v10 =	vld [tilespmem:s10+$0x10];
	v3 =	vadd.f32 v3, v2;
	v13 =	vmul.f32 v5, v13;
	v2 =	vadd.s32 v1, v7  }
0x7c9: {  	s14 =	simm.s32 $0xD;
	v5 =	vld.idx.msk [tilespmem:v9+s23+$0x0], $0xffff;
	v11 =	vor.u32 v14, v2  }
0x7ca: {  	s12 =	simm.s32 $0x13;
	s18 =	simm.s32 $0xC;
	s16 =	simm.s32 $0xE;
	v4 =	vmov s14;
	v14 =	vadd.f32 v13, v3;
	v15 =	vmul.f32 v16, v17;
	v13 =	vld [tilespmem:s10+$0x20]  }
0x7cb: {  	s15 =	simm.s32 $0xA;
	s13 =	smov.u32 s10;
	s14 =	simm.s32 $0x1D;
	v7 =	vmov s18;
	v2 =	vmov s12;
	v3 =	vmov s16;
	v9 =	vld.idx.msk [tilespmem:v18+s23+$0x0], $0xffff  }
.LBB2_59:
0x7cc: {  	p1 =	sne.s32 s14, $0x63;
	v16 =	vmov s15;
	s15 =	sadd.s32 $0xFFFFFFF8, s12;
	v14 =	vadd.f32 v15, v14;
	v6 =	vmul.f32 v6, v8;
	v8 =	vld.idx.msk [tilespmem:v12+s23+$0x0], $0xffff  }
0x7cd: {  	v12 =	vand.u32 $0x80, v16;
	v15 =	vand.u32 $0x7E, v16;
	v16 =	vmov s15;
	v17 =	vld [tilespmem:s13+$0x30]  }
0x7ce: {  	v12 =	vadd.s32 v1, v12;
	v6 =	vadd.f32 v6, v14;
	v5 =	vmul.f32 v5, v10;
	v10 =	vld.idx.msk [tilespmem:v11+s23+$0x0], $0xffff  }
0x7cf: {  	v14 =	vand.u32 $0x7F, v16;
	v11 =	vor.u32 v15, v12;
	v12 =	vand.u32 $0x80, v16;
	v15 =	vld [tilespmem:s13+$0x40]  }
0x7d0: {  	v12 =	vadd.s32 v1, v12;
	v5 =	vadd.f32 v5, v6;
	v6 =	vmul.f32 v9, v13  }
0x7d1: {  	v9 =	vor.u32 v14, v12;
	v12 =	vand.u32 $0x180, v7;
	v7 =	vand.u32 $0x7E, v7  }
0x7d2: {  	v12 =	vadd.s32 v1, v12;
	v5 =	vadd.f32 v6, v5;
	v6 =	vmul.f32 v8, v17  }
0x7d3: {  	v8 =	vand.u32 $0x180, v4;
	v4 =	vand.u32 $0x7F, v4;
	v7 =	vor.u32 v7, v12  }
0x7d4: {  	s15 =	sadd.s32 $0xFFFFFFFC, s12;
	s13 =	sadd.s32 $0xA0, s13;
	v8 =	vadd.s32 v1, v8;
	v11 =	vld.idx.msk [tilespmem:v11+s23+$0x0], $0xffff;
	v5 =	vadd.f32 v6, v5;
	v6 =	vmul.f32 v10, v15  }
0x7d5: {  	v12 =	vmov s15;
	v4 =	vor.u32 v4, v8;
	v8 =	vand.u32 $0x180, v3;
	v10 =	vld [tilespmem:s13+$0xFFFFFFB0]  }
0x7d6: {  	s15 =	sadd.s32 $0xFFFFFFFF, s12;
	v3 =	vand.u32 $0x7E, v3;
	v8 =	vadd.s32 v1, v8;
	v9 =	vld.idx.msk [tilespmem:v9+s23+$0x0], $0xffff;
	v5 =	vadd.f32 v6, v5  }
0x7d7: {  	s16 =	sadd.s32 $0xFFFFFFFD, s12;
	v13 =	vmov s15;
	v3 =	vor.u32 v3, v8;
	v8 =	vand.u32 $0x180, v12;
	v6 =	vld [tilespmem:s13+$0xFFFFFFC0]  }
0x7d8: {  	v14 =	vmov s16;
	s15 =	sadd.s32 $0xFFFFFFFE, s12;
	s12 =	smov.u32 s14;
	v12 =	vand.u32 $0x7F, v12;
	v8 =	vadd.s32 v1, v8;
	v7 =	vld.idx.msk [tilespmem:v7+s23+$0x0], $0xffff  }
0x7d9: {  	v16 =	vmov s15;
	v8 =	vor.u32 v12, v8;
	v12 =	vand.u32 $0x180, v14;
	v15 =	vld [tilespmem:s13+$0xFFFFFFD0]  }
0x7da: {  	v12 =	vadd.s32 v1, v12;
	v10 =	vmul.f32 v11, v10;
	v4 =	vld.idx.msk [tilespmem:v4+s23+$0x0], $0xffff;
	v11 =	vand.u32 $0x7E, v14  }
0x7db: {  	v14 =	vld [tilespmem:s13+$0xFFFFFFE0];
	v11 =	vor.u32 v11, v12;
	v12 =	vand.u32 $0x180, v16;
	v16 =	vand.u32 $0x7F, v16  }
0x7dc: {  	v5 =	vadd.f32 v10, v5;
	v6 =	vmul.f32 v9, v6;
	v3 =	vld.idx.msk [tilespmem:v3+s23+$0x0], $0xffff;
	v9 =	vadd.s32 v1, v12  }
0x7dd: {  	v10 =	vand.u32 $0x180, v13;
	v12 =	vand.u32 $0x7E, v13;
	v17 =	vld [tilespmem:s13+$0xFFFFFFF0];
	v9 =	vor.u32 v16, v9  }
0x7de: {  	v10 =	vadd.s32 v1, v10;
	v5 =	vadd.f32 v6, v5;
	v7 =	vmul.f32 v7, v15;
	v6 =	vld.idx.msk [tilespmem:v8+s23+$0x0], $0xffff  }
.Ltmp28:
0x7df: {  	v12 =	vor.u32 v12, v10;
	v10 =	vand.u32 $0x180, v2;
	v2 =	vand.u32 $0x7F, v2;
	v8 =	vld [tilespmem:s13+$0x0];
	(pc) =	sbr.rel @p1 .LBB2_59-.Ltmp28, $4  }
0x7e0: {  	v7 =	vadd.f32 v7, v5;
	v4 =	vmul.f32 v4, v14;
	v5 =	vld.idx.msk [tilespmem:v11+s23+$0x0], $0xffff;
	v11 =	vadd.s32 v1, v10  }
0x7e1: {  	v10 =	vld [tilespmem:s13+$0x10];
	v11 =	vor.u32 v2, v11  }
0x7e2: {  	s17 =	sadd.s32 $0xFFFFFFFA, s14;
	s18 =	sadd.s32 $0xFFFFFFFB, s14;
	s16 =	sadd.s32 $0xFFFFFFF9, s14;
	v2 =	vmov s14;
	v14 =	vadd.f32 v4, v7;
	v15 =	vmul.f32 v3, v17;
	v9 =	vld.idx.msk [tilespmem:v9+s23+$0x0], $0xffff  }
0x7e3: {  	s15 =	sadd.s32 $0xFFFFFFF7, s12;
	s14 =	sadd.s32 $0xA, s14;
	v7 =	vmov s16;
	v4 =	vmov s17;
	v3 =	vmov s18;
	v13 =	vld [tilespmem:s13+$0x20]  }
0x7e4: {  	_ = 	snop  }
0x7e5: {  	v16 =	vmov s15  }
0x7e6: {  	v14 =	vadd.f32 v15, v14;
	v6 =	vmul.f32 v6, v8;
	v30 =	vand.u32 $0x180, v7  }
0x7e7: {  	s14 =	sadd.s32 $0xFFFFFFF8, s12;
	v31 =	vand.u32 $0x7E, v7;
	v33 =	vand.u32 $0x180, v4;
	v20 =	vand.u32 $0x80, v16  }
0x7e8: {  	v63 =	vld.idx.msk [tilespmem:v12+s23+$0x0], $0xffff;
	v21 =	vand.u32 $0x7E, v16;
	v22 =	vmov s14;
	v12 =	vadd.s32 v1, v20  }
0x7e9: {  	v34 =	vand.u32 $0x7F, v4;
	v25 =	vand.u32 $0x80, v22;
	v24 =	vor.u32 v21, v12  }
0x7ea: {  	v17 =	vld [tilespmem:s13+$0x30];
	v37 =	vand.u32 $0x180, v3;
	v26 =	vand.u32 $0x7F, v22;
	v12 =	vadd.s32 v1, v25  }
0x7eb: {  	v23 =	vld.idx.msk [tilespmem:v11+s23+$0x0], $0xffff;
	v6 =	vadd.f32 v6, v14;
	v5 =	vmul.f32 v5, v10;
	v29 =	vor.u32 v26, v12  }
0x7ec: {  	v27 =	vld [tilespmem:s13+$0x40];
	s13 =	sadd.s32 $0xA0, s13;
	v3 =	vand.u32 $0x7E, v3;
	v8 =	vadd.s32 v1, v33;
	v12 =	vadd.s32 v1, v30  }
0x7ed: {  	s15 =	sadd.s32 $0xFFFFFFFC, s12;
	s16 =	sadd.s32 $0xFFFFFFFF, s12;
	s17 =	sadd.s32 $0xFFFFFFFD, s12;
	v36 =	vld [tilespmem:s13+$0xFFFFFFB0];
	v5 =	vadd.f32 v5, v6;
	v28 =	vmul.f32 v9, v13;
	v7 =	vor.u32 v31, v12  }
0x7ee: {  	v38 =	vmov s15;
	v41 =	vmov s16;
	v42 =	vmov s17;
	v11 =	vld.idx.msk [tilespmem:v24+s23+$0x0], $0xffff  }
0x7ef: {  	s18 =	sadd.s32 $0xFFFFFFFE, s12;
	v39 =	vld [tilespmem:s13+$0xFFFFFFC0];
	v4 =	vor.u32 v34, v8;
	v32 =	vmul.f32 v63, v17;
	v5 =	vadd.f32 v28, v5  }
0x7f0: {  	v45 =	vmov s18;
	v8 =	vadd.s32 v1, v37;
	v40 =	vand.u32 $0x180, v38;
	v9 =	vld.idx.msk [tilespmem:v29+s23+$0x0], $0xffff  }
0x7f1: {  	v43 =	vld [tilespmem:s13+$0xFFFFFFD0];
	v3 =	vor.u32 v3, v8;
	v35 =	vmul.f32 v23, v27;
	v5 =	vadd.f32 v32, v5  }
0x7f2: {  	v44 =	vand.u32 $0x180, v42;
	v8 =	vadd.s32 v1, v40;
	v12 =	vand.u32 $0x7F, v38;
	v7 =	vld.idx.msk [tilespmem:v7+s23+$0x0], $0xffff  }
0x7f3: {  	v47 =	vld [tilespmem:s13+$0xFFFFFFE0];
	v8 =	vor.u32 v12, v8;
	v5 =	vadd.f32 v35, v5;
	v10 =	vmul.f32 v11, v36  }
0x7f4: {  	v46 =	vand.u32 $0x7E, v42;
	v48 =	vand.u32 $0x180, v45;
	v12 =	vadd.s32 v1, v44;
	v4 =	vld.idx.msk [tilespmem:v4+s23+$0x0], $0xffff  }
0x7f5: {  	v50 =	vld [tilespmem:s13+$0xFFFFFFF0];
	v11 =	vor.u32 v46, v12;
	v6 =	vmul.f32 v9, v39;
	v5 =	vadd.f32 v10, v5  }
0x7f6: {  	v16 =	vand.u32 $0x7F, v45;
	v51 =	vand.u32 $0x180, v41;
	v49 =	vadd.s32 v1, v48;
	v3 =	vld.idx.msk [tilespmem:v3+s23+$0x0], $0xffff  }
0x7f7: {  	v55 =	vld [tilespmem:s13+$0x0];
	v9 =	vor.u32 v16, v49;
	v52 =	vmul.f32 v7, v43;
	v5 =	vadd.f32 v6, v5  }
0x7f8: {  	v56 =	vand.u32 $0x180, v2;
	v54 =	vadd.s32 v1, v51;
	v13 =	vand.u32 $0x7E, v41;
	v53 =	vld.idx.msk [tilespmem:v8+s23+$0x0], $0xffff  }
0x7f9: {  	v58 =	vld [tilespmem:s13+$0x10];
	v8 =	vor.u32 v13, v54;
	v4 =	vmul.f32 v4, v47;
	v5 =	vadd.f32 v52, v5  }
0x7fa: {  	v2 =	vand.u32 $0x7F, v2;
	v1 =	vadd.s32 v1, v56;
	v57 =	vld.idx.msk [tilespmem:v11+s23+$0x0], $0xffff  }
0x7fb: {  	v60 =	vld [tilespmem:s13+$0x20];
	v1 =	vor.u32 v2, v1;
	v3 =	vmul.f32 v3, v50;
	v2 =	vadd.f32 v4, v5  }
0x7fc: {  	v59 =	vld.idx.msk [tilespmem:v9+s23+$0x0], $0xffff  }
0x7fd: {  	v62 =	vld [tilespmem:s13+$0x30];
	v2 =	vadd.f32 v3, v2;
	v3 =	vmul.f32 v53, v55  }
0x7fe: {  	v61 =	vld.idx.msk [tilespmem:v8+s23+$0x0], $0xffff  }
0x7ff: {  	v63 =	vld [tilespmem:s13+$0x40];
	v2 =	vadd.f32 v3, v2;
	v3 =	vmul.f32 v57, v58  }
0x800: {  	v1 =	vld.idx.msk [tilespmem:v1+s23+$0x0], $0xffff  }
0x801: {  	v2 =	vadd.f32 v3, v2;
	v3 =	vmul.f32 v59, v60;
	_ =	sdelay $0x1  }
0x802: {  	v2 =	vadd.f32 v3, v2;
	v3 =	vmul.f32 v61, v62;
	_ =	sdelay $0x1  }
0x803: {  	v1 =	vmul.f32 v1, v63;
	v2 =	vadd.f32 v3, v2;
	_ =	sdelay $0x1  }
0x804: {  	v1 =	vadd.f32 v1, v2;
	_ =	sdelay $0x1  }
0x805: {  	v1 =	vsub.f32 $0.0e+00, v1;
	_ =	sdelay $0x1  }
0x806: {  	v1 =	vmul.f32 $1.442695020e+00, v1;
	_ =	sdelay $0x1  }
0x807: {  	(erf) = vpow2.f32 v1;
	_ =	sdelay $0x8  }
0x808: {  	v1 =	vpop (erf)  }
0x809: {  	v1 =	vadd.f32 $1.000000000e+00, v1;
	_ =	sdelay $0x1  }
0x80a: {  	(erf) = vrcp.f32 v1;
	_ =	sdelay $0x3  }
0x80b: {  	s9 =	sadd.s32 $0x1, s9  }
0x80c: {  	p1 =	sne.s32 s9, $0x4  }
.Ltmp29:
0x80d: {  	_ = 	snop;
	(pc) =	sbr.rel @p1 .LBB2_58-.Ltmp29, $3  }
0x80e: {  	_ =	sdelay $0x1  }
0x80f: {  	v1 =	vpop (erf)  }
0x810: {  	s10 =	sadd.s32 $0x640, s10;
	[tilespmem:s11+$0x1D9A8] =	vst v1  }
0x811: {  	_ =	swait.ge [sflag:s5], $0x1900  }
0x812: {  	[sflag:s5] =	ssyncset.done $0x0  }
0x813: {  	s9 =	simm.s32 $0x0;
	s10 =	simm.s32 $0x17F78;
	[sflag:s5] =	ssyncadd.s32 $0xFFFFE700  }
.LBB2_62:
0x814: {  	s11 =	sshll.u32 s9, $0x4  }
0x815: {  	s12 =	simm.s32 $0x0;
	v1 =	vmov s11  }
0x816: {  	v2 =	vmov s12;
	v1 =	vshll.u32 v1, $0x7  }
0x817: {  	s16 =	simm.s32 $0x1;
	v3 =	vand.u32 $0x80, v2;
	v1 =	vor.u32 v0, v1  }
0x818: {  	v4 =	vmov s16;
	v2 =	vand.u32 $0x7E, v2;
	v3 =	vadd.s32 v1, v3  }
0x819: {  	s17 =	simm.s32 $0x2;
	v2 =	vor.u32 v2, v3;
	v3 =	vand.u32 $0x80, v4  }
0x81a: {  	v5 =	vmov s17;
	v4 =	vand.u32 $0x7F, v4;
	v3 =	vadd.s32 v1, v3  }
0x81b: {  	s18 =	simm.s32 $0x3;
	v3 =	vor.u32 v4, v3;
	v4 =	vand.u32 $0x180, v5  }
0x81c: {  	v6 =	vmov s18;
	v5 =	vand.u32 $0x7E, v5;
	v4 =	vadd.s32 v1, v4  }
0x81d: {  	s13 =	simm.s32 $0x4;
	v4 =	vor.u32 v5, v4;
	v5 =	vand.u32 $0x180, v6  }
0x81e: {  	v9 =	vld [tilespmem:s10+$0xFFFFFFB0];
	v7 =	vmov s13;
	v6 =	vand.u32 $0x7F, v6;
	v5 =	vadd.s32 v1, v5  }
0x81f: {  	s14 =	simm.s32 $0x5;
	v2 =	vld.idx.msk [tilespmem:v2+s25+$0x0], $0xffff;
	v5 =	vor.u32 v6, v5;
	v6 =	vand.u32 $0x180, v7  }
0x820: {  	v10 =	vmov s14;
	v7 =	vand.u32 $0x7E, v7;
	v6 =	vadd.s32 v1, v6  }
0x821: {  	v11 =	vld [tilespmem:s10+$0xFFFFFFC0];
	s13 =	simm.s32 $0x6;
	v6 =	vor.u32 v7, v6;
	v7 =	vand.u32 $0x180, v10  }
0x822: {  	v13 =	vmov s13;
	v3 =	vld.idx.msk [tilespmem:v3+s25+$0x0], $0xffff;
	v10 =	vand.u32 $0x7F, v10;
	v7 =	vadd.s32 v1, v7  }
0x823: {  	v8 =	vimm.f32 $0.0e+00;
	v14 =	vld [tilespmem:s10+$0xFFFFFFD0];
	v7 =	vor.u32 v10, v7;
	v10 =	vand.u32 $0x180, v13  }
0x824: {  	s15 =	simm.s32 $0x8;
	s16 =	simm.s32 $0x7;
	v4 =	vld.idx.msk [tilespmem:v4+s25+$0x0], $0xffff;
	v2 =	vmul.f32 v2, v9;
	v9 =	vand.u32 $0x7E, v13;
	v10 =	vadd.s32 v1, v10  }
0x825: {  	v12 =	vmov s15;
	v15 =	vmov s16;
	v13 =	vld [tilespmem:s10+$0xFFFFFFE0];
	v9 =	vor.u32 v9, v10  }
0x826: {  	v5 =	vld.idx.msk [tilespmem:v5+s25+$0x0], $0xffff;
	v10 =	vand.u32 $0x180, v15;
	v15 =	vand.u32 $0x7F, v15;
	v2 =	vadd.f32 v2, v8  }
0x827: {  	s17 =	simm.s32 $0x9;
	v3 =	vmul.f32 v3, v11;
	v8 =	vand.u32 $0x180, v12;
	v16 =	vld.idx.msk [tilespmem:v6+s25+$0x0], $0xffff;
	v6 =	vadd.s32 v1, v10  }
0x828: {  	v17 =	vld [tilespmem:s10+$0xFFFFFFF0];
	v11 =	vand.u32 $0x7E, v12;
	v10 =	vmov s17;
	v18 =	vor.u32 v15, v6  }
0x829: {  	v2 =	vadd.f32 v3, v2;
	v3 =	vmul.f32 v4, v14;
	v4 =	vadd.s32 v1, v8;
	v8 =	vld [tilespmem:s10+$0x0]  }
0x82a: {  	v14 =	vand.u32 $0x7F, v10;
	v6 =	vld.idx.msk [tilespmem:v7+s25+$0x0], $0xffff;
	v7 =	vand.u32 $0x180, v10;
	v12 =	vor.u32 v11, v4  }
0x82b: {  	v10 =	vld [tilespmem:s10+$0x10];
	v3 =	vadd.f32 v3, v2;
	v13 =	vmul.f32 v5, v13;
	v2 =	vadd.s32 v1, v7  }
0x82c: {  	s14 =	simm.s32 $0xD;
	v5 =	vld.idx.msk [tilespmem:v9+s25+$0x0], $0xffff;
	v11 =	vor.u32 v14, v2  }
0x82d: {  	s12 =	simm.s32 $0x13;
	s18 =	simm.s32 $0xC;
	s16 =	simm.s32 $0xE;
	v4 =	vmov s14;
	v14 =	vadd.f32 v13, v3;
	v15 =	vmul.f32 v16, v17;
	v13 =	vld [tilespmem:s10+$0x20]  }
0x82e: {  	s15 =	simm.s32 $0xA;
	s13 =	smov.u32 s10;
	s14 =	simm.s32 $0x1D;
	v7 =	vmov s18;
	v2 =	vmov s12;
	v3 =	vmov s16;
	v9 =	vld.idx.msk [tilespmem:v18+s25+$0x0], $0xffff  }
.LBB2_63:
0x82f: {  	p1 =	sne.s32 s14, $0x63;
	v16 =	vmov s15;
	s15 =	sadd.s32 $0xFFFFFFF8, s12;
	v14 =	vadd.f32 v15, v14;
	v6 =	vmul.f32 v6, v8;
	v8 =	vld.idx.msk [tilespmem:v12+s25+$0x0], $0xffff  }
0x830: {  	v12 =	vand.u32 $0x80, v16;
	v15 =	vand.u32 $0x7E, v16;
	v16 =	vmov s15;
	v17 =	vld [tilespmem:s13+$0x30]  }
0x831: {  	v12 =	vadd.s32 v1, v12;
	v6 =	vadd.f32 v6, v14;
	v5 =	vmul.f32 v5, v10;
	v10 =	vld.idx.msk [tilespmem:v11+s25+$0x0], $0xffff  }
0x832: {  	v14 =	vand.u32 $0x7F, v16;
	v11 =	vor.u32 v15, v12;
	v12 =	vand.u32 $0x80, v16;
	v15 =	vld [tilespmem:s13+$0x40]  }
0x833: {  	v12 =	vadd.s32 v1, v12;
	v5 =	vadd.f32 v5, v6;
	v6 =	vmul.f32 v9, v13  }
0x834: {  	v9 =	vor.u32 v14, v12;
	v12 =	vand.u32 $0x180, v7;
	v7 =	vand.u32 $0x7E, v7  }
0x835: {  	v12 =	vadd.s32 v1, v12;
	v5 =	vadd.f32 v6, v5;
	v6 =	vmul.f32 v8, v17  }
0x836: {  	v8 =	vand.u32 $0x180, v4;
	v4 =	vand.u32 $0x7F, v4;
	v7 =	vor.u32 v7, v12  }
0x837: {  	s15 =	sadd.s32 $0xFFFFFFFC, s12;
	s13 =	sadd.s32 $0xA0, s13;
	v8 =	vadd.s32 v1, v8;
	v11 =	vld.idx.msk [tilespmem:v11+s25+$0x0], $0xffff;
	v5 =	vadd.f32 v6, v5;
	v6 =	vmul.f32 v10, v15  }
0x838: {  	v12 =	vmov s15;
	v4 =	vor.u32 v4, v8;
	v8 =	vand.u32 $0x180, v3;
	v10 =	vld [tilespmem:s13+$0xFFFFFFB0]  }
0x839: {  	s15 =	sadd.s32 $0xFFFFFFFF, s12;
	v3 =	vand.u32 $0x7E, v3;
	v8 =	vadd.s32 v1, v8;
	v9 =	vld.idx.msk [tilespmem:v9+s25+$0x0], $0xffff;
	v5 =	vadd.f32 v6, v5  }
0x83a: {  	s16 =	sadd.s32 $0xFFFFFFFD, s12;
	v13 =	vmov s15;
	v3 =	vor.u32 v3, v8;
	v8 =	vand.u32 $0x180, v12;
	v6 =	vld [tilespmem:s13+$0xFFFFFFC0]  }
0x83b: {  	v14 =	vmov s16;
	s15 =	sadd.s32 $0xFFFFFFFE, s12;
	s12 =	smov.u32 s14;
	v12 =	vand.u32 $0x7F, v12;
	v8 =	vadd.s32 v1, v8;
	v7 =	vld.idx.msk [tilespmem:v7+s25+$0x0], $0xffff  }
0x83c: {  	v16 =	vmov s15;
	v8 =	vor.u32 v12, v8;
	v12 =	vand.u32 $0x180, v14;
	v15 =	vld [tilespmem:s13+$0xFFFFFFD0]  }
0x83d: {  	v12 =	vadd.s32 v1, v12;
	v10 =	vmul.f32 v11, v10;
	v4 =	vld.idx.msk [tilespmem:v4+s25+$0x0], $0xffff;
	v11 =	vand.u32 $0x7E, v14  }
0x83e: {  	v14 =	vld [tilespmem:s13+$0xFFFFFFE0];
	v11 =	vor.u32 v11, v12;
	v12 =	vand.u32 $0x180, v16;
	v16 =	vand.u32 $0x7F, v16  }
0x83f: {  	v5 =	vadd.f32 v10, v5;
	v6 =	vmul.f32 v9, v6;
	v3 =	vld.idx.msk [tilespmem:v3+s25+$0x0], $0xffff;
	v9 =	vadd.s32 v1, v12  }
0x840: {  	v10 =	vand.u32 $0x180, v13;
	v12 =	vand.u32 $0x7E, v13;
	v17 =	vld [tilespmem:s13+$0xFFFFFFF0];
	v9 =	vor.u32 v16, v9  }
0x841: {  	v10 =	vadd.s32 v1, v10;
	v5 =	vadd.f32 v6, v5;
	v7 =	vmul.f32 v7, v15;
	v6 =	vld.idx.msk [tilespmem:v8+s25+$0x0], $0xffff  }
.Ltmp30:
0x842: {  	v12 =	vor.u32 v12, v10;
	v10 =	vand.u32 $0x180, v2;
	v2 =	vand.u32 $0x7F, v2;
	v8 =	vld [tilespmem:s13+$0x0];
	(pc) =	sbr.rel @p1 .LBB2_63-.Ltmp30, $4  }
0x843: {  	v7 =	vadd.f32 v7, v5;
	v4 =	vmul.f32 v4, v14;
	v5 =	vld.idx.msk [tilespmem:v11+s25+$0x0], $0xffff;
	v11 =	vadd.s32 v1, v10  }
0x844: {  	v10 =	vld [tilespmem:s13+$0x10];
	v11 =	vor.u32 v2, v11  }
0x845: {  	s17 =	sadd.s32 $0xFFFFFFFA, s14;
	s18 =	sadd.s32 $0xFFFFFFFB, s14;
	s16 =	sadd.s32 $0xFFFFFFF9, s14;
	v2 =	vmov s14;
	v14 =	vadd.f32 v4, v7;
	v15 =	vmul.f32 v3, v17;
	v9 =	vld.idx.msk [tilespmem:v9+s25+$0x0], $0xffff  }
0x846: {  	s15 =	sadd.s32 $0xFFFFFFF7, s12;
	s14 =	sadd.s32 $0xA, s14;
	v7 =	vmov s16;
	v4 =	vmov s17;
	v3 =	vmov s18;
	v13 =	vld [tilespmem:s13+$0x20]  }
0x847: {  	_ = 	snop  }
0x848: {  	v16 =	vmov s15  }
0x849: {  	v14 =	vadd.f32 v15, v14;
	v6 =	vmul.f32 v6, v8;
	v30 =	vand.u32 $0x180, v7  }
0x84a: {  	s14 =	sadd.s32 $0xFFFFFFF8, s12;
	v31 =	vand.u32 $0x7E, v7;
	v33 =	vand.u32 $0x180, v4;
	v20 =	vand.u32 $0x80, v16  }
0x84b: {  	v63 =	vld.idx.msk [tilespmem:v12+s25+$0x0], $0xffff;
	v21 =	vand.u32 $0x7E, v16;
	v22 =	vmov s14;
	v12 =	vadd.s32 v1, v20  }
0x84c: {  	v34 =	vand.u32 $0x7F, v4;
	v25 =	vand.u32 $0x80, v22;
	v24 =	vor.u32 v21, v12  }
0x84d: {  	v17 =	vld [tilespmem:s13+$0x30];
	v37 =	vand.u32 $0x180, v3;
	v26 =	vand.u32 $0x7F, v22;
	v12 =	vadd.s32 v1, v25  }
0x84e: {  	v23 =	vld.idx.msk [tilespmem:v11+s25+$0x0], $0xffff;
	v6 =	vadd.f32 v6, v14;
	v5 =	vmul.f32 v5, v10;
	v29 =	vor.u32 v26, v12  }
0x84f: {  	v27 =	vld [tilespmem:s13+$0x40];
	s13 =	sadd.s32 $0xA0, s13;
	v3 =	vand.u32 $0x7E, v3;
	v8 =	vadd.s32 v1, v33;
	v12 =	vadd.s32 v1, v30  }
0x850: {  	s15 =	sadd.s32 $0xFFFFFFFC, s12;
	s16 =	sadd.s32 $0xFFFFFFFF, s12;
	s17 =	sadd.s32 $0xFFFFFFFD, s12;
	v36 =	vld [tilespmem:s13+$0xFFFFFFB0];
	v5 =	vadd.f32 v5, v6;
	v28 =	vmul.f32 v9, v13;
	v7 =	vor.u32 v31, v12  }
0x851: {  	v38 =	vmov s15;
	v41 =	vmov s16;
	v42 =	vmov s17;
	v11 =	vld.idx.msk [tilespmem:v24+s25+$0x0], $0xffff  }
0x852: {  	s18 =	sadd.s32 $0xFFFFFFFE, s12;
	v39 =	vld [tilespmem:s13+$0xFFFFFFC0];
	v4 =	vor.u32 v34, v8;
	v32 =	vmul.f32 v63, v17;
	v5 =	vadd.f32 v28, v5  }
0x853: {  	v45 =	vmov s18;
	v8 =	vadd.s32 v1, v37;
	v40 =	vand.u32 $0x180, v38;
	v9 =	vld.idx.msk [tilespmem:v29+s25+$0x0], $0xffff  }
0x854: {  	v43 =	vld [tilespmem:s13+$0xFFFFFFD0];
	v3 =	vor.u32 v3, v8;
	v35 =	vmul.f32 v23, v27;
	v5 =	vadd.f32 v32, v5  }
0x855: {  	v44 =	vand.u32 $0x180, v42;
	v8 =	vadd.s32 v1, v40;
	v12 =	vand.u32 $0x7F, v38;
	v7 =	vld.idx.msk [tilespmem:v7+s25+$0x0], $0xffff  }
0x856: {  	v47 =	vld [tilespmem:s13+$0xFFFFFFE0];
	v8 =	vor.u32 v12, v8;
	v5 =	vadd.f32 v35, v5;
	v10 =	vmul.f32 v11, v36  }
0x857: {  	v46 =	vand.u32 $0x7E, v42;
	v48 =	vand.u32 $0x180, v45;
	v12 =	vadd.s32 v1, v44;
	v4 =	vld.idx.msk [tilespmem:v4+s25+$0x0], $0xffff  }
0x858: {  	v50 =	vld [tilespmem:s13+$0xFFFFFFF0];
	v11 =	vor.u32 v46, v12;
	v6 =	vmul.f32 v9, v39;
	v5 =	vadd.f32 v10, v5  }
0x859: {  	v16 =	vand.u32 $0x7F, v45;
	v51 =	vand.u32 $0x180, v41;
	v49 =	vadd.s32 v1, v48;
	v3 =	vld.idx.msk [tilespmem:v3+s25+$0x0], $0xffff  }
0x85a: {  	v55 =	vld [tilespmem:s13+$0x0];
	v9 =	vor.u32 v16, v49;
	v52 =	vmul.f32 v7, v43;
	v5 =	vadd.f32 v6, v5  }
0x85b: {  	v56 =	vand.u32 $0x180, v2;
	v54 =	vadd.s32 v1, v51;
	v13 =	vand.u32 $0x7E, v41;
	v53 =	vld.idx.msk [tilespmem:v8+s25+$0x0], $0xffff  }
0x85c: {  	v58 =	vld [tilespmem:s13+$0x10];
	v8 =	vor.u32 v13, v54;
	v4 =	vmul.f32 v4, v47;
	v5 =	vadd.f32 v52, v5  }
0x85d: {  	v2 =	vand.u32 $0x7F, v2;
	v1 =	vadd.s32 v1, v56;
	v57 =	vld.idx.msk [tilespmem:v11+s25+$0x0], $0xffff  }
0x85e: {  	v60 =	vld [tilespmem:s13+$0x20];
	v1 =	vor.u32 v2, v1;
	v3 =	vmul.f32 v3, v50;
	v2 =	vadd.f32 v4, v5  }
0x85f: {  	v59 =	vld.idx.msk [tilespmem:v9+s25+$0x0], $0xffff  }
0x860: {  	v62 =	vld [tilespmem:s13+$0x30];
	v2 =	vadd.f32 v3, v2;
	v3 =	vmul.f32 v53, v55  }
0x861: {  	v61 =	vld.idx.msk [tilespmem:v8+s25+$0x0], $0xffff  }
0x862: {  	v63 =	vld [tilespmem:s13+$0x40];
	v2 =	vadd.f32 v3, v2;
	v3 =	vmul.f32 v57, v58  }
0x863: {  	v1 =	vld.idx.msk [tilespmem:v1+s25+$0x0], $0xffff  }
0x864: {  	v2 =	vadd.f32 v3, v2;
	v3 =	vmul.f32 v59, v60;
	_ =	sdelay $0x1  }
0x865: {  	v2 =	vadd.f32 v3, v2;
	v3 =	vmul.f32 v61, v62;
	_ =	sdelay $0x1  }
0x866: {  	v1 =	vmul.f32 v1, v63;
	v2 =	vadd.f32 v3, v2;
	_ =	sdelay $0x1  }
0x867: {  	v1 =	vadd.f32 v1, v2;
	_ =	sdelay $0x1  }
0x868: {  	v1 =	vsub.f32 $0.0e+00, v1;
	_ =	sdelay $0x1  }
0x869: {  	v1 =	vmul.f32 $1.442695020e+00, v1;
	_ =	sdelay $0x1  }
0x86a: {  	(erf) = vpow2.f32 v1;
	_ =	sdelay $0x8  }
0x86b: {  	v1 =	vpop (erf)  }
0x86c: {  	v1 =	vadd.f32 $1.000000000e+00, v1;
	_ =	sdelay $0x1  }
0x86d: {  	(erf) = vrcp.f32 v1;
	_ =	sdelay $0x3  }
0x86e: {  	s9 =	sadd.s32 $0x1, s9  }
0x86f: {  	p1 =	sne.s32 s9, $0x4  }
.Ltmp31:
0x870: {  	_ = 	snop;
	(pc) =	sbr.rel @p1 .LBB2_62-.Ltmp31, $3  }
0x871: {  	_ =	sdelay $0x1  }
0x872: {  	v1 =	vpop (erf)  }
0x873: {  	s10 =	sadd.s32 $0x640, s10;
	[tilespmem:s11+$0x1D9E8] =	vst v1  }
0x874: {  	s8 =	sadd.s32 $0x1, s8  }
0x875: {  	p1 =	sne.s32 s8, s21  }
.Ltmp32:
0x876: {  	s9 =	simm.s32 $0x1D828;
	(pc) =	sbr.rel @p1 .LBB2_1-.Ltmp32, $4  }
0x877: {  	[hbm4b:s20+s3] =	stream.linear.scatter [tilespmem:s9], [sflag:$0x7], $0x200, $0x38;
	[tilespmem:$0x1DA28] =	vst v63  }
0x878: {  	_ =	swait.ge [sflag:s7], $0x200  }
0x879: {  	[sflag:s7] =	ssyncset.done $0x0  }
0x87a: {  	[sflag:s7] =	ssyncadd.s32 $0xFFFFFE00  }
0x87b: {  	_ =	sfence.sel $0x180000  }
0x87c: {  	[bflag:$0x0] =	sbarrier.arrive $0xFFFF  }
0x87d: {  	_ =	strace $0x90000047  }
0x87e: {  	[bflag:$0x2] =	sbarrier.arrive $0xFFFF  }
0x87f: {  	s0 =	rddreg [dreg:$0x4]  }
0x880: {  	s0 =	sadd.s32 @!p0 $0x100000, s0  }
0x881: {  	[sflag:s0] =	ssyncadd.tile.s32 @!p0 $0x1;
	_ =	shalt  }
.Lfunc_end2:
_tile_overlayer_lowered:
.L_overlay_start_2:
0x882: {  	(tag) =	ssettag $0x2  }
0x883: {  	s0 =	rddreg [dreg:$0x0];
	s2 =	stileid.u32  }
0x884: {  	s1 =	rddreg [dreg:$0x1];
	p0 =	sne.s32 s2, $0x0  }
0x885: {  	s3 =	rddreg [dreg:$0x2];
	[bflag:$0x3] =	sbarrier.arrive $0xFFFF;
	s2 =	simm.s32 @!p0 $0x1C07  }
0x886: {  	[timem:s3], [sflag:s2] =	dma.local @!p0 [hbm:s0], s1  }
0x887: {  	s0 =	simm.s32 @!p0 $0x7  }
0x888: {  	_ =	swait.ge @!p0 [sflag:s0], s1  }
0x889: {  	s1 =	ssub.s32 @!p0 $0x0, s1;
	[sflag:s0] =	ssyncset.done @!p0 $0x0  }
0x88a: {  	[sflag:s0] =	ssyncadd.s32 @!p0 s1  }
0x88b: {  	[bflag:$0x3] =	sbarrier.arrive $0xFFFF  }
0x88c: {  	_ =	shalt  }

</sc_bundles>
